<compile_context>
chip_gen: v7x
topology: tpu7x:2x2x1
jax: 0.10.2.dev20260603
libtpu: 0.0.44.dev20260713+nightly
codegen_flags: <defaults>
</compile_context>

<pallas_src>
import jax
import jax.numpy as jnp
from jax import lax
from jax.experimental import pallas as pl
from jax.experimental.pallas import tpu as pltpu
import jax.experimental.pallas.tpu_sc as plsc

N = 7_077_888
FLAT = 28_311_552
NCHUNK = 16
CHUNK = FLAT // NCHUNK
ROUNDS = NCHUNK // 2
DUMP = 1 << 16
BLK = 2048
ROWS = BLK // 128
TILE_PAIRS = N // 16
NBLK = TILE_PAIRS // BLK
SLICE = CHUNK // 16
ZB = 8192

_mesh = plsc.VectorSubcoreMesh(core_axis_name="c", subcore_axis_name="s")


def _body(val_hbm, idx_hbm, out_hbm, inv, ini, sidx, zbuf, chunkbuf):
    c = lax.axis_index("c")
    s = lax.axis_index("s")

    zv = jnp.zeros((16,), jnp.float32)

    def _zb_init(i, carry):
        zbuf[pl.ds(i * 16, 16)] = zv
        return carry

    lax.fori_loop(0, ZB // 16, _zb_init, 0)

    def _round(r, carry):
        ch = (c * ROUNDS + r).astype(jnp.int32)
        base = ch * CHUNK

        for k in range(13):
            pltpu.sync_copy(zbuf, chunkbuf.at[pl.ds(s * SLICE + k * ZB, ZB)])
        pltpu.sync_copy(
            zbuf.at[pl.ds(0, ZB // 2)],
            chunkbuf.at[pl.ds(s * SLICE + 13 * ZB, ZB // 2)])

        plsc.subcore_barrier()

        def blk_body(b, carry2):
            row0 = s * (TILE_PAIRS // 128) + b * ROWS
            pltpu.sync_copy(idx_hbm.at[pl.ds(row0, ROWS)], ini)
            pltpu.sync_copy(val_hbm.at[pl.ds(row0, ROWS)], inv)
            for j in range(ROWS):
                irow = ini.at[j]
                srow = sidx.at[j]
                for k in range(8):
                    idx = irow[pl.ds(k * 16, 16)]
                    loc = idx - base
                    oob = plsc.bitcast(loc, jnp.uint32) >= jnp.uint32(CHUNK)
                    dmp = CHUNK + (idx & (DUMP - 1))
                    srow[pl.ds(k * 16, 16)] = jnp.where(oob, dmp, loc)
            for j in range(ROWS):
                pltpu.sync_copy(
                    inv.at[j], chunkbuf.at[sidx.at[j]], add=True)
            return carry2

        lax.fori_loop(0, NBLK, blk_body, 0)

        plsc.subcore_barrier()

        pltpu.sync_copy(
            chunkbuf.at[pl.ds(s * SLICE, SLICE)],
            out_hbm.at[pl.ds(base + s * SLICE, SLICE)])

        plsc.subcore_barrier()
        return carry

    lax.fori_loop(0, ROUNDS, _round, 0)


@jax.jit
def _scatter_add(val2d, idx2d):
    return pl.kernel(
        _body,
        out_type=jax.ShapeDtypeStruct((FLAT,), jnp.float32),
        mesh=_mesh,
        scratch_types=[
            pltpu.VMEM((ROWS, 128), jnp.float32),
            pltpu.VMEM((ROWS, 128), jnp.int32),
            pltpu.VMEM((ROWS, 128), jnp.int32),
            pltpu.VMEM((ZB,), jnp.float32),
            pltpu.VMEM_SHARED((CHUNK + DUMP,), jnp.float32),
        ],
    )(val2d, idx2d)


def kernel(val, index):
    B, H, W, C = index.shape
    val2d = val.reshape(N // 128, 128)
    idx2d = index.astype(jnp.int32).reshape(N // 128, 128)
    flat = _scatter_add(val2d, idx2d)
    return flat.reshape(B, H * 2, W * 2, C)

# --- scband reference (transcript-rebuilt; emitter-appended) ---
"""Pipeline reference for scband-indices-maxpool-52140902974070 (READ-ONLY COPY).

The authoritative reference and input builder live on the scoring server;
editing this copy changes nothing except your own understanding.
"""

import jax, jax.numpy as jnp
import numpy as np


def setup_inputs(seed: int = 0) -> dict:
    key = jax.random.key(seed)
    k1, k2 = jax.random.split(key)
    B, H, W, C = 2, 192, 192, 96
    flat_out = B * (H * 2) * (W * 2) * C  # 28,311,552
    val = jax.random.normal(k1, (B, H, W, C), dtype=jnp.float32)
    index = jax.random.randint(k2, (B, H, W, C), 0, flat_out, dtype=jnp.int64)
    return {"val": val, "index": index}


def reference(val, index):
    # Faithful translation of Indices_Maxpool.call (max-unpooling via scatter)
    B, H, W, C = index.shape
    output_shape = (B, H * 2, W * 2, C)
    flat_output_shape = B * (H * 2) * (W * 2) * C
    # tf.scatter_nd sums values at duplicate indices -> .at[].add
    flat = jnp.zeros((flat_output_shape,), dtype=val.dtype)
    flat = flat.at[index.reshape(-1)].add(val.reshape(-1))
    output = flat.reshape(output_shape)
    return output

if __name__ == "__main__":
    import jax
    _d = setup_inputs()
    print(jax.jit(kernel)(*tuple(_d.values())))

</pallas_src>

<mosaic_0001>
#map = affine_map<(d0, d1) -> (0, 0)>
#map1 = affine_map<(d0, d1) -> (0)>
module attributes {stable_mosaic.version = 14 : i64} {
  func.func @_body(%arg0: i32, %arg1: i32, %arg2: memref<55296x128xf32, #tpu.memory_space<hbm>>, %arg3: memref<55296x128xi32, #tpu.memory_space<hbm>>, %arg4: memref<28311552xf32, #tpu.memory_space<hbm>>, %arg5: memref<16x128xf32, #tpu.memory_space<vmem>>, %arg6: memref<16x128xi32, #tpu.memory_space<vmem>>, %arg7: memref<16x128xi32, #tpu.memory_space<vmem>>, %arg8: memref<8192xf32, #tpu.memory_space<vmem>>, %arg9: memref<1835008xf32, #tpu.memory_space<vmem_shared>>) attributes {dimension_semantics = [#tpu.dimension_semantics<core_parallel>, #tpu.dimension_semantics<subcore_parallel>], iteration_bounds = array<i64: 2, 16>, scalar_prefetch = 0 : i64, scratch_operands = 5 : i64, tpu.core_type = #tpu.core_type<sc_vector_subcore>, window_params = [{transform_indices = #map}, {transform_indices = #map}, {transform_indices = #map1}]} {
    %broadcast_in_dim3A = arith.constant 0.000000e+00 : f32
    %broadcast_in_dim3A_0 = vector.broadcast %broadcast_in_dim3A : f32 to vector<16xf32>
    %scan3A = arith.constant 0 : i32
    %scan3A_1 = arith.constant 0 : i32
    %scan3A_2 = arith.constant 512 : i32
    %scan3A_3 = arith.addi %scan3A_1, %scan3A_2 : i32
    %scan3A_4 = arith.constant 1 : i32
    scf.for %scan3A_12 = %scan3A_1 to %scan3A_3 step %scan3A_4  : i32 {
      %mul3A = arith.constant 16 : i32
      %mul3A_13 = arith.muli %scan3A_12, %mul3A : i32
      %swap3A = arith.index_cast %mul3A_13 : i32 to index
      %swap3A_14 = tpu.vector_load %arg8[%swap3A] {strides = array<i32>} : memref<8192xf32, #tpu.memory_space<vmem>>, vector<16xf32>,
      %swap3A_15 = vector.shape_cast %swap3A_14 : vector<16xf32> to vector<16xf32>
      %swap3A_16 = vector.shape_cast %broadcast_in_dim3A_0 : vector<16xf32> to vector<16xf32>
      tpu.vector_store %arg8[%swap3A], %swap3A_16 {strides = array<i32>} : memref<8192xf32, #tpu.memory_space<vmem>>, vector<16xf32>,
    }
    %scan3A_5 = arith.constant 512 : i32
    %scan3A_6 = arith.constant 0 : i32
    %scan3A_7 = arith.constant 0 : i32
    %scan3A_8 = arith.constant 8 : i32
    %scan3A_9 = arith.addi %scan3A_7, %scan3A_8 : i32
    %scan3A_10 = arith.constant 1 : i32
    scf.for %scan3A_12 = %scan3A_7 to %scan3A_9 step %scan3A_10  : i32 {
      %mul3A = arith.constant 8 : i32
      %mul3A_13 = arith.muli %arg0, %mul3A : i32
      %add3A = arith.addi %mul3A_13, %scan3A_12 : i32
      %mul3A_14 = arith.constant 1769472 : i32
      %mul3A_15 = arith.muli %add3A, %mul3A_14 : i32
      %mul3A_16 = arith.constant 110592 : i32
      %mul3A_17 = arith.muli %arg1, %mul3A_16 : i32
      %add3A_18 = arith.constant 0 : i32
      %add3A_19 = arith.addi %mul3A_17, %add3A_18 : i32
      "tpu.region"() ({
        %run_scoped3A = tpu.sem_alloc : memref<!tpu.dma_semaphore, #tpu.memory_space<semaphore_mem>>
        %dma_start3A = tpu.memref_slice %arg9[%add3A_19] : memref<1835008xf32, #tpu.memory_space<vmem_shared>> -> memref<8192xf32, #tpu.memory_space<vmem_shared>>
        %dma_start3A_85 = tpu.memref_slice %arg9[%add3A_19] : memref<1835008xf32, #tpu.memory_space<vmem_shared>> -> memref<8192xf32, #tpu.memory_space<vmem_shared>>
        tpu.enqueue_dma source(%arg8 : memref<8192xf32, #tpu.memory_space<vmem>>) target(%dma_start3A_85 : memref<8192xf32, #tpu.memory_space<vmem_shared>>) target_semaphore(%run_scoped3A : memref<!tpu.dma_semaphore, #tpu.memory_space<semaphore_mem>>)
        %dma_wait3A = tpu.memref_slice %arg9[%add3A_19] : memref<1835008xf32, #tpu.memory_space<vmem_shared>> -> memref<8192xf32, #tpu.memory_space<vmem_shared>>
        %dma_wait3A_86 = tpu.memref_slice %arg9[%add3A_19] : memref<1835008xf32, #tpu.memory_space<vmem_shared>> -> memref<8192xf32, #tpu.memory_space<vmem_shared>>
        tpu.wait_dma2 semaphore(%run_scoped3A : memref<!tpu.dma_semaphore, #tpu.memory_space<semaphore_mem>>) src(%arg8 : memref<8192xf32, #tpu.memory_space<vmem>>) dst(%dma_wait3A_86 : memref<8192xf32, #tpu.memory_space<vmem_shared>>)
        tpu.yield
      }) : () -> ()
      %mul3A_20 = arith.constant 110592 : i32
      %mul3A_21 = arith.muli %arg1, %mul3A_20 : i32
      %add3A_22 = arith.constant 8192 : i32
      %add3A_23 = arith.addi %mul3A_21, %add3A_22 : i32
      "tpu.region"() ({
        %run_scoped3A = tpu.sem_alloc : memref<!tpu.dma_semaphore, #tpu.memory_space<semaphore_mem>>
        %dma_start3A = tpu.memref_slice %arg9[%add3A_23] : memref<1835008xf32, #tpu.memory_space<vmem_shared>> -> memref<8192xf32, #tpu.memory_space<vmem_shared>>
        %dma_start3A_85 = tpu.memref_slice %arg9[%add3A_23] : memref<1835008xf32, #tpu.memory_space<vmem_shared>> -> memref<8192xf32, #tpu.memory_space<vmem_shared>>
        tpu.enqueue_dma source(%arg8 : memref<8192xf32, #tpu.memory_space<vmem>>) target(%dma_start3A_85 : memref<8192xf32, #tpu.memory_space<vmem_shared>>) target_semaphore(%run_scoped3A : memref<!tpu.dma_semaphore, #tpu.memory_space<semaphore_mem>>)
        %dma_wait3A = tpu.memref_slice %arg9[%add3A_23] : memref<1835008xf32, #tpu.memory_space<vmem_shared>> -> memref<8192xf32, #tpu.memory_space<vmem_shared>>
        %dma_wait3A_86 = tpu.memref_slice %arg9[%add3A_23] : memref<1835008xf32, #tpu.memory_space<vmem_shared>> -> memref<8192xf32, #tpu.memory_space<vmem_shared>>
        tpu.wait_dma2 semaphore(%run_scoped3A : memref<!tpu.dma_semaphore, #tpu.memory_space<semaphore_mem>>) src(%arg8 : memref<8192xf32, #tpu.memory_space<vmem>>) dst(%dma_wait3A_86 : memref<8192xf32, #tpu.memory_space<vmem_shared>>)
        tpu.yield
      }) : () -> ()
      %mul3A_24 = arith.constant 110592 : i32
      %mul3A_25 = arith.muli %arg1, %mul3A_24 : i32
      %add3A_26 = arith.constant 16384 : i32
      %add3A_27 = arith.addi %mul3A_25, %add3A_26 : i32
      "tpu.region"() ({
        %run_scoped3A = tpu.sem_alloc : memref<!tpu.dma_semaphore, #tpu.memory_space<semaphore_mem>>
        %dma_start3A = tpu.memref_slice %arg9[%add3A_27] : memref<1835008xf32, #tpu.memory_space<vmem_shared>> -> memref<8192xf32, #tpu.memory_space<vmem_shared>>
        %dma_start3A_85 = tpu.memref_slice %arg9[%add3A_27] : memref<1835008xf32, #tpu.memory_space<vmem_shared>> -> memref<8192xf32, #tpu.memory_space<vmem_shared>>
        tpu.enqueue_dma source(%arg8 : memref<8192xf32, #tpu.memory_space<vmem>>) target(%dma_start3A_85 : memref<8192xf32, #tpu.memory_space<vmem_shared>>) target_semaphore(%run_scoped3A : memref<!tpu.dma_semaphore, #tpu.memory_space<semaphore_mem>>)
        %dma_wait3A = tpu.memref_slice %arg9[%add3A_27] : memref<1835008xf32, #tpu.memory_space<vmem_shared>> -> memref<8192xf32, #tpu.memory_space<vmem_shared>>
        %dma_wait3A_86 = tpu.memref_slice %arg9[%add3A_27] : memref<1835008xf32, #tpu.memory_space<vmem_shared>> -> memref<8192xf32, #tpu.memory_space<vmem_shared>>
        tpu.wait_dma2 semaphore(%run_scoped3A : memref<!tpu.dma_semaphore, #tpu.memory_space<semaphore_mem>>) src(%arg8 : memref<8192xf32, #tpu.memory_space<vmem>>) dst(%dma_wait3A_86 : memref<8192xf32, #tpu.memory_space<vmem_shared>>)
        tpu.yield
      }) : () -> ()
      %mul3A_28 = arith.constant 110592 : i32
      %mul3A_29 = arith.muli %arg1, %mul3A_28 : i32
      %add3A_30 = arith.constant 24576 : i32
      %add3A_31 = arith.addi %mul3A_29, %add3A_30 : i32
      "tpu.region"() ({
        %run_scoped3A = tpu.sem_alloc : memref<!tpu.dma_semaphore, #tpu.memory_space<semaphore_mem>>
        %dma_start3A = tpu.memref_slice %arg9[%add3A_31] : memref<1835008xf32, #tpu.memory_space<vmem_shared>> -> memref<8192xf32, #tpu.memory_space<vmem_shared>>
        %dma_start3A_85 = tpu.memref_slice %arg9[%add3A_31] : memref<1835008xf32, #tpu.memory_space<vmem_shared>> -> memref<8192xf32, #tpu.memory_space<vmem_shared>>
        tpu.enqueue_dma source(%arg8 : memref<8192xf32, #tpu.memory_space<vmem>>) target(%dma_start3A_85 : memref<8192xf32, #tpu.memory_space<vmem_shared>>) target_semaphore(%run_scoped3A : memref<!tpu.dma_semaphore, #tpu.memory_space<semaphore_mem>>)
        %dma_wait3A = tpu.memref_slice %arg9[%add3A_31] : memref<1835008xf32, #tpu.memory_space<vmem_shared>> -> memref<8192xf32, #tpu.memory_space<vmem_shared>>
        %dma_wait3A_86 = tpu.memref_slice %arg9[%add3A_31] : memref<1835008xf32, #tpu.memory_space<vmem_shared>> -> memref<8192xf32, #tpu.memory_space<vmem_shared>>
        tpu.wait_dma2 semaphore(%run_scoped3A : memref<!tpu.dma_semaphore, #tpu.memory_space<semaphore_mem>>) src(%arg8 : memref<8192xf32, #tpu.memory_space<vmem>>) dst(%dma_wait3A_86 : memref<8192xf32, #tpu.memory_space<vmem_shared>>)
        tpu.yield
      }) : () -> ()
      %mul3A_32 = arith.constant 110592 : i32
      %mul3A_33 = arith.muli %arg1, %mul3A_32 : i32
      %add3A_34 = arith.constant 32768 : i32
      %add3A_35 = arith.addi %mul3A_33, %add3A_34 : i32
      "tpu.region"() ({
        %run_scoped3A = tpu.sem_alloc : memref<!tpu.dma_semaphore, #tpu.memory_space<semaphore_mem>>
        %dma_start3A = tpu.memref_slice %arg9[%add3A_35] : memref<1835008xf32, #tpu.memory_space<vmem_shared>> -> memref<8192xf32, #tpu.memory_space<vmem_shared>>
        %dma_start3A_85 = tpu.memref_slice %arg9[%add3A_35] : memref<1835008xf32, #tpu.memory_space<vmem_shared>> -> memref<8192xf32, #tpu.memory_space<vmem_shared>>
        tpu.enqueue_dma source(%arg8 : memref<8192xf32, #tpu.memory_space<vmem>>) target(%dma_start3A_85 : memref<8192xf32, #tpu.memory_space<vmem_shared>>) target_semaphore(%run_scoped3A : memref<!tpu.dma_semaphore, #tpu.memory_space<semaphore_mem>>)
        %dma_wait3A = tpu.memref_slice %arg9[%add3A_35] : memref<1835008xf32, #tpu.memory_space<vmem_shared>> -> memref<8192xf32, #tpu.memory_space<vmem_shared>>
        %dma_wait3A_86 = tpu.memref_slice %arg9[%add3A_35] : memref<1835008xf32, #tpu.memory_space<vmem_shared>> -> memref<8192xf32, #tpu.memory_space<vmem_shared>>
        tpu.wait_dma2 semaphore(%run_scoped3A : memref<!tpu.dma_semaphore, #tpu.memory_space<semaphore_mem>>) src(%arg8 : memref<8192xf32, #tpu.memory_space<vmem>>) dst(%dma_wait3A_86 : memref<8192xf32, #tpu.memory_space<vmem_shared>>)
        tpu.yield
      }) : () -> ()
      %mul3A_36 = arith.constant 110592 : i32
      %mul3A_37 = arith.muli %arg1, %mul3A_36 : i32
      %add3A_38 = arith.constant 40960 : i32
      %add3A_39 = arith.addi %mul3A_37, %add3A_38 : i32
      "tpu.region"() ({
        %run_scoped3A = tpu.sem_alloc : memref<!tpu.dma_semaphore, #tpu.memory_space<semaphore_mem>>
        %dma_start3A = tpu.memref_slice %arg9[%add3A_39] : memref<1835008xf32, #tpu.memory_space<vmem_shared>> -> memref<8192xf32, #tpu.memory_space<vmem_shared>>
        %dma_start3A_85 = tpu.memref_slice %arg9[%add3A_39] : memref<1835008xf32, #tpu.memory_space<vmem_shared>> -> memref<8192xf32, #tpu.memory_space<vmem_shared>>
        tpu.enqueue_dma source(%arg8 : memref<8192xf32, #tpu.memory_space<vmem>>) target(%dma_start3A_85 : memref<8192xf32, #tpu.memory_space<vmem_shared>>) target_semaphore(%run_scoped3A : memref<!tpu.dma_semaphore, #tpu.memory_space<semaphore_mem>>)
        %dma_wait3A = tpu.memref_slice %arg9[%add3A_39] : memref<1835008xf32, #tpu.memory_space<vmem_shared>> -> memref<8192xf32, #tpu.memory_space<vmem_shared>>
        %dma_wait3A_86 = tpu.memref_slice %arg9[%add3A_39] : memref<1835008xf32, #tpu.memory_space<vmem_shared>> -> memref<8192xf32, #tpu.memory_space<vmem_shared>>
        tpu.wait_dma2 semaphore(%run_scoped3A : memref<!tpu.dma_semaphore, #tpu.memory_space<semaphore_mem>>) src(%arg8 : memref<8192xf32, #tpu.memory_space<vmem>>) dst(%dma_wait3A_86 : memref<8192xf32, #tpu.memory_space<vmem_shared>>)
        tpu.yield
      }) : () -> ()
      %mul3A_40 = arith.constant 110592 : i32
      %mul3A_41 = arith.muli %arg1, %mul3A_40 : i32
      %add3A_42 = arith.constant 49152 : i32
      %add3A_43 = arith.addi %mul3A_41, %add3A_42 : i32
      "tpu.region"() ({
        %run_scoped3A = tpu.sem_alloc : memref<!tpu.dma_semaphore, #tpu.memory_space<semaphore_mem>>
        %dma_start3A = tpu.memref_slice %arg9[%add3A_43] : memref<1835008xf32, #tpu.memory_space<vmem_shared>> -> memref<8192xf32, #tpu.memory_space<vmem_shared>>
        %dma_start3A_85 = tpu.memref_slice %arg9[%add3A_43] : memref<1835008xf32, #tpu.memory_space<vmem_shared>> -> memref<8192xf32, #tpu.memory_space<vmem_shared>>
        tpu.enqueue_dma source(%arg8 : memref<8192xf32, #tpu.memory_space<vmem>>) target(%dma_start3A_85 : memref<8192xf32, #tpu.memory_space<vmem_shared>>) target_semaphore(%run_scoped3A : memref<!tpu.dma_semaphore, #tpu.memory_space<semaphore_mem>>)
        %dma_wait3A = tpu.memref_slice %arg9[%add3A_43] : memref<1835008xf32, #tpu.memory_space<vmem_shared>> -> memref<8192xf32, #tpu.memory_space<vmem_shared>>
        %dma_wait3A_86 = tpu.memref_slice %arg9[%add3A_43] : memref<1835008xf32, #tpu.memory_space<vmem_shared>> -> memref<8192xf32, #tpu.memory_space<vmem_shared>>
        tpu.wait_dma2 semaphore(%run_scoped3A : memref<!tpu.dma_semaphore, #tpu.memory_space<semaphore_mem>>) src(%arg8 : memref<8192xf32, #tpu.memory_space<vmem>>) dst(%dma_wait3A_86 : memref<8192xf32, #tpu.memory_space<vmem_shared>>)
        tpu.yield
      }) : () -> ()
      %mul3A_44 = arith.constant 110592 : i32
      %mul3A_45 = arith.muli %arg1, %mul3A_44 : i32
      %add3A_46 = arith.constant 57344 : i32
      %add3A_47 = arith.addi %mul3A_45, %add3A_46 : i32
      "tpu.region"() ({
        %run_scoped3A = tpu.sem_alloc : memref<!tpu.dma_semaphore, #tpu.memory_space<semaphore_mem>>
        %dma_start3A = tpu.memref_slice %arg9[%add3A_47] : memref<1835008xf32, #tpu.memory_space<vmem_shared>> -> memref<8192xf32, #tpu.memory_space<vmem_shared>>
        %dma_start3A_85 = tpu.memref_slice %arg9[%add3A_47] : memref<1835008xf32, #tpu.memory_space<vmem_shared>> -> memref<8192xf32, #tpu.memory_space<vmem_shared>>
        tpu.enqueue_dma source(%arg8 : memref<8192xf32, #tpu.memory_space<vmem>>) target(%dma_start3A_85 : memref<8192xf32, #tpu.memory_space<vmem_shared>>) target_semaphore(%run_scoped3A : memref<!tpu.dma_semaphore, #tpu.memory_space<semaphore_mem>>)
        %dma_wait3A = tpu.memref_slice %arg9[%add3A_47] : memref<1835008xf32, #tpu.memory_space<vmem_shared>> -> memref<8192xf32, #tpu.memory_space<vmem_shared>>
        %dma_wait3A_86 = tpu.memref_slice %arg9[%add3A_47] : memref<1835008xf32, #tpu.memory_space<vmem_shared>> -> memref<8192xf32, #tpu.memory_space<vmem_shared>>
        tpu.wait_dma2 semaphore(%run_scoped3A : memref<!tpu.dma_semaphore, #tpu.memory_space<semaphore_mem>>) src(%arg8 : memref<8192xf32, #tpu.memory_space<vmem>>) dst(%dma_wait3A_86 : memref<8192xf32, #tpu.memory_space<vmem_shared>>)
        tpu.yield
      }) : () -> ()
      %mul3A_48 = arith.constant 110592 : i32
      %mul3A_49 = arith.muli %arg1, %mul3A_48 : i32
      %add3A_50 = arith.constant 65536 : i32
      %add3A_51 = arith.addi %mul3A_49, %add3A_50 : i32
      "tpu.region"() ({
        %run_scoped3A = tpu.sem_alloc : memref<!tpu.dma_semaphore, #tpu.memory_space<semaphore_mem>>
        %dma_start3A = tpu.memref_slice %arg9[%add3A_51] : memref<1835008xf32, #tpu.memory_space<vmem_shared>> -> memref<8192xf32, #tpu.memory_space<vmem_shared>>
        %dma_start3A_85 = tpu.memref_slice %arg9[%add3A_51] : memref<1835008xf32, #tpu.memory_space<vmem_shared>> -> memref<8192xf32, #tpu.memory_space<vmem_shared>>
        tpu.enqueue_dma source(%arg8 : memref<8192xf32, #tpu.memory_space<vmem>>) target(%dma_start3A_85 : memref<8192xf32, #tpu.memory_space<vmem_shared>>) target_semaphore(%run_scoped3A : memref<!tpu.dma_semaphore, #tpu.memory_space<semaphore_mem>>)
        %dma_wait3A = tpu.memref_slice %arg9[%add3A_51] : memref<1835008xf32, #tpu.memory_space<vmem_shared>> -> memref<8192xf32, #tpu.memory_space<vmem_shared>>
        %dma_wait3A_86 = tpu.memref_slice %arg9[%add3A_51] : memref<1835008xf32, #tpu.memory_space<vmem_shared>> -> memref<8192xf32, #tpu.memory_space<vmem_shared>>
        tpu.wait_dma2 semaphore(%run_scoped3A : memref<!tpu.dma_semaphore, #tpu.memory_space<semaphore_mem>>) src(%arg8 : memref<8192xf32, #tpu.memory_space<vmem>>) dst(%dma_wait3A_86 : memref<8192xf32, #tpu.memory_space<vmem_shared>>)
        tpu.yield
      }) : () -> ()
      %mul3A_52 = arith.constant 110592 : i32
      %mul3A_53 = arith.muli %arg1, %mul3A_52 : i32
      %add3A_54 = arith.constant 73728 : i32
      %add3A_55 = arith.addi %mul3A_53, %add3A_54 : i32
      "tpu.region"() ({
        %run_scoped3A = tpu.sem_alloc : memref<!tpu.dma_semaphore, #tpu.memory_space<semaphore_mem>>
        %dma_start3A = tpu.memref_slice %arg9[%add3A_55] : memref<1835008xf32, #tpu.memory_space<vmem_shared>> -> memref<8192xf32, #tpu.memory_space<vmem_shared>>
        %dma_start3A_85 = tpu.memref_slice %arg9[%add3A_55] : memref<1835008xf32, #tpu.memory_space<vmem_shared>> -> memref<8192xf32, #tpu.memory_space<vmem_shared>>
        tpu.enqueue_dma source(%arg8 : memref<8192xf32, #tpu.memory_space<vmem>>) target(%dma_start3A_85 : memref<8192xf32, #tpu.memory_space<vmem_shared>>) target_semaphore(%run_scoped3A : memref<!tpu.dma_semaphore, #tpu.memory_space<semaphore_mem>>)
        %dma_wait3A = tpu.memref_slice %arg9[%add3A_55] : memref<1835008xf32, #tpu.memory_space<vmem_shared>> -> memref<8192xf32, #tpu.memory_space<vmem_shared>>
        %dma_wait3A_86 = tpu.memref_slice %arg9[%add3A_55] : memref<1835008xf32, #tpu.memory_space<vmem_shared>> -> memref<8192xf32, #tpu.memory_space<vmem_shared>>
        tpu.wait_dma2 semaphore(%run_scoped3A : memref<!tpu.dma_semaphore, #tpu.memory_space<semaphore_mem>>) src(%arg8 : memref<8192xf32, #tpu.memory_space<vmem>>) dst(%dma_wait3A_86 : memref<8192xf32, #tpu.memory_space<vmem_shared>>)
        tpu.yield
      }) : () -> ()
      %mul3A_56 = arith.constant 110592 : i32
      %mul3A_57 = arith.muli %arg1, %mul3A_56 : i32
      %add3A_58 = arith.constant 81920 : i32
      %add3A_59 = arith.addi %mul3A_57, %add3A_58 : i32
      "tpu.region"() ({
        %run_scoped3A = tpu.sem_alloc : memref<!tpu.dma_semaphore, #tpu.memory_space<semaphore_mem>>
        %dma_start3A = tpu.memref_slice %arg9[%add3A_59] : memref<1835008xf32, #tpu.memory_space<vmem_shared>> -> memref<8192xf32, #tpu.memory_space<vmem_shared>>
        %dma_start3A_85 = tpu.memref_slice %arg9[%add3A_59] : memref<1835008xf32, #tpu.memory_space<vmem_shared>> -> memref<8192xf32, #tpu.memory_space<vmem_shared>>
        tpu.enqueue_dma source(%arg8 : memref<8192xf32, #tpu.memory_space<vmem>>) target(%dma_start3A_85 : memref<8192xf32, #tpu.memory_space<vmem_shared>>) target_semaphore(%run_scoped3A : memref<!tpu.dma_semaphore, #tpu.memory_space<semaphore_mem>>)
        %dma_wait3A = tpu.memref_slice %arg9[%add3A_59] : memref<1835008xf32, #tpu.memory_space<vmem_shared>> -> memref<8192xf32, #tpu.memory_space<vmem_shared>>
        %dma_wait3A_86 = tpu.memref_slice %arg9[%add3A_59] : memref<1835008xf32, #tpu.memory_space<vmem_shared>> -> memref<8192xf32, #tpu.memory_space<vmem_shared>>
        tpu.wait_dma2 semaphore(%run_scoped3A : memref<!tpu.dma_semaphore, #tpu.memory_space<semaphore_mem>>) src(%arg8 : memref<8192xf32, #tpu.memory_space<vmem>>) dst(%dma_wait3A_86 : memref<8192xf32, #tpu.memory_space<vmem_shared>>)
        tpu.yield
      }) : () -> ()
      %mul3A_60 = arith.constant 110592 : i32
      %mul3A_61 = arith.muli %arg1, %mul3A_60 : i32
      %add3A_62 = arith.constant 90112 : i32
      %add3A_63 = arith.addi %mul3A_61, %add3A_62 : i32
      "tpu.region"() ({
        %run_scoped3A = tpu.sem_alloc : memref<!tpu.dma_semaphore, #tpu.memory_space<semaphore_mem>>
        %dma_start3A = tpu.memref_slice %arg9[%add3A_63] : memref<1835008xf32, #tpu.memory_space<vmem_shared>> -> memref<8192xf32, #tpu.memory_space<vmem_shared>>
        %dma_start3A_85 = tpu.memref_slice %arg9[%add3A_63] : memref<1835008xf32, #tpu.memory_space<vmem_shared>> -> memref<8192xf32, #tpu.memory_space<vmem_shared>>
        tpu.enqueue_dma source(%arg8 : memref<8192xf32, #tpu.memory_space<vmem>>) target(%dma_start3A_85 : memref<8192xf32, #tpu.memory_space<vmem_shared>>) target_semaphore(%run_scoped3A : memref<!tpu.dma_semaphore, #tpu.memory_space<semaphore_mem>>)
        %dma_wait3A = tpu.memref_slice %arg9[%add3A_63] : memref<1835008xf32, #tpu.memory_space<vmem_shared>> -> memref<8192xf32, #tpu.memory_space<vmem_shared>>
        %dma_wait3A_86 = tpu.memref_slice %arg9[%add3A_63] : memref<1835008xf32, #tpu.memory_space<vmem_shared>> -> memref<8192xf32, #tpu.memory_space<vmem_shared>>
        tpu.wait_dma2 semaphore(%run_scoped3A : memref<!tpu.dma_semaphore, #tpu.memory_space<semaphore_mem>>) src(%arg8 : memref<8192xf32, #tpu.memory_space<vmem>>) dst(%dma_wait3A_86 : memref<8192xf32, #tpu.memory_space<vmem_shared>>)
        tpu.yield
      }) : () -> ()
      %mul3A_64 = arith.constant 110592 : i32
      %mul3A_65 = arith.muli %arg1, %mul3A_64 : i32
      %add3A_66 = arith.constant 98304 : i32
      %add3A_67 = arith.addi %mul3A_65, %add3A_66 : i32
      "tpu.region"() ({
        %run_scoped3A = tpu.sem_alloc : memref<!tpu.dma_semaphore, #tpu.memory_space<semaphore_mem>>
        %dma_start3A = tpu.memref_slice %arg9[%add3A_67] : memref<1835008xf32, #tpu.memory_space<vmem_shared>> -> memref<8192xf32, #tpu.memory_space<vmem_shared>>
        %dma_start3A_85 = tpu.memref_slice %arg9[%add3A_67] : memref<1835008xf32, #tpu.memory_space<vmem_shared>> -> memref<8192xf32, #tpu.memory_space<vmem_shared>>
        tpu.enqueue_dma source(%arg8 : memref<8192xf32, #tpu.memory_space<vmem>>) target(%dma_start3A_85 : memref<8192xf32, #tpu.memory_space<vmem_shared>>) target_semaphore(%run_scoped3A : memref<!tpu.dma_semaphore, #tpu.memory_space<semaphore_mem>>)
        %dma_wait3A = tpu.memref_slice %arg9[%add3A_67] : memref<1835008xf32, #tpu.memory_space<vmem_shared>> -> memref<8192xf32, #tpu.memory_space<vmem_shared>>
        %dma_wait3A_86 = tpu.memref_slice %arg9[%add3A_67] : memref<1835008xf32, #tpu.memory_space<vmem_shared>> -> memref<8192xf32, #tpu.memory_space<vmem_shared>>
        tpu.wait_dma2 semaphore(%run_scoped3A : memref<!tpu.dma_semaphore, #tpu.memory_space<semaphore_mem>>) src(%arg8 : memref<8192xf32, #tpu.memory_space<vmem>>) dst(%dma_wait3A_86 : memref<8192xf32, #tpu.memory_space<vmem_shared>>)
        tpu.yield
      }) : () -> ()
      %mul3A_68 = arith.constant 110592 : i32
      %mul3A_69 = arith.muli %arg1, %mul3A_68 : i32
      %add3A_70 = arith.constant 106496 : i32
      %add3A_71 = arith.addi %mul3A_69, %add3A_70 : i32
      "tpu.region"() ({
        %run_scoped3A = tpu.sem_alloc : memref<!tpu.dma_semaphore, #tpu.memory_space<semaphore_mem>>
        %dma_start3A = arith.constant 0 : i32
        %dma_start3A_85 = tpu.memref_slice %arg8[%dma_start3A] : memref<8192xf32, #tpu.memory_space<vmem>> -> memref<4096xf32, #tpu.memory_space<vmem>>
        %dma_start3A_86 = tpu.memref_slice %arg9[%add3A_71] : memref<1835008xf32, #tpu.memory_space<vmem_shared>> -> memref<4096xf32, #tpu.memory_space<vmem_shared>>
        %dma_start3A_87 = tpu.memref_slice %arg9[%add3A_71] : memref<1835008xf32, #tpu.memory_space<vmem_shared>> -> memref<4096xf32, #tpu.memory_space<vmem_shared>>
        %dma_start3A_88 = arith.constant 0 : i32
        %dma_start3A_89 = tpu.memref_slice %arg8[%dma_start3A_88] : memref<8192xf32, #tpu.memory_space<vmem>> -> memref<4096xf32, #tpu.memory_space<vmem>>
        tpu.enqueue_dma source(%dma_start3A_89 : memref<4096xf32, #tpu.memory_space<vmem>>) target(%dma_start3A_87 : memref<4096xf32, #tpu.memory_space<vmem_shared>>) target_semaphore(%run_scoped3A : memref<!tpu.dma_semaphore, #tpu.memory_space<semaphore_mem>>)
        %dma_wait3A = arith.constant 0 : i32
        %dma_wait3A_90 = tpu.memref_slice %arg8[%dma_wait3A] : memref<8192xf32, #tpu.memory_space<vmem>> -> memref<4096xf32, #tpu.memory_space<vmem>>
        %dma_wait3A_91 = tpu.memref_slice %arg9[%add3A_71] : memref<1835008xf32, #tpu.memory_space<vmem_shared>> -> memref<4096xf32, #tpu.memory_space<vmem_shared>>
        %dma_wait3A_92 = tpu.memref_slice %arg9[%add3A_71] : memref<1835008xf32, #tpu.memory_space<vmem_shared>> -> memref<4096xf32, #tpu.memory_space<vmem_shared>>
        %dma_wait3A_93 = arith.constant 0 : i32
        %dma_wait3A_94 = tpu.memref_slice %arg8[%dma_wait3A_93] : memref<8192xf32, #tpu.memory_space<vmem>> -> memref<4096xf32, #tpu.memory_space<vmem>>
        tpu.wait_dma2 semaphore(%run_scoped3A : memref<!tpu.dma_semaphore, #tpu.memory_space<semaphore_mem>>) src(%dma_wait3A_94 : memref<4096xf32, #tpu.memory_space<vmem>>) dst(%dma_wait3A_92 : memref<4096xf32, #tpu.memory_space<vmem_shared>>)
        tpu.yield
      }) : () -> ()
      %barrier3A = arith.constant 0 : index
      tpu.barrier barrier_id(%barrier3A)
      %scan3A_72 = arith.constant 0 : i32
      %scan3A_73 = arith.constant 0 : i32
      %scan3A_74 = arith.constant 216 : i32
      %scan3A_75 = arith.addi %scan3A_73, %scan3A_74 : i32
      %scan3A_76 = arith.constant 1 : i32
      scf.for %scan3A_85 = %scan3A_73 to %scan3A_75 step %scan3A_76  : i32 {
        %mul3A_86 = arith.constant 3456 : i32
        %mul3A_87 = arith.muli %arg1, %mul3A_86 : i32
        %mul3A_88 = arith.constant 16 : i32
        %mul3A_89 = arith.muli %scan3A_85, %mul3A_88 : i32
        %add3A_90 = arith.addi %mul3A_87, %mul3A_89 : i32
        "tpu.region"() ({
          %run_scoped3A_3699 = tpu.sem_alloc : memref<!tpu.dma_semaphore, #tpu.memory_space<semaphore_mem>>
          %dma_start3A = arith.constant 0 : i32
          %dma_start3A_3700 = tpu.memref_slice %arg3[%add3A_90, %dma_start3A] : memref<55296x128xi32, #tpu.memory_space<hbm>> -> memref<16x128xi32, #tpu.memory_space<hbm>>
          %dma_start3A_3701 = arith.constant 0 : i32
          %dma_start3A_3702 = tpu.memref_slice %arg3[%add3A_90, %dma_start3A_3701] : memref<55296x128xi32, #tpu.memory_space<hbm>> -> memref<16x128xi32, #tpu.memory_space<hbm>>
          tpu.enqueue_dma source(%dma_start3A_3702 : memref<16x128xi32, #tpu.memory_space<hbm>>) target(%arg6 : memref<16x128xi32, #tpu.memory_space<vmem>>) target_semaphore(%run_scoped3A_3699 : memref<!tpu.dma_semaphore, #tpu.memory_space<semaphore_mem>>)
          %dma_wait3A = arith.constant 0 : i32
          %dma_wait3A_3703 = tpu.memref_slice %arg3[%add3A_90, %dma_wait3A] : memref<55296x128xi32, #tpu.memory_space<hbm>> -> memref<16x128xi32, #tpu.memory_space<hbm>>
          %dma_wait3A_3704 = arith.constant 0 : i32
          %dma_wait3A_3705 = tpu.memref_slice %arg3[%add3A_90, %dma_wait3A_3704] : memref<55296x128xi32, #tpu.memory_space<hbm>> -> memref<16x128xi32, #tpu.memory_space<hbm>>
          tpu.wait_dma2 semaphore(%run_scoped3A_3699 : memref<!tpu.dma_semaphore, #tpu.memory_space<semaphore_mem>>) src(%dma_wait3A_3705 : memref<16x128xi32, #tpu.memory_space<hbm>>) dst(%arg6 : memref<16x128xi32, #tpu.memory_space<vmem>>)
          tpu.yield
        }) : () -> ()
        "tpu.region"() ({
          %run_scoped3A_3699 = tpu.sem_alloc : memref<!tpu.dma_semaphore, #tpu.memory_space<semaphore_mem>>
          %dma_start3A = arith.constant 0 : i32
          %dma_start3A_3700 = tpu.memref_slice %arg2[%add3A_90, %dma_start3A] : memref<55296x128xf32, #tpu.memory_space<hbm>> -> memref<16x128xf32, #tpu.memory_space<hbm>>
          %dma_start3A_3701 = arith.constant 0 : i32
          %dma_start3A_3702 = tpu.memref_slice %arg2[%add3A_90, %dma_start3A_3701] : memref<55296x128xf32, #tpu.memory_space<hbm>> -> memref<16x128xf32, #tpu.memory_space<hbm>>
          tpu.enqueue_dma source(%dma_start3A_3702 : memref<16x128xf32, #tpu.memory_space<hbm>>) target(%arg5 : memref<16x128xf32, #tpu.memory_space<vmem>>) target_semaphore(%run_scoped3A_3699 : memref<!tpu.dma_semaphore, #tpu.memory_space<semaphore_mem>>)
          %dma_wait3A = arith.constant 0 : i32
          %dma_wait3A_3703 = tpu.memref_slice %arg2[%add3A_90, %dma_wait3A] : memref<55296x128xf32, #tpu.memory_space<hbm>> -> memref<16x128xf32, #tpu.memory_space<hbm>>
          %dma_wait3A_3704 = arith.constant 0 : i32
          %dma_wait3A_3705 = tpu.memref_slice %arg2[%add3A_90, %dma_wait3A_3704] : memref<55296x128xf32, #tpu.memory_space<hbm>> -> memref<16x128xf32, #tpu.memory_space<hbm>>
          tpu.wait_dma2 semaphore(%run_scoped3A_3699 : memref<!tpu.dma_semaphore, #tpu.memory_space<semaphore_mem>>) src(%dma_wait3A_3705 : memref<16x128xf32, #tpu.memory_space<hbm>>) dst(%arg5 : memref<16x128xf32, #tpu.memory_space<vmem>>)
          tpu.yield
        }) : () -> ()
        %get3A = arith.constant 0 : i32
        %get3A_91 = arith.constant 0 : i32
        %get3A_92 = tpu.memref_slice %arg6[%get3A, %get3A_91] : memref<16x128xi32, #tpu.memory_space<vmem>> -> memref<1x128xi32, #tpu.memory_space<vmem>>
        %get3A_93 = tpu.memref_squeeze %get3A_92 : memref<1x128xi32, #tpu.memory_space<vmem>> -> memref<128xi32, #tpu.memory_space<vmem>>
        %get3A_94 = arith.constant 0 : index
        %get3A_95 = tpu.vector_load %get3A_93[%get3A_94] {strides = array<i32>} : memref<128xi32, #tpu.memory_space<vmem>>, vector<16xi32>,
        %get3A_96 = vector.shape_cast %get3A_95 : vector<16xi32> to vector<16xi32>
        %sub3A = vector.broadcast %mul3A_15 : i32 to vector<16xi32>
        %sub3A_97 = arith.subi %get3A_96, %sub3A : vector<16xi32>
        %bitcast3A = vector.bitcast %sub3A_97 : vector<16xi32> to vector<16xi32>
        %ge3A = arith.constant 1769472 : i32
        %ge3A_98 = vector.broadcast %ge3A : i32 to vector<16xi32>
        %ge3A_99 = arith.cmpi uge, %bitcast3A, %ge3A_98 : vector<16xi32>
        %and3A = arith.constant 65535 : i32
        %and3A_100 = vector.broadcast %and3A : i32 to vector<16xi32>
        %and3A_101 = arith.andi %get3A_96, %and3A_100 : vector<16xi32>
        %add3A_102 = arith.constant 1769472 : i32
        %add3A_103 = vector.broadcast %add3A_102 : i32 to vector<16xi32>
        %add3A_104 = arith.addi %add3A_103, %and3A_101 : vector<16xi32>
        %select_n3A = arith.select %ge3A_99, %add3A_104, %sub3A_97 : vector<16xi1>, vector<16xi32>
        %swap3A = arith.constant 0 : i32
        %swap3A_105 = arith.constant 0 : i32
        %swap3A_106 = tpu.memref_slice %arg7[%swap3A, %swap3A_105] : memref<16x128xi32, #tpu.memory_space<vmem>> -> memref<1x128xi32, #tpu.memory_space<vmem>>
        %swap3A_107 = tpu.memref_squeeze %swap3A_106 : memref<1x128xi32, #tpu.memory_space<vmem>> -> memref<128xi32, #tpu.memory_space<vmem>>
        %swap3A_108 = arith.constant 0 : index
        %swap3A_109 = tpu.vector_load %swap3A_107[%swap3A_108] {strides = array<i32>} : memref<128xi32, #tpu.memory_space<vmem>>, vector<16xi32>,
        %swap3A_110 = vector.shape_cast %swap3A_109 : vector<16xi32> to vector<16xi32>
        %swap3A_111 = vector.shape_cast %select_n3A : vector<16xi32> to vector<16xi32>
        tpu.vector_store %swap3A_107[%swap3A_108], %swap3A_111 {strides = array<i32>} : memref<128xi32, #tpu.memory_space<vmem>>, vector<16xi32>,
        %get3A_112 = arith.constant 0 : i32
        %get3A_113 = arith.constant 0 : i32
        %get3A_114 = tpu.memref_slice %arg6[%get3A_112, %get3A_113] : memref<16x128xi32, #tpu.memory_space<vmem>> -> memref<1x128xi32, #tpu.memory_space<vmem>>
        %get3A_115 = tpu.memref_squeeze %get3A_114 : memref<1x128xi32, #tpu.memory_space<vmem>> -> memref<128xi32, #tpu.memory_space<vmem>>
        %get3A_116 = arith.constant 16 : index
        %get3A_117 = tpu.vector_load %get3A_115[%get3A_116] {strides = array<i32>} : memref<128xi32, #tpu.memory_space<vmem>>, vector<16xi32>,
        %get3A_118 = vector.shape_cast %get3A_117 : vector<16xi32> to vector<16xi32>
        %sub3A_119 = vector.broadcast %mul3A_15 : i32 to vector<16xi32>
        %sub3A_120 = arith.subi %get3A_118, %sub3A_119 : vector<16xi32>
        %bitcast3A_121 = vector.bitcast %sub3A_120 : vector<16xi32> to vector<16xi32>
        %ge3A_122 = arith.constant 1769472 : i32
        %ge3A_123 = vector.broadcast %ge3A_122 : i32 to vector<16xi32>
        %ge3A_124 = arith.cmpi uge, %bitcast3A_121, %ge3A_123 : vector<16xi32>
        %and3A_125 = arith.constant 65535 : i32
        %and3A_126 = vector.broadcast %and3A_125 : i32 to vector<16xi32>
        %and3A_127 = arith.andi %get3A_118, %and3A_126 : vector<16xi32>
        %add3A_128 = arith.constant 1769472 : i32
        %add3A_129 = vector.broadcast %add3A_128 : i32 to vector<16xi32>
        %add3A_130 = arith.addi %add3A_129, %and3A_127 : vector<16xi32>
        %select_n3A_131 = arith.select %ge3A_124, %add3A_130, %sub3A_120 : vector<16xi1>, vector<16xi32>
        %swap3A_132 = arith.constant 0 : i32
        %swap3A_133 = arith.constant 0 : i32
        %swap3A_134 = tpu.memref_slice %arg7[%swap3A_132, %swap3A_133] : memref<16x128xi32, #tpu.memory_space<vmem>> -> memref<1x128xi32, #tpu.memory_space<vmem>>
        %swap3A_135 = tpu.memref_squeeze %swap3A_134 : memref<1x128xi32, #tpu.memory_space<vmem>> -> memref<128xi32, #tpu.memory_space<vmem>>
        %swap3A_136 = arith.constant 16 : index
        %swap3A_137 = tpu.vector_load %swap3A_135[%swap3A_136] {strides = array<i32>} : memref<128xi32, #tpu.memory_space<vmem>>, vector<16xi32>,
        %swap3A_138 = vector.shape_cast %swap3A_137 : vector<16xi32> to vector<16xi32>
        %swap3A_139 = vector.shape_cast %select_n3A_131 : vector<16xi32> to vector<16xi32>
        tpu.vector_store %swap3A_135[%swap3A_136], %swap3A_139 {strides = array<i32>} : memref<128xi32, #tpu.memory_space<vmem>>, vector<16xi32>,
        %get3A_140 = arith.constant 0 : i32
        %get3A_141 = arith.constant 0 : i32
        %get3A_142 = tpu.memref_slice %arg6[%get3A_140, %get3A_141] : memref<16x128xi32, #tpu.memory_space<vmem>> -> memref<1x128xi32, #tpu.memory_space<vmem>>
        %get3A_143 = tpu.memref_squeeze %get3A_142 : memref<1x128xi32, #tpu.memory_space<vmem>> -> memref<128xi32, #tpu.memory_space<vmem>>
        %get3A_144 = arith.constant 32 : index
        %get3A_145 = tpu.vector_load %get3A_143[%get3A_144] {strides = array<i32>} : memref<128xi32, #tpu.memory_space<vmem>>, vector<16xi32>,
        %get3A_146 = vector.shape_cast %get3A_145 : vector<16xi32> to vector<16xi32>
        %sub3A_147 = vector.broadcast %mul3A_15 : i32 to vector<16xi32>
        %sub3A_148 = arith.subi %get3A_146, %sub3A_147 : vector<16xi32>
        %bitcast3A_149 = vector.bitcast %sub3A_148 : vector<16xi32> to vector<16xi32>
        %ge3A_150 = arith.constant 1769472 : i32
        %ge3A_151 = vector.broadcast %ge3A_150 : i32 to vector<16xi32>
        %ge3A_152 = arith.cmpi uge, %bitcast3A_149, %ge3A_151 : vector<16xi32>
        %and3A_153 = arith.constant 65535 : i32
        %and3A_154 = vector.broadcast %and3A_153 : i32 to vector<16xi32>
        %and3A_155 = arith.andi %get3A_146, %and3A_154 : vector<16xi32>
        %add3A_156 = arith.constant 1769472 : i32
        %add3A_157 = vector.broadcast %add3A_156 : i32 to vector<16xi32>
        %add3A_158 = arith.addi %add3A_157, %and3A_155 : vector<16xi32>
        %select_n3A_159 = arith.select %ge3A_152, %add3A_158, %sub3A_148 : vector<16xi1>, vector<16xi32>
        %swap3A_160 = arith.constant 0 : i32
        %swap3A_161 = arith.constant 0 : i32
        %swap3A_162 = tpu.memref_slice %arg7[%swap3A_160, %swap3A_161] : memref<16x128xi32, #tpu.memory_space<vmem>> -> memref<1x128xi32, #tpu.memory_space<vmem>>
        %swap3A_163 = tpu.memref_squeeze %swap3A_162 : memref<1x128xi32, #tpu.memory_space<vmem>> -> memref<128xi32, #tpu.memory_space<vmem>>
        %swap3A_164 = arith.constant 32 : index
        %swap3A_165 = tpu.vector_load %swap3A_163[%swap3A_164] {strides = array<i32>} : memref<128xi32, #tpu.memory_space<vmem>>, vector<16xi32>,
        %swap3A_166 = vector.shape_cast %swap3A_165 : vector<16xi32> to vector<16xi32>
        %swap3A_167 = vector.shape_cast %select_n3A_159 : vector<16xi32> to vector<16xi32>
        tpu.vector_store %swap3A_163[%swap3A_164], %swap3A_167 {strides = array<i32>} : memref<128xi32, #tpu.memory_space<vmem>>, vector<16xi32>,
        %get3A_168 = arith.constant 0 : i32
        %get3A_169 = arith.constant 0 : i32
        %get3A_170 = tpu.memref_slice %arg6[%get3A_168, %get3A_169] : memref<16x128xi32, #tpu.memory_space<vmem>> -> memref<1x128xi32, #tpu.memory_space<vmem>>
        %get3A_171 = tpu.memref_squeeze %get3A_170 : memref<1x128xi32, #tpu.memory_space<vmem>> -> memref<128xi32, #tpu.memory_space<vmem>>
        %get3A_172 = arith.constant 48 : index
        %get3A_173 = tpu.vector_load %get3A_171[%get3A_172] {strides = array<i32>} : memref<128xi32, #tpu.memory_space<vmem>>, vector<16xi32>,
        %get3A_174 = vector.shape_cast %get3A_173 : vector<16xi32> to vector<16xi32>
        %sub3A_175 = vector.broadcast %mul3A_15 : i32 to vector<16xi32>
        %sub3A_176 = arith.subi %get3A_174, %sub3A_175 : vector<16xi32>
        %bitcast3A_177 = vector.bitcast %sub3A_176 : vector<16xi32> to vector<16xi32>
        %ge3A_178 = arith.constant 1769472 : i32
        %ge3A_179 = vector.broadcast %ge3A_178 : i32 to vector<16xi32>
        %ge3A_180 = arith.cmpi uge, %bitcast3A_177, %ge3A_179 : vector<16xi32>
        %and3A_181 = arith.constant 65535 : i32
        %and3A_182 = vector.broadcast %and3A_181 : i32 to vector<16xi32>
        %and3A_183 = arith.andi %get3A_174, %and3A_182 : vector<16xi32>
        %add3A_184 = arith.constant 1769472 : i32
        %add3A_185 = vector.broadcast %add3A_184 : i32 to vector<16xi32>
        %add3A_186 = arith.addi %add3A_185, %and3A_183 : vector<16xi32>
        %select_n3A_187 = arith.select %ge3A_180, %add3A_186, %sub3A_176 : vector<16xi1>, vector<16xi32>
        %swap3A_188 = arith.constant 0 : i32
        %swap3A_189 = arith.constant 0 : i32
        %swap3A_190 = tpu.memref_slice %arg7[%swap3A_188, %swap3A_189] : memref<16x128xi32, #tpu.memory_space<vmem>> -> memref<1x128xi32, #tpu.memory_space<vmem>>
        %swap3A_191 = tpu.memref_squeeze %swap3A_190 : memref<1x128xi32, #tpu.memory_space<vmem>> -> memref<128xi32, #tpu.memory_space<vmem>>
        %swap3A_192 = arith.constant 48 : index
        %swap3A_193 = tpu.vector_load %swap3A_191[%swap3A_192] {strides = array<i32>} : memref<128xi32, #tpu.memory_space<vmem>>, vector<16xi32>,
        %swap3A_194 = vector.shape_cast %swap3A_193 : vector<16xi32> to vector<16xi32>
        %swap3A_195 = vector.shape_cast %select_n3A_187 : vector<16xi32> to vector<16xi32>
        tpu.vector_store %swap3A_191[%swap3A_192], %swap3A_195 {strides = array<i32>} : memref<128xi32, #tpu.memory_space<vmem>>, vector<16xi32>,
        %get3A_196 = arith.constant 0 : i32
        %get3A_197 = arith.constant 0 : i32
        %get3A_198 = tpu.memref_slice %arg6[%get3A_196, %get3A_197] : memref<16x128xi32, #tpu.memory_space<vmem>> -> memref<1x128xi32, #tpu.memory_space<vmem>>
        %get3A_199 = tpu.memref_squeeze %get3A_198 : memref<1x128xi32, #tpu.memory_space<vmem>> -> memref<128xi32, #tpu.memory_space<vmem>>
        %get3A_200 = arith.constant 64 : index
        %get3A_201 = tpu.vector_load %get3A_199[%get3A_200] {strides = array<i32>} : memref<128xi32, #tpu.memory_space<vmem>>, vector<16xi32>,
        %get3A_202 = vector.shape_cast %get3A_201 : vector<16xi32> to vector<16xi32>
        %sub3A_203 = vector.broadcast %mul3A_15 : i32 to vector<16xi32>
        %sub3A_204 = arith.subi %get3A_202, %sub3A_203 : vector<16xi32>
        %bitcast3A_205 = vector.bitcast %sub3A_204 : vector<16xi32> to vector<16xi32>
        %ge3A_206 = arith.constant 1769472 : i32
        %ge3A_207 = vector.broadcast %ge3A_206 : i32 to vector<16xi32>
        %ge3A_208 = arith.cmpi uge, %bitcast3A_205, %ge3A_207 : vector<16xi32>
        %and3A_209 = arith.constant 65535 : i32
        %and3A_210 = vector.broadcast %and3A_209 : i32 to vector<16xi32>
        %and3A_211 = arith.andi %get3A_202, %and3A_210 : vector<16xi32>
        %add3A_212 = arith.constant 1769472 : i32
        %add3A_213 = vector.broadcast %add3A_212 : i32 to vector<16xi32>
        %add3A_214 = arith.addi %add3A_213, %and3A_211 : vector<16xi32>
        %select_n3A_215 = arith.select %ge3A_208, %add3A_214, %sub3A_204 : vector<16xi1>, vector<16xi32>
        %swap3A_216 = arith.constant 0 : i32
        %swap3A_217 = arith.constant 0 : i32
        %swap3A_218 = tpu.memref_slice %arg7[%swap3A_216, %swap3A_217] : memref<16x128xi32, #tpu.memory_space<vmem>> -> memref<1x128xi32, #tpu.memory_space<vmem>>
        %swap3A_219 = tpu.memref_squeeze %swap3A_218 : memref<1x128xi32, #tpu.memory_space<vmem>> -> memref<128xi32, #tpu.memory_space<vmem>>
        %swap3A_220 = arith.constant 64 : index
        %swap3A_221 = tpu.vector_load %swap3A_219[%swap3A_220] {strides = array<i32>} : memref<128xi32, #tpu.memory_space<vmem>>, vector<16xi32>,
        %swap3A_222 = vector.shape_cast %swap3A_221 : vector<16xi32> to vector<16xi32>
        %swap3A_223 = vector.shape_cast %select_n3A_215 : vector<16xi32> to vector<16xi32>
        tpu.vector_store %swap3A_219[%swap3A_220], %swap3A_223 {strides = array<i32>} : memref<128xi32, #tpu.memory_space<vmem>>, vector<16xi32>,
        %get3A_224 = arith.constant 0 : i32
        %get3A_225 = arith.constant 0 : i32
        %get3A_226 = tpu.memref_slice %arg6[%get3A_224, %get3A_225] : memref<16x128xi32, #tpu.memory_space<vmem>> -> memref<1x128xi32, #tpu.memory_space<vmem>>
        %get3A_227 = tpu.memref_squeeze %get3A_226 : memref<1x128xi32, #tpu.memory_space<vmem>> -> memref<128xi32, #tpu.memory_space<vmem>>
        %get3A_228 = arith.constant 80 : index
        %get3A_229 = tpu.vector_load %get3A_227[%get3A_228] {strides = array<i32>} : memref<128xi32, #tpu.memory_space<vmem>>, vector<16xi32>,
        %get3A_230 = vector.shape_cast %get3A_229 : vector<16xi32> to vector<16xi32>
        %sub3A_231 = vector.broadcast %mul3A_15 : i32 to vector<16xi32>
        %sub3A_232 = arith.subi %get3A_230, %sub3A_231 : vector<16xi32>
        %bitcast3A_233 = vector.bitcast %sub3A_232 : vector<16xi32> to vector<16xi32>
        %ge3A_234 = arith.constant 1769472 : i32
        %ge3A_235 = vector.broadcast %ge3A_234 : i32 to vector<16xi32>
        %ge3A_236 = arith.cmpi uge, %bitcast3A_233, %ge3A_235 : vector<16xi32>
        %and3A_237 = arith.constant 65535 : i32
        %and3A_238 = vector.broadcast %and3A_237 : i32 to vector<16xi32>
        %and3A_239 = arith.andi %get3A_230, %and3A_238 : vector<16xi32>
        %add3A_240 = arith.constant 1769472 : i32
        %add3A_241 = vector.broadcast %add3A_240 : i32 to vector<16xi32>
        %add3A_242 = arith.addi %add3A_241, %and3A_239 : vector<16xi32>
        %select_n3A_243 = arith.select %ge3A_236, %add3A_242, %sub3A_232 : vector<16xi1>, vector<16xi32>
        %swap3A_244 = arith.constant 0 : i32
        %swap3A_245 = arith.constant 0 : i32
        %swap3A_246 = tpu.memref_slice %arg7[%swap3A_244, %swap3A_245] : memref<16x128xi32, #tpu.memory_space<vmem>> -> memref<1x128xi32, #tpu.memory_space<vmem>>
        %swap3A_247 = tpu.memref_squeeze %swap3A_246 : memref<1x128xi32, #tpu.memory_space<vmem>> -> memref<128xi32, #tpu.memory_space<vmem>>
        %swap3A_248 = arith.constant 80 : index
        %swap3A_249 = tpu.vector_load %swap3A_247[%swap3A_248] {strides = array<i32>} : memref<128xi32, #tpu.memory_space<vmem>>, vector<16xi32>,
        %swap3A_250 = vector.shape_cast %swap3A_249 : vector<16xi32> to vector<16xi32>
        %swap3A_251 = vector.shape_cast %select_n3A_243 : vector<16xi32> to vector<16xi32>
        tpu.vector_store %swap3A_247[%swap3A_248], %swap3A_251 {strides = array<i32>} : memref<128xi32, #tpu.memory_space<vmem>>, vector<16xi32>,
        %get3A_252 = arith.constant 0 : i32
        %get3A_253 = arith.constant 0 : i32
        %get3A_254 = tpu.memref_slice %arg6[%get3A_252, %get3A_253] : memref<16x128xi32, #tpu.memory_space<vmem>> -> memref<1x128xi32, #tpu.memory_space<vmem>>
        %get3A_255 = tpu.memref_squeeze %get3A_254 : memref<1x128xi32, #tpu.memory_space<vmem>> -> memref<128xi32, #tpu.memory_space<vmem>>
        %get3A_256 = arith.constant 96 : index
        %get3A_257 = tpu.vector_load %get3A_255[%get3A_256] {strides = array<i32>} : memref<128xi32, #tpu.memory_space<vmem>>, vector<16xi32>,
        %get3A_258 = vector.shape_cast %get3A_257 : vector<16xi32> to vector<16xi32>
        %sub3A_259 = vector.broadcast %mul3A_15 : i32 to vector<16xi32>
        %sub3A_260 = arith.subi %get3A_258, %sub3A_259 : vector<16xi32>
        %bitcast3A_261 = vector.bitcast %sub3A_260 : vector<16xi32> to vector<16xi32>
        %ge3A_262 = arith.constant 1769472 : i32
        %ge3A_263 = vector.broadcast %ge3A_262 : i32 to vector<16xi32>
        %ge3A_264 = arith.cmpi uge, %bitcast3A_261, %ge3A_263 : vector<16xi32>
        %and3A_265 = arith.constant 65535 : i32
        %and3A_266 = vector.broadcast %and3A_265 : i32 to vector<16xi32>
        %and3A_267 = arith.andi %get3A_258, %and3A_266 : vector<16xi32>
        %add3A_268 = arith.constant 1769472 : i32
        %add3A_269 = vector.broadcast %add3A_268 : i32 to vector<16xi32>
        %add3A_270 = arith.addi %add3A_269, %and3A_267 : vector<16xi32>
        %select_n3A_271 = arith.select %ge3A_264, %add3A_270, %sub3A_260 : vector<16xi1>, vector<16xi32>
        %swap3A_272 = arith.constant 0 : i32
        %swap3A_273 = arith.constant 0 : i32
        %swap3A_274 = tpu.memref_slice %arg7[%swap3A_272, %swap3A_273] : memref<16x128xi32, #tpu.memory_space<vmem>> -> memref<1x128xi32, #tpu.memory_space<vmem>>
        %swap3A_275 = tpu.memref_squeeze %swap3A_274 : memref<1x128xi32, #tpu.memory_space<vmem>> -> memref<128xi32, #tpu.memory_space<vmem>>
        %swap3A_276 = arith.constant 96 : index
        %swap3A_277 = tpu.vector_load %swap3A_275[%swap3A_276] {strides = array<i32>} : memref<128xi32, #tpu.memory_space<vmem>>, vector<16xi32>,
        %swap3A_278 = vector.shape_cast %swap3A_277 : vector<16xi32> to vector<16xi32>
        %swap3A_279 = vector.shape_cast %select_n3A_271 : vector<16xi32> to vector<16xi32>
        tpu.vector_store %swap3A_275[%swap3A_276], %swap3A_279 {strides = array<i32>} : memref<128xi32, #tpu.memory_space<vmem>>, vector<16xi32>,
        %get3A_280 = arith.constant 0 : i32
        %get3A_281 = arith.constant 0 : i32
        %get3A_282 = tpu.memref_slice %arg6[%get3A_280, %get3A_281] : memref<16x128xi32, #tpu.memory_space<vmem>> -> memref<1x128xi32, #tpu.memory_space<vmem>>
        %get3A_283 = tpu.memref_squeeze %get3A_282 : memref<1x128xi32, #tpu.memory_space<vmem>> -> memref<128xi32, #tpu.memory_space<vmem>>
        %get3A_284 = arith.constant 112 : index
        %get3A_285 = tpu.vector_load %get3A_283[%get3A_284] {strides = array<i32>} : memref<128xi32, #tpu.memory_space<vmem>>, vector<16xi32>,
        %get3A_286 = vector.shape_cast %get3A_285 : vector<16xi32> to vector<16xi32>
        %sub3A_287 = vector.broadcast %mul3A_15 : i32 to vector<16xi32>
        %sub3A_288 = arith.subi %get3A_286, %sub3A_287 : vector<16xi32>
        %bitcast3A_289 = vector.bitcast %sub3A_288 : vector<16xi32> to vector<16xi32>
        %ge3A_290 = arith.constant 1769472 : i32
        %ge3A_291 = vector.broadcast %ge3A_290 : i32 to vector<16xi32>
        %ge3A_292 = arith.cmpi uge, %bitcast3A_289, %ge3A_291 : vector<16xi32>
        %and3A_293 = arith.constant 65535 : i32
        %and3A_294 = vector.broadcast %and3A_293 : i32 to vector<16xi32>
        %and3A_295 = arith.andi %get3A_286, %and3A_294 : vector<16xi32>
        %add3A_296 = arith.constant 1769472 : i32
        %add3A_297 = vector.broadcast %add3A_296 : i32 to vector<16xi32>
        %add3A_298 = arith.addi %add3A_297, %and3A_295 : vector<16xi32>
        %select_n3A_299 = arith.select %ge3A_292, %add3A_298, %sub3A_288 : vector<16xi1>, vector<16xi32>
        %swap3A_300 = arith.constant 0 : i32
        %swap3A_301 = arith.constant 0 : i32
        %swap3A_302 = tpu.memref_slice %arg7[%swap3A_300, %swap3A_301] : memref<16x128xi32, #tpu.memory_space<vmem>> -> memref<1x128xi32, #tpu.memory_space<vmem>>
        %swap3A_303 = tpu.memref_squeeze %swap3A_302 : memref<1x128xi32, #tpu.memory_space<vmem>> -> memref<128xi32, #tpu.memory_space<vmem>>
        %swap3A_304 = arith.constant 112 : index
        %swap3A_305 = tpu.vector_load %swap3A_303[%swap3A_304] {strides = array<i32>} : memref<128xi32, #tpu.memory_space<vmem>>, vector<16xi32>,
        %swap3A_306 = vector.shape_cast %swap3A_305 : vector<16xi32> to vector<16xi32>
        %swap3A_307 = vector.shape_cast %select_n3A_299 : vector<16xi32> to vector<16xi32>
        tpu.vector_store %swap3A_303[%swap3A_304], %swap3A_307 {strides = array<i32>} : memref<128xi32, #tpu.memory_space<vmem>>, vector<16xi32>,
        %get3A_308 = arith.constant 1 : i32
        %get3A_309 = arith.constant 0 : i32
        %get3A_310 = tpu.memref_slice %arg6[%get3A_308, %get3A_309] : memref<16x128xi32, #tpu.memory_space<vmem>> -> memref<1x128xi32, #tpu.memory_space<vmem>>
        %get3A_311 = tpu.memref_squeeze %get3A_310 : memref<1x128xi32, #tpu.memory_space<vmem>> -> memref<128xi32, #tpu.memory_space<vmem>>
        %get3A_312 = arith.constant 0 : index
        %get3A_313 = tpu.vector_load %get3A_311[%get3A_312] {strides = array<i32>} : memref<128xi32, #tpu.memory_space<vmem>>, vector<16xi32>,
        %get3A_314 = vector.shape_cast %get3A_313 : vector<16xi32> to vector<16xi32>
        %sub3A_315 = vector.broadcast %mul3A_15 : i32 to vector<16xi32>
        %sub3A_316 = arith.subi %get3A_314, %sub3A_315 : vector<16xi32>
        %bitcast3A_317 = vector.bitcast %sub3A_316 : vector<16xi32> to vector<16xi32>
        %ge3A_318 = arith.constant 1769472 : i32
        %ge3A_319 = vector.broadcast %ge3A_318 : i32 to vector<16xi32>
        %ge3A_320 = arith.cmpi uge, %bitcast3A_317, %ge3A_319 : vector<16xi32>
        %and3A_321 = arith.constant 65535 : i32
        %and3A_322 = vector.broadcast %and3A_321 : i32 to vector<16xi32>
        %and3A_323 = arith.andi %get3A_314, %and3A_322 : vector<16xi32>
        %add3A_324 = arith.constant 1769472 : i32
        %add3A_325 = vector.broadcast %add3A_324 : i32 to vector<16xi32>
        %add3A_326 = arith.addi %add3A_325, %and3A_323 : vector<16xi32>
        %select_n3A_327 = arith.select %ge3A_320, %add3A_326, %sub3A_316 : vector<16xi1>, vector<16xi32>
        %swap3A_328 = arith.constant 1 : i32
        %swap3A_329 = arith.constant 0 : i32
        %swap3A_330 = tpu.memref_slice %arg7[%swap3A_328, %swap3A_329] : memref<16x128xi32, #tpu.memory_space<vmem>> -> memref<1x128xi32, #tpu.memory_space<vmem>>
        %swap3A_331 = tpu.memref_squeeze %swap3A_330 : memref<1x128xi32, #tpu.memory_space<vmem>> -> memref<128xi32, #tpu.memory_space<vmem>>
        %swap3A_332 = arith.constant 0 : index
        %swap3A_333 = tpu.vector_load %swap3A_331[%swap3A_332] {strides = array<i32>} : memref<128xi32, #tpu.memory_space<vmem>>, vector<16xi32>,
        %swap3A_334 = vector.shape_cast %swap3A_333 : vector<16xi32> to vector<16xi32>
        %swap3A_335 = vector.shape_cast %select_n3A_327 : vector<16xi32> to vector<16xi32>
        tpu.vector_store %swap3A_331[%swap3A_332], %swap3A_335 {strides = array<i32>} : memref<128xi32, #tpu.memory_space<vmem>>, vector<16xi32>,
        %get3A_336 = arith.constant 1 : i32
        %get3A_337 = arith.constant 0 : i32
        %get3A_338 = tpu.memref_slice %arg6[%get3A_336, %get3A_337] : memref<16x128xi32, #tpu.memory_space<vmem>> -> memref<1x128xi32, #tpu.memory_space<vmem>>
        %get3A_339 = tpu.memref_squeeze %get3A_338 : memref<1x128xi32, #tpu.memory_space<vmem>> -> memref<128xi32, #tpu.memory_space<vmem>>
        %get3A_340 = arith.constant 16 : index
        %get3A_341 = tpu.vector_load %get3A_339[%get3A_340] {strides = array<i32>} : memref<128xi32, #tpu.memory_space<vmem>>, vector<16xi32>,
        %get3A_342 = vector.shape_cast %get3A_341 : vector<16xi32> to vector<16xi32>
        %sub3A_343 = vector.broadcast %mul3A_15 : i32 to vector<16xi32>
        %sub3A_344 = arith.subi %get3A_342, %sub3A_343 : vector<16xi32>
        %bitcast3A_345 = vector.bitcast %sub3A_344 : vector<16xi32> to vector<16xi32>
        %ge3A_346 = arith.constant 1769472 : i32
        %ge3A_347 = vector.broadcast %ge3A_346 : i32 to vector<16xi32>
        %ge3A_348 = arith.cmpi uge, %bitcast3A_345, %ge3A_347 : vector<16xi32>
        %and3A_349 = arith.constant 65535 : i32
        %and3A_350 = vector.broadcast %and3A_349 : i32 to vector<16xi32>
        %and3A_351 = arith.andi %get3A_342, %and3A_350 : vector<16xi32>
        %add3A_352 = arith.constant 1769472 : i32
        %add3A_353 = vector.broadcast %add3A_352 : i32 to vector<16xi32>
        %add3A_354 = arith.addi %add3A_353, %and3A_351 : vector<16xi32>
        %select_n3A_355 = arith.select %ge3A_348, %add3A_354, %sub3A_344 : vector<16xi1>, vector<16xi32>
        %swap3A_356 = arith.constant 1 : i32
        %swap3A_357 = arith.constant 0 : i32
        %swap3A_358 = tpu.memref_slice %arg7[%swap3A_356, %swap3A_357] : memref<16x128xi32, #tpu.memory_space<vmem>> -> memref<1x128xi32, #tpu.memory_space<vmem>>
        %swap3A_359 = tpu.memref_squeeze %swap3A_358 : memref<1x128xi32, #tpu.memory_space<vmem>> -> memref<128xi32, #tpu.memory_space<vmem>>
        %swap3A_360 = arith.constant 16 : index
        %swap3A_361 = tpu.vector_load %swap3A_359[%swap3A_360] {strides = array<i32>} : memref<128xi32, #tpu.memory_space<vmem>>, vector<16xi32>,
        %swap3A_362 = vector.shape_cast %swap3A_361 : vector<16xi32> to vector<16xi32>
        %swap3A_363 = vector.shape_cast %select_n3A_355 : vector<16xi32> to vector<16xi32>
        tpu.vector_store %swap3A_359[%swap3A_360], %swap3A_363 {strides = array<i32>} : memref<128xi32, #tpu.memory_space<vmem>>, vector<16xi32>,
        %get3A_364 = arith.constant 1 : i32
        %get3A_365 = arith.constant 0 : i32
        %get3A_366 = tpu.memref_slice %arg6[%get3A_364, %get3A_365] : memref<16x128xi32, #tpu.memory_space<vmem>> -> memref<1x128xi32, #tpu.memory_space<vmem>>
        %get3A_367 = tpu.memref_squeeze %get3A_366 : memref<1x128xi32, #tpu.memory_space<vmem>> -> memref<128xi32, #tpu.memory_space<vmem>>
        %get3A_368 = arith.constant 32 : index
        %get3A_369 = tpu.vector_load %get3A_367[%get3A_368] {strides = array<i32>} : memref<128xi32, #tpu.memory_space<vmem>>, vector<16xi32>,
        %get3A_370 = vector.shape_cast %get3A_369 : vector<16xi32> to vector<16xi32>
        %sub3A_371 = vector.broadcast %mul3A_15 : i32 to vector<16xi32>
        %sub3A_372 = arith.subi %get3A_370, %sub3A_371 : vector<16xi32>
        %bitcast3A_373 = vector.bitcast %sub3A_372 : vector<16xi32> to vector<16xi32>
        %ge3A_374 = arith.constant 1769472 : i32
        %ge3A_375 = vector.broadcast %ge3A_374 : i32 to vector<16xi32>
        %ge3A_376 = arith.cmpi uge, %bitcast3A_373, %ge3A_375 : vector<16xi32>
        %and3A_377 = arith.constant 65535 : i32
        %and3A_378 = vector.broadcast %and3A_377 : i32 to vector<16xi32>
        %and3A_379 = arith.andi %get3A_370, %and3A_378 : vector<16xi32>
        %add3A_380 = arith.constant 1769472 : i32
        %add3A_381 = vector.broadcast %add3A_380 : i32 to vector<16xi32>
        %add3A_382 = arith.addi %add3A_381, %and3A_379 : vector<16xi32>
        %select_n3A_383 = arith.select %ge3A_376, %add3A_382, %sub3A_372 : vector<16xi1>, vector<16xi32>
        %swap3A_384 = arith.constant 1 : i32
        %swap3A_385 = arith.constant 0 : i32
        %swap3A_386 = tpu.memref_slice %arg7[%swap3A_384, %swap3A_385] : memref<16x128xi32, #tpu.memory_space<vmem>> -> memref<1x128xi32, #tpu.memory_space<vmem>>
        %swap3A_387 = tpu.memref_squeeze %swap3A_386 : memref<1x128xi32, #tpu.memory_space<vmem>> -> memref<128xi32, #tpu.memory_space<vmem>>
        %swap3A_388 = arith.constant 32 : index
        %swap3A_389 = tpu.vector_load %swap3A_387[%swap3A_388] {strides = array<i32>} : memref<128xi32, #tpu.memory_space<vmem>>, vector<16xi32>,
        %swap3A_390 = vector.shape_cast %swap3A_389 : vector<16xi32> to vector<16xi32>
        %swap3A_391 = vector.shape_cast %select_n3A_383 : vector<16xi32> to vector<16xi32>
        tpu.vector_store %swap3A_387[%swap3A_388], %swap3A_391 {strides = array<i32>} : memref<128xi32, #tpu.memory_space<vmem>>, vector<16xi32>,
        %get3A_392 = arith.constant 1 : i32
        %get3A_393 = arith.constant 0 : i32
        %get3A_394 = tpu.memref_slice %arg6[%get3A_392, %get3A_393] : memref<16x128xi32, #tpu.memory_space<vmem>> -> memref<1x128xi32, #tpu.memory_space<vmem>>
        %get3A_395 = tpu.memref_squeeze %get3A_394 : memref<1x128xi32, #tpu.memory_space<vmem>> -> memref<128xi32, #tpu.memory_space<vmem>>
        %get3A_396 = arith.constant 48 : index
        %get3A_397 = tpu.vector_load %get3A_395[%get3A_396] {strides = array<i32>} : memref<128xi32, #tpu.memory_space<vmem>>, vector<16xi32>,
        %get3A_398 = vector.shape_cast %get3A_397 : vector<16xi32> to vector<16xi32>
        %sub3A_399 = vector.broadcast %mul3A_15 : i32 to vector<16xi32>
        %sub3A_400 = arith.subi %get3A_398, %sub3A_399 : vector<16xi32>
        %bitcast3A_401 = vector.bitcast %sub3A_400 : vector<16xi32> to vector<16xi32>
        %ge3A_402 = arith.constant 1769472 : i32
        %ge3A_403 = vector.broadcast %ge3A_402 : i32 to vector<16xi32>
        %ge3A_404 = arith.cmpi uge, %bitcast3A_401, %ge3A_403 : vector<16xi32>
        %and3A_405 = arith.constant 65535 : i32
        %and3A_406 = vector.broadcast %and3A_405 : i32 to vector<16xi32>
        %and3A_407 = arith.andi %get3A_398, %and3A_406 : vector<16xi32>
        %add3A_408 = arith.constant 1769472 : i32
        %add3A_409 = vector.broadcast %add3A_408 : i32 to vector<16xi32>
        %add3A_410 = arith.addi %add3A_409, %and3A_407 : vector<16xi32>
        %select_n3A_411 = arith.select %ge3A_404, %add3A_410, %sub3A_400 : vector<16xi1>, vector<16xi32>
        %swap3A_412 = arith.constant 1 : i32
        %swap3A_413 = arith.constant 0 : i32
        %swap3A_414 = tpu.memref_slice %arg7[%swap3A_412, %swap3A_413] : memref<16x128xi32, #tpu.memory_space<vmem>> -> memref<1x128xi32, #tpu.memory_space<vmem>>
        %swap3A_415 = tpu.memref_squeeze %swap3A_414 : memref<1x128xi32, #tpu.memory_space<vmem>> -> memref<128xi32, #tpu.memory_space<vmem>>
        %swap3A_416 = arith.constant 48 : index
        %swap3A_417 = tpu.vector_load %swap3A_415[%swap3A_416] {strides = array<i32>} : memref<128xi32, #tpu.memory_space<vmem>>, vector<16xi32>,
        %swap3A_418 = vector.shape_cast %swap3A_417 : vector<16xi32> to vector<16xi32>
        %swap3A_419 = vector.shape_cast %select_n3A_411 : vector<16xi32> to vector<16xi32>
        tpu.vector_store %swap3A_415[%swap3A_416], %swap3A_419 {strides = array<i32>} : memref<128xi32, #tpu.memory_space<vmem>>, vector<16xi32>,
        %get3A_420 = arith.constant 1 : i32
        %get3A_421 = arith.constant 0 : i32
        %get3A_422 = tpu.memref_slice %arg6[%get3A_420, %get3A_421] : memref<16x128xi32, #tpu.memory_space<vmem>> -> memref<1x128xi32, #tpu.memory_space<vmem>>
        %get3A_423 = tpu.memref_squeeze %get3A_422 : memref<1x128xi32, #tpu.memory_space<vmem>> -> memref<128xi32, #tpu.memory_space<vmem>>
        %get3A_424 = arith.constant 64 : index
        %get3A_425 = tpu.vector_load %get3A_423[%get3A_424] {strides = array<i32>} : memref<128xi32, #tpu.memory_space<vmem>>, vector<16xi32>,
        %get3A_426 = vector.shape_cast %get3A_425 : vector<16xi32> to vector<16xi32>
        %sub3A_427 = vector.broadcast %mul3A_15 : i32 to vector<16xi32>
        %sub3A_428 = arith.subi %get3A_426, %sub3A_427 : vector<16xi32>
        %bitcast3A_429 = vector.bitcast %sub3A_428 : vector<16xi32> to vector<16xi32>
        %ge3A_430 = arith.constant 1769472 : i32
        %ge3A_431 = vector.broadcast %ge3A_430 : i32 to vector<16xi32>
        %ge3A_432 = arith.cmpi uge, %bitcast3A_429, %ge3A_431 : vector<16xi32>
        %and3A_433 = arith.constant 65535 : i32
        %and3A_434 = vector.broadcast %and3A_433 : i32 to vector<16xi32>
        %and3A_435 = arith.andi %get3A_426, %and3A_434 : vector<16xi32>
        %add3A_436 = arith.constant 1769472 : i32
        %add3A_437 = vector.broadcast %add3A_436 : i32 to vector<16xi32>
        %add3A_438 = arith.addi %add3A_437, %and3A_435 : vector<16xi32>
        %select_n3A_439 = arith.select %ge3A_432, %add3A_438, %sub3A_428 : vector<16xi1>, vector<16xi32>
        %swap3A_440 = arith.constant 1 : i32
        %swap3A_441 = arith.constant 0 : i32
        %swap3A_442 = tpu.memref_slice %arg7[%swap3A_440, %swap3A_441] : memref<16x128xi32, #tpu.memory_space<vmem>> -> memref<1x128xi32, #tpu.memory_space<vmem>>
        %swap3A_443 = tpu.memref_squeeze %swap3A_442 : memref<1x128xi32, #tpu.memory_space<vmem>> -> memref<128xi32, #tpu.memory_space<vmem>>
        %swap3A_444 = arith.constant 64 : index
        %swap3A_445 = tpu.vector_load %swap3A_443[%swap3A_444] {strides = array<i32>} : memref<128xi32, #tpu.memory_space<vmem>>, vector<16xi32>,
        %swap3A_446 = vector.shape_cast %swap3A_445 : vector<16xi32> to vector<16xi32>
        %swap3A_447 = vector.shape_cast %select_n3A_439 : vector<16xi32> to vector<16xi32>
        tpu.vector_store %swap3A_443[%swap3A_444], %swap3A_447 {strides = array<i32>} : memref<128xi32, #tpu.memory_space<vmem>>, vector<16xi32>,
        %get3A_448 = arith.constant 1 : i32
        %get3A_449 = arith.constant 0 : i32
        %get3A_450 = tpu.memref_slice %arg6[%get3A_448, %get3A_449] : memref<16x128xi32, #tpu.memory_space<vmem>> -> memref<1x128xi32, #tpu.memory_space<vmem>>
        %get3A_451 = tpu.memref_squeeze %get3A_450 : memref<1x128xi32, #tpu.memory_space<vmem>> -> memref<128xi32, #tpu.memory_space<vmem>>
        %get3A_452 = arith.constant 80 : index
        %get3A_453 = tpu.vector_load %get3A_451[%get3A_452] {strides = array<i32>} : memref<128xi32, #tpu.memory_space<vmem>>, vector<16xi32>,
        %get3A_454 = vector.shape_cast %get3A_453 : vector<16xi32> to vector<16xi32>
        %sub3A_455 = vector.broadcast %mul3A_15 : i32 to vector<16xi32>
        %sub3A_456 = arith.subi %get3A_454, %sub3A_455 : vector<16xi32>
        %bitcast3A_457 = vector.bitcast %sub3A_456 : vector<16xi32> to vector<16xi32>
        %ge3A_458 = arith.constant 1769472 : i32
        %ge3A_459 = vector.broadcast %ge3A_458 : i32 to vector<16xi32>
        %ge3A_460 = arith.cmpi uge, %bitcast3A_457, %ge3A_459 : vector<16xi32>
        %and3A_461 = arith.constant 65535 : i32
        %and3A_462 = vector.broadcast %and3A_461 : i32 to vector<16xi32>
        %and3A_463 = arith.andi %get3A_454, %and3A_462 : vector<16xi32>
        %add3A_464 = arith.constant 1769472 : i32
        %add3A_465 = vector.broadcast %add3A_464 : i32 to vector<16xi32>
        %add3A_466 = arith.addi %add3A_465, %and3A_463 : vector<16xi32>
        %select_n3A_467 = arith.select %ge3A_460, %add3A_466, %sub3A_456 : vector<16xi1>, vector<16xi32>
        %swap3A_468 = arith.constant 1 : i32
        %swap3A_469 = arith.constant 0 : i32
        %swap3A_470 = tpu.memref_slice %arg7[%swap3A_468, %swap3A_469] : memref<16x128xi32, #tpu.memory_space<vmem>> -> memref<1x128xi32, #tpu.memory_space<vmem>>
        %swap3A_471 = tpu.memref_squeeze %swap3A_470 : memref<1x128xi32, #tpu.memory_space<vmem>> -> memref<128xi32, #tpu.memory_space<vmem>>
        %swap3A_472 = arith.constant 80 : index
        %swap3A_473 = tpu.vector_load %swap3A_471[%swap3A_472] {strides = array<i32>} : memref<128xi32, #tpu.memory_space<vmem>>, vector<16xi32>,
        %swap3A_474 = vector.shape_cast %swap3A_473 : vector<16xi32> to vector<16xi32>
        %swap3A_475 = vector.shape_cast %select_n3A_467 : vector<16xi32> to vector<16xi32>
        tpu.vector_store %swap3A_471[%swap3A_472], %swap3A_475 {strides = array<i32>} : memref<128xi32, #tpu.memory_space<vmem>>, vector<16xi32>,
        %get3A_476 = arith.constant 1 : i32
        %get3A_477 = arith.constant 0 : i32
        %get3A_478 = tpu.memref_slice %arg6[%get3A_476, %get3A_477] : memref<16x128xi32, #tpu.memory_space<vmem>> -> memref<1x128xi32, #tpu.memory_space<vmem>>
        %get3A_479 = tpu.memref_squeeze %get3A_478 : memref<1x128xi32, #tpu.memory_space<vmem>> -> memref<128xi32, #tpu.memory_space<vmem>>
        %get3A_480 = arith.constant 96 : index
        %get3A_481 = tpu.vector_load %get3A_479[%get3A_480] {strides = array<i32>} : memref<128xi32, #tpu.memory_space<vmem>>, vector<16xi32>,
        %get3A_482 = vector.shape_cast %get3A_481 : vector<16xi32> to vector<16xi32>
        %sub3A_483 = vector.broadcast %mul3A_15 : i32 to vector<16xi32>
        %sub3A_484 = arith.subi %get3A_482, %sub3A_483 : vector<16xi32>
        %bitcast3A_485 = vector.bitcast %sub3A_484 : vector<16xi32> to vector<16xi32>
        %ge3A_486 = arith.constant 1769472 : i32
        %ge3A_487 = vector.broadcast %ge3A_486 : i32 to vector<16xi32>
        %ge3A_488 = arith.cmpi uge, %bitcast3A_485, %ge3A_487 : vector<16xi32>
        %and3A_489 = arith.constant 65535 : i32
        %and3A_490 = vector.broadcast %and3A_489 : i32 to vector<16xi32>
        %and3A_491 = arith.andi %get3A_482, %and3A_490 : vector<16xi32>
        %add3A_492 = arith.constant 1769472 : i32
        %add3A_493 = vector.broadcast %add3A_492 : i32 to vector<16xi32>
        %add3A_494 = arith.addi %add3A_493, %and3A_491 : vector<16xi32>
        %select_n3A_495 = arith.select %ge3A_488, %add3A_494, %sub3A_484 : vector<16xi1>, vector<16xi32>
        %swap3A_496 = arith.constant 1 : i32
        %swap3A_497 = arith.constant 0 : i32
        %swap3A_498 = tpu.memref_slice %arg7[%swap3A_496, %swap3A_497] : memref<16x128xi32, #tpu.memory_space<vmem>> -> memref<1x128xi32, #tpu.memory_space<vmem>>
        %swap3A_499 = tpu.memref_squeeze %swap3A_498 : memref<1x128xi32, #tpu.memory_space<vmem>> -> memref<128xi32, #tpu.memory_space<vmem>>
        %swap3A_500 = arith.constant 96 : index
        %swap3A_501 = tpu.vector_load %swap3A_499[%swap3A_500] {strides = array<i32>} : memref<128xi32, #tpu.memory_space<vmem>>, vector<16xi32>,
        %swap3A_502 = vector.shape_cast %swap3A_501 : vector<16xi32> to vector<16xi32>
        %swap3A_503 = vector.shape_cast %select_n3A_495 : vector<16xi32> to vector<16xi32>
        tpu.vector_store %swap3A_499[%swap3A_500], %swap3A_503 {strides = array<i32>} : memref<128xi32, #tpu.memory_space<vmem>>, vector<16xi32>,
        %get3A_504 = arith.constant 1 : i32
        %get3A_505 = arith.constant 0 : i32
        %get3A_506 = tpu.memref_slice %arg6[%get3A_504, %get3A_505] : memref<16x128xi32, #tpu.memory_space<vmem>> -> memref<1x128xi32, #tpu.memory_space<vmem>>
        %get3A_507 = tpu.memref_squeeze %get3A_506 : memref<1x128xi32, #tpu.memory_space<vmem>> -> memref<128xi32, #tpu.memory_space<vmem>>
        %get3A_508 = arith.constant 112 : index
        %get3A_509 = tpu.vector_load %get3A_507[%get3A_508] {strides = array<i32>} : memref<128xi32, #tpu.memory_space<vmem>>, vector<16xi32>,
        %get3A_510 = vector.shape_cast %get3A_509 : vector<16xi32> to vector<16xi32>
        %sub3A_511 = vector.broadcast %mul3A_15 : i32 to vector<16xi32>
        %sub3A_512 = arith.subi %get3A_510, %sub3A_511 : vector<16xi32>
        %bitcast3A_513 = vector.bitcast %sub3A_512 : vector<16xi32> to vector<16xi32>
        %ge3A_514 = arith.constant 1769472 : i32
        %ge3A_515 = vector.broadcast %ge3A_514 : i32 to vector<16xi32>
        %ge3A_516 = arith.cmpi uge, %bitcast3A_513, %ge3A_515 : vector<16xi32>
        %and3A_517 = arith.constant 65535 : i32
        %and3A_518 = vector.broadcast %and3A_517 : i32 to vector<16xi32>
        %and3A_519 = arith.andi %get3A_510, %and3A_518 : vector<16xi32>
        %add3A_520 = arith.constant 1769472 : i32
        %add3A_521 = vector.broadcast %add3A_520 : i32 to vector<16xi32>
        %add3A_522 = arith.addi %add3A_521, %and3A_519 : vector<16xi32>
        %select_n3A_523 = arith.select %ge3A_516, %add3A_522, %sub3A_512 : vector<16xi1>, vector<16xi32>
        %swap3A_524 = arith.constant 1 : i32
        %swap3A_525 = arith.constant 0 : i32
        %swap3A_526 = tpu.memref_slice %arg7[%swap3A_524, %swap3A_525] : memref<16x128xi32, #tpu.memory_space<vmem>> -> memref<1x128xi32, #tpu.memory_space<vmem>>
        %swap3A_527 = tpu.memref_squeeze %swap3A_526 : memref<1x128xi32, #tpu.memory_space<vmem>> -> memref<128xi32, #tpu.memory_space<vmem>>
        %swap3A_528 = arith.constant 112 : index
        %swap3A_529 = tpu.vector_load %swap3A_527[%swap3A_528] {strides = array<i32>} : memref<128xi32, #tpu.memory_space<vmem>>, vector<16xi32>,
        %swap3A_530 = vector.shape_cast %swap3A_529 : vector<16xi32> to vector<16xi32>
        %swap3A_531 = vector.shape_cast %select_n3A_523 : vector<16xi32> to vector<16xi32>
        tpu.vector_store %swap3A_527[%swap3A_528], %swap3A_531 {strides = array<i32>} : memref<128xi32, #tpu.memory_space<vmem>>, vector<16xi32>,
        %get3A_532 = arith.constant 2 : i32
        %get3A_533 = arith.constant 0 : i32
        %get3A_534 = tpu.memref_slice %arg6[%get3A_532, %get3A_533] : memref<16x128xi32, #tpu.memory_space<vmem>> -> memref<1x128xi32, #tpu.memory_space<vmem>>
        %get3A_535 = tpu.memref_squeeze %get3A_534 : memref<1x128xi32, #tpu.memory_space<vmem>> -> memref<128xi32, #tpu.memory_space<vmem>>
        %get3A_536 = arith.constant 0 : index
        %get3A_537 = tpu.vector_load %get3A_535[%get3A_536] {strides = array<i32>} : memref<128xi32, #tpu.memory_space<vmem>>, vector<16xi32>,
        %get3A_538 = vector.shape_cast %get3A_537 : vector<16xi32> to vector<16xi32>
        %sub3A_539 = vector.broadcast %mul3A_15 : i32 to vector<16xi32>
        %sub3A_540 = arith.subi %get3A_538, %sub3A_539 : vector<16xi32>
        %bitcast3A_541 = vector.bitcast %sub3A_540 : vector<16xi32> to vector<16xi32>
        %ge3A_542 = arith.constant 1769472 : i32
        %ge3A_543 = vector.broadcast %ge3A_542 : i32 to vector<16xi32>
        %ge3A_544 = arith.cmpi uge, %bitcast3A_541, %ge3A_543 : vector<16xi32>
        %and3A_545 = arith.constant 65535 : i32
        %and3A_546 = vector.broadcast %and3A_545 : i32 to vector<16xi32>
        %and3A_547 = arith.andi %get3A_538, %and3A_546 : vector<16xi32>
        %add3A_548 = arith.constant 1769472 : i32
        %add3A_549 = vector.broadcast %add3A_548 : i32 to vector<16xi32>
        %add3A_550 = arith.addi %add3A_549, %and3A_547 : vector<16xi32>
        %select_n3A_551 = arith.select %ge3A_544, %add3A_550, %sub3A_540 : vector<16xi1>, vector<16xi32>
        %swap3A_552 = arith.constant 2 : i32
        %swap3A_553 = arith.constant 0 : i32
        %swap3A_554 = tpu.memref_slice %arg7[%swap3A_552, %swap3A_553] : memref<16x128xi32, #tpu.memory_space<vmem>> -> memref<1x128xi32, #tpu.memory_space<vmem>>
        %swap3A_555 = tpu.memref_squeeze %swap3A_554 : memref<1x128xi32, #tpu.memory_space<vmem>> -> memref<128xi32, #tpu.memory_space<vmem>>
        %swap3A_556 = arith.constant 0 : index
        %swap3A_557 = tpu.vector_load %swap3A_555[%swap3A_556] {strides = array<i32>} : memref<128xi32, #tpu.memory_space<vmem>>, vector<16xi32>,
        %swap3A_558 = vector.shape_cast %swap3A_557 : vector<16xi32> to vector<16xi32>
        %swap3A_559 = vector.shape_cast %select_n3A_551 : vector<16xi32> to vector<16xi32>
        tpu.vector_store %swap3A_555[%swap3A_556], %swap3A_559 {strides = array<i32>} : memref<128xi32, #tpu.memory_space<vmem>>, vector<16xi32>,
        %get3A_560 = arith.constant 2 : i32
        %get3A_561 = arith.constant 0 : i32
        %get3A_562 = tpu.memref_slice %arg6[%get3A_560, %get3A_561] : memref<16x128xi32, #tpu.memory_space<vmem>> -> memref<1x128xi32, #tpu.memory_space<vmem>>
        %get3A_563 = tpu.memref_squeeze %get3A_562 : memref<1x128xi32, #tpu.memory_space<vmem>> -> memref<128xi32, #tpu.memory_space<vmem>>
        %get3A_564 = arith.constant 16 : index
        %get3A_565 = tpu.vector_load %get3A_563[%get3A_564] {strides = array<i32>} : memref<128xi32, #tpu.memory_space<vmem>>, vector<16xi32>,
        %get3A_566 = vector.shape_cast %get3A_565 : vector<16xi32> to vector<16xi32>
        %sub3A_567 = vector.broadcast %mul3A_15 : i32 to vector<16xi32>
        %sub3A_568 = arith.subi %get3A_566, %sub3A_567 : vector<16xi32>
        %bitcast3A_569 = vector.bitcast %sub3A_568 : vector<16xi32> to vector<16xi32>
        %ge3A_570 = arith.constant 1769472 : i32
        %ge3A_571 = vector.broadcast %ge3A_570 : i32 to vector<16xi32>
        %ge3A_572 = arith.cmpi uge, %bitcast3A_569, %ge3A_571 : vector<16xi32>
        %and3A_573 = arith.constant 65535 : i32
        %and3A_574 = vector.broadcast %and3A_573 : i32 to vector<16xi32>
        %and3A_575 = arith.andi %get3A_566, %and3A_574 : vector<16xi32>
        %add3A_576 = arith.constant 1769472 : i32
        %add3A_577 = vector.broadcast %add3A_576 : i32 to vector<16xi32>
        %add3A_578 = arith.addi %add3A_577, %and3A_575 : vector<16xi32>
        %select_n3A_579 = arith.select %ge3A_572, %add3A_578, %sub3A_568 : vector<16xi1>, vector<16xi32>
        %swap3A_580 = arith.constant 2 : i32
        %swap3A_581 = arith.constant 0 : i32
        %swap3A_582 = tpu.memref_slice %arg7[%swap3A_580, %swap3A_581] : memref<16x128xi32, #tpu.memory_space<vmem>> -> memref<1x128xi32, #tpu.memory_space<vmem>>
        %swap3A_583 = tpu.memref_squeeze %swap3A_582 : memref<1x128xi32, #tpu.memory_space<vmem>> -> memref<128xi32, #tpu.memory_space<vmem>>
        %swap3A_584 = arith.constant 16 : index
        %swap3A_585 = tpu.vector_load %swap3A_583[%swap3A_584] {strides = array<i32>} : memref<128xi32, #tpu.memory_space<vmem>>, vector<16xi32>,
        %swap3A_586 = vector.shape_cast %swap3A_585 : vector<16xi32> to vector<16xi32>
        %swap3A_587 = vector.shape_cast %select_n3A_579 : vector<16xi32> to vector<16xi32>
        tpu.vector_store %swap3A_583[%swap3A_584], %swap3A_587 {strides = array<i32>} : memref<128xi32, #tpu.memory_space<vmem>>, vector<16xi32>,
        %get3A_588 = arith.constant 2 : i32
        %get3A_589 = arith.constant 0 : i32
        %get3A_590 = tpu.memref_slice %arg6[%get3A_588, %get3A_589] : memref<16x128xi32, #tpu.memory_space<vmem>> -> memref<1x128xi32, #tpu.memory_space<vmem>>
        %get3A_591 = tpu.memref_squeeze %get3A_590 : memref<1x128xi32, #tpu.memory_space<vmem>> -> memref<128xi32, #tpu.memory_space<vmem>>
        %get3A_592 = arith.constant 32 : index
        %get3A_593 = tpu.vector_load %get3A_591[%get3A_592] {strides = array<i32>} : memref<128xi32, #tpu.memory_space<vmem>>, vector<16xi32>,
        %get3A_594 = vector.shape_cast %get3A_593 : vector<16xi32> to vector<16xi32>
        %sub3A_595 = vector.broadcast %mul3A_15 : i32 to vector<16xi32>
        %sub3A_596 = arith.subi %get3A_594, %sub3A_595 : vector<16xi32>
        %bitcast3A_597 = vector.bitcast %sub3A_596 : vector<16xi32> to vector<16xi32>
        %ge3A_598 = arith.constant 1769472 : i32
        %ge3A_599 = vector.broadcast %ge3A_598 : i32 to vector<16xi32>
        %ge3A_600 = arith.cmpi uge, %bitcast3A_597, %ge3A_599 : vector<16xi32>
        %and3A_601 = arith.constant 65535 : i32
        %and3A_602 = vector.broadcast %and3A_601 : i32 to vector<16xi32>
        %and3A_603 = arith.andi %get3A_594, %and3A_602 : vector<16xi32>
        %add3A_604 = arith.constant 1769472 : i32
        %add3A_605 = vector.broadcast %add3A_604 : i32 to vector<16xi32>
        %add3A_606 = arith.addi %add3A_605, %and3A_603 : vector<16xi32>
        %select_n3A_607 = arith.select %ge3A_600, %add3A_606, %sub3A_596 : vector<16xi1>, vector<16xi32>
        %swap3A_608 = arith.constant 2 : i32
        %swap3A_609 = arith.constant 0 : i32
        %swap3A_610 = tpu.memref_slice %arg7[%swap3A_608, %swap3A_609] : memref<16x128xi32, #tpu.memory_space<vmem>> -> memref<1x128xi32, #tpu.memory_space<vmem>>
        %swap3A_611 = tpu.memref_squeeze %swap3A_610 : memref<1x128xi32, #tpu.memory_space<vmem>> -> memref<128xi32, #tpu.memory_space<vmem>>
        %swap3A_612 = arith.constant 32 : index
        %swap3A_613 = tpu.vector_load %swap3A_611[%swap3A_612] {strides = array<i32>} : memref<128xi32, #tpu.memory_space<vmem>>, vector<16xi32>,
        %swap3A_614 = vector.shape_cast %swap3A_613 : vector<16xi32> to vector<16xi32>
        %swap3A_615 = vector.shape_cast %select_n3A_607 : vector<16xi32> to vector<16xi32>
        tpu.vector_store %swap3A_611[%swap3A_612], %swap3A_615 {strides = array<i32>} : memref<128xi32, #tpu.memory_space<vmem>>, vector<16xi32>,
        %get3A_616 = arith.constant 2 : i32
        %get3A_617 = arith.constant 0 : i32
        %get3A_618 = tpu.memref_slice %arg6[%get3A_616, %get3A_617] : memref<16x128xi32, #tpu.memory_space<vmem>> -> memref<1x128xi32, #tpu.memory_space<vmem>>
        %get3A_619 = tpu.memref_squeeze %get3A_618 : memref<1x128xi32, #tpu.memory_space<vmem>> -> memref<128xi32, #tpu.memory_space<vmem>>
        %get3A_620 = arith.constant 48 : index
        %get3A_621 = tpu.vector_load %get3A_619[%get3A_620] {strides = array<i32>} : memref<128xi32, #tpu.memory_space<vmem>>, vector<16xi32>,
        %get3A_622 = vector.shape_cast %get3A_621 : vector<16xi32> to vector<16xi32>
        %sub3A_623 = vector.broadcast %mul3A_15 : i32 to vector<16xi32>
        %sub3A_624 = arith.subi %get3A_622, %sub3A_623 : vector<16xi32>
        %bitcast3A_625 = vector.bitcast %sub3A_624 : vector<16xi32> to vector<16xi32>
        %ge3A_626 = arith.constant 1769472 : i32
        %ge3A_627 = vector.broadcast %ge3A_626 : i32 to vector<16xi32>
        %ge3A_628 = arith.cmpi uge, %bitcast3A_625, %ge3A_627 : vector<16xi32>
        %and3A_629 = arith.constant 65535 : i32
        %and3A_630 = vector.broadcast %and3A_629 : i32 to vector<16xi32>
        %and3A_631 = arith.andi %get3A_622, %and3A_630 : vector<16xi32>
        %add3A_632 = arith.constant 1769472 : i32
        %add3A_633 = vector.broadcast %add3A_632 : i32 to vector<16xi32>
        %add3A_634 = arith.addi %add3A_633, %and3A_631 : vector<16xi32>
        %select_n3A_635 = arith.select %ge3A_628, %add3A_634, %sub3A_624 : vector<16xi1>, vector<16xi32>
        %swap3A_636 = arith.constant 2 : i32
        %swap3A_637 = arith.constant 0 : i32
        %swap3A_638 = tpu.memref_slice %arg7[%swap3A_636, %swap3A_637] : memref<16x128xi32, #tpu.memory_space<vmem>> -> memref<1x128xi32, #tpu.memory_space<vmem>>
        %swap3A_639 = tpu.memref_squeeze %swap3A_638 : memref<1x128xi32, #tpu.memory_space<vmem>> -> memref<128xi32, #tpu.memory_space<vmem>>
        %swap3A_640 = arith.constant 48 : index
        %swap3A_641 = tpu.vector_load %swap3A_639[%swap3A_640] {strides = array<i32>} : memref<128xi32, #tpu.memory_space<vmem>>, vector<16xi32>,
        %swap3A_642 = vector.shape_cast %swap3A_641 : vector<16xi32> to vector<16xi32>
        %swap3A_643 = vector.shape_cast %select_n3A_635 : vector<16xi32> to vector<16xi32>
        tpu.vector_store %swap3A_639[%swap3A_640], %swap3A_643 {strides = array<i32>} : memref<128xi32, #tpu.memory_space<vmem>>, vector<16xi32>,
        %get3A_644 = arith.constant 2 : i32
        %get3A_645 = arith.constant 0 : i32
        %get3A_646 = tpu.memref_slice %arg6[%get3A_644, %get3A_645] : memref<16x128xi32, #tpu.memory_space<vmem>> -> memref<1x128xi32, #tpu.memory_space<vmem>>
        %get3A_647 = tpu.memref_squeeze %get3A_646 : memref<1x128xi32, #tpu.memory_space<vmem>> -> memref<128xi32, #tpu.memory_space<vmem>>
        %get3A_648 = arith.constant 64 : index
        %get3A_649 = tpu.vector_load %get3A_647[%get3A_648] {strides = array<i32>} : memref<128xi32, #tpu.memory_space<vmem>>, vector<16xi32>,
        %get3A_650 = vector.shape_cast %get3A_649 : vector<16xi32> to vector<16xi32>
        %sub3A_651 = vector.broadcast %mul3A_15 : i32 to vector<16xi32>
        %sub3A_652 = arith.subi %get3A_650, %sub3A_651 : vector<16xi32>
        %bitcast3A_653 = vector.bitcast %sub3A_652 : vector<16xi32> to vector<16xi32>
        %ge3A_654 = arith.constant 1769472 : i32
        %ge3A_655 = vector.broadcast %ge3A_654 : i32 to vector<16xi32>
        %ge3A_656 = arith.cmpi uge, %bitcast3A_653, %ge3A_655 : vector<16xi32>
        %and3A_657 = arith.constant 65535 : i32
        %and3A_658 = vector.broadcast %and3A_657 : i32 to vector<16xi32>
        %and3A_659 = arith.andi %get3A_650, %and3A_658 : vector<16xi32>
        %add3A_660 = arith.constant 1769472 : i32
        %add3A_661 = vector.broadcast %add3A_660 : i32 to vector<16xi32>
        %add3A_662 = arith.addi %add3A_661, %and3A_659 : vector<16xi32>
        %select_n3A_663 = arith.select %ge3A_656, %add3A_662, %sub3A_652 : vector<16xi1>, vector<16xi32>
        %swap3A_664 = arith.constant 2 : i32
        %swap3A_665 = arith.constant 0 : i32
        %swap3A_666 = tpu.memref_slice %arg7[%swap3A_664, %swap3A_665] : memref<16x128xi32, #tpu.memory_space<vmem>> -> memref<1x128xi32, #tpu.memory_space<vmem>>
        %swap3A_667 = tpu.memref_squeeze %swap3A_666 : memref<1x128xi32, #tpu.memory_space<vmem>> -> memref<128xi32, #tpu.memory_space<vmem>>
        %swap3A_668 = arith.constant 64 : index
        %swap3A_669 = tpu.vector_load %swap3A_667[%swap3A_668] {strides = array<i32>} : memref<128xi32, #tpu.memory_space<vmem>>, vector<16xi32>,
        %swap3A_670 = vector.shape_cast %swap3A_669 : vector<16xi32> to vector<16xi32>
        %swap3A_671 = vector.shape_cast %select_n3A_663 : vector<16xi32> to vector<16xi32>
        tpu.vector_store %swap3A_667[%swap3A_668], %swap3A_671 {strides = array<i32>} : memref<128xi32, #tpu.memory_space<vmem>>, vector<16xi32>,
        %get3A_672 = arith.constant 2 : i32
        %get3A_673 = arith.constant 0 : i32
        %get3A_674 = tpu.memref_slice %arg6[%get3A_672, %get3A_673] : memref<16x128xi32, #tpu.memory_space<vmem>> -> memref<1x128xi32, #tpu.memory_space<vmem>>
        %get3A_675 = tpu.memref_squeeze %get3A_674 : memref<1x128xi32, #tpu.memory_space<vmem>> -> memref<128xi32, #tpu.memory_space<vmem>>
        %get3A_676 = arith.constant 80 : index
        %get3A_677 = tpu.vector_load %get3A_675[%get3A_676] {strides = array<i32>} : memref<128xi32, #tpu.memory_space<vmem>>, vector<16xi32>,
        %get3A_678 = vector.shape_cast %get3A_677 : vector<16xi32> to vector<16xi32>
        %sub3A_679 = vector.broadcast %mul3A_15 : i32 to vector<16xi32>
        %sub3A_680 = arith.subi %get3A_678, %sub3A_679 : vector<16xi32>
        %bitcast3A_681 = vector.bitcast %sub3A_680 : vector<16xi32> to vector<16xi32>
        %ge3A_682 = arith.constant 1769472 : i32
        %ge3A_683 = vector.broadcast %ge3A_682 : i32 to vector<16xi32>
        %ge3A_684 = arith.cmpi uge, %bitcast3A_681, %ge3A_683 : vector<16xi32>
        %and3A_685 = arith.constant 65535 : i32
        %and3A_686 = vector.broadcast %and3A_685 : i32 to vector<16xi32>
        %and3A_687 = arith.andi %get3A_678, %and3A_686 : vector<16xi32>
        %add3A_688 = arith.constant 1769472 : i32
        %add3A_689 = vector.broadcast %add3A_688 : i32 to vector<16xi32>
        %add3A_690 = arith.addi %add3A_689, %and3A_687 : vector<16xi32>
        %select_n3A_691 = arith.select %ge3A_684, %add3A_690, %sub3A_680 : vector<16xi1>, vector<16xi32>
        %swap3A_692 = arith.constant 2 : i32
        %swap3A_693 = arith.constant 0 : i32
        %swap3A_694 = tpu.memref_slice %arg7[%swap3A_692, %swap3A_693] : memref<16x128xi32, #tpu.memory_space<vmem>> -> memref<1x128xi32, #tpu.memory_space<vmem>>
        %swap3A_695 = tpu.memref_squeeze %swap3A_694 : memref<1x128xi32, #tpu.memory_space<vmem>> -> memref<128xi32, #tpu.memory_space<vmem>>
        %swap3A_696 = arith.constant 80 : index
        %swap3A_697 = tpu.vector_load %swap3A_695[%swap3A_696] {strides = array<i32>} : memref<128xi32, #tpu.memory_space<vmem>>, vector<16xi32>,
        %swap3A_698 = vector.shape_cast %swap3A_697 : vector<16xi32> to vector<16xi32>
        %swap3A_699 = vector.shape_cast %select_n3A_691 : vector<16xi32> to vector<16xi32>
        tpu.vector_store %swap3A_695[%swap3A_696], %swap3A_699 {strides = array<i32>} : memref<128xi32, #tpu.memory_space<vmem>>, vector<16xi32>,
        %get3A_700 = arith.constant 2 : i32
        %get3A_701 = arith.constant 0 : i32
        %get3A_702 = tpu.memref_slice %arg6[%get3A_700, %get3A_701] : memref<16x128xi32, #tpu.memory_space<vmem>> -> memref<1x128xi32, #tpu.memory_space<vmem>>
        %get3A_703 = tpu.memref_squeeze %get3A_702 : memref<1x128xi32, #tpu.memory_space<vmem>> -> memref<128xi32, #tpu.memory_space<vmem>>
        %get3A_704 = arith.constant 96 : index
        %get3A_705 = tpu.vector_load %get3A_703[%get3A_704] {strides = array<i32>} : memref<128xi32, #tpu.memory_space<vmem>>, vector<16xi32>,
        %get3A_706 = vector.shape_cast %get3A_705 : vector<16xi32> to vector<16xi32>
        %sub3A_707 = vector.broadcast %mul3A_15 : i32 to vector<16xi32>
        %sub3A_708 = arith.subi %get3A_706, %sub3A_707 : vector<16xi32>
        %bitcast3A_709 = vector.bitcast %sub3A_708 : vector<16xi32> to vector<16xi32>
        %ge3A_710 = arith.constant 1769472 : i32
        %ge3A_711 = vector.broadcast %ge3A_710 : i32 to vector<16xi32>
        %ge3A_712 = arith.cmpi uge, %bitcast3A_709, %ge3A_711 : vector<16xi32>
        %and3A_713 = arith.constant 65535 : i32
        %and3A_714 = vector.broadcast %and3A_713 : i32 to vector<16xi32>
        %and3A_715 = arith.andi %get3A_706, %and3A_714 : vector<16xi32>
        %add3A_716 = arith.constant 1769472 : i32
        %add3A_717 = vector.broadcast %add3A_716 : i32 to vector<16xi32>
        %add3A_718 = arith.addi %add3A_717, %and3A_715 : vector<16xi32>
        %select_n3A_719 = arith.select %ge3A_712, %add3A_718, %sub3A_708 : vector<16xi1>, vector<16xi32>
        %swap3A_720 = arith.constant 2 : i32
        %swap3A_721 = arith.constant 0 : i32
        %swap3A_722 = tpu.memref_slice %arg7[%swap3A_720, %swap3A_721] : memref<16x128xi32, #tpu.memory_space<vmem>> -> memref<1x128xi32, #tpu.memory_space<vmem>>
        %swap3A_723 = tpu.memref_squeeze %swap3A_722 : memref<1x128xi32, #tpu.memory_space<vmem>> -> memref<128xi32, #tpu.memory_space<vmem>>
        %swap3A_724 = arith.constant 96 : index
        %swap3A_725 = tpu.vector_load %swap3A_723[%swap3A_724] {strides = array<i32>} : memref<128xi32, #tpu.memory_space<vmem>>, vector<16xi32>,
        %swap3A_726 = vector.shape_cast %swap3A_725 : vector<16xi32> to vector<16xi32>
        %swap3A_727 = vector.shape_cast %select_n3A_719 : vector<16xi32> to vector<16xi32>
        tpu.vector_store %swap3A_723[%swap3A_724], %swap3A_727 {strides = array<i32>} : memref<128xi32, #tpu.memory_space<vmem>>, vector<16xi32>,
        %get3A_728 = arith.constant 2 : i32
        %get3A_729 = arith.constant 0 : i32
        %get3A_730 = tpu.memref_slice %arg6[%get3A_728, %get3A_729] : memref<16x128xi32, #tpu.memory_space<vmem>> -> memref<1x128xi32, #tpu.memory_space<vmem>>
        %get3A_731 = tpu.memref_squeeze %get3A_730 : memref<1x128xi32, #tpu.memory_space<vmem>> -> memref<128xi32, #tpu.memory_space<vmem>>
        %get3A_732 = arith.constant 112 : index
        %get3A_733 = tpu.vector_load %get3A_731[%get3A_732] {strides = array<i32>} : memref<128xi32, #tpu.memory_space<vmem>>, vector<16xi32>,
        %get3A_734 = vector.shape_cast %get3A_733 : vector<16xi32> to vector<16xi32>
        %sub3A_735 = vector.broadcast %mul3A_15 : i32 to vector<16xi32>
        %sub3A_736 = arith.subi %get3A_734, %sub3A_735 : vector<16xi32>
        %bitcast3A_737 = vector.bitcast %sub3A_736 : vector<16xi32> to vector<16xi32>
        %ge3A_738 = arith.constant 1769472 : i32
        %ge3A_739 = vector.broadcast %ge3A_738 : i32 to vector<16xi32>
        %ge3A_740 = arith.cmpi uge, %bitcast3A_737, %ge3A_739 : vector<16xi32>
        %and3A_741 = arith.constant 65535 : i32
        %and3A_742 = vector.broadcast %and3A_741 : i32 to vector<16xi32>
        %and3A_743 = arith.andi %get3A_734, %and3A_742 : vector<16xi32>
        %add3A_744 = arith.constant 1769472 : i32
        %add3A_745 = vector.broadcast %add3A_744 : i32 to vector<16xi32>
        %add3A_746 = arith.addi %add3A_745, %and3A_743 : vector<16xi32>
        %select_n3A_747 = arith.select %ge3A_740, %add3A_746, %sub3A_736 : vector<16xi1>, vector<16xi32>
        %swap3A_748 = arith.constant 2 : i32
        %swap3A_749 = arith.constant 0 : i32
        %swap3A_750 = tpu.memref_slice %arg7[%swap3A_748, %swap3A_749] : memref<16x128xi32, #tpu.memory_space<vmem>> -> memref<1x128xi32, #tpu.memory_space<vmem>>
        %swap3A_751 = tpu.memref_squeeze %swap3A_750 : memref<1x128xi32, #tpu.memory_space<vmem>> -> memref<128xi32, #tpu.memory_space<vmem>>
        %swap3A_752 = arith.constant 112 : index
        %swap3A_753 = tpu.vector_load %swap3A_751[%swap3A_752] {strides = array<i32>} : memref<128xi32, #tpu.memory_space<vmem>>, vector<16xi32>,
        %swap3A_754 = vector.shape_cast %swap3A_753 : vector<16xi32> to vector<16xi32>
        %swap3A_755 = vector.shape_cast %select_n3A_747 : vector<16xi32> to vector<16xi32>
        tpu.vector_store %swap3A_751[%swap3A_752], %swap3A_755 {strides = array<i32>} : memref<128xi32, #tpu.memory_space<vmem>>, vector<16xi32>,
        %get3A_756 = arith.constant 3 : i32
        %get3A_757 = arith.constant 0 : i32
        %get3A_758 = tpu.memref_slice %arg6[%get3A_756, %get3A_757] : memref<16x128xi32, #tpu.memory_space<vmem>> -> memref<1x128xi32, #tpu.memory_space<vmem>>
        %get3A_759 = tpu.memref_squeeze %get3A_758 : memref<1x128xi32, #tpu.memory_space<vmem>> -> memref<128xi32, #tpu.memory_space<vmem>>
        %get3A_760 = arith.constant 0 : index
        %get3A_761 = tpu.vector_load %get3A_759[%get3A_760] {strides = array<i32>} : memref<128xi32, #tpu.memory_space<vmem>>, vector<16xi32>,
        %get3A_762 = vector.shape_cast %get3A_761 : vector<16xi32> to vector<16xi32>
        %sub3A_763 = vector.broadcast %mul3A_15 : i32 to vector<16xi32>
        %sub3A_764 = arith.subi %get3A_762, %sub3A_763 : vector<16xi32>
        %bitcast3A_765 = vector.bitcast %sub3A_764 : vector<16xi32> to vector<16xi32>
        %ge3A_766 = arith.constant 1769472 : i32
        %ge3A_767 = vector.broadcast %ge3A_766 : i32 to vector<16xi32>
        %ge3A_768 = arith.cmpi uge, %bitcast3A_765, %ge3A_767 : vector<16xi32>
        %and3A_769 = arith.constant 65535 : i32
        %and3A_770 = vector.broadcast %and3A_769 : i32 to vector<16xi32>
        %and3A_771 = arith.andi %get3A_762, %and3A_770 : vector<16xi32>
        %add3A_772 = arith.constant 1769472 : i32
        %add3A_773 = vector.broadcast %add3A_772 : i32 to vector<16xi32>
        %add3A_774 = arith.addi %add3A_773, %and3A_771 : vector<16xi32>
        %select_n3A_775 = arith.select %ge3A_768, %add3A_774, %sub3A_764 : vector<16xi1>, vector<16xi32>
        %swap3A_776 = arith.constant 3 : i32
        %swap3A_777 = arith.constant 0 : i32
        %swap3A_778 = tpu.memref_slice %arg7[%swap3A_776, %swap3A_777] : memref<16x128xi32, #tpu.memory_space<vmem>> -> memref<1x128xi32, #tpu.memory_space<vmem>>
        %swap3A_779 = tpu.memref_squeeze %swap3A_778 : memref<1x128xi32, #tpu.memory_space<vmem>> -> memref<128xi32, #tpu.memory_space<vmem>>
        %swap3A_780 = arith.constant 0 : index
        %swap3A_781 = tpu.vector_load %swap3A_779[%swap3A_780] {strides = array<i32>} : memref<128xi32, #tpu.memory_space<vmem>>, vector<16xi32>,
        %swap3A_782 = vector.shape_cast %swap3A_781 : vector<16xi32> to vector<16xi32>
        %swap3A_783 = vector.shape_cast %select_n3A_775 : vector<16xi32> to vector<16xi32>
        tpu.vector_store %swap3A_779[%swap3A_780], %swap3A_783 {strides = array<i32>} : memref<128xi32, #tpu.memory_space<vmem>>, vector<16xi32>,
        %get3A_784 = arith.constant 3 : i32
        %get3A_785 = arith.constant 0 : i32
        %get3A_786 = tpu.memref_slice %arg6[%get3A_784, %get3A_785] : memref<16x128xi32, #tpu.memory_space<vmem>> -> memref<1x128xi32, #tpu.memory_space<vmem>>
        %get3A_787 = tpu.memref_squeeze %get3A_786 : memref<1x128xi32, #tpu.memory_space<vmem>> -> memref<128xi32, #tpu.memory_space<vmem>>
        %get3A_788 = arith.constant 16 : index
        %get3A_789 = tpu.vector_load %get3A_787[%get3A_788] {strides = array<i32>} : memref<128xi32, #tpu.memory_space<vmem>>, vector<16xi32>,
        %get3A_790 = vector.shape_cast %get3A_789 : vector<16xi32> to vector<16xi32>
        %sub3A_791 = vector.broadcast %mul3A_15 : i32 to vector<16xi32>
        %sub3A_792 = arith.subi %get3A_790, %sub3A_791 : vector<16xi32>
        %bitcast3A_793 = vector.bitcast %sub3A_792 : vector<16xi32> to vector<16xi32>
        %ge3A_794 = arith.constant 1769472 : i32
        %ge3A_795 = vector.broadcast %ge3A_794 : i32 to vector<16xi32>
        %ge3A_796 = arith.cmpi uge, %bitcast3A_793, %ge3A_795 : vector<16xi32>
        %and3A_797 = arith.constant 65535 : i32
        %and3A_798 = vector.broadcast %and3A_797 : i32 to vector<16xi32>
        %and3A_799 = arith.andi %get3A_790, %and3A_798 : vector<16xi32>
        %add3A_800 = arith.constant 1769472 : i32
        %add3A_801 = vector.broadcast %add3A_800 : i32 to vector<16xi32>
        %add3A_802 = arith.addi %add3A_801, %and3A_799 : vector<16xi32>
        %select_n3A_803 = arith.select %ge3A_796, %add3A_802, %sub3A_792 : vector<16xi1>, vector<16xi32>
        %swap3A_804 = arith.constant 3 : i32
        %swap3A_805 = arith.constant 0 : i32
        %swap3A_806 = tpu.memref_slice %arg7[%swap3A_804, %swap3A_805] : memref<16x128xi32, #tpu.memory_space<vmem>> -> memref<1x128xi32, #tpu.memory_space<vmem>>
        %swap3A_807 = tpu.memref_squeeze %swap3A_806 : memref<1x128xi32, #tpu.memory_space<vmem>> -> memref<128xi32, #tpu.memory_space<vmem>>
        %swap3A_808 = arith.constant 16 : index
        %swap3A_809 = tpu.vector_load %swap3A_807[%swap3A_808] {strides = array<i32>} : memref<128xi32, #tpu.memory_space<vmem>>, vector<16xi32>,
        %swap3A_810 = vector.shape_cast %swap3A_809 : vector<16xi32> to vector<16xi32>
        %swap3A_811 = vector.shape_cast %select_n3A_803 : vector<16xi32> to vector<16xi32>
        tpu.vector_store %swap3A_807[%swap3A_808], %swap3A_811 {strides = array<i32>} : memref<128xi32, #tpu.memory_space<vmem>>, vector<16xi32>,
        %get3A_812 = arith.constant 3 : i32
        %get3A_813 = arith.constant 0 : i32
        %get3A_814 = tpu.memref_slice %arg6[%get3A_812, %get3A_813] : memref<16x128xi32, #tpu.memory_space<vmem>> -> memref<1x128xi32, #tpu.memory_space<vmem>>
        %get3A_815 = tpu.memref_squeeze %get3A_814 : memref<1x128xi32, #tpu.memory_space<vmem>> -> memref<128xi32, #tpu.memory_space<vmem>>
        %get3A_816 = arith.constant 32 : index
        %get3A_817 = tpu.vector_load %get3A_815[%get3A_816] {strides = array<i32>} : memref<128xi32, #tpu.memory_space<vmem>>, vector<16xi32>,
        %get3A_818 = vector.shape_cast %get3A_817 : vector<16xi32> to vector<16xi32>
        %sub3A_819 = vector.broadcast %mul3A_15 : i32 to vector<16xi32>
        %sub3A_820 = arith.subi %get3A_818, %sub3A_819 : vector<16xi32>
        %bitcast3A_821 = vector.bitcast %sub3A_820 : vector<16xi32> to vector<16xi32>
        %ge3A_822 = arith.constant 1769472 : i32
        %ge3A_823 = vector.broadcast %ge3A_822 : i32 to vector<16xi32>
        %ge3A_824 = arith.cmpi uge, %bitcast3A_821, %ge3A_823 : vector<16xi32>
        %and3A_825 = arith.constant 65535 : i32
        %and3A_826 = vector.broadcast %and3A_825 : i32 to vector<16xi32>
        %and3A_827 = arith.andi %get3A_818, %and3A_826 : vector<16xi32>
        %add3A_828 = arith.constant 1769472 : i32
        %add3A_829 = vector.broadcast %add3A_828 : i32 to vector<16xi32>
        %add3A_830 = arith.addi %add3A_829, %and3A_827 : vector<16xi32>
        %select_n3A_831 = arith.select %ge3A_824, %add3A_830, %sub3A_820 : vector<16xi1>, vector<16xi32>
        %swap3A_832 = arith.constant 3 : i32
        %swap3A_833 = arith.constant 0 : i32
        %swap3A_834 = tpu.memref_slice %arg7[%swap3A_832, %swap3A_833] : memref<16x128xi32, #tpu.memory_space<vmem>> -> memref<1x128xi32, #tpu.memory_space<vmem>>
        %swap3A_835 = tpu.memref_squeeze %swap3A_834 : memref<1x128xi32, #tpu.memory_space<vmem>> -> memref<128xi32, #tpu.memory_space<vmem>>
        %swap3A_836 = arith.constant 32 : index
        %swap3A_837 = tpu.vector_load %swap3A_835[%swap3A_836] {strides = array<i32>} : memref<128xi32, #tpu.memory_space<vmem>>, vector<16xi32>,
        %swap3A_838 = vector.shape_cast %swap3A_837 : vector<16xi32> to vector<16xi32>
        %swap3A_839 = vector.shape_cast %select_n3A_831 : vector<16xi32> to vector<16xi32>
        tpu.vector_store %swap3A_835[%swap3A_836], %swap3A_839 {strides = array<i32>} : memref<128xi32, #tpu.memory_space<vmem>>, vector<16xi32>,
        %get3A_840 = arith.constant 3 : i32
        %get3A_841 = arith.constant 0 : i32
        %get3A_842 = tpu.memref_slice %arg6[%get3A_840, %get3A_841] : memref<16x128xi32, #tpu.memory_space<vmem>> -> memref<1x128xi32, #tpu.memory_space<vmem>>
        %get3A_843 = tpu.memref_squeeze %get3A_842 : memref<1x128xi32, #tpu.memory_space<vmem>> -> memref<128xi32, #tpu.memory_space<vmem>>
        %get3A_844 = arith.constant 48 : index
        %get3A_845 = tpu.vector_load %get3A_843[%get3A_844] {strides = array<i32>} : memref<128xi32, #tpu.memory_space<vmem>>, vector<16xi32>,
        %get3A_846 = vector.shape_cast %get3A_845 : vector<16xi32> to vector<16xi32>
        %sub3A_847 = vector.broadcast %mul3A_15 : i32 to vector<16xi32>
        %sub3A_848 = arith.subi %get3A_846, %sub3A_847 : vector<16xi32>
        %bitcast3A_849 = vector.bitcast %sub3A_848 : vector<16xi32> to vector<16xi32>
        %ge3A_850 = arith.constant 1769472 : i32
        %ge3A_851 = vector.broadcast %ge3A_850 : i32 to vector<16xi32>
        %ge3A_852 = arith.cmpi uge, %bitcast3A_849, %ge3A_851 : vector<16xi32>
        %and3A_853 = arith.constant 65535 : i32
        %and3A_854 = vector.broadcast %and3A_853 : i32 to vector<16xi32>
        %and3A_855 = arith.andi %get3A_846, %and3A_854 : vector<16xi32>
        %add3A_856 = arith.constant 1769472 : i32
        %add3A_857 = vector.broadcast %add3A_856 : i32 to vector<16xi32>
        %add3A_858 = arith.addi %add3A_857, %and3A_855 : vector<16xi32>
        %select_n3A_859 = arith.select %ge3A_852, %add3A_858, %sub3A_848 : vector<16xi1>, vector<16xi32>
        %swap3A_860 = arith.constant 3 : i32
        %swap3A_861 = arith.constant 0 : i32
        %swap3A_862 = tpu.memref_slice %arg7[%swap3A_860, %swap3A_861] : memref<16x128xi32, #tpu.memory_space<vmem>> -> memref<1x128xi32, #tpu.memory_space<vmem>>
        %swap3A_863 = tpu.memref_squeeze %swap3A_862 : memref<1x128xi32, #tpu.memory_space<vmem>> -> memref<128xi32, #tpu.memory_space<vmem>>
        %swap3A_864 = arith.constant 48 : index
        %swap3A_865 = tpu.vector_load %swap3A_863[%swap3A_864] {strides = array<i32>} : memref<128xi32, #tpu.memory_space<vmem>>, vector<16xi32>,
        %swap3A_866 = vector.shape_cast %swap3A_865 : vector<16xi32> to vector<16xi32>
        %swap3A_867 = vector.shape_cast %select_n3A_859 : vector<16xi32> to vector<16xi32>
        tpu.vector_store %swap3A_863[%swap3A_864], %swap3A_867 {strides = array<i32>} : memref<128xi32, #tpu.memory_space<vmem>>, vector<16xi32>,
        %get3A_868 = arith.constant 3 : i32
        %get3A_869 = arith.constant 0 : i32
        %get3A_870 = tpu.memref_slice %arg6[%get3A_868, %get3A_869] : memref<16x128xi32, #tpu.memory_space<vmem>> -> memref<1x128xi32, #tpu.memory_space<vmem>>
        %get3A_871 = tpu.memref_squeeze %get3A_870 : memref<1x128xi32, #tpu.memory_space<vmem>> -> memref<128xi32, #tpu.memory_space<vmem>>
        %get3A_872 = arith.constant 64 : index
        %get3A_873 = tpu.vector_load %get3A_871[%get3A_872] {strides = array<i32>} : memref<128xi32, #tpu.memory_space<vmem>>, vector<16xi32>,
        %get3A_874 = vector.shape_cast %get3A_873 : vector<16xi32> to vector<16xi32>
        %sub3A_875 = vector.broadcast %mul3A_15 : i32 to vector<16xi32>
        %sub3A_876 = arith.subi %get3A_874, %sub3A_875 : vector<16xi32>
        %bitcast3A_877 = vector.bitcast %sub3A_876 : vector<16xi32> to vector<16xi32>
        %ge3A_878 = arith.constant 1769472 : i32
        %ge3A_879 = vector.broadcast %ge3A_878 : i32 to vector<16xi32>
        %ge3A_880 = arith.cmpi uge, %bitcast3A_877, %ge3A_879 : vector<16xi32>
        %and3A_881 = arith.constant 65535 : i32
        %and3A_882 = vector.broadcast %and3A_881 : i32 to vector<16xi32>
        %and3A_883 = arith.andi %get3A_874, %and3A_882 : vector<16xi32>
        %add3A_884 = arith.constant 1769472 : i32
        %add3A_885 = vector.broadcast %add3A_884 : i32 to vector<16xi32>
        %add3A_886 = arith.addi %add3A_885, %and3A_883 : vector<16xi32>
        %select_n3A_887 = arith.select %ge3A_880, %add3A_886, %sub3A_876 : vector<16xi1>, vector<16xi32>
        %swap3A_888 = arith.constant 3 : i32
        %swap3A_889 = arith.constant 0 : i32
        %swap3A_890 = tpu.memref_slice %arg7[%swap3A_888, %swap3A_889] : memref<16x128xi32, #tpu.memory_space<vmem>> -> memref<1x128xi32, #tpu.memory_space<vmem>>
        %swap3A_891 = tpu.memref_squeeze %swap3A_890 : memref<1x128xi32, #tpu.memory_space<vmem>> -> memref<128xi32, #tpu.memory_space<vmem>>
        %swap3A_892 = arith.constant 64 : index
        %swap3A_893 = tpu.vector_load %swap3A_891[%swap3A_892] {strides = array<i32>} : memref<128xi32, #tpu.memory_space<vmem>>, vector<16xi32>,
        %swap3A_894 = vector.shape_cast %swap3A_893 : vector<16xi32> to vector<16xi32>
        %swap3A_895 = vector.shape_cast %select_n3A_887 : vector<16xi32> to vector<16xi32>
        tpu.vector_store %swap3A_891[%swap3A_892], %swap3A_895 {strides = array<i32>} : memref<128xi32, #tpu.memory_space<vmem>>, vector<16xi32>,
        %get3A_896 = arith.constant 3 : i32
        %get3A_897 = arith.constant 0 : i32
        %get3A_898 = tpu.memref_slice %arg6[%get3A_896, %get3A_897] : memref<16x128xi32, #tpu.memory_space<vmem>> -> memref<1x128xi32, #tpu.memory_space<vmem>>
        %get3A_899 = tpu.memref_squeeze %get3A_898 : memref<1x128xi32, #tpu.memory_space<vmem>> -> memref<128xi32, #tpu.memory_space<vmem>>
        %get3A_900 = arith.constant 80 : index
        %get3A_901 = tpu.vector_load %get3A_899[%get3A_900] {strides = array<i32>} : memref<128xi32, #tpu.memory_space<vmem>>, vector<16xi32>,
        %get3A_902 = vector.shape_cast %get3A_901 : vector<16xi32> to vector<16xi32>
        %sub3A_903 = vector.broadcast %mul3A_15 : i32 to vector<16xi32>
        %sub3A_904 = arith.subi %get3A_902, %sub3A_903 : vector<16xi32>
        %bitcast3A_905 = vector.bitcast %sub3A_904 : vector<16xi32> to vector<16xi32>
        %ge3A_906 = arith.constant 1769472 : i32
        %ge3A_907 = vector.broadcast %ge3A_906 : i32 to vector<16xi32>
        %ge3A_908 = arith.cmpi uge, %bitcast3A_905, %ge3A_907 : vector<16xi32>
        %and3A_909 = arith.constant 65535 : i32
        %and3A_910 = vector.broadcast %and3A_909 : i32 to vector<16xi32>
        %and3A_911 = arith.andi %get3A_902, %and3A_910 : vector<16xi32>
        %add3A_912 = arith.constant 1769472 : i32
        %add3A_913 = vector.broadcast %add3A_912 : i32 to vector<16xi32>
        %add3A_914 = arith.addi %add3A_913, %and3A_911 : vector<16xi32>
        %select_n3A_915 = arith.select %ge3A_908, %add3A_914, %sub3A_904 : vector<16xi1>, vector<16xi32>
        %swap3A_916 = arith.constant 3 : i32
        %swap3A_917 = arith.constant 0 : i32
        %swap3A_918 = tpu.memref_slice %arg7[%swap3A_916, %swap3A_917] : memref<16x128xi32, #tpu.memory_space<vmem>> -> memref<1x128xi32, #tpu.memory_space<vmem>>
        %swap3A_919 = tpu.memref_squeeze %swap3A_918 : memref<1x128xi32, #tpu.memory_space<vmem>> -> memref<128xi32, #tpu.memory_space<vmem>>
        %swap3A_920 = arith.constant 80 : index
        %swap3A_921 = tpu.vector_load %swap3A_919[%swap3A_920] {strides = array<i32>} : memref<128xi32, #tpu.memory_space<vmem>>, vector<16xi32>,
        %swap3A_922 = vector.shape_cast %swap3A_921 : vector<16xi32> to vector<16xi32>
        %swap3A_923 = vector.shape_cast %select_n3A_915 : vector<16xi32> to vector<16xi32>
        tpu.vector_store %swap3A_919[%swap3A_920], %swap3A_923 {strides = array<i32>} : memref<128xi32, #tpu.memory_space<vmem>>, vector<16xi32>,
        %get3A_924 = arith.constant 3 : i32
        %get3A_925 = arith.constant 0 : i32
        %get3A_926 = tpu.memref_slice %arg6[%get3A_924, %get3A_925] : memref<16x128xi32, #tpu.memory_space<vmem>> -> memref<1x128xi32, #tpu.memory_space<vmem>>
        %get3A_927 = tpu.memref_squeeze %get3A_926 : memref<1x128xi32, #tpu.memory_space<vmem>> -> memref<128xi32, #tpu.memory_space<vmem>>
        %get3A_928 = arith.constant 96 : index
        %get3A_929 = tpu.vector_load %get3A_927[%get3A_928] {strides = array<i32>} : memref<128xi32, #tpu.memory_space<vmem>>, vector<16xi32>,
        %get3A_930 = vector.shape_cast %get3A_929 : vector<16xi32> to vector<16xi32>
        %sub3A_931 = vector.broadcast %mul3A_15 : i32 to vector<16xi32>
        %sub3A_932 = arith.subi %get3A_930, %sub3A_931 : vector<16xi32>
        %bitcast3A_933 = vector.bitcast %sub3A_932 : vector<16xi32> to vector<16xi32>
        %ge3A_934 = arith.constant 1769472 : i32
        %ge3A_935 = vector.broadcast %ge3A_934 : i32 to vector<16xi32>
        %ge3A_936 = arith.cmpi uge, %bitcast3A_933, %ge3A_935 : vector<16xi32>
        %and3A_937 = arith.constant 65535 : i32
        %and3A_938 = vector.broadcast %and3A_937 : i32 to vector<16xi32>
        %and3A_939 = arith.andi %get3A_930, %and3A_938 : vector<16xi32>
        %add3A_940 = arith.constant 1769472 : i32
        %add3A_941 = vector.broadcast %add3A_940 : i32 to vector<16xi32>
        %add3A_942 = arith.addi %add3A_941, %and3A_939 : vector<16xi32>
        %select_n3A_943 = arith.select %ge3A_936, %add3A_942, %sub3A_932 : vector<16xi1>, vector<16xi32>
        %swap3A_944 = arith.constant 3 : i32
        %swap3A_945 = arith.constant 0 : i32
        %swap3A_946 = tpu.memref_slice %arg7[%swap3A_944, %swap3A_945] : memref<16x128xi32, #tpu.memory_space<vmem>> -> memref<1x128xi32, #tpu.memory_space<vmem>>
        %swap3A_947 = tpu.memref_squeeze %swap3A_946 : memref<1x128xi32, #tpu.memory_space<vmem>> -> memref<128xi32, #tpu.memory_space<vmem>>
        %swap3A_948 = arith.constant 96 : index
        %swap3A_949 = tpu.vector_load %swap3A_947[%swap3A_948] {strides = array<i32>} : memref<128xi32, #tpu.memory_space<vmem>>, vector<16xi32>,
        %swap3A_950 = vector.shape_cast %swap3A_949 : vector<16xi32> to vector<16xi32>
        %swap3A_951 = vector.shape_cast %select_n3A_943 : vector<16xi32> to vector<16xi32>
        tpu.vector_store %swap3A_947[%swap3A_948], %swap3A_951 {strides = array<i32>} : memref<128xi32, #tpu.memory_space<vmem>>, vector<16xi32>,
        %get3A_952 = arith.constant 3 : i32
        %get3A_953 = arith.constant 0 : i32
        %get3A_954 = tpu.memref_slice %arg6[%get3A_952, %get3A_953] : memref<16x128xi32, #tpu.memory_space<vmem>> -> memref<1x128xi32, #tpu.memory_space<vmem>>
        %get3A_955 = tpu.memref_squeeze %get3A_954 : memref<1x128xi32, #tpu.memory_space<vmem>> -> memref<128xi32, #tpu.memory_space<vmem>>
        %get3A_956 = arith.constant 112 : index
        %get3A_957 = tpu.vector_load %get3A_955[%get3A_956] {strides = array<i32>} : memref<128xi32, #tpu.memory_space<vmem>>, vector<16xi32>,
        %get3A_958 = vector.shape_cast %get3A_957 : vector<16xi32> to vector<16xi32>
        %sub3A_959 = vector.broadcast %mul3A_15 : i32 to vector<16xi32>
        %sub3A_960 = arith.subi %get3A_958, %sub3A_959 : vector<16xi32>
        %bitcast3A_961 = vector.bitcast %sub3A_960 : vector<16xi32> to vector<16xi32>
        %ge3A_962 = arith.constant 1769472 : i32
        %ge3A_963 = vector.broadcast %ge3A_962 : i32 to vector<16xi32>
        %ge3A_964 = arith.cmpi uge, %bitcast3A_961, %ge3A_963 : vector<16xi32>
        %and3A_965 = arith.constant 65535 : i32
        %and3A_966 = vector.broadcast %and3A_965 : i32 to vector<16xi32>
        %and3A_967 = arith.andi %get3A_958, %and3A_966 : vector<16xi32>
        %add3A_968 = arith.constant 1769472 : i32
        %add3A_969 = vector.broadcast %add3A_968 : i32 to vector<16xi32>
        %add3A_970 = arith.addi %add3A_969, %and3A_967 : vector<16xi32>
        %select_n3A_971 = arith.select %ge3A_964, %add3A_970, %sub3A_960 : vector<16xi1>, vector<16xi32>
        %swap3A_972 = arith.constant 3 : i32
        %swap3A_973 = arith.constant 0 : i32
        %swap3A_974 = tpu.memref_slice %arg7[%swap3A_972, %swap3A_973] : memref<16x128xi32, #tpu.memory_space<vmem>> -> memref<1x128xi32, #tpu.memory_space<vmem>>
        %swap3A_975 = tpu.memref_squeeze %swap3A_974 : memref<1x128xi32, #tpu.memory_space<vmem>> -> memref<128xi32, #tpu.memory_space<vmem>>
        %swap3A_976 = arith.constant 112 : index
        %swap3A_977 = tpu.vector_load %swap3A_975[%swap3A_976] {strides = array<i32>} : memref<128xi32, #tpu.memory_space<vmem>>, vector<16xi32>,
        %swap3A_978 = vector.shape_cast %swap3A_977 : vector<16xi32> to vector<16xi32>
        %swap3A_979 = vector.shape_cast %select_n3A_971 : vector<16xi32> to vector<16xi32>
        tpu.vector_store %swap3A_975[%swap3A_976], %swap3A_979 {strides = array<i32>} : memref<128xi32, #tpu.memory_space<vmem>>, vector<16xi32>,
        %get3A_980 = arith.constant 4 : i32
        %get3A_981 = arith.constant 0 : i32
        %get3A_982 = tpu.memref_slice %arg6[%get3A_980, %get3A_981] : memref<16x128xi32, #tpu.memory_space<vmem>> -> memref<1x128xi32, #tpu.memory_space<vmem>>
        %get3A_983 = tpu.memref_squeeze %get3A_982 : memref<1x128xi32, #tpu.memory_space<vmem>> -> memref<128xi32, #tpu.memory_space<vmem>>
        %get3A_984 = arith.constant 0 : index
        %get3A_985 = tpu.vector_load %get3A_983[%get3A_984] {strides = array<i32>} : memref<128xi32, #tpu.memory_space<vmem>>, vector<16xi32>,
        %get3A_986 = vector.shape_cast %get3A_985 : vector<16xi32> to vector<16xi32>
        %sub3A_987 = vector.broadcast %mul3A_15 : i32 to vector<16xi32>
        %sub3A_988 = arith.subi %get3A_986, %sub3A_987 : vector<16xi32>
        %bitcast3A_989 = vector.bitcast %sub3A_988 : vector<16xi32> to vector<16xi32>
        %ge3A_990 = arith.constant 1769472 : i32
        %ge3A_991 = vector.broadcast %ge3A_990 : i32 to vector<16xi32>
        %ge3A_992 = arith.cmpi uge, %bitcast3A_989, %ge3A_991 : vector<16xi32>
        %and3A_993 = arith.constant 65535 : i32
        %and3A_994 = vector.broadcast %and3A_993 : i32 to vector<16xi32>
        %and3A_995 = arith.andi %get3A_986, %and3A_994 : vector<16xi32>
        %add3A_996 = arith.constant 1769472 : i32
        %add3A_997 = vector.broadcast %add3A_996 : i32 to vector<16xi32>
        %add3A_998 = arith.addi %add3A_997, %and3A_995 : vector<16xi32>
        %select_n3A_999 = arith.select %ge3A_992, %add3A_998, %sub3A_988 : vector<16xi1>, vector<16xi32>
        %swap3A_1000 = arith.constant 4 : i32
        %swap3A_1001 = arith.constant 0 : i32
        %swap3A_1002 = tpu.memref_slice %arg7[%swap3A_1000, %swap3A_1001] : memref<16x128xi32, #tpu.memory_space<vmem>> -> memref<1x128xi32, #tpu.memory_space<vmem>>
        %swap3A_1003 = tpu.memref_squeeze %swap3A_1002 : memref<1x128xi32, #tpu.memory_space<vmem>> -> memref<128xi32, #tpu.memory_space<vmem>>
        %swap3A_1004 = arith.constant 0 : index
        %swap3A_1005 = tpu.vector_load %swap3A_1003[%swap3A_1004] {strides = array<i32>} : memref<128xi32, #tpu.memory_space<vmem>>, vector<16xi32>,
        %swap3A_1006 = vector.shape_cast %swap3A_1005 : vector<16xi32> to vector<16xi32>
        %swap3A_1007 = vector.shape_cast %select_n3A_999 : vector<16xi32> to vector<16xi32>
        tpu.vector_store %swap3A_1003[%swap3A_1004], %swap3A_1007 {strides = array<i32>} : memref<128xi32, #tpu.memory_space<vmem>>, vector<16xi32>,
        %get3A_1008 = arith.constant 4 : i32
        %get3A_1009 = arith.constant 0 : i32
        %get3A_1010 = tpu.memref_slice %arg6[%get3A_1008, %get3A_1009] : memref<16x128xi32, #tpu.memory_space<vmem>> -> memref<1x128xi32, #tpu.memory_space<vmem>>
        %get3A_1011 = tpu.memref_squeeze %get3A_1010 : memref<1x128xi32, #tpu.memory_space<vmem>> -> memref<128xi32, #tpu.memory_space<vmem>>
        %get3A_1012 = arith.constant 16 : index
        %get3A_1013 = tpu.vector_load %get3A_1011[%get3A_1012] {strides = array<i32>} : memref<128xi32, #tpu.memory_space<vmem>>, vector<16xi32>,
        %get3A_1014 = vector.shape_cast %get3A_1013 : vector<16xi32> to vector<16xi32>
        %sub3A_1015 = vector.broadcast %mul3A_15 : i32 to vector<16xi32>
        %sub3A_1016 = arith.subi %get3A_1014, %sub3A_1015 : vector<16xi32>
        %bitcast3A_1017 = vector.bitcast %sub3A_1016 : vector<16xi32> to vector<16xi32>
        %ge3A_1018 = arith.constant 1769472 : i32
        %ge3A_1019 = vector.broadcast %ge3A_1018 : i32 to vector<16xi32>
        %ge3A_1020 = arith.cmpi uge, %bitcast3A_1017, %ge3A_1019 : vector<16xi32>
        %and3A_1021 = arith.constant 65535 : i32
        %and3A_1022 = vector.broadcast %and3A_1021 : i32 to vector<16xi32>
        %and3A_1023 = arith.andi %get3A_1014, %and3A_1022 : vector<16xi32>
        %add3A_1024 = arith.constant 1769472 : i32
        %add3A_1025 = vector.broadcast %add3A_1024 : i32 to vector<16xi32>
        %add3A_1026 = arith.addi %add3A_1025, %and3A_1023 : vector<16xi32>
        %select_n3A_1027 = arith.select %ge3A_1020, %add3A_1026, %sub3A_1016 : vector<16xi1>, vector<16xi32>
        %swap3A_1028 = arith.constant 4 : i32
        %swap3A_1029 = arith.constant 0 : i32
        %swap3A_1030 = tpu.memref_slice %arg7[%swap3A_1028, %swap3A_1029] : memref<16x128xi32, #tpu.memory_space<vmem>> -> memref<1x128xi32, #tpu.memory_space<vmem>>
        %swap3A_1031 = tpu.memref_squeeze %swap3A_1030 : memref<1x128xi32, #tpu.memory_space<vmem>> -> memref<128xi32, #tpu.memory_space<vmem>>
        %swap3A_1032 = arith.constant 16 : index
        %swap3A_1033 = tpu.vector_load %swap3A_1031[%swap3A_1032] {strides = array<i32>} : memref<128xi32, #tpu.memory_space<vmem>>, vector<16xi32>,
        %swap3A_1034 = vector.shape_cast %swap3A_1033 : vector<16xi32> to vector<16xi32>
        %swap3A_1035 = vector.shape_cast %select_n3A_1027 : vector<16xi32> to vector<16xi32>
        tpu.vector_store %swap3A_1031[%swap3A_1032], %swap3A_1035 {strides = array<i32>} : memref<128xi32, #tpu.memory_space<vmem>>, vector<16xi32>,
        %get3A_1036 = arith.constant 4 : i32
        %get3A_1037 = arith.constant 0 : i32
        %get3A_1038 = tpu.memref_slice %arg6[%get3A_1036, %get3A_1037] : memref<16x128xi32, #tpu.memory_space<vmem>> -> memref<1x128xi32, #tpu.memory_space<vmem>>
        %get3A_1039 = tpu.memref_squeeze %get3A_1038 : memref<1x128xi32, #tpu.memory_space<vmem>> -> memref<128xi32, #tpu.memory_space<vmem>>
        %get3A_1040 = arith.constant 32 : index
        %get3A_1041 = tpu.vector_load %get3A_1039[%get3A_1040] {strides = array<i32>} : memref<128xi32, #tpu.memory_space<vmem>>, vector<16xi32>,
        %get3A_1042 = vector.shape_cast %get3A_1041 : vector<16xi32> to vector<16xi32>
        %sub3A_1043 = vector.broadcast %mul3A_15 : i32 to vector<16xi32>
        %sub3A_1044 = arith.subi %get3A_1042, %sub3A_1043 : vector<16xi32>
        %bitcast3A_1045 = vector.bitcast %sub3A_1044 : vector<16xi32> to vector<16xi32>
        %ge3A_1046 = arith.constant 1769472 : i32
        %ge3A_1047 = vector.broadcast %ge3A_1046 : i32 to vector<16xi32>
        %ge3A_1048 = arith.cmpi uge, %bitcast3A_1045, %ge3A_1047 : vector<16xi32>
        %and3A_1049 = arith.constant 65535 : i32
        %and3A_1050 = vector.broadcast %and3A_1049 : i32 to vector<16xi32>
        %and3A_1051 = arith.andi %get3A_1042, %and3A_1050 : vector<16xi32>
        %add3A_1052 = arith.constant 1769472 : i32
        %add3A_1053 = vector.broadcast %add3A_1052 : i32 to vector<16xi32>
        %add3A_1054 = arith.addi %add3A_1053, %and3A_1051 : vector<16xi32>
        %select_n3A_1055 = arith.select %ge3A_1048, %add3A_1054, %sub3A_1044 : vector<16xi1>, vector<16xi32>
        %swap3A_1056 = arith.constant 4 : i32
        %swap3A_1057 = arith.constant 0 : i32
        %swap3A_1058 = tpu.memref_slice %arg7[%swap3A_1056, %swap3A_1057] : memref<16x128xi32, #tpu.memory_space<vmem>> -> memref<1x128xi32, #tpu.memory_space<vmem>>
        %swap3A_1059 = tpu.memref_squeeze %swap3A_1058 : memref<1x128xi32, #tpu.memory_space<vmem>> -> memref<128xi32, #tpu.memory_space<vmem>>
        %swap3A_1060 = arith.constant 32 : index
        %swap3A_1061 = tpu.vector_load %swap3A_1059[%swap3A_1060] {strides = array<i32>} : memref<128xi32, #tpu.memory_space<vmem>>, vector<16xi32>,
        %swap3A_1062 = vector.shape_cast %swap3A_1061 : vector<16xi32> to vector<16xi32>
        %swap3A_1063 = vector.shape_cast %select_n3A_1055 : vector<16xi32> to vector<16xi32>
        tpu.vector_store %swap3A_1059[%swap3A_1060], %swap3A_1063 {strides = array<i32>} : memref<128xi32, #tpu.memory_space<vmem>>, vector<16xi32>,
        %get3A_1064 = arith.constant 4 : i32
        %get3A_1065 = arith.constant 0 : i32
        %get3A_1066 = tpu.memref_slice %arg6[%get3A_1064, %get3A_1065] : memref<16x128xi32, #tpu.memory_space<vmem>> -> memref<1x128xi32, #tpu.memory_space<vmem>>
        %get3A_1067 = tpu.memref_squeeze %get3A_1066 : memref<1x128xi32, #tpu.memory_space<vmem>> -> memref<128xi32, #tpu.memory_space<vmem>>
        %get3A_1068 = arith.constant 48 : index
        %get3A_1069 = tpu.vector_load %get3A_1067[%get3A_1068] {strides = array<i32>} : memref<128xi32, #tpu.memory_space<vmem>>, vector<16xi32>,
        %get3A_1070 = vector.shape_cast %get3A_1069 : vector<16xi32> to vector<16xi32>
        %sub3A_1071 = vector.broadcast %mul3A_15 : i32 to vector<16xi32>
        %sub3A_1072 = arith.subi %get3A_1070, %sub3A_1071 : vector<16xi32>
        %bitcast3A_1073 = vector.bitcast %sub3A_1072 : vector<16xi32> to vector<16xi32>
        %ge3A_1074 = arith.constant 1769472 : i32
        %ge3A_1075 = vector.broadcast %ge3A_1074 : i32 to vector<16xi32>
        %ge3A_1076 = arith.cmpi uge, %bitcast3A_1073, %ge3A_1075 : vector<16xi32>
        %and3A_1077 = arith.constant 65535 : i32
        %and3A_1078 = vector.broadcast %and3A_1077 : i32 to vector<16xi32>
        %and3A_1079 = arith.andi %get3A_1070, %and3A_1078 : vector<16xi32>
        %add3A_1080 = arith.constant 1769472 : i32
        %add3A_1081 = vector.broadcast %add3A_1080 : i32 to vector<16xi32>
        %add3A_1082 = arith.addi %add3A_1081, %and3A_1079 : vector<16xi32>
        %select_n3A_1083 = arith.select %ge3A_1076, %add3A_1082, %sub3A_1072 : vector<16xi1>, vector<16xi32>
        %swap3A_1084 = arith.constant 4 : i32
        %swap3A_1085 = arith.constant 0 : i32
        %swap3A_1086 = tpu.memref_slice %arg7[%swap3A_1084, %swap3A_1085] : memref<16x128xi32, #tpu.memory_space<vmem>> -> memref<1x128xi32, #tpu.memory_space<vmem>>
        %swap3A_1087 = tpu.memref_squeeze %swap3A_1086 : memref<1x128xi32, #tpu.memory_space<vmem>> -> memref<128xi32, #tpu.memory_space<vmem>>
        %swap3A_1088 = arith.constant 48 : index
        %swap3A_1089 = tpu.vector_load %swap3A_1087[%swap3A_1088] {strides = array<i32>} : memref<128xi32, #tpu.memory_space<vmem>>, vector<16xi32>,
        %swap3A_1090 = vector.shape_cast %swap3A_1089 : vector<16xi32> to vector<16xi32>
        %swap3A_1091 = vector.shape_cast %select_n3A_1083 : vector<16xi32> to vector<16xi32>
        tpu.vector_store %swap3A_1087[%swap3A_1088], %swap3A_1091 {strides = array<i32>} : memref<128xi32, #tpu.memory_space<vmem>>, vector<16xi32>,
        %get3A_1092 = arith.constant 4 : i32
        %get3A_1093 = arith.constant 0 : i32
        %get3A_1094 = tpu.memref_slice %arg6[%get3A_1092, %get3A_1093] : memref<16x128xi32, #tpu.memory_space<vmem>> -> memref<1x128xi32, #tpu.memory_space<vmem>>
        %get3A_1095 = tpu.memref_squeeze %get3A_1094 : memref<1x128xi32, #tpu.memory_space<vmem>> -> memref<128xi32, #tpu.memory_space<vmem>>
        %get3A_1096 = arith.constant 64 : index
        %get3A_1097 = tpu.vector_load %get3A_1095[%get3A_1096] {strides = array<i32>} : memref<128xi32, #tpu.memory_space<vmem>>, vector<16xi32>,
        %get3A_1098 = vector.shape_cast %get3A_1097 : vector<16xi32> to vector<16xi32>
        %sub3A_1099 = vector.broadcast %mul3A_15 : i32 to vector<16xi32>
        %sub3A_1100 = arith.subi %get3A_1098, %sub3A_1099 : vector<16xi32>
        %bitcast3A_1101 = vector.bitcast %sub3A_1100 : vector<16xi32> to vector<16xi32>
        %ge3A_1102 = arith.constant 1769472 : i32
        %ge3A_1103 = vector.broadcast %ge3A_1102 : i32 to vector<16xi32>
        %ge3A_1104 = arith.cmpi uge, %bitcast3A_1101, %ge3A_1103 : vector<16xi32>
        %and3A_1105 = arith.constant 65535 : i32
        %and3A_1106 = vector.broadcast %and3A_1105 : i32 to vector<16xi32>
        %and3A_1107 = arith.andi %get3A_1098, %and3A_1106 : vector<16xi32>
        %add3A_1108 = arith.constant 1769472 : i32
        %add3A_1109 = vector.broadcast %add3A_1108 : i32 to vector<16xi32>
        %add3A_1110 = arith.addi %add3A_1109, %and3A_1107 : vector<16xi32>
        %select_n3A_1111 = arith.select %ge3A_1104, %add3A_1110, %sub3A_1100 : vector<16xi1>, vector<16xi32>
        %swap3A_1112 = arith.constant 4 : i32
        %swap3A_1113 = arith.constant 0 : i32
        %swap3A_1114 = tpu.memref_slice %arg7[%swap3A_1112, %swap3A_1113] : memref<16x128xi32, #tpu.memory_space<vmem>> -> memref<1x128xi32, #tpu.memory_space<vmem>>
        %swap3A_1115 = tpu.memref_squeeze %swap3A_1114 : memref<1x128xi32, #tpu.memory_space<vmem>> -> memref<128xi32, #tpu.memory_space<vmem>>
        %swap3A_1116 = arith.constant 64 : index
        %swap3A_1117 = tpu.vector_load %swap3A_1115[%swap3A_1116] {strides = array<i32>} : memref<128xi32, #tpu.memory_space<vmem>>, vector<16xi32>,
        %swap3A_1118 = vector.shape_cast %swap3A_1117 : vector<16xi32> to vector<16xi32>
        %swap3A_1119 = vector.shape_cast %select_n3A_1111 : vector<16xi32> to vector<16xi32>
        tpu.vector_store %swap3A_1115[%swap3A_1116], %swap3A_1119 {strides = array<i32>} : memref<128xi32, #tpu.memory_space<vmem>>, vector<16xi32>,
        %get3A_1120 = arith.constant 4 : i32
        %get3A_1121 = arith.constant 0 : i32
        %get3A_1122 = tpu.memref_slice %arg6[%get3A_1120, %get3A_1121] : memref<16x128xi32, #tpu.memory_space<vmem>> -> memref<1x128xi32, #tpu.memory_space<vmem>>
        %get3A_1123 = tpu.memref_squeeze %get3A_1122 : memref<1x128xi32, #tpu.memory_space<vmem>> -> memref<128xi32, #tpu.memory_space<vmem>>
        %get3A_1124 = arith.constant 80 : index
        %get3A_1125 = tpu.vector_load %get3A_1123[%get3A_1124] {strides = array<i32>} : memref<128xi32, #tpu.memory_space<vmem>>, vector<16xi32>,
        %get3A_1126 = vector.shape_cast %get3A_1125 : vector<16xi32> to vector<16xi32>
        %sub3A_1127 = vector.broadcast %mul3A_15 : i32 to vector<16xi32>
        %sub3A_1128 = arith.subi %get3A_1126, %sub3A_1127 : vector<16xi32>
        %bitcast3A_1129 = vector.bitcast %sub3A_1128 : vector<16xi32> to vector<16xi32>
        %ge3A_1130 = arith.constant 1769472 : i32
        %ge3A_1131 = vector.broadcast %ge3A_1130 : i32 to vector<16xi32>
        %ge3A_1132 = arith.cmpi uge, %bitcast3A_1129, %ge3A_1131 : vector<16xi32>
        %and3A_1133 = arith.constant 65535 : i32
        %and3A_1134 = vector.broadcast %and3A_1133 : i32 to vector<16xi32>
        %and3A_1135 = arith.andi %get3A_1126, %and3A_1134 : vector<16xi32>
        %add3A_1136 = arith.constant 1769472 : i32
        %add3A_1137 = vector.broadcast %add3A_1136 : i32 to vector<16xi32>
        %add3A_1138 = arith.addi %add3A_1137, %and3A_1135 : vector<16xi32>
        %select_n3A_1139 = arith.select %ge3A_1132, %add3A_1138, %sub3A_1128 : vector<16xi1>, vector<16xi32>
        %swap3A_1140 = arith.constant 4 : i32
        %swap3A_1141 = arith.constant 0 : i32
        %swap3A_1142 = tpu.memref_slice %arg7[%swap3A_1140, %swap3A_1141] : memref<16x128xi32, #tpu.memory_space<vmem>> -> memref<1x128xi32, #tpu.memory_space<vmem>>
        %swap3A_1143 = tpu.memref_squeeze %swap3A_1142 : memref<1x128xi32, #tpu.memory_space<vmem>> -> memref<128xi32, #tpu.memory_space<vmem>>
        %swap3A_1144 = arith.constant 80 : index
        %swap3A_1145 = tpu.vector_load %swap3A_1143[%swap3A_1144] {strides = array<i32>} : memref<128xi32, #tpu.memory_space<vmem>>, vector<16xi32>,
        %swap3A_1146 = vector.shape_cast %swap3A_1145 : vector<16xi32> to vector<16xi32>
        %swap3A_1147 = vector.shape_cast %select_n3A_1139 : vector<16xi32> to vector<16xi32>
        tpu.vector_store %swap3A_1143[%swap3A_1144], %swap3A_1147 {strides = array<i32>} : memref<128xi32, #tpu.memory_space<vmem>>, vector<16xi32>,
        %get3A_1148 = arith.constant 4 : i32
        %get3A_1149 = arith.constant 0 : i32
        %get3A_1150 = tpu.memref_slice %arg6[%get3A_1148, %get3A_1149] : memref<16x128xi32, #tpu.memory_space<vmem>> -> memref<1x128xi32, #tpu.memory_space<vmem>>
        %get3A_1151 = tpu.memref_squeeze %get3A_1150 : memref<1x128xi32, #tpu.memory_space<vmem>> -> memref<128xi32, #tpu.memory_space<vmem>>
        %get3A_1152 = arith.constant 96 : index
        %get3A_1153 = tpu.vector_load %get3A_1151[%get3A_1152] {strides = array<i32>} : memref<128xi32, #tpu.memory_space<vmem>>, vector<16xi32>,
        %get3A_1154 = vector.shape_cast %get3A_1153 : vector<16xi32> to vector<16xi32>
        %sub3A_1155 = vector.broadcast %mul3A_15 : i32 to vector<16xi32>
        %sub3A_1156 = arith.subi %get3A_1154, %sub3A_1155 : vector<16xi32>
        %bitcast3A_1157 = vector.bitcast %sub3A_1156 : vector<16xi32> to vector<16xi32>
        %ge3A_1158 = arith.constant 1769472 : i32
        %ge3A_1159 = vector.broadcast %ge3A_1158 : i32 to vector<16xi32>
        %ge3A_1160 = arith.cmpi uge, %bitcast3A_1157, %ge3A_1159 : vector<16xi32>
        %and3A_1161 = arith.constant 65535 : i32
        %and3A_1162 = vector.broadcast %and3A_1161 : i32 to vector<16xi32>
        %and3A_1163 = arith.andi %get3A_1154, %and3A_1162 : vector<16xi32>
        %add3A_1164 = arith.constant 1769472 : i32
        %add3A_1165 = vector.broadcast %add3A_1164 : i32 to vector<16xi32>
        %add3A_1166 = arith.addi %add3A_1165, %and3A_1163 : vector<16xi32>
        %select_n3A_1167 = arith.select %ge3A_1160, %add3A_1166, %sub3A_1156 : vector<16xi1>, vector<16xi32>
        %swap3A_1168 = arith.constant 4 : i32
        %swap3A_1169 = arith.constant 0 : i32
        %swap3A_1170 = tpu.memref_slice %arg7[%swap3A_1168, %swap3A_1169] : memref<16x128xi32, #tpu.memory_space<vmem>> -> memref<1x128xi32, #tpu.memory_space<vmem>>
        %swap3A_1171 = tpu.memref_squeeze %swap3A_1170 : memref<1x128xi32, #tpu.memory_space<vmem>> -> memref<128xi32, #tpu.memory_space<vmem>>
        %swap3A_1172 = arith.constant 96 : index
        %swap3A_1173 = tpu.vector_load %swap3A_1171[%swap3A_1172] {strides = array<i32>} : memref<128xi32, #tpu.memory_space<vmem>>, vector<16xi32>,
        %swap3A_1174 = vector.shape_cast %swap3A_1173 : vector<16xi32> to vector<16xi32>
        %swap3A_1175 = vector.shape_cast %select_n3A_1167 : vector<16xi32> to vector<16xi32>
        tpu.vector_store %swap3A_1171[%swap3A_1172], %swap3A_1175 {strides = array<i32>} : memref<128xi32, #tpu.memory_space<vmem>>, vector<16xi32>,
        %get3A_1176 = arith.constant 4 : i32
        %get3A_1177 = arith.constant 0 : i32
        %get3A_1178 = tpu.memref_slice %arg6[%get3A_1176, %get3A_1177] : memref<16x128xi32, #tpu.memory_space<vmem>> -> memref<1x128xi32, #tpu.memory_space<vmem>>
        %get3A_1179 = tpu.memref_squeeze %get3A_1178 : memref<1x128xi32, #tpu.memory_space<vmem>> -> memref<128xi32, #tpu.memory_space<vmem>>
        %get3A_1180 = arith.constant 112 : index
        %get3A_1181 = tpu.vector_load %get3A_1179[%get3A_1180] {strides = array<i32>} : memref<128xi32, #tpu.memory_space<vmem>>, vector<16xi32>,
        %get3A_1182 = vector.shape_cast %get3A_1181 : vector<16xi32> to vector<16xi32>
        %sub3A_1183 = vector.broadcast %mul3A_15 : i32 to vector<16xi32>
        %sub3A_1184 = arith.subi %get3A_1182, %sub3A_1183 : vector<16xi32>
        %bitcast3A_1185 = vector.bitcast %sub3A_1184 : vector<16xi32> to vector<16xi32>
        %ge3A_1186 = arith.constant 1769472 : i32
        %ge3A_1187 = vector.broadcast %ge3A_1186 : i32 to vector<16xi32>
        %ge3A_1188 = arith.cmpi uge, %bitcast3A_1185, %ge3A_1187 : vector<16xi32>
        %and3A_1189 = arith.constant 65535 : i32
        %and3A_1190 = vector.broadcast %and3A_1189 : i32 to vector<16xi32>
        %and3A_1191 = arith.andi %get3A_1182, %and3A_1190 : vector<16xi32>
        %add3A_1192 = arith.constant 1769472 : i32
        %add3A_1193 = vector.broadcast %add3A_1192 : i32 to vector<16xi32>
        %add3A_1194 = arith.addi %add3A_1193, %and3A_1191 : vector<16xi32>
        %select_n3A_1195 = arith.select %ge3A_1188, %add3A_1194, %sub3A_1184 : vector<16xi1>, vector<16xi32>
        %swap3A_1196 = arith.constant 4 : i32
        %swap3A_1197 = arith.constant 0 : i32
        %swap3A_1198 = tpu.memref_slice %arg7[%swap3A_1196, %swap3A_1197] : memref<16x128xi32, #tpu.memory_space<vmem>> -> memref<1x128xi32, #tpu.memory_space<vmem>>
        %swap3A_1199 = tpu.memref_squeeze %swap3A_1198 : memref<1x128xi32, #tpu.memory_space<vmem>> -> memref<128xi32, #tpu.memory_space<vmem>>
        %swap3A_1200 = arith.constant 112 : index
        %swap3A_1201 = tpu.vector_load %swap3A_1199[%swap3A_1200] {strides = array<i32>} : memref<128xi32, #tpu.memory_space<vmem>>, vector<16xi32>,
        %swap3A_1202 = vector.shape_cast %swap3A_1201 : vector<16xi32> to vector<16xi32>
        %swap3A_1203 = vector.shape_cast %select_n3A_1195 : vector<16xi32> to vector<16xi32>
        tpu.vector_store %swap3A_1199[%swap3A_1200], %swap3A_1203 {strides = array<i32>} : memref<128xi32, #tpu.memory_space<vmem>>, vector<16xi32>,
        %get3A_1204 = arith.constant 5 : i32
        %get3A_1205 = arith.constant 0 : i32
        %get3A_1206 = tpu.memref_slice %arg6[%get3A_1204, %get3A_1205] : memref<16x128xi32, #tpu.memory_space<vmem>> -> memref<1x128xi32, #tpu.memory_space<vmem>>
        %get3A_1207 = tpu.memref_squeeze %get3A_1206 : memref<1x128xi32, #tpu.memory_space<vmem>> -> memref<128xi32, #tpu.memory_space<vmem>>
        %get3A_1208 = arith.constant 0 : index
        %get3A_1209 = tpu.vector_load %get3A_1207[%get3A_1208] {strides = array<i32>} : memref<128xi32, #tpu.memory_space<vmem>>, vector<16xi32>,
        %get3A_1210 = vector.shape_cast %get3A_1209 : vector<16xi32> to vector<16xi32>
        %sub3A_1211 = vector.broadcast %mul3A_15 : i32 to vector<16xi32>
        %sub3A_1212 = arith.subi %get3A_1210, %sub3A_1211 : vector<16xi32>
        %bitcast3A_1213 = vector.bitcast %sub3A_1212 : vector<16xi32> to vector<16xi32>
        %ge3A_1214 = arith.constant 1769472 : i32
        %ge3A_1215 = vector.broadcast %ge3A_1214 : i32 to vector<16xi32>
        %ge3A_1216 = arith.cmpi uge, %bitcast3A_1213, %ge3A_1215 : vector<16xi32>
        %and3A_1217 = arith.constant 65535 : i32
        %and3A_1218 = vector.broadcast %and3A_1217 : i32 to vector<16xi32>
        %and3A_1219 = arith.andi %get3A_1210, %and3A_1218 : vector<16xi32>
        %add3A_1220 = arith.constant 1769472 : i32
        %add3A_1221 = vector.broadcast %add3A_1220 : i32 to vector<16xi32>
        %add3A_1222 = arith.addi %add3A_1221, %and3A_1219 : vector<16xi32>
        %select_n3A_1223 = arith.select %ge3A_1216, %add3A_1222, %sub3A_1212 : vector<16xi1>, vector<16xi32>
        %swap3A_1224 = arith.constant 5 : i32
        %swap3A_1225 = arith.constant 0 : i32
        %swap3A_1226 = tpu.memref_slice %arg7[%swap3A_1224, %swap3A_1225] : memref<16x128xi32, #tpu.memory_space<vmem>> -> memref<1x128xi32, #tpu.memory_space<vmem>>
        %swap3A_1227 = tpu.memref_squeeze %swap3A_1226 : memref<1x128xi32, #tpu.memory_space<vmem>> -> memref<128xi32, #tpu.memory_space<vmem>>
        %swap3A_1228 = arith.constant 0 : index
        %swap3A_1229 = tpu.vector_load %swap3A_1227[%swap3A_1228] {strides = array<i32>} : memref<128xi32, #tpu.memory_space<vmem>>, vector<16xi32>,
        %swap3A_1230 = vector.shape_cast %swap3A_1229 : vector<16xi32> to vector<16xi32>
        %swap3A_1231 = vector.shape_cast %select_n3A_1223 : vector<16xi32> to vector<16xi32>
        tpu.vector_store %swap3A_1227[%swap3A_1228], %swap3A_1231 {strides = array<i32>} : memref<128xi32, #tpu.memory_space<vmem>>, vector<16xi32>,
        %get3A_1232 = arith.constant 5 : i32
        %get3A_1233 = arith.constant 0 : i32
        %get3A_1234 = tpu.memref_slice %arg6[%get3A_1232, %get3A_1233] : memref<16x128xi32, #tpu.memory_space<vmem>> -> memref<1x128xi32, #tpu.memory_space<vmem>>
        %get3A_1235 = tpu.memref_squeeze %get3A_1234 : memref<1x128xi32, #tpu.memory_space<vmem>> -> memref<128xi32, #tpu.memory_space<vmem>>
        %get3A_1236 = arith.constant 16 : index
        %get3A_1237 = tpu.vector_load %get3A_1235[%get3A_1236] {strides = array<i32>} : memref<128xi32, #tpu.memory_space<vmem>>, vector<16xi32>,
        %get3A_1238 = vector.shape_cast %get3A_1237 : vector<16xi32> to vector<16xi32>
        %sub3A_1239 = vector.broadcast %mul3A_15 : i32 to vector<16xi32>
        %sub3A_1240 = arith.subi %get3A_1238, %sub3A_1239 : vector<16xi32>
        %bitcast3A_1241 = vector.bitcast %sub3A_1240 : vector<16xi32> to vector<16xi32>
        %ge3A_1242 = arith.constant 1769472 : i32
        %ge3A_1243 = vector.broadcast %ge3A_1242 : i32 to vector<16xi32>
        %ge3A_1244 = arith.cmpi uge, %bitcast3A_1241, %ge3A_1243 : vector<16xi32>
        %and3A_1245 = arith.constant 65535 : i32
        %and3A_1246 = vector.broadcast %and3A_1245 : i32 to vector<16xi32>
        %and3A_1247 = arith.andi %get3A_1238, %and3A_1246 : vector<16xi32>
        %add3A_1248 = arith.constant 1769472 : i32
        %add3A_1249 = vector.broadcast %add3A_1248 : i32 to vector<16xi32>
        %add3A_1250 = arith.addi %add3A_1249, %and3A_1247 : vector<16xi32>
        %select_n3A_1251 = arith.select %ge3A_1244, %add3A_1250, %sub3A_1240 : vector<16xi1>, vector<16xi32>
        %swap3A_1252 = arith.constant 5 : i32
        %swap3A_1253 = arith.constant 0 : i32
        %swap3A_1254 = tpu.memref_slice %arg7[%swap3A_1252, %swap3A_1253] : memref<16x128xi32, #tpu.memory_space<vmem>> -> memref<1x128xi32, #tpu.memory_space<vmem>>
        %swap3A_1255 = tpu.memref_squeeze %swap3A_1254 : memref<1x128xi32, #tpu.memory_space<vmem>> -> memref<128xi32, #tpu.memory_space<vmem>>
        %swap3A_1256 = arith.constant 16 : index
        %swap3A_1257 = tpu.vector_load %swap3A_1255[%swap3A_1256] {strides = array<i32>} : memref<128xi32, #tpu.memory_space<vmem>>, vector<16xi32>,
        %swap3A_1258 = vector.shape_cast %swap3A_1257 : vector<16xi32> to vector<16xi32>
        %swap3A_1259 = vector.shape_cast %select_n3A_1251 : vector<16xi32> to vector<16xi32>
        tpu.vector_store %swap3A_1255[%swap3A_1256], %swap3A_1259 {strides = array<i32>} : memref<128xi32, #tpu.memory_space<vmem>>, vector<16xi32>,
        %get3A_1260 = arith.constant 5 : i32
        %get3A_1261 = arith.constant 0 : i32
        %get3A_1262 = tpu.memref_slice %arg6[%get3A_1260, %get3A_1261] : memref<16x128xi32, #tpu.memory_space<vmem>> -> memref<1x128xi32, #tpu.memory_space<vmem>>
        %get3A_1263 = tpu.memref_squeeze %get3A_1262 : memref<1x128xi32, #tpu.memory_space<vmem>> -> memref<128xi32, #tpu.memory_space<vmem>>
        %get3A_1264 = arith.constant 32 : index
        %get3A_1265 = tpu.vector_load %get3A_1263[%get3A_1264] {strides = array<i32>} : memref<128xi32, #tpu.memory_space<vmem>>, vector<16xi32>,
        %get3A_1266 = vector.shape_cast %get3A_1265 : vector<16xi32> to vector<16xi32>
        %sub3A_1267 = vector.broadcast %mul3A_15 : i32 to vector<16xi32>
        %sub3A_1268 = arith.subi %get3A_1266, %sub3A_1267 : vector<16xi32>
        %bitcast3A_1269 = vector.bitcast %sub3A_1268 : vector<16xi32> to vector<16xi32>
        %ge3A_1270 = arith.constant 1769472 : i32
        %ge3A_1271 = vector.broadcast %ge3A_1270 : i32 to vector<16xi32>
        %ge3A_1272 = arith.cmpi uge, %bitcast3A_1269, %ge3A_1271 : vector<16xi32>
        %and3A_1273 = arith.constant 65535 : i32
        %and3A_1274 = vector.broadcast %and3A_1273 : i32 to vector<16xi32>
        %and3A_1275 = arith.andi %get3A_1266, %and3A_1274 : vector<16xi32>
        %add3A_1276 = arith.constant 1769472 : i32
        %add3A_1277 = vector.broadcast %add3A_1276 : i32 to vector<16xi32>
        %add3A_1278 = arith.addi %add3A_1277, %and3A_1275 : vector<16xi32>
        %select_n3A_1279 = arith.select %ge3A_1272, %add3A_1278, %sub3A_1268 : vector<16xi1>, vector<16xi32>
        %swap3A_1280 = arith.constant 5 : i32
        %swap3A_1281 = arith.constant 0 : i32
        %swap3A_1282 = tpu.memref_slice %arg7[%swap3A_1280, %swap3A_1281] : memref<16x128xi32, #tpu.memory_space<vmem>> -> memref<1x128xi32, #tpu.memory_space<vmem>>
        %swap3A_1283 = tpu.memref_squeeze %swap3A_1282 : memref<1x128xi32, #tpu.memory_space<vmem>> -> memref<128xi32, #tpu.memory_space<vmem>>
        %swap3A_1284 = arith.constant 32 : index
        %swap3A_1285 = tpu.vector_load %swap3A_1283[%swap3A_1284] {strides = array<i32>} : memref<128xi32, #tpu.memory_space<vmem>>, vector<16xi32>,
        %swap3A_1286 = vector.shape_cast %swap3A_1285 : vector<16xi32> to vector<16xi32>
        %swap3A_1287 = vector.shape_cast %select_n3A_1279 : vector<16xi32> to vector<16xi32>
        tpu.vector_store %swap3A_1283[%swap3A_1284], %swap3A_1287 {strides = array<i32>} : memref<128xi32, #tpu.memory_space<vmem>>, vector<16xi32>,
        %get3A_1288 = arith.constant 5 : i32
        %get3A_1289 = arith.constant 0 : i32
        %get3A_1290 = tpu.memref_slice %arg6[%get3A_1288, %get3A_1289] : memref<16x128xi32, #tpu.memory_space<vmem>> -> memref<1x128xi32, #tpu.memory_space<vmem>>
        %get3A_1291 = tpu.memref_squeeze %get3A_1290 : memref<1x128xi32, #tpu.memory_space<vmem>> -> memref<128xi32, #tpu.memory_space<vmem>>
        %get3A_1292 = arith.constant 48 : index
        %get3A_1293 = tpu.vector_load %get3A_1291[%get3A_1292] {strides = array<i32>} : memref<128xi32, #tpu.memory_space<vmem>>, vector<16xi32>,
        %get3A_1294 = vector.shape_cast %get3A_1293 : vector<16xi32> to vector<16xi32>
        %sub3A_1295 = vector.broadcast %mul3A_15 : i32 to vector<16xi32>
        %sub3A_1296 = arith.subi %get3A_1294, %sub3A_1295 : vector<16xi32>
        %bitcast3A_1297 = vector.bitcast %sub3A_1296 : vector<16xi32> to vector<16xi32>
        %ge3A_1298 = arith.constant 1769472 : i32
        %ge3A_1299 = vector.broadcast %ge3A_1298 : i32 to vector<16xi32>
        %ge3A_1300 = arith.cmpi uge, %bitcast3A_1297, %ge3A_1299 : vector<16xi32>
        %and3A_1301 = arith.constant 65535 : i32
        %and3A_1302 = vector.broadcast %and3A_1301 : i32 to vector<16xi32>
        %and3A_1303 = arith.andi %get3A_1294, %and3A_1302 : vector<16xi32>
        %add3A_1304 = arith.constant 1769472 : i32
        %add3A_1305 = vector.broadcast %add3A_1304 : i32 to vector<16xi32>
        %add3A_1306 = arith.addi %add3A_1305, %and3A_1303 : vector<16xi32>
        %select_n3A_1307 = arith.select %ge3A_1300, %add3A_1306, %sub3A_1296 : vector<16xi1>, vector<16xi32>
        %swap3A_1308 = arith.constant 5 : i32
        %swap3A_1309 = arith.constant 0 : i32
        %swap3A_1310 = tpu.memref_slice %arg7[%swap3A_1308, %swap3A_1309] : memref<16x128xi32, #tpu.memory_space<vmem>> -> memref<1x128xi32, #tpu.memory_space<vmem>>
        %swap3A_1311 = tpu.memref_squeeze %swap3A_1310 : memref<1x128xi32, #tpu.memory_space<vmem>> -> memref<128xi32, #tpu.memory_space<vmem>>
        %swap3A_1312 = arith.constant 48 : index
        %swap3A_1313 = tpu.vector_load %swap3A_1311[%swap3A_1312] {strides = array<i32>} : memref<128xi32, #tpu.memory_space<vmem>>, vector<16xi32>,
        %swap3A_1314 = vector.shape_cast %swap3A_1313 : vector<16xi32> to vector<16xi32>
        %swap3A_1315 = vector.shape_cast %select_n3A_1307 : vector<16xi32> to vector<16xi32>
        tpu.vector_store %swap3A_1311[%swap3A_1312], %swap3A_1315 {strides = array<i32>} : memref<128xi32, #tpu.memory_space<vmem>>, vector<16xi32>,
        %get3A_1316 = arith.constant 5 : i32
        %get3A_1317 = arith.constant 0 : i32
        %get3A_1318 = tpu.memref_slice %arg6[%get3A_1316, %get3A_1317] : memref<16x128xi32, #tpu.memory_space<vmem>> -> memref<1x128xi32, #tpu.memory_space<vmem>>
        %get3A_1319 = tpu.memref_squeeze %get3A_1318 : memref<1x128xi32, #tpu.memory_space<vmem>> -> memref<128xi32, #tpu.memory_space<vmem>>
        %get3A_1320 = arith.constant 64 : index
        %get3A_1321 = tpu.vector_load %get3A_1319[%get3A_1320] {strides = array<i32>} : memref<128xi32, #tpu.memory_space<vmem>>, vector<16xi32>,
        %get3A_1322 = vector.shape_cast %get3A_1321 : vector<16xi32> to vector<16xi32>
        %sub3A_1323 = vector.broadcast %mul3A_15 : i32 to vector<16xi32>
        %sub3A_1324 = arith.subi %get3A_1322, %sub3A_1323 : vector<16xi32>
        %bitcast3A_1325 = vector.bitcast %sub3A_1324 : vector<16xi32> to vector<16xi32>
        %ge3A_1326 = arith.constant 1769472 : i32
        %ge3A_1327 = vector.broadcast %ge3A_1326 : i32 to vector<16xi32>
        %ge3A_1328 = arith.cmpi uge, %bitcast3A_1325, %ge3A_1327 : vector<16xi32>
        %and3A_1329 = arith.constant 65535 : i32
        %and3A_1330 = vector.broadcast %and3A_1329 : i32 to vector<16xi32>
        %and3A_1331 = arith.andi %get3A_1322, %and3A_1330 : vector<16xi32>
        %add3A_1332 = arith.constant 1769472 : i32
        %add3A_1333 = vector.broadcast %add3A_1332 : i32 to vector<16xi32>
        %add3A_1334 = arith.addi %add3A_1333, %and3A_1331 : vector<16xi32>
        %select_n3A_1335 = arith.select %ge3A_1328, %add3A_1334, %sub3A_1324 : vector<16xi1>, vector<16xi32>
        %swap3A_1336 = arith.constant 5 : i32
        %swap3A_1337 = arith.constant 0 : i32
        %swap3A_1338 = tpu.memref_slice %arg7[%swap3A_1336, %swap3A_1337] : memref<16x128xi32, #tpu.memory_space<vmem>> -> memref<1x128xi32, #tpu.memory_space<vmem>>
        %swap3A_1339 = tpu.memref_squeeze %swap3A_1338 : memref<1x128xi32, #tpu.memory_space<vmem>> -> memref<128xi32, #tpu.memory_space<vmem>>
        %swap3A_1340 = arith.constant 64 : index
        %swap3A_1341 = tpu.vector_load %swap3A_1339[%swap3A_1340] {strides = array<i32>} : memref<128xi32, #tpu.memory_space<vmem>>, vector<16xi32>,
        %swap3A_1342 = vector.shape_cast %swap3A_1341 : vector<16xi32> to vector<16xi32>
        %swap3A_1343 = vector.shape_cast %select_n3A_1335 : vector<16xi32> to vector<16xi32>
        tpu.vector_store %swap3A_1339[%swap3A_1340], %swap3A_1343 {strides = array<i32>} : memref<128xi32, #tpu.memory_space<vmem>>, vector<16xi32>,
        %get3A_1344 = arith.constant 5 : i32
        %get3A_1345 = arith.constant 0 : i32
        %get3A_1346 = tpu.memref_slice %arg6[%get3A_1344, %get3A_1345] : memref<16x128xi32, #tpu.memory_space<vmem>> -> memref<1x128xi32, #tpu.memory_space<vmem>>
        %get3A_1347 = tpu.memref_squeeze %get3A_1346 : memref<1x128xi32, #tpu.memory_space<vmem>> -> memref<128xi32, #tpu.memory_space<vmem>>
        %get3A_1348 = arith.constant 80 : index
        %get3A_1349 = tpu.vector_load %get3A_1347[%get3A_1348] {strides = array<i32>} : memref<128xi32, #tpu.memory_space<vmem>>, vector<16xi32>,
        %get3A_1350 = vector.shape_cast %get3A_1349 : vector<16xi32> to vector<16xi32>
        %sub3A_1351 = vector.broadcast %mul3A_15 : i32 to vector<16xi32>
        %sub3A_1352 = arith.subi %get3A_1350, %sub3A_1351 : vector<16xi32>
        %bitcast3A_1353 = vector.bitcast %sub3A_1352 : vector<16xi32> to vector<16xi32>
        %ge3A_1354 = arith.constant 1769472 : i32
        %ge3A_1355 = vector.broadcast %ge3A_1354 : i32 to vector<16xi32>
        %ge3A_1356 = arith.cmpi uge, %bitcast3A_1353, %ge3A_1355 : vector<16xi32>
        %and3A_1357 = arith.constant 65535 : i32
        %and3A_1358 = vector.broadcast %and3A_1357 : i32 to vector<16xi32>
        %and3A_1359 = arith.andi %get3A_1350, %and3A_1358 : vector<16xi32>
        %add3A_1360 = arith.constant 1769472 : i32
        %add3A_1361 = vector.broadcast %add3A_1360 : i32 to vector<16xi32>
        %add3A_1362 = arith.addi %add3A_1361, %and3A_1359 : vector<16xi32>
        %select_n3A_1363 = arith.select %ge3A_1356, %add3A_1362, %sub3A_1352 : vector<16xi1>, vector<16xi32>
        %swap3A_1364 = arith.constant 5 : i32
        %swap3A_1365 = arith.constant 0 : i32
        %swap3A_1366 = tpu.memref_slice %arg7[%swap3A_1364, %swap3A_1365] : memref<16x128xi32, #tpu.memory_space<vmem>> -> memref<1x128xi32, #tpu.memory_space<vmem>>
        %swap3A_1367 = tpu.memref_squeeze %swap3A_1366 : memref<1x128xi32, #tpu.memory_space<vmem>> -> memref<128xi32, #tpu.memory_space<vmem>>
        %swap3A_1368 = arith.constant 80 : index
        %swap3A_1369 = tpu.vector_load %swap3A_1367[%swap3A_1368] {strides = array<i32>} : memref<128xi32, #tpu.memory_space<vmem>>, vector<16xi32>,
        %swap3A_1370 = vector.shape_cast %swap3A_1369 : vector<16xi32> to vector<16xi32>
        %swap3A_1371 = vector.shape_cast %select_n3A_1363 : vector<16xi32> to vector<16xi32>
        tpu.vector_store %swap3A_1367[%swap3A_1368], %swap3A_1371 {strides = array<i32>} : memref<128xi32, #tpu.memory_space<vmem>>, vector<16xi32>,
        %get3A_1372 = arith.constant 5 : i32
        %get3A_1373 = arith.constant 0 : i32
        %get3A_1374 = tpu.memref_slice %arg6[%get3A_1372, %get3A_1373] : memref<16x128xi32, #tpu.memory_space<vmem>> -> memref<1x128xi32, #tpu.memory_space<vmem>>
        %get3A_1375 = tpu.memref_squeeze %get3A_1374 : memref<1x128xi32, #tpu.memory_space<vmem>> -> memref<128xi32, #tpu.memory_space<vmem>>
        %get3A_1376 = arith.constant 96 : index
        %get3A_1377 = tpu.vector_load %get3A_1375[%get3A_1376] {strides = array<i32>} : memref<128xi32, #tpu.memory_space<vmem>>, vector<16xi32>,
        %get3A_1378 = vector.shape_cast %get3A_1377 : vector<16xi32> to vector<16xi32>
        %sub3A_1379 = vector.broadcast %mul3A_15 : i32 to vector<16xi32>
        %sub3A_1380 = arith.subi %get3A_1378, %sub3A_1379 : vector<16xi32>
        %bitcast3A_1381 = vector.bitcast %sub3A_1380 : vector<16xi32> to vector<16xi32>
        %ge3A_1382 = arith.constant 1769472 : i32
        %ge3A_1383 = vector.broadcast %ge3A_1382 : i32 to vector<16xi32>
        %ge3A_1384 = arith.cmpi uge, %bitcast3A_1381, %ge3A_1383 : vector<16xi32>
        %and3A_1385 = arith.constant 65535 : i32
        %and3A_1386 = vector.broadcast %and3A_1385 : i32 to vector<16xi32>
        %and3A_1387 = arith.andi %get3A_1378, %and3A_1386 : vector<16xi32>
        %add3A_1388 = arith.constant 1769472 : i32
        %add3A_1389 = vector.broadcast %add3A_1388 : i32 to vector<16xi32>
        %add3A_1390 = arith.addi %add3A_1389, %and3A_1387 : vector<16xi32>
        %select_n3A_1391 = arith.select %ge3A_1384, %add3A_1390, %sub3A_1380 : vector<16xi1>, vector<16xi32>
        %swap3A_1392 = arith.constant 5 : i32
        %swap3A_1393 = arith.constant 0 : i32
        %swap3A_1394 = tpu.memref_slice %arg7[%swap3A_1392, %swap3A_1393] : memref<16x128xi32, #tpu.memory_space<vmem>> -> memref<1x128xi32, #tpu.memory_space<vmem>>
        %swap3A_1395 = tpu.memref_squeeze %swap3A_1394 : memref<1x128xi32, #tpu.memory_space<vmem>> -> memref<128xi32, #tpu.memory_space<vmem>>
        %swap3A_1396 = arith.constant 96 : index
        %swap3A_1397 = tpu.vector_load %swap3A_1395[%swap3A_1396] {strides = array<i32>} : memref<128xi32, #tpu.memory_space<vmem>>, vector<16xi32>,
        %swap3A_1398 = vector.shape_cast %swap3A_1397 : vector<16xi32> to vector<16xi32>
        %swap3A_1399 = vector.shape_cast %select_n3A_1391 : vector<16xi32> to vector<16xi32>
        tpu.vector_store %swap3A_1395[%swap3A_1396], %swap3A_1399 {strides = array<i32>} : memref<128xi32, #tpu.memory_space<vmem>>, vector<16xi32>,
        %get3A_1400 = arith.constant 5 : i32
        %get3A_1401 = arith.constant 0 : i32
        %get3A_1402 = tpu.memref_slice %arg6[%get3A_1400, %get3A_1401] : memref<16x128xi32, #tpu.memory_space<vmem>> -> memref<1x128xi32, #tpu.memory_space<vmem>>
        %get3A_1403 = tpu.memref_squeeze %get3A_1402 : memref<1x128xi32, #tpu.memory_space<vmem>> -> memref<128xi32, #tpu.memory_space<vmem>>
        %get3A_1404 = arith.constant 112 : index
        %get3A_1405 = tpu.vector_load %get3A_1403[%get3A_1404] {strides = array<i32>} : memref<128xi32, #tpu.memory_space<vmem>>, vector<16xi32>,
        %get3A_1406 = vector.shape_cast %get3A_1405 : vector<16xi32> to vector<16xi32>
        %sub3A_1407 = vector.broadcast %mul3A_15 : i32 to vector<16xi32>
        %sub3A_1408 = arith.subi %get3A_1406, %sub3A_1407 : vector<16xi32>
        %bitcast3A_1409 = vector.bitcast %sub3A_1408 : vector<16xi32> to vector<16xi32>
        %ge3A_1410 = arith.constant 1769472 : i32
        %ge3A_1411 = vector.broadcast %ge3A_1410 : i32 to vector<16xi32>
        %ge3A_1412 = arith.cmpi uge, %bitcast3A_1409, %ge3A_1411 : vector<16xi32>
        %and3A_1413 = arith.constant 65535 : i32
        %and3A_1414 = vector.broadcast %and3A_1413 : i32 to vector<16xi32>
        %and3A_1415 = arith.andi %get3A_1406, %and3A_1414 : vector<16xi32>
        %add3A_1416 = arith.constant 1769472 : i32
        %add3A_1417 = vector.broadcast %add3A_1416 : i32 to vector<16xi32>
        %add3A_1418 = arith.addi %add3A_1417, %and3A_1415 : vector<16xi32>
        %select_n3A_1419 = arith.select %ge3A_1412, %add3A_1418, %sub3A_1408 : vector<16xi1>, vector<16xi32>
        %swap3A_1420 = arith.constant 5 : i32
        %swap3A_1421 = arith.constant 0 : i32
        %swap3A_1422 = tpu.memref_slice %arg7[%swap3A_1420, %swap3A_1421] : memref<16x128xi32, #tpu.memory_space<vmem>> -> memref<1x128xi32, #tpu.memory_space<vmem>>
        %swap3A_1423 = tpu.memref_squeeze %swap3A_1422 : memref<1x128xi32, #tpu.memory_space<vmem>> -> memref<128xi32, #tpu.memory_space<vmem>>
        %swap3A_1424 = arith.constant 112 : index
        %swap3A_1425 = tpu.vector_load %swap3A_1423[%swap3A_1424] {strides = array<i32>} : memref<128xi32, #tpu.memory_space<vmem>>, vector<16xi32>,
        %swap3A_1426 = vector.shape_cast %swap3A_1425 : vector<16xi32> to vector<16xi32>
        %swap3A_1427 = vector.shape_cast %select_n3A_1419 : vector<16xi32> to vector<16xi32>
        tpu.vector_store %swap3A_1423[%swap3A_1424], %swap3A_1427 {strides = array<i32>} : memref<128xi32, #tpu.memory_space<vmem>>, vector<16xi32>,
        %get3A_1428 = arith.constant 6 : i32
        %get3A_1429 = arith.constant 0 : i32
        %get3A_1430 = tpu.memref_slice %arg6[%get3A_1428, %get3A_1429] : memref<16x128xi32, #tpu.memory_space<vmem>> -> memref<1x128xi32, #tpu.memory_space<vmem>>
        %get3A_1431 = tpu.memref_squeeze %get3A_1430 : memref<1x128xi32, #tpu.memory_space<vmem>> -> memref<128xi32, #tpu.memory_space<vmem>>
        %get3A_1432 = arith.constant 0 : index
        %get3A_1433 = tpu.vector_load %get3A_1431[%get3A_1432] {strides = array<i32>} : memref<128xi32, #tpu.memory_space<vmem>>, vector<16xi32>,
        %get3A_1434 = vector.shape_cast %get3A_1433 : vector<16xi32> to vector<16xi32>
        %sub3A_1435 = vector.broadcast %mul3A_15 : i32 to vector<16xi32>
        %sub3A_1436 = arith.subi %get3A_1434, %sub3A_1435 : vector<16xi32>
        %bitcast3A_1437 = vector.bitcast %sub3A_1436 : vector<16xi32> to vector<16xi32>
        %ge3A_1438 = arith.constant 1769472 : i32
        %ge3A_1439 = vector.broadcast %ge3A_1438 : i32 to vector<16xi32>
        %ge3A_1440 = arith.cmpi uge, %bitcast3A_1437, %ge3A_1439 : vector<16xi32>
        %and3A_1441 = arith.constant 65535 : i32
        %and3A_1442 = vector.broadcast %and3A_1441 : i32 to vector<16xi32>
        %and3A_1443 = arith.andi %get3A_1434, %and3A_1442 : vector<16xi32>
        %add3A_1444 = arith.constant 1769472 : i32
        %add3A_1445 = vector.broadcast %add3A_1444 : i32 to vector<16xi32>
        %add3A_1446 = arith.addi %add3A_1445, %and3A_1443 : vector<16xi32>
        %select_n3A_1447 = arith.select %ge3A_1440, %add3A_1446, %sub3A_1436 : vector<16xi1>, vector<16xi32>
        %swap3A_1448 = arith.constant 6 : i32
        %swap3A_1449 = arith.constant 0 : i32
        %swap3A_1450 = tpu.memref_slice %arg7[%swap3A_1448, %swap3A_1449] : memref<16x128xi32, #tpu.memory_space<vmem>> -> memref<1x128xi32, #tpu.memory_space<vmem>>
        %swap3A_1451 = tpu.memref_squeeze %swap3A_1450 : memref<1x128xi32, #tpu.memory_space<vmem>> -> memref<128xi32, #tpu.memory_space<vmem>>
        %swap3A_1452 = arith.constant 0 : index
        %swap3A_1453 = tpu.vector_load %swap3A_1451[%swap3A_1452] {strides = array<i32>} : memref<128xi32, #tpu.memory_space<vmem>>, vector<16xi32>,
        %swap3A_1454 = vector.shape_cast %swap3A_1453 : vector<16xi32> to vector<16xi32>
        %swap3A_1455 = vector.shape_cast %select_n3A_1447 : vector<16xi32> to vector<16xi32>
        tpu.vector_store %swap3A_1451[%swap3A_1452], %swap3A_1455 {strides = array<i32>} : memref<128xi32, #tpu.memory_space<vmem>>, vector<16xi32>,
        %get3A_1456 = arith.constant 6 : i32
        %get3A_1457 = arith.constant 0 : i32
        %get3A_1458 = tpu.memref_slice %arg6[%get3A_1456, %get3A_1457] : memref<16x128xi32, #tpu.memory_space<vmem>> -> memref<1x128xi32, #tpu.memory_space<vmem>>
        %get3A_1459 = tpu.memref_squeeze %get3A_1458 : memref<1x128xi32, #tpu.memory_space<vmem>> -> memref<128xi32, #tpu.memory_space<vmem>>
        %get3A_1460 = arith.constant 16 : index
        %get3A_1461 = tpu.vector_load %get3A_1459[%get3A_1460] {strides = array<i32>} : memref<128xi32, #tpu.memory_space<vmem>>, vector<16xi32>,
        %get3A_1462 = vector.shape_cast %get3A_1461 : vector<16xi32> to vector<16xi32>
        %sub3A_1463 = vector.broadcast %mul3A_15 : i32 to vector<16xi32>
        %sub3A_1464 = arith.subi %get3A_1462, %sub3A_1463 : vector<16xi32>
        %bitcast3A_1465 = vector.bitcast %sub3A_1464 : vector<16xi32> to vector<16xi32>
        %ge3A_1466 = arith.constant 1769472 : i32
        %ge3A_1467 = vector.broadcast %ge3A_1466 : i32 to vector<16xi32>
        %ge3A_1468 = arith.cmpi uge, %bitcast3A_1465, %ge3A_1467 : vector<16xi32>
        %and3A_1469 = arith.constant 65535 : i32
        %and3A_1470 = vector.broadcast %and3A_1469 : i32 to vector<16xi32>
        %and3A_1471 = arith.andi %get3A_1462, %and3A_1470 : vector<16xi32>
        %add3A_1472 = arith.constant 1769472 : i32
        %add3A_1473 = vector.broadcast %add3A_1472 : i32 to vector<16xi32>
        %add3A_1474 = arith.addi %add3A_1473, %and3A_1471 : vector<16xi32>
        %select_n3A_1475 = arith.select %ge3A_1468, %add3A_1474, %sub3A_1464 : vector<16xi1>, vector<16xi32>
        %swap3A_1476 = arith.constant 6 : i32
        %swap3A_1477 = arith.constant 0 : i32
        %swap3A_1478 = tpu.memref_slice %arg7[%swap3A_1476, %swap3A_1477] : memref<16x128xi32, #tpu.memory_space<vmem>> -> memref<1x128xi32, #tpu.memory_space<vmem>>
        %swap3A_1479 = tpu.memref_squeeze %swap3A_1478 : memref<1x128xi32, #tpu.memory_space<vmem>> -> memref<128xi32, #tpu.memory_space<vmem>>
        %swap3A_1480 = arith.constant 16 : index
        %swap3A_1481 = tpu.vector_load %swap3A_1479[%swap3A_1480] {strides = array<i32>} : memref<128xi32, #tpu.memory_space<vmem>>, vector<16xi32>,
        %swap3A_1482 = vector.shape_cast %swap3A_1481 : vector<16xi32> to vector<16xi32>
        %swap3A_1483 = vector.shape_cast %select_n3A_1475 : vector<16xi32> to vector<16xi32>
        tpu.vector_store %swap3A_1479[%swap3A_1480], %swap3A_1483 {strides = array<i32>} : memref<128xi32, #tpu.memory_space<vmem>>, vector<16xi32>,
        %get3A_1484 = arith.constant 6 : i32
        %get3A_1485 = arith.constant 0 : i32
        %get3A_1486 = tpu.memref_slice %arg6[%get3A_1484, %get3A_1485] : memref<16x128xi32, #tpu.memory_space<vmem>> -> memref<1x128xi32, #tpu.memory_space<vmem>>
        %get3A_1487 = tpu.memref_squeeze %get3A_1486 : memref<1x128xi32, #tpu.memory_space<vmem>> -> memref<128xi32, #tpu.memory_space<vmem>>
        %get3A_1488 = arith.constant 32 : index
        %get3A_1489 = tpu.vector_load %get3A_1487[%get3A_1488] {strides = array<i32>} : memref<128xi32, #tpu.memory_space<vmem>>, vector<16xi32>,
        %get3A_1490 = vector.shape_cast %get3A_1489 : vector<16xi32> to vector<16xi32>
        %sub3A_1491 = vector.broadcast %mul3A_15 : i32 to vector<16xi32>
        %sub3A_1492 = arith.subi %get3A_1490, %sub3A_1491 : vector<16xi32>
        %bitcast3A_1493 = vector.bitcast %sub3A_1492 : vector<16xi32> to vector<16xi32>
        %ge3A_1494 = arith.constant 1769472 : i32
        %ge3A_1495 = vector.broadcast %ge3A_1494 : i32 to vector<16xi32>
        %ge3A_1496 = arith.cmpi uge, %bitcast3A_1493, %ge3A_1495 : vector<16xi32>
        %and3A_1497 = arith.constant 65535 : i32
        %and3A_1498 = vector.broadcast %and3A_1497 : i32 to vector<16xi32>
        %and3A_1499 = arith.andi %get3A_1490, %and3A_1498 : vector<16xi32>
        %add3A_1500 = arith.constant 1769472 : i32
        %add3A_1501 = vector.broadcast %add3A_1500 : i32 to vector<16xi32>
        %add3A_1502 = arith.addi %add3A_1501, %and3A_1499 : vector<16xi32>
        %select_n3A_1503 = arith.select %ge3A_1496, %add3A_1502, %sub3A_1492 : vector<16xi1>, vector<16xi32>
        %swap3A_1504 = arith.constant 6 : i32
        %swap3A_1505 = arith.constant 0 : i32
        %swap3A_1506 = tpu.memref_slice %arg7[%swap3A_1504, %swap3A_1505] : memref<16x128xi32, #tpu.memory_space<vmem>> -> memref<1x128xi32, #tpu.memory_space<vmem>>
        %swap3A_1507 = tpu.memref_squeeze %swap3A_1506 : memref<1x128xi32, #tpu.memory_space<vmem>> -> memref<128xi32, #tpu.memory_space<vmem>>
        %swap3A_1508 = arith.constant 32 : index
        %swap3A_1509 = tpu.vector_load %swap3A_1507[%swap3A_1508] {strides = array<i32>} : memref<128xi32, #tpu.memory_space<vmem>>, vector<16xi32>,
        %swap3A_1510 = vector.shape_cast %swap3A_1509 : vector<16xi32> to vector<16xi32>
        %swap3A_1511 = vector.shape_cast %select_n3A_1503 : vector<16xi32> to vector<16xi32>
        tpu.vector_store %swap3A_1507[%swap3A_1508], %swap3A_1511 {strides = array<i32>} : memref<128xi32, #tpu.memory_space<vmem>>, vector<16xi32>,
        %get3A_1512 = arith.constant 6 : i32
        %get3A_1513 = arith.constant 0 : i32
        %get3A_1514 = tpu.memref_slice %arg6[%get3A_1512, %get3A_1513] : memref<16x128xi32, #tpu.memory_space<vmem>> -> memref<1x128xi32, #tpu.memory_space<vmem>>
        %get3A_1515 = tpu.memref_squeeze %get3A_1514 : memref<1x128xi32, #tpu.memory_space<vmem>> -> memref<128xi32, #tpu.memory_space<vmem>>
        %get3A_1516 = arith.constant 48 : index
        %get3A_1517 = tpu.vector_load %get3A_1515[%get3A_1516] {strides = array<i32>} : memref<128xi32, #tpu.memory_space<vmem>>, vector<16xi32>,
        %get3A_1518 = vector.shape_cast %get3A_1517 : vector<16xi32> to vector<16xi32>
        %sub3A_1519 = vector.broadcast %mul3A_15 : i32 to vector<16xi32>
        %sub3A_1520 = arith.subi %get3A_1518, %sub3A_1519 : vector<16xi32>
        %bitcast3A_1521 = vector.bitcast %sub3A_1520 : vector<16xi32> to vector<16xi32>
        %ge3A_1522 = arith.constant 1769472 : i32
        %ge3A_1523 = vector.broadcast %ge3A_1522 : i32 to vector<16xi32>
        %ge3A_1524 = arith.cmpi uge, %bitcast3A_1521, %ge3A_1523 : vector<16xi32>
        %and3A_1525 = arith.constant 65535 : i32
        %and3A_1526 = vector.broadcast %and3A_1525 : i32 to vector<16xi32>
        %and3A_1527 = arith.andi %get3A_1518, %and3A_1526 : vector<16xi32>
        %add3A_1528 = arith.constant 1769472 : i32
        %add3A_1529 = vector.broadcast %add3A_1528 : i32 to vector<16xi32>
        %add3A_1530 = arith.addi %add3A_1529, %and3A_1527 : vector<16xi32>
        %select_n3A_1531 = arith.select %ge3A_1524, %add3A_1530, %sub3A_1520 : vector<16xi1>, vector<16xi32>
        %swap3A_1532 = arith.constant 6 : i32
        %swap3A_1533 = arith.constant 0 : i32
        %swap3A_1534 = tpu.memref_slice %arg7[%swap3A_1532, %swap3A_1533] : memref<16x128xi32, #tpu.memory_space<vmem>> -> memref<1x128xi32, #tpu.memory_space<vmem>>
        %swap3A_1535 = tpu.memref_squeeze %swap3A_1534 : memref<1x128xi32, #tpu.memory_space<vmem>> -> memref<128xi32, #tpu.memory_space<vmem>>
        %swap3A_1536 = arith.constant 48 : index
        %swap3A_1537 = tpu.vector_load %swap3A_1535[%swap3A_1536] {strides = array<i32>} : memref<128xi32, #tpu.memory_space<vmem>>, vector<16xi32>,
        %swap3A_1538 = vector.shape_cast %swap3A_1537 : vector<16xi32> to vector<16xi32>
        %swap3A_1539 = vector.shape_cast %select_n3A_1531 : vector<16xi32> to vector<16xi32>
        tpu.vector_store %swap3A_1535[%swap3A_1536], %swap3A_1539 {strides = array<i32>} : memref<128xi32, #tpu.memory_space<vmem>>, vector<16xi32>,
        %get3A_1540 = arith.constant 6 : i32
        %get3A_1541 = arith.constant 0 : i32
        %get3A_1542 = tpu.memref_slice %arg6[%get3A_1540, %get3A_1541] : memref<16x128xi32, #tpu.memory_space<vmem>> -> memref<1x128xi32, #tpu.memory_space<vmem>>
        %get3A_1543 = tpu.memref_squeeze %get3A_1542 : memref<1x128xi32, #tpu.memory_space<vmem>> -> memref<128xi32, #tpu.memory_space<vmem>>
        %get3A_1544 = arith.constant 64 : index
        %get3A_1545 = tpu.vector_load %get3A_1543[%get3A_1544] {strides = array<i32>} : memref<128xi32, #tpu.memory_space<vmem>>, vector<16xi32>,
        %get3A_1546 = vector.shape_cast %get3A_1545 : vector<16xi32> to vector<16xi32>
        %sub3A_1547 = vector.broadcast %mul3A_15 : i32 to vector<16xi32>
        %sub3A_1548 = arith.subi %get3A_1546, %sub3A_1547 : vector<16xi32>
        %bitcast3A_1549 = vector.bitcast %sub3A_1548 : vector<16xi32> to vector<16xi32>
        %ge3A_1550 = arith.constant 1769472 : i32
        %ge3A_1551 = vector.broadcast %ge3A_1550 : i32 to vector<16xi32>
        %ge3A_1552 = arith.cmpi uge, %bitcast3A_1549, %ge3A_1551 : vector<16xi32>
        %and3A_1553 = arith.constant 65535 : i32
        %and3A_1554 = vector.broadcast %and3A_1553 : i32 to vector<16xi32>
        %and3A_1555 = arith.andi %get3A_1546, %and3A_1554 : vector<16xi32>
        %add3A_1556 = arith.constant 1769472 : i32
        %add3A_1557 = vector.broadcast %add3A_1556 : i32 to vector<16xi32>
        %add3A_1558 = arith.addi %add3A_1557, %and3A_1555 : vector<16xi32>
        %select_n3A_1559 = arith.select %ge3A_1552, %add3A_1558, %sub3A_1548 : vector<16xi1>, vector<16xi32>
        %swap3A_1560 = arith.constant 6 : i32
        %swap3A_1561 = arith.constant 0 : i32
        %swap3A_1562 = tpu.memref_slice %arg7[%swap3A_1560, %swap3A_1561] : memref<16x128xi32, #tpu.memory_space<vmem>> -> memref<1x128xi32, #tpu.memory_space<vmem>>
        %swap3A_1563 = tpu.memref_squeeze %swap3A_1562 : memref<1x128xi32, #tpu.memory_space<vmem>> -> memref<128xi32, #tpu.memory_space<vmem>>
        %swap3A_1564 = arith.constant 64 : index
        %swap3A_1565 = tpu.vector_load %swap3A_1563[%swap3A_1564] {strides = array<i32>} : memref<128xi32, #tpu.memory_space<vmem>>, vector<16xi32>,
        %swap3A_1566 = vector.shape_cast %swap3A_1565 : vector<16xi32> to vector<16xi32>
        %swap3A_1567 = vector.shape_cast %select_n3A_1559 : vector<16xi32> to vector<16xi32>
        tpu.vector_store %swap3A_1563[%swap3A_1564], %swap3A_1567 {strides = array<i32>} : memref<128xi32, #tpu.memory_space<vmem>>, vector<16xi32>,
        %get3A_1568 = arith.constant 6 : i32
        %get3A_1569 = arith.constant 0 : i32
        %get3A_1570 = tpu.memref_slice %arg6[%get3A_1568, %get3A_1569] : memref<16x128xi32, #tpu.memory_space<vmem>> -> memref<1x128xi32, #tpu.memory_space<vmem>>
        %get3A_1571 = tpu.memref_squeeze %get3A_1570 : memref<1x128xi32, #tpu.memory_space<vmem>> -> memref<128xi32, #tpu.memory_space<vmem>>
        %get3A_1572 = arith.constant 80 : index
        %get3A_1573 = tpu.vector_load %get3A_1571[%get3A_1572] {strides = array<i32>} : memref<128xi32, #tpu.memory_space<vmem>>, vector<16xi32>,
        %get3A_1574 = vector.shape_cast %get3A_1573 : vector<16xi32> to vector<16xi32>
        %sub3A_1575 = vector.broadcast %mul3A_15 : i32 to vector<16xi32>
        %sub3A_1576 = arith.subi %get3A_1574, %sub3A_1575 : vector<16xi32>
        %bitcast3A_1577 = vector.bitcast %sub3A_1576 : vector<16xi32> to vector<16xi32>
        %ge3A_1578 = arith.constant 1769472 : i32
        %ge3A_1579 = vector.broadcast %ge3A_1578 : i32 to vector<16xi32>
        %ge3A_1580 = arith.cmpi uge, %bitcast3A_1577, %ge3A_1579 : vector<16xi32>
        %and3A_1581 = arith.constant 65535 : i32
        %and3A_1582 = vector.broadcast %and3A_1581 : i32 to vector<16xi32>
        %and3A_1583 = arith.andi %get3A_1574, %and3A_1582 : vector<16xi32>
        %add3A_1584 = arith.constant 1769472 : i32
        %add3A_1585 = vector.broadcast %add3A_1584 : i32 to vector<16xi32>
        %add3A_1586 = arith.addi %add3A_1585, %and3A_1583 : vector<16xi32>
        %select_n3A_1587 = arith.select %ge3A_1580, %add3A_1586, %sub3A_1576 : vector<16xi1>, vector<16xi32>
        %swap3A_1588 = arith.constant 6 : i32
        %swap3A_1589 = arith.constant 0 : i32
        %swap3A_1590 = tpu.memref_slice %arg7[%swap3A_1588, %swap3A_1589] : memref<16x128xi32, #tpu.memory_space<vmem>> -> memref<1x128xi32, #tpu.memory_space<vmem>>
        %swap3A_1591 = tpu.memref_squeeze %swap3A_1590 : memref<1x128xi32, #tpu.memory_space<vmem>> -> memref<128xi32, #tpu.memory_space<vmem>>
        %swap3A_1592 = arith.constant 80 : index
        %swap3A_1593 = tpu.vector_load %swap3A_1591[%swap3A_1592] {strides = array<i32>} : memref<128xi32, #tpu.memory_space<vmem>>, vector<16xi32>,
        %swap3A_1594 = vector.shape_cast %swap3A_1593 : vector<16xi32> to vector<16xi32>
        %swap3A_1595 = vector.shape_cast %select_n3A_1587 : vector<16xi32> to vector<16xi32>
        tpu.vector_store %swap3A_1591[%swap3A_1592], %swap3A_1595 {strides = array<i32>} : memref<128xi32, #tpu.memory_space<vmem>>, vector<16xi32>,
        %get3A_1596 = arith.constant 6 : i32
        %get3A_1597 = arith.constant 0 : i32
        %get3A_1598 = tpu.memref_slice %arg6[%get3A_1596, %get3A_1597] : memref<16x128xi32, #tpu.memory_space<vmem>> -> memref<1x128xi32, #tpu.memory_space<vmem>>
        %get3A_1599 = tpu.memref_squeeze %get3A_1598 : memref<1x128xi32, #tpu.memory_space<vmem>> -> memref<128xi32, #tpu.memory_space<vmem>>
        %get3A_1600 = arith.constant 96 : index
        %get3A_1601 = tpu.vector_load %get3A_1599[%get3A_1600] {strides = array<i32>} : memref<128xi32, #tpu.memory_space<vmem>>, vector<16xi32>,
        %get3A_1602 = vector.shape_cast %get3A_1601 : vector<16xi32> to vector<16xi32>
        %sub3A_1603 = vector.broadcast %mul3A_15 : i32 to vector<16xi32>
        %sub3A_1604 = arith.subi %get3A_1602, %sub3A_1603 : vector<16xi32>
        %bitcast3A_1605 = vector.bitcast %sub3A_1604 : vector<16xi32> to vector<16xi32>
        %ge3A_1606 = arith.constant 1769472 : i32
        %ge3A_1607 = vector.broadcast %ge3A_1606 : i32 to vector<16xi32>
        %ge3A_1608 = arith.cmpi uge, %bitcast3A_1605, %ge3A_1607 : vector<16xi32>
        %and3A_1609 = arith.constant 65535 : i32
        %and3A_1610 = vector.broadcast %and3A_1609 : i32 to vector<16xi32>
        %and3A_1611 = arith.andi %get3A_1602, %and3A_1610 : vector<16xi32>
        %add3A_1612 = arith.constant 1769472 : i32
        %add3A_1613 = vector.broadcast %add3A_1612 : i32 to vector<16xi32>
        %add3A_1614 = arith.addi %add3A_1613, %and3A_1611 : vector<16xi32>
        %select_n3A_1615 = arith.select %ge3A_1608, %add3A_1614, %sub3A_1604 : vector<16xi1>, vector<16xi32>
        %swap3A_1616 = arith.constant 6 : i32
        %swap3A_1617 = arith.constant 0 : i32
        %swap3A_1618 = tpu.memref_slice %arg7[%swap3A_1616, %swap3A_1617] : memref<16x128xi32, #tpu.memory_space<vmem>> -> memref<1x128xi32, #tpu.memory_space<vmem>>
        %swap3A_1619 = tpu.memref_squeeze %swap3A_1618 : memref<1x128xi32, #tpu.memory_space<vmem>> -> memref<128xi32, #tpu.memory_space<vmem>>
        %swap3A_1620 = arith.constant 96 : index
        %swap3A_1621 = tpu.vector_load %swap3A_1619[%swap3A_1620] {strides = array<i32>} : memref<128xi32, #tpu.memory_space<vmem>>, vector<16xi32>,
        %swap3A_1622 = vector.shape_cast %swap3A_1621 : vector<16xi32> to vector<16xi32>
        %swap3A_1623 = vector.shape_cast %select_n3A_1615 : vector<16xi32> to vector<16xi32>
        tpu.vector_store %swap3A_1619[%swap3A_1620], %swap3A_1623 {strides = array<i32>} : memref<128xi32, #tpu.memory_space<vmem>>, vector<16xi32>,
        %get3A_1624 = arith.constant 6 : i32
        %get3A_1625 = arith.constant 0 : i32
        %get3A_1626 = tpu.memref_slice %arg6[%get3A_1624, %get3A_1625] : memref<16x128xi32, #tpu.memory_space<vmem>> -> memref<1x128xi32, #tpu.memory_space<vmem>>
        %get3A_1627 = tpu.memref_squeeze %get3A_1626 : memref<1x128xi32, #tpu.memory_space<vmem>> -> memref<128xi32, #tpu.memory_space<vmem>>
        %get3A_1628 = arith.constant 112 : index
        %get3A_1629 = tpu.vector_load %get3A_1627[%get3A_1628] {strides = array<i32>} : memref<128xi32, #tpu.memory_space<vmem>>, vector<16xi32>,
        %get3A_1630 = vector.shape_cast %get3A_1629 : vector<16xi32> to vector<16xi32>
        %sub3A_1631 = vector.broadcast %mul3A_15 : i32 to vector<16xi32>
        %sub3A_1632 = arith.subi %get3A_1630, %sub3A_1631 : vector<16xi32>
        %bitcast3A_1633 = vector.bitcast %sub3A_1632 : vector<16xi32> to vector<16xi32>
        %ge3A_1634 = arith.constant 1769472 : i32
        %ge3A_1635 = vector.broadcast %ge3A_1634 : i32 to vector<16xi32>
        %ge3A_1636 = arith.cmpi uge, %bitcast3A_1633, %ge3A_1635 : vector<16xi32>
        %and3A_1637 = arith.constant 65535 : i32
        %and3A_1638 = vector.broadcast %and3A_1637 : i32 to vector<16xi32>
        %and3A_1639 = arith.andi %get3A_1630, %and3A_1638 : vector<16xi32>
        %add3A_1640 = arith.constant 1769472 : i32
        %add3A_1641 = vector.broadcast %add3A_1640 : i32 to vector<16xi32>
        %add3A_1642 = arith.addi %add3A_1641, %and3A_1639 : vector<16xi32>
        %select_n3A_1643 = arith.select %ge3A_1636, %add3A_1642, %sub3A_1632 : vector<16xi1>, vector<16xi32>
        %swap3A_1644 = arith.constant 6 : i32
        %swap3A_1645 = arith.constant 0 : i32
        %swap3A_1646 = tpu.memref_slice %arg7[%swap3A_1644, %swap3A_1645] : memref<16x128xi32, #tpu.memory_space<vmem>> -> memref<1x128xi32, #tpu.memory_space<vmem>>
        %swap3A_1647 = tpu.memref_squeeze %swap3A_1646 : memref<1x128xi32, #tpu.memory_space<vmem>> -> memref<128xi32, #tpu.memory_space<vmem>>
        %swap3A_1648 = arith.constant 112 : index
        %swap3A_1649 = tpu.vector_load %swap3A_1647[%swap3A_1648] {strides = array<i32>} : memref<128xi32, #tpu.memory_space<vmem>>, vector<16xi32>,
        %swap3A_1650 = vector.shape_cast %swap3A_1649 : vector<16xi32> to vector<16xi32>
        %swap3A_1651 = vector.shape_cast %select_n3A_1643 : vector<16xi32> to vector<16xi32>
        tpu.vector_store %swap3A_1647[%swap3A_1648], %swap3A_1651 {strides = array<i32>} : memref<128xi32, #tpu.memory_space<vmem>>, vector<16xi32>,
        %get3A_1652 = arith.constant 7 : i32
        %get3A_1653 = arith.constant 0 : i32
        %get3A_1654 = tpu.memref_slice %arg6[%get3A_1652, %get3A_1653] : memref<16x128xi32, #tpu.memory_space<vmem>> -> memref<1x128xi32, #tpu.memory_space<vmem>>
        %get3A_1655 = tpu.memref_squeeze %get3A_1654 : memref<1x128xi32, #tpu.memory_space<vmem>> -> memref<128xi32, #tpu.memory_space<vmem>>
        %get3A_1656 = arith.constant 0 : index
        %get3A_1657 = tpu.vector_load %get3A_1655[%get3A_1656] {strides = array<i32>} : memref<128xi32, #tpu.memory_space<vmem>>, vector<16xi32>,
        %get3A_1658 = vector.shape_cast %get3A_1657 : vector<16xi32> to vector<16xi32>
        %sub3A_1659 = vector.broadcast %mul3A_15 : i32 to vector<16xi32>
        %sub3A_1660 = arith.subi %get3A_1658, %sub3A_1659 : vector<16xi32>
        %bitcast3A_1661 = vector.bitcast %sub3A_1660 : vector<16xi32> to vector<16xi32>
        %ge3A_1662 = arith.constant 1769472 : i32
        %ge3A_1663 = vector.broadcast %ge3A_1662 : i32 to vector<16xi32>
        %ge3A_1664 = arith.cmpi uge, %bitcast3A_1661, %ge3A_1663 : vector<16xi32>
        %and3A_1665 = arith.constant 65535 : i32
        %and3A_1666 = vector.broadcast %and3A_1665 : i32 to vector<16xi32>
        %and3A_1667 = arith.andi %get3A_1658, %and3A_1666 : vector<16xi32>
        %add3A_1668 = arith.constant 1769472 : i32
        %add3A_1669 = vector.broadcast %add3A_1668 : i32 to vector<16xi32>
        %add3A_1670 = arith.addi %add3A_1669, %and3A_1667 : vector<16xi32>
        %select_n3A_1671 = arith.select %ge3A_1664, %add3A_1670, %sub3A_1660 : vector<16xi1>, vector<16xi32>
        %swap3A_1672 = arith.constant 7 : i32
        %swap3A_1673 = arith.constant 0 : i32
        %swap3A_1674 = tpu.memref_slice %arg7[%swap3A_1672, %swap3A_1673] : memref<16x128xi32, #tpu.memory_space<vmem>> -> memref<1x128xi32, #tpu.memory_space<vmem>>
        %swap3A_1675 = tpu.memref_squeeze %swap3A_1674 : memref<1x128xi32, #tpu.memory_space<vmem>> -> memref<128xi32, #tpu.memory_space<vmem>>
        %swap3A_1676 = arith.constant 0 : index
        %swap3A_1677 = tpu.vector_load %swap3A_1675[%swap3A_1676] {strides = array<i32>} : memref<128xi32, #tpu.memory_space<vmem>>, vector<16xi32>,
        %swap3A_1678 = vector.shape_cast %swap3A_1677 : vector<16xi32> to vector<16xi32>
        %swap3A_1679 = vector.shape_cast %select_n3A_1671 : vector<16xi32> to vector<16xi32>
        tpu.vector_store %swap3A_1675[%swap3A_1676], %swap3A_1679 {strides = array<i32>} : memref<128xi32, #tpu.memory_space<vmem>>, vector<16xi32>,
        %get3A_1680 = arith.constant 7 : i32
        %get3A_1681 = arith.constant 0 : i32
        %get3A_1682 = tpu.memref_slice %arg6[%get3A_1680, %get3A_1681] : memref<16x128xi32, #tpu.memory_space<vmem>> -> memref<1x128xi32, #tpu.memory_space<vmem>>
        %get3A_1683 = tpu.memref_squeeze %get3A_1682 : memref<1x128xi32, #tpu.memory_space<vmem>> -> memref<128xi32, #tpu.memory_space<vmem>>
        %get3A_1684 = arith.constant 16 : index
        %get3A_1685 = tpu.vector_load %get3A_1683[%get3A_1684] {strides = array<i32>} : memref<128xi32, #tpu.memory_space<vmem>>, vector<16xi32>,
        %get3A_1686 = vector.shape_cast %get3A_1685 : vector<16xi32> to vector<16xi32>
        %sub3A_1687 = vector.broadcast %mul3A_15 : i32 to vector<16xi32>
        %sub3A_1688 = arith.subi %get3A_1686, %sub3A_1687 : vector<16xi32>
        %bitcast3A_1689 = vector.bitcast %sub3A_1688 : vector<16xi32> to vector<16xi32>
        %ge3A_1690 = arith.constant 1769472 : i32
        %ge3A_1691 = vector.broadcast %ge3A_1690 : i32 to vector<16xi32>
        %ge3A_1692 = arith.cmpi uge, %bitcast3A_1689, %ge3A_1691 : vector<16xi32>
        %and3A_1693 = arith.constant 65535 : i32
        %and3A_1694 = vector.broadcast %and3A_1693 : i32 to vector<16xi32>
        %and3A_1695 = arith.andi %get3A_1686, %and3A_1694 : vector<16xi32>
        %add3A_1696 = arith.constant 1769472 : i32
        %add3A_1697 = vector.broadcast %add3A_1696 : i32 to vector<16xi32>
        %add3A_1698 = arith.addi %add3A_1697, %and3A_1695 : vector<16xi32>
        %select_n3A_1699 = arith.select %ge3A_1692, %add3A_1698, %sub3A_1688 : vector<16xi1>, vector<16xi32>
        %swap3A_1700 = arith.constant 7 : i32
        %swap3A_1701 = arith.constant 0 : i32
        %swap3A_1702 = tpu.memref_slice %arg7[%swap3A_1700, %swap3A_1701] : memref<16x128xi32, #tpu.memory_space<vmem>> -> memref<1x128xi32, #tpu.memory_space<vmem>>
        %swap3A_1703 = tpu.memref_squeeze %swap3A_1702 : memref<1x128xi32, #tpu.memory_space<vmem>> -> memref<128xi32, #tpu.memory_space<vmem>>
        %swap3A_1704 = arith.constant 16 : index
        %swap3A_1705 = tpu.vector_load %swap3A_1703[%swap3A_1704] {strides = array<i32>} : memref<128xi32, #tpu.memory_space<vmem>>, vector<16xi32>,
        %swap3A_1706 = vector.shape_cast %swap3A_1705 : vector<16xi32> to vector<16xi32>
        %swap3A_1707 = vector.shape_cast %select_n3A_1699 : vector<16xi32> to vector<16xi32>
        tpu.vector_store %swap3A_1703[%swap3A_1704], %swap3A_1707 {strides = array<i32>} : memref<128xi32, #tpu.memory_space<vmem>>, vector<16xi32>,
        %get3A_1708 = arith.constant 7 : i32
        %get3A_1709 = arith.constant 0 : i32
        %get3A_1710 = tpu.memref_slice %arg6[%get3A_1708, %get3A_1709] : memref<16x128xi32, #tpu.memory_space<vmem>> -> memref<1x128xi32, #tpu.memory_space<vmem>>
        %get3A_1711 = tpu.memref_squeeze %get3A_1710 : memref<1x128xi32, #tpu.memory_space<vmem>> -> memref<128xi32, #tpu.memory_space<vmem>>
        %get3A_1712 = arith.constant 32 : index
        %get3A_1713 = tpu.vector_load %get3A_1711[%get3A_1712] {strides = array<i32>} : memref<128xi32, #tpu.memory_space<vmem>>, vector<16xi32>,
        %get3A_1714 = vector.shape_cast %get3A_1713 : vector<16xi32> to vector<16xi32>
        %sub3A_1715 = vector.broadcast %mul3A_15 : i32 to vector<16xi32>
        %sub3A_1716 = arith.subi %get3A_1714, %sub3A_1715 : vector<16xi32>
        %bitcast3A_1717 = vector.bitcast %sub3A_1716 : vector<16xi32> to vector<16xi32>
        %ge3A_1718 = arith.constant 1769472 : i32
        %ge3A_1719 = vector.broadcast %ge3A_1718 : i32 to vector<16xi32>
        %ge3A_1720 = arith.cmpi uge, %bitcast3A_1717, %ge3A_1719 : vector<16xi32>
        %and3A_1721 = arith.constant 65535 : i32
        %and3A_1722 = vector.broadcast %and3A_1721 : i32 to vector<16xi32>
        %and3A_1723 = arith.andi %get3A_1714, %and3A_1722 : vector<16xi32>
        %add3A_1724 = arith.constant 1769472 : i32
        %add3A_1725 = vector.broadcast %add3A_1724 : i32 to vector<16xi32>
        %add3A_1726 = arith.addi %add3A_1725, %and3A_1723 : vector<16xi32>
        %select_n3A_1727 = arith.select %ge3A_1720, %add3A_1726, %sub3A_1716 : vector<16xi1>, vector<16xi32>
        %swap3A_1728 = arith.constant 7 : i32
        %swap3A_1729 = arith.constant 0 : i32
        %swap3A_1730 = tpu.memref_slice %arg7[%swap3A_1728, %swap3A_1729] : memref<16x128xi32, #tpu.memory_space<vmem>> -> memref<1x128xi32, #tpu.memory_space<vmem>>
        %swap3A_1731 = tpu.memref_squeeze %swap3A_1730 : memref<1x128xi32, #tpu.memory_space<vmem>> -> memref<128xi32, #tpu.memory_space<vmem>>
        %swap3A_1732 = arith.constant 32 : index
        %swap3A_1733 = tpu.vector_load %swap3A_1731[%swap3A_1732] {strides = array<i32>} : memref<128xi32, #tpu.memory_space<vmem>>, vector<16xi32>,
        %swap3A_1734 = vector.shape_cast %swap3A_1733 : vector<16xi32> to vector<16xi32>
        %swap3A_1735 = vector.shape_cast %select_n3A_1727 : vector<16xi32> to vector<16xi32>
        tpu.vector_store %swap3A_1731[%swap3A_1732], %swap3A_1735 {strides = array<i32>} : memref<128xi32, #tpu.memory_space<vmem>>, vector<16xi32>,
        %get3A_1736 = arith.constant 7 : i32
        %get3A_1737 = arith.constant 0 : i32
        %get3A_1738 = tpu.memref_slice %arg6[%get3A_1736, %get3A_1737] : memref<16x128xi32, #tpu.memory_space<vmem>> -> memref<1x128xi32, #tpu.memory_space<vmem>>
        %get3A_1739 = tpu.memref_squeeze %get3A_1738 : memref<1x128xi32, #tpu.memory_space<vmem>> -> memref<128xi32, #tpu.memory_space<vmem>>
        %get3A_1740 = arith.constant 48 : index
        %get3A_1741 = tpu.vector_load %get3A_1739[%get3A_1740] {strides = array<i32>} : memref<128xi32, #tpu.memory_space<vmem>>, vector<16xi32>,
        %get3A_1742 = vector.shape_cast %get3A_1741 : vector<16xi32> to vector<16xi32>
        %sub3A_1743 = vector.broadcast %mul3A_15 : i32 to vector<16xi32>
        %sub3A_1744 = arith.subi %get3A_1742, %sub3A_1743 : vector<16xi32>
        %bitcast3A_1745 = vector.bitcast %sub3A_1744 : vector<16xi32> to vector<16xi32>
        %ge3A_1746 = arith.constant 1769472 : i32
        %ge3A_1747 = vector.broadcast %ge3A_1746 : i32 to vector<16xi32>
        %ge3A_1748 = arith.cmpi uge, %bitcast3A_1745, %ge3A_1747 : vector<16xi32>
        %and3A_1749 = arith.constant 65535 : i32
        %and3A_1750 = vector.broadcast %and3A_1749 : i32 to vector<16xi32>
        %and3A_1751 = arith.andi %get3A_1742, %and3A_1750 : vector<16xi32>
        %add3A_1752 = arith.constant 1769472 : i32
        %add3A_1753 = vector.broadcast %add3A_1752 : i32 to vector<16xi32>
        %add3A_1754 = arith.addi %add3A_1753, %and3A_1751 : vector<16xi32>
        %select_n3A_1755 = arith.select %ge3A_1748, %add3A_1754, %sub3A_1744 : vector<16xi1>, vector<16xi32>
        %swap3A_1756 = arith.constant 7 : i32
        %swap3A_1757 = arith.constant 0 : i32
        %swap3A_1758 = tpu.memref_slice %arg7[%swap3A_1756, %swap3A_1757] : memref<16x128xi32, #tpu.memory_space<vmem>> -> memref<1x128xi32, #tpu.memory_space<vmem>>
        %swap3A_1759 = tpu.memref_squeeze %swap3A_1758 : memref<1x128xi32, #tpu.memory_space<vmem>> -> memref<128xi32, #tpu.memory_space<vmem>>
        %swap3A_1760 = arith.constant 48 : index
        %swap3A_1761 = tpu.vector_load %swap3A_1759[%swap3A_1760] {strides = array<i32>} : memref<128xi32, #tpu.memory_space<vmem>>, vector<16xi32>,
        %swap3A_1762 = vector.shape_cast %swap3A_1761 : vector<16xi32> to vector<16xi32>
        %swap3A_1763 = vector.shape_cast %select_n3A_1755 : vector<16xi32> to vector<16xi32>
        tpu.vector_store %swap3A_1759[%swap3A_1760], %swap3A_1763 {strides = array<i32>} : memref<128xi32, #tpu.memory_space<vmem>>, vector<16xi32>,
        %get3A_1764 = arith.constant 7 : i32
        %get3A_1765 = arith.constant 0 : i32
        %get3A_1766 = tpu.memref_slice %arg6[%get3A_1764, %get3A_1765] : memref<16x128xi32, #tpu.memory_space<vmem>> -> memref<1x128xi32, #tpu.memory_space<vmem>>
        %get3A_1767 = tpu.memref_squeeze %get3A_1766 : memref<1x128xi32, #tpu.memory_space<vmem>> -> memref<128xi32, #tpu.memory_space<vmem>>
        %get3A_1768 = arith.constant 64 : index
        %get3A_1769 = tpu.vector_load %get3A_1767[%get3A_1768] {strides = array<i32>} : memref<128xi32, #tpu.memory_space<vmem>>, vector<16xi32>,
        %get3A_1770 = vector.shape_cast %get3A_1769 : vector<16xi32> to vector<16xi32>
        %sub3A_1771 = vector.broadcast %mul3A_15 : i32 to vector<16xi32>
        %sub3A_1772 = arith.subi %get3A_1770, %sub3A_1771 : vector<16xi32>
        %bitcast3A_1773 = vector.bitcast %sub3A_1772 : vector<16xi32> to vector<16xi32>
        %ge3A_1774 = arith.constant 1769472 : i32
        %ge3A_1775 = vector.broadcast %ge3A_1774 : i32 to vector<16xi32>
        %ge3A_1776 = arith.cmpi uge, %bitcast3A_1773, %ge3A_1775 : vector<16xi32>
        %and3A_1777 = arith.constant 65535 : i32
        %and3A_1778 = vector.broadcast %and3A_1777 : i32 to vector<16xi32>
        %and3A_1779 = arith.andi %get3A_1770, %and3A_1778 : vector<16xi32>
        %add3A_1780 = arith.constant 1769472 : i32
        %add3A_1781 = vector.broadcast %add3A_1780 : i32 to vector<16xi32>
        %add3A_1782 = arith.addi %add3A_1781, %and3A_1779 : vector<16xi32>
        %select_n3A_1783 = arith.select %ge3A_1776, %add3A_1782, %sub3A_1772 : vector<16xi1>, vector<16xi32>
        %swap3A_1784 = arith.constant 7 : i32
        %swap3A_1785 = arith.constant 0 : i32
        %swap3A_1786 = tpu.memref_slice %arg7[%swap3A_1784, %swap3A_1785] : memref<16x128xi32, #tpu.memory_space<vmem>> -> memref<1x128xi32, #tpu.memory_space<vmem>>
        %swap3A_1787 = tpu.memref_squeeze %swap3A_1786 : memref<1x128xi32, #tpu.memory_space<vmem>> -> memref<128xi32, #tpu.memory_space<vmem>>
        %swap3A_1788 = arith.constant 64 : index
        %swap3A_1789 = tpu.vector_load %swap3A_1787[%swap3A_1788] {strides = array<i32>} : memref<128xi32, #tpu.memory_space<vmem>>, vector<16xi32>,
        %swap3A_1790 = vector.shape_cast %swap3A_1789 : vector<16xi32> to vector<16xi32>
        %swap3A_1791 = vector.shape_cast %select_n3A_1783 : vector<16xi32> to vector<16xi32>
        tpu.vector_store %swap3A_1787[%swap3A_1788], %swap3A_1791 {strides = array<i32>} : memref<128xi32, #tpu.memory_space<vmem>>, vector<16xi32>,
        %get3A_1792 = arith.constant 7 : i32
        %get3A_1793 = arith.constant 0 : i32
        %get3A_1794 = tpu.memref_slice %arg6[%get3A_1792, %get3A_1793] : memref<16x128xi32, #tpu.memory_space<vmem>> -> memref<1x128xi32, #tpu.memory_space<vmem>>
        %get3A_1795 = tpu.memref_squeeze %get3A_1794 : memref<1x128xi32, #tpu.memory_space<vmem>> -> memref<128xi32, #tpu.memory_space<vmem>>
        %get3A_1796 = arith.constant 80 : index
        %get3A_1797 = tpu.vector_load %get3A_1795[%get3A_1796] {strides = array<i32>} : memref<128xi32, #tpu.memory_space<vmem>>, vector<16xi32>,
        %get3A_1798 = vector.shape_cast %get3A_1797 : vector<16xi32> to vector<16xi32>
        %sub3A_1799 = vector.broadcast %mul3A_15 : i32 to vector<16xi32>
        %sub3A_1800 = arith.subi %get3A_1798, %sub3A_1799 : vector<16xi32>
        %bitcast3A_1801 = vector.bitcast %sub3A_1800 : vector<16xi32> to vector<16xi32>
        %ge3A_1802 = arith.constant 1769472 : i32
        %ge3A_1803 = vector.broadcast %ge3A_1802 : i32 to vector<16xi32>
        %ge3A_1804 = arith.cmpi uge, %bitcast3A_1801, %ge3A_1803 : vector<16xi32>
        %and3A_1805 = arith.constant 65535 : i32
        %and3A_1806 = vector.broadcast %and3A_1805 : i32 to vector<16xi32>
        %and3A_1807 = arith.andi %get3A_1798, %and3A_1806 : vector<16xi32>
        %add3A_1808 = arith.constant 1769472 : i32
        %add3A_1809 = vector.broadcast %add3A_1808 : i32 to vector<16xi32>
        %add3A_1810 = arith.addi %add3A_1809, %and3A_1807 : vector<16xi32>
        %select_n3A_1811 = arith.select %ge3A_1804, %add3A_1810, %sub3A_1800 : vector<16xi1>, vector<16xi32>
        %swap3A_1812 = arith.constant 7 : i32
        %swap3A_1813 = arith.constant 0 : i32
        %swap3A_1814 = tpu.memref_slice %arg7[%swap3A_1812, %swap3A_1813] : memref<16x128xi32, #tpu.memory_space<vmem>> -> memref<1x128xi32, #tpu.memory_space<vmem>>
        %swap3A_1815 = tpu.memref_squeeze %swap3A_1814 : memref<1x128xi32, #tpu.memory_space<vmem>> -> memref<128xi32, #tpu.memory_space<vmem>>
        %swap3A_1816 = arith.constant 80 : index
        %swap3A_1817 = tpu.vector_load %swap3A_1815[%swap3A_1816] {strides = array<i32>} : memref<128xi32, #tpu.memory_space<vmem>>, vector<16xi32>,
        %swap3A_1818 = vector.shape_cast %swap3A_1817 : vector<16xi32> to vector<16xi32>
        %swap3A_1819 = vector.shape_cast %select_n3A_1811 : vector<16xi32> to vector<16xi32>
        tpu.vector_store %swap3A_1815[%swap3A_1816], %swap3A_1819 {strides = array<i32>} : memref<128xi32, #tpu.memory_space<vmem>>, vector<16xi32>,
        %get3A_1820 = arith.constant 7 : i32
        %get3A_1821 = arith.constant 0 : i32
        %get3A_1822 = tpu.memref_slice %arg6[%get3A_1820, %get3A_1821] : memref<16x128xi32, #tpu.memory_space<vmem>> -> memref<1x128xi32, #tpu.memory_space<vmem>>
        %get3A_1823 = tpu.memref_squeeze %get3A_1822 : memref<1x128xi32, #tpu.memory_space<vmem>> -> memref<128xi32, #tpu.memory_space<vmem>>
        %get3A_1824 = arith.constant 96 : index
        %get3A_1825 = tpu.vector_load %get3A_1823[%get3A_1824] {strides = array<i32>} : memref<128xi32, #tpu.memory_space<vmem>>, vector<16xi32>,
        %get3A_1826 = vector.shape_cast %get3A_1825 : vector<16xi32> to vector<16xi32>
        %sub3A_1827 = vector.broadcast %mul3A_15 : i32 to vector<16xi32>
        %sub3A_1828 = arith.subi %get3A_1826, %sub3A_1827 : vector<16xi32>
        %bitcast3A_1829 = vector.bitcast %sub3A_1828 : vector<16xi32> to vector<16xi32>
        %ge3A_1830 = arith.constant 1769472 : i32
        %ge3A_1831 = vector.broadcast %ge3A_1830 : i32 to vector<16xi32>
        %ge3A_1832 = arith.cmpi uge, %bitcast3A_1829, %ge3A_1831 : vector<16xi32>
        %and3A_1833 = arith.constant 65535 : i32
        %and3A_1834 = vector.broadcast %and3A_1833 : i32 to vector<16xi32>
        %and3A_1835 = arith.andi %get3A_1826, %and3A_1834 : vector<16xi32>
        %add3A_1836 = arith.constant 1769472 : i32
        %add3A_1837 = vector.broadcast %add3A_1836 : i32 to vector<16xi32>
        %add3A_1838 = arith.addi %add3A_1837, %and3A_1835 : vector<16xi32>
        %select_n3A_1839 = arith.select %ge3A_1832, %add3A_1838, %sub3A_1828 : vector<16xi1>, vector<16xi32>
        %swap3A_1840 = arith.constant 7 : i32
        %swap3A_1841 = arith.constant 0 : i32
        %swap3A_1842 = tpu.memref_slice %arg7[%swap3A_1840, %swap3A_1841] : memref<16x128xi32, #tpu.memory_space<vmem>> -> memref<1x128xi32, #tpu.memory_space<vmem>>
        %swap3A_1843 = tpu.memref_squeeze %swap3A_1842 : memref<1x128xi32, #tpu.memory_space<vmem>> -> memref<128xi32, #tpu.memory_space<vmem>>
        %swap3A_1844 = arith.constant 96 : index
        %swap3A_1845 = tpu.vector_load %swap3A_1843[%swap3A_1844] {strides = array<i32>} : memref<128xi32, #tpu.memory_space<vmem>>, vector<16xi32>,
        %swap3A_1846 = vector.shape_cast %swap3A_1845 : vector<16xi32> to vector<16xi32>
        %swap3A_1847 = vector.shape_cast %select_n3A_1839 : vector<16xi32> to vector<16xi32>
        tpu.vector_store %swap3A_1843[%swap3A_1844], %swap3A_1847 {strides = array<i32>} : memref<128xi32, #tpu.memory_space<vmem>>, vector<16xi32>,
        %get3A_1848 = arith.constant 7 : i32
        %get3A_1849 = arith.constant 0 : i32
        %get3A_1850 = tpu.memref_slice %arg6[%get3A_1848, %get3A_1849] : memref<16x128xi32, #tpu.memory_space<vmem>> -> memref<1x128xi32, #tpu.memory_space<vmem>>
        %get3A_1851 = tpu.memref_squeeze %get3A_1850 : memref<1x128xi32, #tpu.memory_space<vmem>> -> memref<128xi32, #tpu.memory_space<vmem>>
        %get3A_1852 = arith.constant 112 : index
        %get3A_1853 = tpu.vector_load %get3A_1851[%get3A_1852] {strides = array<i32>} : memref<128xi32, #tpu.memory_space<vmem>>, vector<16xi32>,
        %get3A_1854 = vector.shape_cast %get3A_1853 : vector<16xi32> to vector<16xi32>
        %sub3A_1855 = vector.broadcast %mul3A_15 : i32 to vector<16xi32>
        %sub3A_1856 = arith.subi %get3A_1854, %sub3A_1855 : vector<16xi32>
        %bitcast3A_1857 = vector.bitcast %sub3A_1856 : vector<16xi32> to vector<16xi32>
        %ge3A_1858 = arith.constant 1769472 : i32
        %ge3A_1859 = vector.broadcast %ge3A_1858 : i32 to vector<16xi32>
        %ge3A_1860 = arith.cmpi uge, %bitcast3A_1857, %ge3A_1859 : vector<16xi32>
        %and3A_1861 = arith.constant 65535 : i32
        %and3A_1862 = vector.broadcast %and3A_1861 : i32 to vector<16xi32>
        %and3A_1863 = arith.andi %get3A_1854, %and3A_1862 : vector<16xi32>
        %add3A_1864 = arith.constant 1769472 : i32
        %add3A_1865 = vector.broadcast %add3A_1864 : i32 to vector<16xi32>
        %add3A_1866 = arith.addi %add3A_1865, %and3A_1863 : vector<16xi32>
        %select_n3A_1867 = arith.select %ge3A_1860, %add3A_1866, %sub3A_1856 : vector<16xi1>, vector<16xi32>
        %swap3A_1868 = arith.constant 7 : i32
        %swap3A_1869 = arith.constant 0 : i32
        %swap3A_1870 = tpu.memref_slice %arg7[%swap3A_1868, %swap3A_1869] : memref<16x128xi32, #tpu.memory_space<vmem>> -> memref<1x128xi32, #tpu.memory_space<vmem>>
        %swap3A_1871 = tpu.memref_squeeze %swap3A_1870 : memref<1x128xi32, #tpu.memory_space<vmem>> -> memref<128xi32, #tpu.memory_space<vmem>>
        %swap3A_1872 = arith.constant 112 : index
        %swap3A_1873 = tpu.vector_load %swap3A_1871[%swap3A_1872] {strides = array<i32>} : memref<128xi32, #tpu.memory_space<vmem>>, vector<16xi32>,
        %swap3A_1874 = vector.shape_cast %swap3A_1873 : vector<16xi32> to vector<16xi32>
        %swap3A_1875 = vector.shape_cast %select_n3A_1867 : vector<16xi32> to vector<16xi32>
        tpu.vector_store %swap3A_1871[%swap3A_1872], %swap3A_1875 {strides = array<i32>} : memref<128xi32, #tpu.memory_space<vmem>>, vector<16xi32>,
        %get3A_1876 = arith.constant 8 : i32
        %get3A_1877 = arith.constant 0 : i32
        %get3A_1878 = tpu.memref_slice %arg6[%get3A_1876, %get3A_1877] : memref<16x128xi32, #tpu.memory_space<vmem>> -> memref<1x128xi32, #tpu.memory_space<vmem>>
        %get3A_1879 = tpu.memref_squeeze %get3A_1878 : memref<1x128xi32, #tpu.memory_space<vmem>> -> memref<128xi32, #tpu.memory_space<vmem>>
        %get3A_1880 = arith.constant 0 : index
        %get3A_1881 = tpu.vector_load %get3A_1879[%get3A_1880] {strides = array<i32>} : memref<128xi32, #tpu.memory_space<vmem>>, vector<16xi32>,
        %get3A_1882 = vector.shape_cast %get3A_1881 : vector<16xi32> to vector<16xi32>
        %sub3A_1883 = vector.broadcast %mul3A_15 : i32 to vector<16xi32>
        %sub3A_1884 = arith.subi %get3A_1882, %sub3A_1883 : vector<16xi32>
        %bitcast3A_1885 = vector.bitcast %sub3A_1884 : vector<16xi32> to vector<16xi32>
        %ge3A_1886 = arith.constant 1769472 : i32
        %ge3A_1887 = vector.broadcast %ge3A_1886 : i32 to vector<16xi32>
        %ge3A_1888 = arith.cmpi uge, %bitcast3A_1885, %ge3A_1887 : vector<16xi32>
        %and3A_1889 = arith.constant 65535 : i32
        %and3A_1890 = vector.broadcast %and3A_1889 : i32 to vector<16xi32>
        %and3A_1891 = arith.andi %get3A_1882, %and3A_1890 : vector<16xi32>
        %add3A_1892 = arith.constant 1769472 : i32
        %add3A_1893 = vector.broadcast %add3A_1892 : i32 to vector<16xi32>
        %add3A_1894 = arith.addi %add3A_1893, %and3A_1891 : vector<16xi32>
        %select_n3A_1895 = arith.select %ge3A_1888, %add3A_1894, %sub3A_1884 : vector<16xi1>, vector<16xi32>
        %swap3A_1896 = arith.constant 8 : i32
        %swap3A_1897 = arith.constant 0 : i32
        %swap3A_1898 = tpu.memref_slice %arg7[%swap3A_1896, %swap3A_1897] : memref<16x128xi32, #tpu.memory_space<vmem>> -> memref<1x128xi32, #tpu.memory_space<vmem>>
        %swap3A_1899 = tpu.memref_squeeze %swap3A_1898 : memref<1x128xi32, #tpu.memory_space<vmem>> -> memref<128xi32, #tpu.memory_space<vmem>>
        %swap3A_1900 = arith.constant 0 : index
        %swap3A_1901 = tpu.vector_load %swap3A_1899[%swap3A_1900] {strides = array<i32>} : memref<128xi32, #tpu.memory_space<vmem>>, vector<16xi32>,
        %swap3A_1902 = vector.shape_cast %swap3A_1901 : vector<16xi32> to vector<16xi32>
        %swap3A_1903 = vector.shape_cast %select_n3A_1895 : vector<16xi32> to vector<16xi32>
        tpu.vector_store %swap3A_1899[%swap3A_1900], %swap3A_1903 {strides = array<i32>} : memref<128xi32, #tpu.memory_space<vmem>>, vector<16xi32>,
        %get3A_1904 = arith.constant 8 : i32
        %get3A_1905 = arith.constant 0 : i32
        %get3A_1906 = tpu.memref_slice %arg6[%get3A_1904, %get3A_1905] : memref<16x128xi32, #tpu.memory_space<vmem>> -> memref<1x128xi32, #tpu.memory_space<vmem>>
        %get3A_1907 = tpu.memref_squeeze %get3A_1906 : memref<1x128xi32, #tpu.memory_space<vmem>> -> memref<128xi32, #tpu.memory_space<vmem>>
        %get3A_1908 = arith.constant 16 : index
        %get3A_1909 = tpu.vector_load %get3A_1907[%get3A_1908] {strides = array<i32>} : memref<128xi32, #tpu.memory_space<vmem>>, vector<16xi32>,
        %get3A_1910 = vector.shape_cast %get3A_1909 : vector<16xi32> to vector<16xi32>
        %sub3A_1911 = vector.broadcast %mul3A_15 : i32 to vector<16xi32>
        %sub3A_1912 = arith.subi %get3A_1910, %sub3A_1911 : vector<16xi32>
        %bitcast3A_1913 = vector.bitcast %sub3A_1912 : vector<16xi32> to vector<16xi32>
        %ge3A_1914 = arith.constant 1769472 : i32
        %ge3A_1915 = vector.broadcast %ge3A_1914 : i32 to vector<16xi32>
        %ge3A_1916 = arith.cmpi uge, %bitcast3A_1913, %ge3A_1915 : vector<16xi32>
        %and3A_1917 = arith.constant 65535 : i32
        %and3A_1918 = vector.broadcast %and3A_1917 : i32 to vector<16xi32>
        %and3A_1919 = arith.andi %get3A_1910, %and3A_1918 : vector<16xi32>
        %add3A_1920 = arith.constant 1769472 : i32
        %add3A_1921 = vector.broadcast %add3A_1920 : i32 to vector<16xi32>
        %add3A_1922 = arith.addi %add3A_1921, %and3A_1919 : vector<16xi32>
        %select_n3A_1923 = arith.select %ge3A_1916, %add3A_1922, %sub3A_1912 : vector<16xi1>, vector<16xi32>
        %swap3A_1924 = arith.constant 8 : i32
        %swap3A_1925 = arith.constant 0 : i32
        %swap3A_1926 = tpu.memref_slice %arg7[%swap3A_1924, %swap3A_1925] : memref<16x128xi32, #tpu.memory_space<vmem>> -> memref<1x128xi32, #tpu.memory_space<vmem>>
        %swap3A_1927 = tpu.memref_squeeze %swap3A_1926 : memref<1x128xi32, #tpu.memory_space<vmem>> -> memref<128xi32, #tpu.memory_space<vmem>>
        %swap3A_1928 = arith.constant 16 : index
        %swap3A_1929 = tpu.vector_load %swap3A_1927[%swap3A_1928] {strides = array<i32>} : memref<128xi32, #tpu.memory_space<vmem>>, vector<16xi32>,
        %swap3A_1930 = vector.shape_cast %swap3A_1929 : vector<16xi32> to vector<16xi32>
        %swap3A_1931 = vector.shape_cast %select_n3A_1923 : vector<16xi32> to vector<16xi32>
        tpu.vector_store %swap3A_1927[%swap3A_1928], %swap3A_1931 {strides = array<i32>} : memref<128xi32, #tpu.memory_space<vmem>>, vector<16xi32>,
        %get3A_1932 = arith.constant 8 : i32
        %get3A_1933 = arith.constant 0 : i32
        %get3A_1934 = tpu.memref_slice %arg6[%get3A_1932, %get3A_1933] : memref<16x128xi32, #tpu.memory_space<vmem>> -> memref<1x128xi32, #tpu.memory_space<vmem>>
        %get3A_1935 = tpu.memref_squeeze %get3A_1934 : memref<1x128xi32, #tpu.memory_space<vmem>> -> memref<128xi32, #tpu.memory_space<vmem>>
        %get3A_1936 = arith.constant 32 : index
        %get3A_1937 = tpu.vector_load %get3A_1935[%get3A_1936] {strides = array<i32>} : memref<128xi32, #tpu.memory_space<vmem>>, vector<16xi32>,
        %get3A_1938 = vector.shape_cast %get3A_1937 : vector<16xi32> to vector<16xi32>
        %sub3A_1939 = vector.broadcast %mul3A_15 : i32 to vector<16xi32>
        %sub3A_1940 = arith.subi %get3A_1938, %sub3A_1939 : vector<16xi32>
        %bitcast3A_1941 = vector.bitcast %sub3A_1940 : vector<16xi32> to vector<16xi32>
        %ge3A_1942 = arith.constant 1769472 : i32
        %ge3A_1943 = vector.broadcast %ge3A_1942 : i32 to vector<16xi32>
        %ge3A_1944 = arith.cmpi uge, %bitcast3A_1941, %ge3A_1943 : vector<16xi32>
        %and3A_1945 = arith.constant 65535 : i32
        %and3A_1946 = vector.broadcast %and3A_1945 : i32 to vector<16xi32>
        %and3A_1947 = arith.andi %get3A_1938, %and3A_1946 : vector<16xi32>
        %add3A_1948 = arith.constant 1769472 : i32
        %add3A_1949 = vector.broadcast %add3A_1948 : i32 to vector<16xi32>
        %add3A_1950 = arith.addi %add3A_1949, %and3A_1947 : vector<16xi32>
        %select_n3A_1951 = arith.select %ge3A_1944, %add3A_1950, %sub3A_1940 : vector<16xi1>, vector<16xi32>
        %swap3A_1952 = arith.constant 8 : i32
        %swap3A_1953 = arith.constant 0 : i32
        %swap3A_1954 = tpu.memref_slice %arg7[%swap3A_1952, %swap3A_1953] : memref<16x128xi32, #tpu.memory_space<vmem>> -> memref<1x128xi32, #tpu.memory_space<vmem>>
        %swap3A_1955 = tpu.memref_squeeze %swap3A_1954 : memref<1x128xi32, #tpu.memory_space<vmem>> -> memref<128xi32, #tpu.memory_space<vmem>>
        %swap3A_1956 = arith.constant 32 : index
        %swap3A_1957 = tpu.vector_load %swap3A_1955[%swap3A_1956] {strides = array<i32>} : memref<128xi32, #tpu.memory_space<vmem>>, vector<16xi32>,
        %swap3A_1958 = vector.shape_cast %swap3A_1957 : vector<16xi32> to vector<16xi32>
        %swap3A_1959 = vector.shape_cast %select_n3A_1951 : vector<16xi32> to vector<16xi32>
        tpu.vector_store %swap3A_1955[%swap3A_1956], %swap3A_1959 {strides = array<i32>} : memref<128xi32, #tpu.memory_space<vmem>>, vector<16xi32>,
        %get3A_1960 = arith.constant 8 : i32
        %get3A_1961 = arith.constant 0 : i32
        %get3A_1962 = tpu.memref_slice %arg6[%get3A_1960, %get3A_1961] : memref<16x128xi32, #tpu.memory_space<vmem>> -> memref<1x128xi32, #tpu.memory_space<vmem>>
        %get3A_1963 = tpu.memref_squeeze %get3A_1962 : memref<1x128xi32, #tpu.memory_space<vmem>> -> memref<128xi32, #tpu.memory_space<vmem>>
        %get3A_1964 = arith.constant 48 : index
        %get3A_1965 = tpu.vector_load %get3A_1963[%get3A_1964] {strides = array<i32>} : memref<128xi32, #tpu.memory_space<vmem>>, vector<16xi32>,
        %get3A_1966 = vector.shape_cast %get3A_1965 : vector<16xi32> to vector<16xi32>
        %sub3A_1967 = vector.broadcast %mul3A_15 : i32 to vector<16xi32>
        %sub3A_1968 = arith.subi %get3A_1966, %sub3A_1967 : vector<16xi32>
        %bitcast3A_1969 = vector.bitcast %sub3A_1968 : vector<16xi32> to vector<16xi32>
        %ge3A_1970 = arith.constant 1769472 : i32
        %ge3A_1971 = vector.broadcast %ge3A_1970 : i32 to vector<16xi32>
        %ge3A_1972 = arith.cmpi uge, %bitcast3A_1969, %ge3A_1971 : vector<16xi32>
        %and3A_1973 = arith.constant 65535 : i32
        %and3A_1974 = vector.broadcast %and3A_1973 : i32 to vector<16xi32>
        %and3A_1975 = arith.andi %get3A_1966, %and3A_1974 : vector<16xi32>
        %add3A_1976 = arith.constant 1769472 : i32
        %add3A_1977 = vector.broadcast %add3A_1976 : i32 to vector<16xi32>
        %add3A_1978 = arith.addi %add3A_1977, %and3A_1975 : vector<16xi32>
        %select_n3A_1979 = arith.select %ge3A_1972, %add3A_1978, %sub3A_1968 : vector<16xi1>, vector<16xi32>
        %swap3A_1980 = arith.constant 8 : i32
        %swap3A_1981 = arith.constant 0 : i32
        %swap3A_1982 = tpu.memref_slice %arg7[%swap3A_1980, %swap3A_1981] : memref<16x128xi32, #tpu.memory_space<vmem>> -> memref<1x128xi32, #tpu.memory_space<vmem>>
        %swap3A_1983 = tpu.memref_squeeze %swap3A_1982 : memref<1x128xi32, #tpu.memory_space<vmem>> -> memref<128xi32, #tpu.memory_space<vmem>>
        %swap3A_1984 = arith.constant 48 : index
        %swap3A_1985 = tpu.vector_load %swap3A_1983[%swap3A_1984] {strides = array<i32>} : memref<128xi32, #tpu.memory_space<vmem>>, vector<16xi32>,
        %swap3A_1986 = vector.shape_cast %swap3A_1985 : vector<16xi32> to vector<16xi32>
        %swap3A_1987 = vector.shape_cast %select_n3A_1979 : vector<16xi32> to vector<16xi32>
        tpu.vector_store %swap3A_1983[%swap3A_1984], %swap3A_1987 {strides = array<i32>} : memref<128xi32, #tpu.memory_space<vmem>>, vector<16xi32>,
        %get3A_1988 = arith.constant 8 : i32
        %get3A_1989 = arith.constant 0 : i32
        %get3A_1990 = tpu.memref_slice %arg6[%get3A_1988, %get3A_1989] : memref<16x128xi32, #tpu.memory_space<vmem>> -> memref<1x128xi32, #tpu.memory_space<vmem>>
        %get3A_1991 = tpu.memref_squeeze %get3A_1990 : memref<1x128xi32, #tpu.memory_space<vmem>> -> memref<128xi32, #tpu.memory_space<vmem>>
        %get3A_1992 = arith.constant 64 : index
        %get3A_1993 = tpu.vector_load %get3A_1991[%get3A_1992] {strides = array<i32>} : memref<128xi32, #tpu.memory_space<vmem>>, vector<16xi32>,
        %get3A_1994 = vector.shape_cast %get3A_1993 : vector<16xi32> to vector<16xi32>
        %sub3A_1995 = vector.broadcast %mul3A_15 : i32 to vector<16xi32>
        %sub3A_1996 = arith.subi %get3A_1994, %sub3A_1995 : vector<16xi32>
        %bitcast3A_1997 = vector.bitcast %sub3A_1996 : vector<16xi32> to vector<16xi32>
        %ge3A_1998 = arith.constant 1769472 : i32
        %ge3A_1999 = vector.broadcast %ge3A_1998 : i32 to vector<16xi32>
        %ge3A_2000 = arith.cmpi uge, %bitcast3A_1997, %ge3A_1999 : vector<16xi32>
        %and3A_2001 = arith.constant 65535 : i32
        %and3A_2002 = vector.broadcast %and3A_2001 : i32 to vector<16xi32>
        %and3A_2003 = arith.andi %get3A_1994, %and3A_2002 : vector<16xi32>
        %add3A_2004 = arith.constant 1769472 : i32
        %add3A_2005 = vector.broadcast %add3A_2004 : i32 to vector<16xi32>
        %add3A_2006 = arith.addi %add3A_2005, %and3A_2003 : vector<16xi32>
        %select_n3A_2007 = arith.select %ge3A_2000, %add3A_2006, %sub3A_1996 : vector<16xi1>, vector<16xi32>
        %swap3A_2008 = arith.constant 8 : i32
        %swap3A_2009 = arith.constant 0 : i32
        %swap3A_2010 = tpu.memref_slice %arg7[%swap3A_2008, %swap3A_2009] : memref<16x128xi32, #tpu.memory_space<vmem>> -> memref<1x128xi32, #tpu.memory_space<vmem>>
        %swap3A_2011 = tpu.memref_squeeze %swap3A_2010 : memref<1x128xi32, #tpu.memory_space<vmem>> -> memref<128xi32, #tpu.memory_space<vmem>>
        %swap3A_2012 = arith.constant 64 : index
        %swap3A_2013 = tpu.vector_load %swap3A_2011[%swap3A_2012] {strides = array<i32>} : memref<128xi32, #tpu.memory_space<vmem>>, vector<16xi32>,
        %swap3A_2014 = vector.shape_cast %swap3A_2013 : vector<16xi32> to vector<16xi32>
        %swap3A_2015 = vector.shape_cast %select_n3A_2007 : vector<16xi32> to vector<16xi32>
        tpu.vector_store %swap3A_2011[%swap3A_2012], %swap3A_2015 {strides = array<i32>} : memref<128xi32, #tpu.memory_space<vmem>>, vector<16xi32>,
        %get3A_2016 = arith.constant 8 : i32
        %get3A_2017 = arith.constant 0 : i32
        %get3A_2018 = tpu.memref_slice %arg6[%get3A_2016, %get3A_2017] : memref<16x128xi32, #tpu.memory_space<vmem>> -> memref<1x128xi32, #tpu.memory_space<vmem>>
        %get3A_2019 = tpu.memref_squeeze %get3A_2018 : memref<1x128xi32, #tpu.memory_space<vmem>> -> memref<128xi32, #tpu.memory_space<vmem>>
        %get3A_2020 = arith.constant 80 : index
        %get3A_2021 = tpu.vector_load %get3A_2019[%get3A_2020] {strides = array<i32>} : memref<128xi32, #tpu.memory_space<vmem>>, vector<16xi32>,
        %get3A_2022 = vector.shape_cast %get3A_2021 : vector<16xi32> to vector<16xi32>
        %sub3A_2023 = vector.broadcast %mul3A_15 : i32 to vector<16xi32>
        %sub3A_2024 = arith.subi %get3A_2022, %sub3A_2023 : vector<16xi32>
        %bitcast3A_2025 = vector.bitcast %sub3A_2024 : vector<16xi32> to vector<16xi32>
        %ge3A_2026 = arith.constant 1769472 : i32
        %ge3A_2027 = vector.broadcast %ge3A_2026 : i32 to vector<16xi32>
        %ge3A_2028 = arith.cmpi uge, %bitcast3A_2025, %ge3A_2027 : vector<16xi32>
        %and3A_2029 = arith.constant 65535 : i32
        %and3A_2030 = vector.broadcast %and3A_2029 : i32 to vector<16xi32>
        %and3A_2031 = arith.andi %get3A_2022, %and3A_2030 : vector<16xi32>
        %add3A_2032 = arith.constant 1769472 : i32
        %add3A_2033 = vector.broadcast %add3A_2032 : i32 to vector<16xi32>
        %add3A_2034 = arith.addi %add3A_2033, %and3A_2031 : vector<16xi32>
        %select_n3A_2035 = arith.select %ge3A_2028, %add3A_2034, %sub3A_2024 : vector<16xi1>, vector<16xi32>
        %swap3A_2036 = arith.constant 8 : i32
        %swap3A_2037 = arith.constant 0 : i32
        %swap3A_2038 = tpu.memref_slice %arg7[%swap3A_2036, %swap3A_2037] : memref<16x128xi32, #tpu.memory_space<vmem>> -> memref<1x128xi32, #tpu.memory_space<vmem>>
        %swap3A_2039 = tpu.memref_squeeze %swap3A_2038 : memref<1x128xi32, #tpu.memory_space<vmem>> -> memref<128xi32, #tpu.memory_space<vmem>>
        %swap3A_2040 = arith.constant 80 : index
        %swap3A_2041 = tpu.vector_load %swap3A_2039[%swap3A_2040] {strides = array<i32>} : memref<128xi32, #tpu.memory_space<vmem>>, vector<16xi32>,
        %swap3A_2042 = vector.shape_cast %swap3A_2041 : vector<16xi32> to vector<16xi32>
        %swap3A_2043 = vector.shape_cast %select_n3A_2035 : vector<16xi32> to vector<16xi32>
        tpu.vector_store %swap3A_2039[%swap3A_2040], %swap3A_2043 {strides = array<i32>} : memref<128xi32, #tpu.memory_space<vmem>>, vector<16xi32>,
        %get3A_2044 = arith.constant 8 : i32
        %get3A_2045 = arith.constant 0 : i32
        %get3A_2046 = tpu.memref_slice %arg6[%get3A_2044, %get3A_2045] : memref<16x128xi32, #tpu.memory_space<vmem>> -> memref<1x128xi32, #tpu.memory_space<vmem>>
        %get3A_2047 = tpu.memref_squeeze %get3A_2046 : memref<1x128xi32, #tpu.memory_space<vmem>> -> memref<128xi32, #tpu.memory_space<vmem>>
        %get3A_2048 = arith.constant 96 : index
        %get3A_2049 = tpu.vector_load %get3A_2047[%get3A_2048] {strides = array<i32>} : memref<128xi32, #tpu.memory_space<vmem>>, vector<16xi32>,
        %get3A_2050 = vector.shape_cast %get3A_2049 : vector<16xi32> to vector<16xi32>
        %sub3A_2051 = vector.broadcast %mul3A_15 : i32 to vector<16xi32>
        %sub3A_2052 = arith.subi %get3A_2050, %sub3A_2051 : vector<16xi32>
        %bitcast3A_2053 = vector.bitcast %sub3A_2052 : vector<16xi32> to vector<16xi32>
        %ge3A_2054 = arith.constant 1769472 : i32
        %ge3A_2055 = vector.broadcast %ge3A_2054 : i32 to vector<16xi32>
        %ge3A_2056 = arith.cmpi uge, %bitcast3A_2053, %ge3A_2055 : vector<16xi32>
        %and3A_2057 = arith.constant 65535 : i32
        %and3A_2058 = vector.broadcast %and3A_2057 : i32 to vector<16xi32>
        %and3A_2059 = arith.andi %get3A_2050, %and3A_2058 : vector<16xi32>
        %add3A_2060 = arith.constant 1769472 : i32
        %add3A_2061 = vector.broadcast %add3A_2060 : i32 to vector<16xi32>
        %add3A_2062 = arith.addi %add3A_2061, %and3A_2059 : vector<16xi32>
        %select_n3A_2063 = arith.select %ge3A_2056, %add3A_2062, %sub3A_2052 : vector<16xi1>, vector<16xi32>
        %swap3A_2064 = arith.constant 8 : i32
        %swap3A_2065 = arith.constant 0 : i32
        %swap3A_2066 = tpu.memref_slice %arg7[%swap3A_2064, %swap3A_2065] : memref<16x128xi32, #tpu.memory_space<vmem>> -> memref<1x128xi32, #tpu.memory_space<vmem>>
        %swap3A_2067 = tpu.memref_squeeze %swap3A_2066 : memref<1x128xi32, #tpu.memory_space<vmem>> -> memref<128xi32, #tpu.memory_space<vmem>>
        %swap3A_2068 = arith.constant 96 : index
        %swap3A_2069 = tpu.vector_load %swap3A_2067[%swap3A_2068] {strides = array<i32>} : memref<128xi32, #tpu.memory_space<vmem>>, vector<16xi32>,
        %swap3A_2070 = vector.shape_cast %swap3A_2069 : vector<16xi32> to vector<16xi32>
        %swap3A_2071 = vector.shape_cast %select_n3A_2063 : vector<16xi32> to vector<16xi32>
        tpu.vector_store %swap3A_2067[%swap3A_2068], %swap3A_2071 {strides = array<i32>} : memref<128xi32, #tpu.memory_space<vmem>>, vector<16xi32>,
        %get3A_2072 = arith.constant 8 : i32
        %get3A_2073 = arith.constant 0 : i32
        %get3A_2074 = tpu.memref_slice %arg6[%get3A_2072, %get3A_2073] : memref<16x128xi32, #tpu.memory_space<vmem>> -> memref<1x128xi32, #tpu.memory_space<vmem>>
        %get3A_2075 = tpu.memref_squeeze %get3A_2074 : memref<1x128xi32, #tpu.memory_space<vmem>> -> memref<128xi32, #tpu.memory_space<vmem>>
        %get3A_2076 = arith.constant 112 : index
        %get3A_2077 = tpu.vector_load %get3A_2075[%get3A_2076] {strides = array<i32>} : memref<128xi32, #tpu.memory_space<vmem>>, vector<16xi32>,
        %get3A_2078 = vector.shape_cast %get3A_2077 : vector<16xi32> to vector<16xi32>
        %sub3A_2079 = vector.broadcast %mul3A_15 : i32 to vector<16xi32>
        %sub3A_2080 = arith.subi %get3A_2078, %sub3A_2079 : vector<16xi32>
        %bitcast3A_2081 = vector.bitcast %sub3A_2080 : vector<16xi32> to vector<16xi32>
        %ge3A_2082 = arith.constant 1769472 : i32
        %ge3A_2083 = vector.broadcast %ge3A_2082 : i32 to vector<16xi32>
        %ge3A_2084 = arith.cmpi uge, %bitcast3A_2081, %ge3A_2083 : vector<16xi32>
        %and3A_2085 = arith.constant 65535 : i32
        %and3A_2086 = vector.broadcast %and3A_2085 : i32 to vector<16xi32>
        %and3A_2087 = arith.andi %get3A_2078, %and3A_2086 : vector<16xi32>
        %add3A_2088 = arith.constant 1769472 : i32
        %add3A_2089 = vector.broadcast %add3A_2088 : i32 to vector<16xi32>
        %add3A_2090 = arith.addi %add3A_2089, %and3A_2087 : vector<16xi32>
        %select_n3A_2091 = arith.select %ge3A_2084, %add3A_2090, %sub3A_2080 : vector<16xi1>, vector<16xi32>
        %swap3A_2092 = arith.constant 8 : i32
        %swap3A_2093 = arith.constant 0 : i32
        %swap3A_2094 = tpu.memref_slice %arg7[%swap3A_2092, %swap3A_2093] : memref<16x128xi32, #tpu.memory_space<vmem>> -> memref<1x128xi32, #tpu.memory_space<vmem>>
        %swap3A_2095 = tpu.memref_squeeze %swap3A_2094 : memref<1x128xi32, #tpu.memory_space<vmem>> -> memref<128xi32, #tpu.memory_space<vmem>>
        %swap3A_2096 = arith.constant 112 : index
        %swap3A_2097 = tpu.vector_load %swap3A_2095[%swap3A_2096] {strides = array<i32>} : memref<128xi32, #tpu.memory_space<vmem>>, vector<16xi32>,
        %swap3A_2098 = vector.shape_cast %swap3A_2097 : vector<16xi32> to vector<16xi32>
        %swap3A_2099 = vector.shape_cast %select_n3A_2091 : vector<16xi32> to vector<16xi32>
        tpu.vector_store %swap3A_2095[%swap3A_2096], %swap3A_2099 {strides = array<i32>} : memref<128xi32, #tpu.memory_space<vmem>>, vector<16xi32>,
        %get3A_2100 = arith.constant 9 : i32
        %get3A_2101 = arith.constant 0 : i32
        %get3A_2102 = tpu.memref_slice %arg6[%get3A_2100, %get3A_2101] : memref<16x128xi32, #tpu.memory_space<vmem>> -> memref<1x128xi32, #tpu.memory_space<vmem>>
        %get3A_2103 = tpu.memref_squeeze %get3A_2102 : memref<1x128xi32, #tpu.memory_space<vmem>> -> memref<128xi32, #tpu.memory_space<vmem>>
        %get3A_2104 = arith.constant 0 : index
        %get3A_2105 = tpu.vector_load %get3A_2103[%get3A_2104] {strides = array<i32>} : memref<128xi32, #tpu.memory_space<vmem>>, vector<16xi32>,
        %get3A_2106 = vector.shape_cast %get3A_2105 : vector<16xi32> to vector<16xi32>
        %sub3A_2107 = vector.broadcast %mul3A_15 : i32 to vector<16xi32>
        %sub3A_2108 = arith.subi %get3A_2106, %sub3A_2107 : vector<16xi32>
        %bitcast3A_2109 = vector.bitcast %sub3A_2108 : vector<16xi32> to vector<16xi32>
        %ge3A_2110 = arith.constant 1769472 : i32
        %ge3A_2111 = vector.broadcast %ge3A_2110 : i32 to vector<16xi32>
        %ge3A_2112 = arith.cmpi uge, %bitcast3A_2109, %ge3A_2111 : vector<16xi32>
        %and3A_2113 = arith.constant 65535 : i32
        %and3A_2114 = vector.broadcast %and3A_2113 : i32 to vector<16xi32>
        %and3A_2115 = arith.andi %get3A_2106, %and3A_2114 : vector<16xi32>
        %add3A_2116 = arith.constant 1769472 : i32
        %add3A_2117 = vector.broadcast %add3A_2116 : i32 to vector<16xi32>
        %add3A_2118 = arith.addi %add3A_2117, %and3A_2115 : vector<16xi32>
        %select_n3A_2119 = arith.select %ge3A_2112, %add3A_2118, %sub3A_2108 : vector<16xi1>, vector<16xi32>
        %swap3A_2120 = arith.constant 9 : i32
        %swap3A_2121 = arith.constant 0 : i32
        %swap3A_2122 = tpu.memref_slice %arg7[%swap3A_2120, %swap3A_2121] : memref<16x128xi32, #tpu.memory_space<vmem>> -> memref<1x128xi32, #tpu.memory_space<vmem>>
        %swap3A_2123 = tpu.memref_squeeze %swap3A_2122 : memref<1x128xi32, #tpu.memory_space<vmem>> -> memref<128xi32, #tpu.memory_space<vmem>>
        %swap3A_2124 = arith.constant 0 : index
        %swap3A_2125 = tpu.vector_load %swap3A_2123[%swap3A_2124] {strides = array<i32>} : memref<128xi32, #tpu.memory_space<vmem>>, vector<16xi32>,
        %swap3A_2126 = vector.shape_cast %swap3A_2125 : vector<16xi32> to vector<16xi32>
        %swap3A_2127 = vector.shape_cast %select_n3A_2119 : vector<16xi32> to vector<16xi32>
        tpu.vector_store %swap3A_2123[%swap3A_2124], %swap3A_2127 {strides = array<i32>} : memref<128xi32, #tpu.memory_space<vmem>>, vector<16xi32>,
        %get3A_2128 = arith.constant 9 : i32
        %get3A_2129 = arith.constant 0 : i32
        %get3A_2130 = tpu.memref_slice %arg6[%get3A_2128, %get3A_2129] : memref<16x128xi32, #tpu.memory_space<vmem>> -> memref<1x128xi32, #tpu.memory_space<vmem>>
        %get3A_2131 = tpu.memref_squeeze %get3A_2130 : memref<1x128xi32, #tpu.memory_space<vmem>> -> memref<128xi32, #tpu.memory_space<vmem>>
        %get3A_2132 = arith.constant 16 : index
        %get3A_2133 = tpu.vector_load %get3A_2131[%get3A_2132] {strides = array<i32>} : memref<128xi32, #tpu.memory_space<vmem>>, vector<16xi32>,
        %get3A_2134 = vector.shape_cast %get3A_2133 : vector<16xi32> to vector<16xi32>
        %sub3A_2135 = vector.broadcast %mul3A_15 : i32 to vector<16xi32>
        %sub3A_2136 = arith.subi %get3A_2134, %sub3A_2135 : vector<16xi32>
        %bitcast3A_2137 = vector.bitcast %sub3A_2136 : vector<16xi32> to vector<16xi32>
        %ge3A_2138 = arith.constant 1769472 : i32
        %ge3A_2139 = vector.broadcast %ge3A_2138 : i32 to vector<16xi32>
        %ge3A_2140 = arith.cmpi uge, %bitcast3A_2137, %ge3A_2139 : vector<16xi32>
        %and3A_2141 = arith.constant 65535 : i32
        %and3A_2142 = vector.broadcast %and3A_2141 : i32 to vector<16xi32>
        %and3A_2143 = arith.andi %get3A_2134, %and3A_2142 : vector<16xi32>
        %add3A_2144 = arith.constant 1769472 : i32
        %add3A_2145 = vector.broadcast %add3A_2144 : i32 to vector<16xi32>
        %add3A_2146 = arith.addi %add3A_2145, %and3A_2143 : vector<16xi32>
        %select_n3A_2147 = arith.select %ge3A_2140, %add3A_2146, %sub3A_2136 : vector<16xi1>, vector<16xi32>
        %swap3A_2148 = arith.constant 9 : i32
        %swap3A_2149 = arith.constant 0 : i32
        %swap3A_2150 = tpu.memref_slice %arg7[%swap3A_2148, %swap3A_2149] : memref<16x128xi32, #tpu.memory_space<vmem>> -> memref<1x128xi32, #tpu.memory_space<vmem>>
        %swap3A_2151 = tpu.memref_squeeze %swap3A_2150 : memref<1x128xi32, #tpu.memory_space<vmem>> -> memref<128xi32, #tpu.memory_space<vmem>>
        %swap3A_2152 = arith.constant 16 : index
        %swap3A_2153 = tpu.vector_load %swap3A_2151[%swap3A_2152] {strides = array<i32>} : memref<128xi32, #tpu.memory_space<vmem>>, vector<16xi32>,
        %swap3A_2154 = vector.shape_cast %swap3A_2153 : vector<16xi32> to vector<16xi32>
        %swap3A_2155 = vector.shape_cast %select_n3A_2147 : vector<16xi32> to vector<16xi32>
        tpu.vector_store %swap3A_2151[%swap3A_2152], %swap3A_2155 {strides = array<i32>} : memref<128xi32, #tpu.memory_space<vmem>>, vector<16xi32>,
        %get3A_2156 = arith.constant 9 : i32
        %get3A_2157 = arith.constant 0 : i32
        %get3A_2158 = tpu.memref_slice %arg6[%get3A_2156, %get3A_2157] : memref<16x128xi32, #tpu.memory_space<vmem>> -> memref<1x128xi32, #tpu.memory_space<vmem>>
        %get3A_2159 = tpu.memref_squeeze %get3A_2158 : memref<1x128xi32, #tpu.memory_space<vmem>> -> memref<128xi32, #tpu.memory_space<vmem>>
        %get3A_2160 = arith.constant 32 : index
        %get3A_2161 = tpu.vector_load %get3A_2159[%get3A_2160] {strides = array<i32>} : memref<128xi32, #tpu.memory_space<vmem>>, vector<16xi32>,
        %get3A_2162 = vector.shape_cast %get3A_2161 : vector<16xi32> to vector<16xi32>
        %sub3A_2163 = vector.broadcast %mul3A_15 : i32 to vector<16xi32>
        %sub3A_2164 = arith.subi %get3A_2162, %sub3A_2163 : vector<16xi32>
        %bitcast3A_2165 = vector.bitcast %sub3A_2164 : vector<16xi32> to vector<16xi32>
        %ge3A_2166 = arith.constant 1769472 : i32
        %ge3A_2167 = vector.broadcast %ge3A_2166 : i32 to vector<16xi32>
        %ge3A_2168 = arith.cmpi uge, %bitcast3A_2165, %ge3A_2167 : vector<16xi32>
        %and3A_2169 = arith.constant 65535 : i32
        %and3A_2170 = vector.broadcast %and3A_2169 : i32 to vector<16xi32>
        %and3A_2171 = arith.andi %get3A_2162, %and3A_2170 : vector<16xi32>
        %add3A_2172 = arith.constant 1769472 : i32
        %add3A_2173 = vector.broadcast %add3A_2172 : i32 to vector<16xi32>
        %add3A_2174 = arith.addi %add3A_2173, %and3A_2171 : vector<16xi32>
        %select_n3A_2175 = arith.select %ge3A_2168, %add3A_2174, %sub3A_2164 : vector<16xi1>, vector<16xi32>
        %swap3A_2176 = arith.constant 9 : i32
        %swap3A_2177 = arith.constant 0 : i32
        %swap3A_2178 = tpu.memref_slice %arg7[%swap3A_2176, %swap3A_2177] : memref<16x128xi32, #tpu.memory_space<vmem>> -> memref<1x128xi32, #tpu.memory_space<vmem>>
        %swap3A_2179 = tpu.memref_squeeze %swap3A_2178 : memref<1x128xi32, #tpu.memory_space<vmem>> -> memref<128xi32, #tpu.memory_space<vmem>>
        %swap3A_2180 = arith.constant 32 : index
        %swap3A_2181 = tpu.vector_load %swap3A_2179[%swap3A_2180] {strides = array<i32>} : memref<128xi32, #tpu.memory_space<vmem>>, vector<16xi32>,
        %swap3A_2182 = vector.shape_cast %swap3A_2181 : vector<16xi32> to vector<16xi32>
        %swap3A_2183 = vector.shape_cast %select_n3A_2175 : vector<16xi32> to vector<16xi32>
        tpu.vector_store %swap3A_2179[%swap3A_2180], %swap3A_2183 {strides = array<i32>} : memref<128xi32, #tpu.memory_space<vmem>>, vector<16xi32>,
        %get3A_2184 = arith.constant 9 : i32
        %get3A_2185 = arith.constant 0 : i32
        %get3A_2186 = tpu.memref_slice %arg6[%get3A_2184, %get3A_2185] : memref<16x128xi32, #tpu.memory_space<vmem>> -> memref<1x128xi32, #tpu.memory_space<vmem>>
        %get3A_2187 = tpu.memref_squeeze %get3A_2186 : memref<1x128xi32, #tpu.memory_space<vmem>> -> memref<128xi32, #tpu.memory_space<vmem>>
        %get3A_2188 = arith.constant 48 : index
        %get3A_2189 = tpu.vector_load %get3A_2187[%get3A_2188] {strides = array<i32>} : memref<128xi32, #tpu.memory_space<vmem>>, vector<16xi32>,
        %get3A_2190 = vector.shape_cast %get3A_2189 : vector<16xi32> to vector<16xi32>
        %sub3A_2191 = vector.broadcast %mul3A_15 : i32 to vector<16xi32>
        %sub3A_2192 = arith.subi %get3A_2190, %sub3A_2191 : vector<16xi32>
        %bitcast3A_2193 = vector.bitcast %sub3A_2192 : vector<16xi32> to vector<16xi32>
        %ge3A_2194 = arith.constant 1769472 : i32
        %ge3A_2195 = vector.broadcast %ge3A_2194 : i32 to vector<16xi32>
        %ge3A_2196 = arith.cmpi uge, %bitcast3A_2193, %ge3A_2195 : vector<16xi32>
        %and3A_2197 = arith.constant 65535 : i32
        %and3A_2198 = vector.broadcast %and3A_2197 : i32 to vector<16xi32>
        %and3A_2199 = arith.andi %get3A_2190, %and3A_2198 : vector<16xi32>
        %add3A_2200 = arith.constant 1769472 : i32
        %add3A_2201 = vector.broadcast %add3A_2200 : i32 to vector<16xi32>
        %add3A_2202 = arith.addi %add3A_2201, %and3A_2199 : vector<16xi32>
        %select_n3A_2203 = arith.select %ge3A_2196, %add3A_2202, %sub3A_2192 : vector<16xi1>, vector<16xi32>
        %swap3A_2204 = arith.constant 9 : i32
        %swap3A_2205 = arith.constant 0 : i32
        %swap3A_2206 = tpu.memref_slice %arg7[%swap3A_2204, %swap3A_2205] : memref<16x128xi32, #tpu.memory_space<vmem>> -> memref<1x128xi32, #tpu.memory_space<vmem>>
        %swap3A_2207 = tpu.memref_squeeze %swap3A_2206 : memref<1x128xi32, #tpu.memory_space<vmem>> -> memref<128xi32, #tpu.memory_space<vmem>>
        %swap3A_2208 = arith.constant 48 : index
        %swap3A_2209 = tpu.vector_load %swap3A_2207[%swap3A_2208] {strides = array<i32>} : memref<128xi32, #tpu.memory_space<vmem>>, vector<16xi32>,
        %swap3A_2210 = vector.shape_cast %swap3A_2209 : vector<16xi32> to vector<16xi32>
        %swap3A_2211 = vector.shape_cast %select_n3A_2203 : vector<16xi32> to vector<16xi32>
        tpu.vector_store %swap3A_2207[%swap3A_2208], %swap3A_2211 {strides = array<i32>} : memref<128xi32, #tpu.memory_space<vmem>>, vector<16xi32>,
        %get3A_2212 = arith.constant 9 : i32
        %get3A_2213 = arith.constant 0 : i32
        %get3A_2214 = tpu.memref_slice %arg6[%get3A_2212, %get3A_2213] : memref<16x128xi32, #tpu.memory_space<vmem>> -> memref<1x128xi32, #tpu.memory_space<vmem>>
        %get3A_2215 = tpu.memref_squeeze %get3A_2214 : memref<1x128xi32, #tpu.memory_space<vmem>> -> memref<128xi32, #tpu.memory_space<vmem>>
        %get3A_2216 = arith.constant 64 : index
        %get3A_2217 = tpu.vector_load %get3A_2215[%get3A_2216] {strides = array<i32>} : memref<128xi32, #tpu.memory_space<vmem>>, vector<16xi32>,
        %get3A_2218 = vector.shape_cast %get3A_2217 : vector<16xi32> to vector<16xi32>
        %sub3A_2219 = vector.broadcast %mul3A_15 : i32 to vector<16xi32>
        %sub3A_2220 = arith.subi %get3A_2218, %sub3A_2219 : vector<16xi32>
        %bitcast3A_2221 = vector.bitcast %sub3A_2220 : vector<16xi32> to vector<16xi32>
        %ge3A_2222 = arith.constant 1769472 : i32
        %ge3A_2223 = vector.broadcast %ge3A_2222 : i32 to vector<16xi32>
        %ge3A_2224 = arith.cmpi uge, %bitcast3A_2221, %ge3A_2223 : vector<16xi32>
        %and3A_2225 = arith.constant 65535 : i32
        %and3A_2226 = vector.broadcast %and3A_2225 : i32 to vector<16xi32>
        %and3A_2227 = arith.andi %get3A_2218, %and3A_2226 : vector<16xi32>
        %add3A_2228 = arith.constant 1769472 : i32
        %add3A_2229 = vector.broadcast %add3A_2228 : i32 to vector<16xi32>
        %add3A_2230 = arith.addi %add3A_2229, %and3A_2227 : vector<16xi32>
        %select_n3A_2231 = arith.select %ge3A_2224, %add3A_2230, %sub3A_2220 : vector<16xi1>, vector<16xi32>
        %swap3A_2232 = arith.constant 9 : i32
        %swap3A_2233 = arith.constant 0 : i32
        %swap3A_2234 = tpu.memref_slice %arg7[%swap3A_2232, %swap3A_2233] : memref<16x128xi32, #tpu.memory_space<vmem>> -> memref<1x128xi32, #tpu.memory_space<vmem>>
        %swap3A_2235 = tpu.memref_squeeze %swap3A_2234 : memref<1x128xi32, #tpu.memory_space<vmem>> -> memref<128xi32, #tpu.memory_space<vmem>>
        %swap3A_2236 = arith.constant 64 : index
        %swap3A_2237 = tpu.vector_load %swap3A_2235[%swap3A_2236] {strides = array<i32>} : memref<128xi32, #tpu.memory_space<vmem>>, vector<16xi32>,
        %swap3A_2238 = vector.shape_cast %swap3A_2237 : vector<16xi32> to vector<16xi32>
        %swap3A_2239 = vector.shape_cast %select_n3A_2231 : vector<16xi32> to vector<16xi32>
        tpu.vector_store %swap3A_2235[%swap3A_2236], %swap3A_2239 {strides = array<i32>} : memref<128xi32, #tpu.memory_space<vmem>>, vector<16xi32>,
        %get3A_2240 = arith.constant 9 : i32
        %get3A_2241 = arith.constant 0 : i32
        %get3A_2242 = tpu.memref_slice %arg6[%get3A_2240, %get3A_2241] : memref<16x128xi32, #tpu.memory_space<vmem>> -> memref<1x128xi32, #tpu.memory_space<vmem>>
        %get3A_2243 = tpu.memref_squeeze %get3A_2242 : memref<1x128xi32, #tpu.memory_space<vmem>> -> memref<128xi32, #tpu.memory_space<vmem>>
        %get3A_2244 = arith.constant 80 : index
        %get3A_2245 = tpu.vector_load %get3A_2243[%get3A_2244] {strides = array<i32>} : memref<128xi32, #tpu.memory_space<vmem>>, vector<16xi32>,
        %get3A_2246 = vector.shape_cast %get3A_2245 : vector<16xi32> to vector<16xi32>
        %sub3A_2247 = vector.broadcast %mul3A_15 : i32 to vector<16xi32>
        %sub3A_2248 = arith.subi %get3A_2246, %sub3A_2247 : vector<16xi32>
        %bitcast3A_2249 = vector.bitcast %sub3A_2248 : vector<16xi32> to vector<16xi32>
        %ge3A_2250 = arith.constant 1769472 : i32
        %ge3A_2251 = vector.broadcast %ge3A_2250 : i32 to vector<16xi32>
        %ge3A_2252 = arith.cmpi uge, %bitcast3A_2249, %ge3A_2251 : vector<16xi32>
        %and3A_2253 = arith.constant 65535 : i32
        %and3A_2254 = vector.broadcast %and3A_2253 : i32 to vector<16xi32>
        %and3A_2255 = arith.andi %get3A_2246, %and3A_2254 : vector<16xi32>
        %add3A_2256 = arith.constant 1769472 : i32
        %add3A_2257 = vector.broadcast %add3A_2256 : i32 to vector<16xi32>
        %add3A_2258 = arith.addi %add3A_2257, %and3A_2255 : vector<16xi32>
        %select_n3A_2259 = arith.select %ge3A_2252, %add3A_2258, %sub3A_2248 : vector<16xi1>, vector<16xi32>
        %swap3A_2260 = arith.constant 9 : i32
        %swap3A_2261 = arith.constant 0 : i32
        %swap3A_2262 = tpu.memref_slice %arg7[%swap3A_2260, %swap3A_2261] : memref<16x128xi32, #tpu.memory_space<vmem>> -> memref<1x128xi32, #tpu.memory_space<vmem>>
        %swap3A_2263 = tpu.memref_squeeze %swap3A_2262 : memref<1x128xi32, #tpu.memory_space<vmem>> -> memref<128xi32, #tpu.memory_space<vmem>>
        %swap3A_2264 = arith.constant 80 : index
        %swap3A_2265 = tpu.vector_load %swap3A_2263[%swap3A_2264] {strides = array<i32>} : memref<128xi32, #tpu.memory_space<vmem>>, vector<16xi32>,
        %swap3A_2266 = vector.shape_cast %swap3A_2265 : vector<16xi32> to vector<16xi32>
        %swap3A_2267 = vector.shape_cast %select_n3A_2259 : vector<16xi32> to vector<16xi32>
        tpu.vector_store %swap3A_2263[%swap3A_2264], %swap3A_2267 {strides = array<i32>} : memref<128xi32, #tpu.memory_space<vmem>>, vector<16xi32>,
        %get3A_2268 = arith.constant 9 : i32
        %get3A_2269 = arith.constant 0 : i32
        %get3A_2270 = tpu.memref_slice %arg6[%get3A_2268, %get3A_2269] : memref<16x128xi32, #tpu.memory_space<vmem>> -> memref<1x128xi32, #tpu.memory_space<vmem>>
        %get3A_2271 = tpu.memref_squeeze %get3A_2270 : memref<1x128xi32, #tpu.memory_space<vmem>> -> memref<128xi32, #tpu.memory_space<vmem>>
        %get3A_2272 = arith.constant 96 : index
        %get3A_2273 = tpu.vector_load %get3A_2271[%get3A_2272] {strides = array<i32>} : memref<128xi32, #tpu.memory_space<vmem>>, vector<16xi32>,
        %get3A_2274 = vector.shape_cast %get3A_2273 : vector<16xi32> to vector<16xi32>
        %sub3A_2275 = vector.broadcast %mul3A_15 : i32 to vector<16xi32>
        %sub3A_2276 = arith.subi %get3A_2274, %sub3A_2275 : vector<16xi32>
        %bitcast3A_2277 = vector.bitcast %sub3A_2276 : vector<16xi32> to vector<16xi32>
        %ge3A_2278 = arith.constant 1769472 : i32
        %ge3A_2279 = vector.broadcast %ge3A_2278 : i32 to vector<16xi32>
        %ge3A_2280 = arith.cmpi uge, %bitcast3A_2277, %ge3A_2279 : vector<16xi32>
        %and3A_2281 = arith.constant 65535 : i32
        %and3A_2282 = vector.broadcast %and3A_2281 : i32 to vector<16xi32>
        %and3A_2283 = arith.andi %get3A_2274, %and3A_2282 : vector<16xi32>
        %add3A_2284 = arith.constant 1769472 : i32
        %add3A_2285 = vector.broadcast %add3A_2284 : i32 to vector<16xi32>
        %add3A_2286 = arith.addi %add3A_2285, %and3A_2283 : vector<16xi32>
        %select_n3A_2287 = arith.select %ge3A_2280, %add3A_2286, %sub3A_2276 : vector<16xi1>, vector<16xi32>
        %swap3A_2288 = arith.constant 9 : i32
        %swap3A_2289 = arith.constant 0 : i32
        %swap3A_2290 = tpu.memref_slice %arg7[%swap3A_2288, %swap3A_2289] : memref<16x128xi32, #tpu.memory_space<vmem>> -> memref<1x128xi32, #tpu.memory_space<vmem>>
        %swap3A_2291 = tpu.memref_squeeze %swap3A_2290 : memref<1x128xi32, #tpu.memory_space<vmem>> -> memref<128xi32, #tpu.memory_space<vmem>>
        %swap3A_2292 = arith.constant 96 : index
        %swap3A_2293 = tpu.vector_load %swap3A_2291[%swap3A_2292] {strides = array<i32>} : memref<128xi32, #tpu.memory_space<vmem>>, vector<16xi32>,
        %swap3A_2294 = vector.shape_cast %swap3A_2293 : vector<16xi32> to vector<16xi32>
        %swap3A_2295 = vector.shape_cast %select_n3A_2287 : vector<16xi32> to vector<16xi32>
        tpu.vector_store %swap3A_2291[%swap3A_2292], %swap3A_2295 {strides = array<i32>} : memref<128xi32, #tpu.memory_space<vmem>>, vector<16xi32>,
        %get3A_2296 = arith.constant 9 : i32
        %get3A_2297 = arith.constant 0 : i32
        %get3A_2298 = tpu.memref_slice %arg6[%get3A_2296, %get3A_2297] : memref<16x128xi32, #tpu.memory_space<vmem>> -> memref<1x128xi32, #tpu.memory_space<vmem>>
        %get3A_2299 = tpu.memref_squeeze %get3A_2298 : memref<1x128xi32, #tpu.memory_space<vmem>> -> memref<128xi32, #tpu.memory_space<vmem>>
        %get3A_2300 = arith.constant 112 : index
        %get3A_2301 = tpu.vector_load %get3A_2299[%get3A_2300] {strides = array<i32>} : memref<128xi32, #tpu.memory_space<vmem>>, vector<16xi32>,
        %get3A_2302 = vector.shape_cast %get3A_2301 : vector<16xi32> to vector<16xi32>
        %sub3A_2303 = vector.broadcast %mul3A_15 : i32 to vector<16xi32>
        %sub3A_2304 = arith.subi %get3A_2302, %sub3A_2303 : vector<16xi32>
        %bitcast3A_2305 = vector.bitcast %sub3A_2304 : vector<16xi32> to vector<16xi32>
        %ge3A_2306 = arith.constant 1769472 : i32
        %ge3A_2307 = vector.broadcast %ge3A_2306 : i32 to vector<16xi32>
        %ge3A_2308 = arith.cmpi uge, %bitcast3A_2305, %ge3A_2307 : vector<16xi32>
        %and3A_2309 = arith.constant 65535 : i32
        %and3A_2310 = vector.broadcast %and3A_2309 : i32 to vector<16xi32>
        %and3A_2311 = arith.andi %get3A_2302, %and3A_2310 : vector<16xi32>
        %add3A_2312 = arith.constant 1769472 : i32
        %add3A_2313 = vector.broadcast %add3A_2312 : i32 to vector<16xi32>
        %add3A_2314 = arith.addi %add3A_2313, %and3A_2311 : vector<16xi32>
        %select_n3A_2315 = arith.select %ge3A_2308, %add3A_2314, %sub3A_2304 : vector<16xi1>, vector<16xi32>
        %swap3A_2316 = arith.constant 9 : i32
        %swap3A_2317 = arith.constant 0 : i32
        %swap3A_2318 = tpu.memref_slice %arg7[%swap3A_2316, %swap3A_2317] : memref<16x128xi32, #tpu.memory_space<vmem>> -> memref<1x128xi32, #tpu.memory_space<vmem>>
        %swap3A_2319 = tpu.memref_squeeze %swap3A_2318 : memref<1x128xi32, #tpu.memory_space<vmem>> -> memref<128xi32, #tpu.memory_space<vmem>>
        %swap3A_2320 = arith.constant 112 : index
        %swap3A_2321 = tpu.vector_load %swap3A_2319[%swap3A_2320] {strides = array<i32>} : memref<128xi32, #tpu.memory_space<vmem>>, vector<16xi32>,
        %swap3A_2322 = vector.shape_cast %swap3A_2321 : vector<16xi32> to vector<16xi32>
        %swap3A_2323 = vector.shape_cast %select_n3A_2315 : vector<16xi32> to vector<16xi32>
        tpu.vector_store %swap3A_2319[%swap3A_2320], %swap3A_2323 {strides = array<i32>} : memref<128xi32, #tpu.memory_space<vmem>>, vector<16xi32>,
        %get3A_2324 = arith.constant 10 : i32
        %get3A_2325 = arith.constant 0 : i32
        %get3A_2326 = tpu.memref_slice %arg6[%get3A_2324, %get3A_2325] : memref<16x128xi32, #tpu.memory_space<vmem>> -> memref<1x128xi32, #tpu.memory_space<vmem>>
        %get3A_2327 = tpu.memref_squeeze %get3A_2326 : memref<1x128xi32, #tpu.memory_space<vmem>> -> memref<128xi32, #tpu.memory_space<vmem>>
        %get3A_2328 = arith.constant 0 : index
        %get3A_2329 = tpu.vector_load %get3A_2327[%get3A_2328] {strides = array<i32>} : memref<128xi32, #tpu.memory_space<vmem>>, vector<16xi32>,
        %get3A_2330 = vector.shape_cast %get3A_2329 : vector<16xi32> to vector<16xi32>
        %sub3A_2331 = vector.broadcast %mul3A_15 : i32 to vector<16xi32>
        %sub3A_2332 = arith.subi %get3A_2330, %sub3A_2331 : vector<16xi32>
        %bitcast3A_2333 = vector.bitcast %sub3A_2332 : vector<16xi32> to vector<16xi32>
        %ge3A_2334 = arith.constant 1769472 : i32
        %ge3A_2335 = vector.broadcast %ge3A_2334 : i32 to vector<16xi32>
        %ge3A_2336 = arith.cmpi uge, %bitcast3A_2333, %ge3A_2335 : vector<16xi32>
        %and3A_2337 = arith.constant 65535 : i32
        %and3A_2338 = vector.broadcast %and3A_2337 : i32 to vector<16xi32>
        %and3A_2339 = arith.andi %get3A_2330, %and3A_2338 : vector<16xi32>
        %add3A_2340 = arith.constant 1769472 : i32
        %add3A_2341 = vector.broadcast %add3A_2340 : i32 to vector<16xi32>
        %add3A_2342 = arith.addi %add3A_2341, %and3A_2339 : vector<16xi32>
        %select_n3A_2343 = arith.select %ge3A_2336, %add3A_2342, %sub3A_2332 : vector<16xi1>, vector<16xi32>
        %swap3A_2344 = arith.constant 10 : i32
        %swap3A_2345 = arith.constant 0 : i32
        %swap3A_2346 = tpu.memref_slice %arg7[%swap3A_2344, %swap3A_2345] : memref<16x128xi32, #tpu.memory_space<vmem>> -> memref<1x128xi32, #tpu.memory_space<vmem>>
        %swap3A_2347 = tpu.memref_squeeze %swap3A_2346 : memref<1x128xi32, #tpu.memory_space<vmem>> -> memref<128xi32, #tpu.memory_space<vmem>>
        %swap3A_2348 = arith.constant 0 : index
        %swap3A_2349 = tpu.vector_load %swap3A_2347[%swap3A_2348] {strides = array<i32>} : memref<128xi32, #tpu.memory_space<vmem>>, vector<16xi32>,
        %swap3A_2350 = vector.shape_cast %swap3A_2349 : vector<16xi32> to vector<16xi32>
        %swap3A_2351 = vector.shape_cast %select_n3A_2343 : vector<16xi32> to vector<16xi32>
        tpu.vector_store %swap3A_2347[%swap3A_2348], %swap3A_2351 {strides = array<i32>} : memref<128xi32, #tpu.memory_space<vmem>>, vector<16xi32>,
        %get3A_2352 = arith.constant 10 : i32
        %get3A_2353 = arith.constant 0 : i32
        %get3A_2354 = tpu.memref_slice %arg6[%get3A_2352, %get3A_2353] : memref<16x128xi32, #tpu.memory_space<vmem>> -> memref<1x128xi32, #tpu.memory_space<vmem>>
        %get3A_2355 = tpu.memref_squeeze %get3A_2354 : memref<1x128xi32, #tpu.memory_space<vmem>> -> memref<128xi32, #tpu.memory_space<vmem>>
        %get3A_2356 = arith.constant 16 : index
        %get3A_2357 = tpu.vector_load %get3A_2355[%get3A_2356] {strides = array<i32>} : memref<128xi32, #tpu.memory_space<vmem>>, vector<16xi32>,
        %get3A_2358 = vector.shape_cast %get3A_2357 : vector<16xi32> to vector<16xi32>
        %sub3A_2359 = vector.broadcast %mul3A_15 : i32 to vector<16xi32>
        %sub3A_2360 = arith.subi %get3A_2358, %sub3A_2359 : vector<16xi32>
        %bitcast3A_2361 = vector.bitcast %sub3A_2360 : vector<16xi32> to vector<16xi32>
        %ge3A_2362 = arith.constant 1769472 : i32
        %ge3A_2363 = vector.broadcast %ge3A_2362 : i32 to vector<16xi32>
        %ge3A_2364 = arith.cmpi uge, %bitcast3A_2361, %ge3A_2363 : vector<16xi32>
        %and3A_2365 = arith.constant 65535 : i32
        %and3A_2366 = vector.broadcast %and3A_2365 : i32 to vector<16xi32>
        %and3A_2367 = arith.andi %get3A_2358, %and3A_2366 : vector<16xi32>
        %add3A_2368 = arith.constant 1769472 : i32
        %add3A_2369 = vector.broadcast %add3A_2368 : i32 to vector<16xi32>
        %add3A_2370 = arith.addi %add3A_2369, %and3A_2367 : vector<16xi32>
        %select_n3A_2371 = arith.select %ge3A_2364, %add3A_2370, %sub3A_2360 : vector<16xi1>, vector<16xi32>
        %swap3A_2372 = arith.constant 10 : i32
        %swap3A_2373 = arith.constant 0 : i32
        %swap3A_2374 = tpu.memref_slice %arg7[%swap3A_2372, %swap3A_2373] : memref<16x128xi32, #tpu.memory_space<vmem>> -> memref<1x128xi32, #tpu.memory_space<vmem>>
        %swap3A_2375 = tpu.memref_squeeze %swap3A_2374 : memref<1x128xi32, #tpu.memory_space<vmem>> -> memref<128xi32, #tpu.memory_space<vmem>>
        %swap3A_2376 = arith.constant 16 : index
        %swap3A_2377 = tpu.vector_load %swap3A_2375[%swap3A_2376] {strides = array<i32>} : memref<128xi32, #tpu.memory_space<vmem>>, vector<16xi32>,
        %swap3A_2378 = vector.shape_cast %swap3A_2377 : vector<16xi32> to vector<16xi32>
        %swap3A_2379 = vector.shape_cast %select_n3A_2371 : vector<16xi32> to vector<16xi32>
        tpu.vector_store %swap3A_2375[%swap3A_2376], %swap3A_2379 {strides = array<i32>} : memref<128xi32, #tpu.memory_space<vmem>>, vector<16xi32>,
        %get3A_2380 = arith.constant 10 : i32
        %get3A_2381 = arith.constant 0 : i32
        %get3A_2382 = tpu.memref_slice %arg6[%get3A_2380, %get3A_2381] : memref<16x128xi32, #tpu.memory_space<vmem>> -> memref<1x128xi32, #tpu.memory_space<vmem>>
        %get3A_2383 = tpu.memref_squeeze %get3A_2382 : memref<1x128xi32, #tpu.memory_space<vmem>> -> memref<128xi32, #tpu.memory_space<vmem>>
        %get3A_2384 = arith.constant 32 : index
        %get3A_2385 = tpu.vector_load %get3A_2383[%get3A_2384] {strides = array<i32>} : memref<128xi32, #tpu.memory_space<vmem>>, vector<16xi32>,
        %get3A_2386 = vector.shape_cast %get3A_2385 : vector<16xi32> to vector<16xi32>
        %sub3A_2387 = vector.broadcast %mul3A_15 : i32 to vector<16xi32>
        %sub3A_2388 = arith.subi %get3A_2386, %sub3A_2387 : vector<16xi32>
        %bitcast3A_2389 = vector.bitcast %sub3A_2388 : vector<16xi32> to vector<16xi32>
        %ge3A_2390 = arith.constant 1769472 : i32
        %ge3A_2391 = vector.broadcast %ge3A_2390 : i32 to vector<16xi32>
        %ge3A_2392 = arith.cmpi uge, %bitcast3A_2389, %ge3A_2391 : vector<16xi32>
        %and3A_2393 = arith.constant 65535 : i32
        %and3A_2394 = vector.broadcast %and3A_2393 : i32 to vector<16xi32>
        %and3A_2395 = arith.andi %get3A_2386, %and3A_2394 : vector<16xi32>
        %add3A_2396 = arith.constant 1769472 : i32
        %add3A_2397 = vector.broadcast %add3A_2396 : i32 to vector<16xi32>
        %add3A_2398 = arith.addi %add3A_2397, %and3A_2395 : vector<16xi32>
        %select_n3A_2399 = arith.select %ge3A_2392, %add3A_2398, %sub3A_2388 : vector<16xi1>, vector<16xi32>
        %swap3A_2400 = arith.constant 10 : i32
        %swap3A_2401 = arith.constant 0 : i32
        %swap3A_2402 = tpu.memref_slice %arg7[%swap3A_2400, %swap3A_2401] : memref<16x128xi32, #tpu.memory_space<vmem>> -> memref<1x128xi32, #tpu.memory_space<vmem>>
        %swap3A_2403 = tpu.memref_squeeze %swap3A_2402 : memref<1x128xi32, #tpu.memory_space<vmem>> -> memref<128xi32, #tpu.memory_space<vmem>>
        %swap3A_2404 = arith.constant 32 : index
        %swap3A_2405 = tpu.vector_load %swap3A_2403[%swap3A_2404] {strides = array<i32>} : memref<128xi32, #tpu.memory_space<vmem>>, vector<16xi32>,
        %swap3A_2406 = vector.shape_cast %swap3A_2405 : vector<16xi32> to vector<16xi32>
        %swap3A_2407 = vector.shape_cast %select_n3A_2399 : vector<16xi32> to vector<16xi32>
        tpu.vector_store %swap3A_2403[%swap3A_2404], %swap3A_2407 {strides = array<i32>} : memref<128xi32, #tpu.memory_space<vmem>>, vector<16xi32>,
        %get3A_2408 = arith.constant 10 : i32
        %get3A_2409 = arith.constant 0 : i32
        %get3A_2410 = tpu.memref_slice %arg6[%get3A_2408, %get3A_2409] : memref<16x128xi32, #tpu.memory_space<vmem>> -> memref<1x128xi32, #tpu.memory_space<vmem>>
        %get3A_2411 = tpu.memref_squeeze %get3A_2410 : memref<1x128xi32, #tpu.memory_space<vmem>> -> memref<128xi32, #tpu.memory_space<vmem>>
        %get3A_2412 = arith.constant 48 : index
        %get3A_2413 = tpu.vector_load %get3A_2411[%get3A_2412] {strides = array<i32>} : memref<128xi32, #tpu.memory_space<vmem>>, vector<16xi32>,
        %get3A_2414 = vector.shape_cast %get3A_2413 : vector<16xi32> to vector<16xi32>
        %sub3A_2415 = vector.broadcast %mul3A_15 : i32 to vector<16xi32>
        %sub3A_2416 = arith.subi %get3A_2414, %sub3A_2415 : vector<16xi32>
        %bitcast3A_2417 = vector.bitcast %sub3A_2416 : vector<16xi32> to vector<16xi32>
        %ge3A_2418 = arith.constant 1769472 : i32
        %ge3A_2419 = vector.broadcast %ge3A_2418 : i32 to vector<16xi32>
        %ge3A_2420 = arith.cmpi uge, %bitcast3A_2417, %ge3A_2419 : vector<16xi32>
        %and3A_2421 = arith.constant 65535 : i32
        %and3A_2422 = vector.broadcast %and3A_2421 : i32 to vector<16xi32>
        %and3A_2423 = arith.andi %get3A_2414, %and3A_2422 : vector<16xi32>
        %add3A_2424 = arith.constant 1769472 : i32
        %add3A_2425 = vector.broadcast %add3A_2424 : i32 to vector<16xi32>
        %add3A_2426 = arith.addi %add3A_2425, %and3A_2423 : vector<16xi32>
        %select_n3A_2427 = arith.select %ge3A_2420, %add3A_2426, %sub3A_2416 : vector<16xi1>, vector<16xi32>
        %swap3A_2428 = arith.constant 10 : i32
        %swap3A_2429 = arith.constant 0 : i32
        %swap3A_2430 = tpu.memref_slice %arg7[%swap3A_2428, %swap3A_2429] : memref<16x128xi32, #tpu.memory_space<vmem>> -> memref<1x128xi32, #tpu.memory_space<vmem>>
        %swap3A_2431 = tpu.memref_squeeze %swap3A_2430 : memref<1x128xi32, #tpu.memory_space<vmem>> -> memref<128xi32, #tpu.memory_space<vmem>>
        %swap3A_2432 = arith.constant 48 : index
        %swap3A_2433 = tpu.vector_load %swap3A_2431[%swap3A_2432] {strides = array<i32>} : memref<128xi32, #tpu.memory_space<vmem>>, vector<16xi32>,
        %swap3A_2434 = vector.shape_cast %swap3A_2433 : vector<16xi32> to vector<16xi32>
        %swap3A_2435 = vector.shape_cast %select_n3A_2427 : vector<16xi32> to vector<16xi32>
        tpu.vector_store %swap3A_2431[%swap3A_2432], %swap3A_2435 {strides = array<i32>} : memref<128xi32, #tpu.memory_space<vmem>>, vector<16xi32>,
        %get3A_2436 = arith.constant 10 : i32
        %get3A_2437 = arith.constant 0 : i32
        %get3A_2438 = tpu.memref_slice %arg6[%get3A_2436, %get3A_2437] : memref<16x128xi32, #tpu.memory_space<vmem>> -> memref<1x128xi32, #tpu.memory_space<vmem>>
        %get3A_2439 = tpu.memref_squeeze %get3A_2438 : memref<1x128xi32, #tpu.memory_space<vmem>> -> memref<128xi32, #tpu.memory_space<vmem>>
        %get3A_2440 = arith.constant 64 : index
        %get3A_2441 = tpu.vector_load %get3A_2439[%get3A_2440] {strides = array<i32>} : memref<128xi32, #tpu.memory_space<vmem>>, vector<16xi32>,
        %get3A_2442 = vector.shape_cast %get3A_2441 : vector<16xi32> to vector<16xi32>
        %sub3A_2443 = vector.broadcast %mul3A_15 : i32 to vector<16xi32>
        %sub3A_2444 = arith.subi %get3A_2442, %sub3A_2443 : vector<16xi32>
        %bitcast3A_2445 = vector.bitcast %sub3A_2444 : vector<16xi32> to vector<16xi32>
        %ge3A_2446 = arith.constant 1769472 : i32
        %ge3A_2447 = vector.broadcast %ge3A_2446 : i32 to vector<16xi32>
        %ge3A_2448 = arith.cmpi uge, %bitcast3A_2445, %ge3A_2447 : vector<16xi32>
        %and3A_2449 = arith.constant 65535 : i32
        %and3A_2450 = vector.broadcast %and3A_2449 : i32 to vector<16xi32>
        %and3A_2451 = arith.andi %get3A_2442, %and3A_2450 : vector<16xi32>
        %add3A_2452 = arith.constant 1769472 : i32
        %add3A_2453 = vector.broadcast %add3A_2452 : i32 to vector<16xi32>
        %add3A_2454 = arith.addi %add3A_2453, %and3A_2451 : vector<16xi32>
        %select_n3A_2455 = arith.select %ge3A_2448, %add3A_2454, %sub3A_2444 : vector<16xi1>, vector<16xi32>
        %swap3A_2456 = arith.constant 10 : i32
        %swap3A_2457 = arith.constant 0 : i32
        %swap3A_2458 = tpu.memref_slice %arg7[%swap3A_2456, %swap3A_2457] : memref<16x128xi32, #tpu.memory_space<vmem>> -> memref<1x128xi32, #tpu.memory_space<vmem>>
        %swap3A_2459 = tpu.memref_squeeze %swap3A_2458 : memref<1x128xi32, #tpu.memory_space<vmem>> -> memref<128xi32, #tpu.memory_space<vmem>>
        %swap3A_2460 = arith.constant 64 : index
        %swap3A_2461 = tpu.vector_load %swap3A_2459[%swap3A_2460] {strides = array<i32>} : memref<128xi32, #tpu.memory_space<vmem>>, vector<16xi32>,
        %swap3A_2462 = vector.shape_cast %swap3A_2461 : vector<16xi32> to vector<16xi32>
        %swap3A_2463 = vector.shape_cast %select_n3A_2455 : vector<16xi32> to vector<16xi32>
        tpu.vector_store %swap3A_2459[%swap3A_2460], %swap3A_2463 {strides = array<i32>} : memref<128xi32, #tpu.memory_space<vmem>>, vector<16xi32>,
        %get3A_2464 = arith.constant 10 : i32
        %get3A_2465 = arith.constant 0 : i32
        %get3A_2466 = tpu.memref_slice %arg6[%get3A_2464, %get3A_2465] : memref<16x128xi32, #tpu.memory_space<vmem>> -> memref<1x128xi32, #tpu.memory_space<vmem>>
        %get3A_2467 = tpu.memref_squeeze %get3A_2466 : memref<1x128xi32, #tpu.memory_space<vmem>> -> memref<128xi32, #tpu.memory_space<vmem>>
        %get3A_2468 = arith.constant 80 : index
        %get3A_2469 = tpu.vector_load %get3A_2467[%get3A_2468] {strides = array<i32>} : memref<128xi32, #tpu.memory_space<vmem>>, vector<16xi32>,
        %get3A_2470 = vector.shape_cast %get3A_2469 : vector<16xi32> to vector<16xi32>
        %sub3A_2471 = vector.broadcast %mul3A_15 : i32 to vector<16xi32>
        %sub3A_2472 = arith.subi %get3A_2470, %sub3A_2471 : vector<16xi32>
        %bitcast3A_2473 = vector.bitcast %sub3A_2472 : vector<16xi32> to vector<16xi32>
        %ge3A_2474 = arith.constant 1769472 : i32
        %ge3A_2475 = vector.broadcast %ge3A_2474 : i32 to vector<16xi32>
        %ge3A_2476 = arith.cmpi uge, %bitcast3A_2473, %ge3A_2475 : vector<16xi32>
        %and3A_2477 = arith.constant 65535 : i32
        %and3A_2478 = vector.broadcast %and3A_2477 : i32 to vector<16xi32>
        %and3A_2479 = arith.andi %get3A_2470, %and3A_2478 : vector<16xi32>
        %add3A_2480 = arith.constant 1769472 : i32
        %add3A_2481 = vector.broadcast %add3A_2480 : i32 to vector<16xi32>
        %add3A_2482 = arith.addi %add3A_2481, %and3A_2479 : vector<16xi32>
        %select_n3A_2483 = arith.select %ge3A_2476, %add3A_2482, %sub3A_2472 : vector<16xi1>, vector<16xi32>
        %swap3A_2484 = arith.constant 10 : i32
        %swap3A_2485 = arith.constant 0 : i32
        %swap3A_2486 = tpu.memref_slice %arg7[%swap3A_2484, %swap3A_2485] : memref<16x128xi32, #tpu.memory_space<vmem>> -> memref<1x128xi32, #tpu.memory_space<vmem>>
        %swap3A_2487 = tpu.memref_squeeze %swap3A_2486 : memref<1x128xi32, #tpu.memory_space<vmem>> -> memref<128xi32, #tpu.memory_space<vmem>>
        %swap3A_2488 = arith.constant 80 : index
        %swap3A_2489 = tpu.vector_load %swap3A_2487[%swap3A_2488] {strides = array<i32>} : memref<128xi32, #tpu.memory_space<vmem>>, vector<16xi32>,
        %swap3A_2490 = vector.shape_cast %swap3A_2489 : vector<16xi32> to vector<16xi32>
        %swap3A_2491 = vector.shape_cast %select_n3A_2483 : vector<16xi32> to vector<16xi32>
        tpu.vector_store %swap3A_2487[%swap3A_2488], %swap3A_2491 {strides = array<i32>} : memref<128xi32, #tpu.memory_space<vmem>>, vector<16xi32>,
        %get3A_2492 = arith.constant 10 : i32
        %get3A_2493 = arith.constant 0 : i32
        %get3A_2494 = tpu.memref_slice %arg6[%get3A_2492, %get3A_2493] : memref<16x128xi32, #tpu.memory_space<vmem>> -> memref<1x128xi32, #tpu.memory_space<vmem>>
        %get3A_2495 = tpu.memref_squeeze %get3A_2494 : memref<1x128xi32, #tpu.memory_space<vmem>> -> memref<128xi32, #tpu.memory_space<vmem>>
        %get3A_2496 = arith.constant 96 : index
        %get3A_2497 = tpu.vector_load %get3A_2495[%get3A_2496] {strides = array<i32>} : memref<128xi32, #tpu.memory_space<vmem>>, vector<16xi32>,
        %get3A_2498 = vector.shape_cast %get3A_2497 : vector<16xi32> to vector<16xi32>
        %sub3A_2499 = vector.broadcast %mul3A_15 : i32 to vector<16xi32>
        %sub3A_2500 = arith.subi %get3A_2498, %sub3A_2499 : vector<16xi32>
        %bitcast3A_2501 = vector.bitcast %sub3A_2500 : vector<16xi32> to vector<16xi32>
        %ge3A_2502 = arith.constant 1769472 : i32
        %ge3A_2503 = vector.broadcast %ge3A_2502 : i32 to vector<16xi32>
        %ge3A_2504 = arith.cmpi uge, %bitcast3A_2501, %ge3A_2503 : vector<16xi32>
        %and3A_2505 = arith.constant 65535 : i32
        %and3A_2506 = vector.broadcast %and3A_2505 : i32 to vector<16xi32>
        %and3A_2507 = arith.andi %get3A_2498, %and3A_2506 : vector<16xi32>
        %add3A_2508 = arith.constant 1769472 : i32
        %add3A_2509 = vector.broadcast %add3A_2508 : i32 to vector<16xi32>
        %add3A_2510 = arith.addi %add3A_2509, %and3A_2507 : vector<16xi32>
        %select_n3A_2511 = arith.select %ge3A_2504, %add3A_2510, %sub3A_2500 : vector<16xi1>, vector<16xi32>
        %swap3A_2512 = arith.constant 10 : i32
        %swap3A_2513 = arith.constant 0 : i32
        %swap3A_2514 = tpu.memref_slice %arg7[%swap3A_2512, %swap3A_2513] : memref<16x128xi32, #tpu.memory_space<vmem>> -> memref<1x128xi32, #tpu.memory_space<vmem>>
        %swap3A_2515 = tpu.memref_squeeze %swap3A_2514 : memref<1x128xi32, #tpu.memory_space<vmem>> -> memref<128xi32, #tpu.memory_space<vmem>>
        %swap3A_2516 = arith.constant 96 : index
        %swap3A_2517 = tpu.vector_load %swap3A_2515[%swap3A_2516] {strides = array<i32>} : memref<128xi32, #tpu.memory_space<vmem>>, vector<16xi32>,
        %swap3A_2518 = vector.shape_cast %swap3A_2517 : vector<16xi32> to vector<16xi32>
        %swap3A_2519 = vector.shape_cast %select_n3A_2511 : vector<16xi32> to vector<16xi32>
        tpu.vector_store %swap3A_2515[%swap3A_2516], %swap3A_2519 {strides = array<i32>} : memref<128xi32, #tpu.memory_space<vmem>>, vector<16xi32>,
        %get3A_2520 = arith.constant 10 : i32
        %get3A_2521 = arith.constant 0 : i32
        %get3A_2522 = tpu.memref_slice %arg6[%get3A_2520, %get3A_2521] : memref<16x128xi32, #tpu.memory_space<vmem>> -> memref<1x128xi32, #tpu.memory_space<vmem>>
        %get3A_2523 = tpu.memref_squeeze %get3A_2522 : memref<1x128xi32, #tpu.memory_space<vmem>> -> memref<128xi32, #tpu.memory_space<vmem>>
        %get3A_2524 = arith.constant 112 : index
        %get3A_2525 = tpu.vector_load %get3A_2523[%get3A_2524] {strides = array<i32>} : memref<128xi32, #tpu.memory_space<vmem>>, vector<16xi32>,
        %get3A_2526 = vector.shape_cast %get3A_2525 : vector<16xi32> to vector<16xi32>
        %sub3A_2527 = vector.broadcast %mul3A_15 : i32 to vector<16xi32>
        %sub3A_2528 = arith.subi %get3A_2526, %sub3A_2527 : vector<16xi32>
        %bitcast3A_2529 = vector.bitcast %sub3A_2528 : vector<16xi32> to vector<16xi32>
        %ge3A_2530 = arith.constant 1769472 : i32
        %ge3A_2531 = vector.broadcast %ge3A_2530 : i32 to vector<16xi32>
        %ge3A_2532 = arith.cmpi uge, %bitcast3A_2529, %ge3A_2531 : vector<16xi32>
        %and3A_2533 = arith.constant 65535 : i32
        %and3A_2534 = vector.broadcast %and3A_2533 : i32 to vector<16xi32>
        %and3A_2535 = arith.andi %get3A_2526, %and3A_2534 : vector<16xi32>
        %add3A_2536 = arith.constant 1769472 : i32
        %add3A_2537 = vector.broadcast %add3A_2536 : i32 to vector<16xi32>
        %add3A_2538 = arith.addi %add3A_2537, %and3A_2535 : vector<16xi32>
        %select_n3A_2539 = arith.select %ge3A_2532, %add3A_2538, %sub3A_2528 : vector<16xi1>, vector<16xi32>
        %swap3A_2540 = arith.constant 10 : i32
        %swap3A_2541 = arith.constant 0 : i32
        %swap3A_2542 = tpu.memref_slice %arg7[%swap3A_2540, %swap3A_2541] : memref<16x128xi32, #tpu.memory_space<vmem>> -> memref<1x128xi32, #tpu.memory_space<vmem>>
        %swap3A_2543 = tpu.memref_squeeze %swap3A_2542 : memref<1x128xi32, #tpu.memory_space<vmem>> -> memref<128xi32, #tpu.memory_space<vmem>>
        %swap3A_2544 = arith.constant 112 : index
        %swap3A_2545 = tpu.vector_load %swap3A_2543[%swap3A_2544] {strides = array<i32>} : memref<128xi32, #tpu.memory_space<vmem>>, vector<16xi32>,
        %swap3A_2546 = vector.shape_cast %swap3A_2545 : vector<16xi32> to vector<16xi32>
        %swap3A_2547 = vector.shape_cast %select_n3A_2539 : vector<16xi32> to vector<16xi32>
        tpu.vector_store %swap3A_2543[%swap3A_2544], %swap3A_2547 {strides = array<i32>} : memref<128xi32, #tpu.memory_space<vmem>>, vector<16xi32>,
        %get3A_2548 = arith.constant 11 : i32
        %get3A_2549 = arith.constant 0 : i32
        %get3A_2550 = tpu.memref_slice %arg6[%get3A_2548, %get3A_2549] : memref<16x128xi32, #tpu.memory_space<vmem>> -> memref<1x128xi32, #tpu.memory_space<vmem>>
        %get3A_2551 = tpu.memref_squeeze %get3A_2550 : memref<1x128xi32, #tpu.memory_space<vmem>> -> memref<128xi32, #tpu.memory_space<vmem>>
        %get3A_2552 = arith.constant 0 : index
        %get3A_2553 = tpu.vector_load %get3A_2551[%get3A_2552] {strides = array<i32>} : memref<128xi32, #tpu.memory_space<vmem>>, vector<16xi32>,
        %get3A_2554 = vector.shape_cast %get3A_2553 : vector<16xi32> to vector<16xi32>
        %sub3A_2555 = vector.broadcast %mul3A_15 : i32 to vector<16xi32>
        %sub3A_2556 = arith.subi %get3A_2554, %sub3A_2555 : vector<16xi32>
        %bitcast3A_2557 = vector.bitcast %sub3A_2556 : vector<16xi32> to vector<16xi32>
        %ge3A_2558 = arith.constant 1769472 : i32
        %ge3A_2559 = vector.broadcast %ge3A_2558 : i32 to vector<16xi32>
        %ge3A_2560 = arith.cmpi uge, %bitcast3A_2557, %ge3A_2559 : vector<16xi32>
        %and3A_2561 = arith.constant 65535 : i32
        %and3A_2562 = vector.broadcast %and3A_2561 : i32 to vector<16xi32>
        %and3A_2563 = arith.andi %get3A_2554, %and3A_2562 : vector<16xi32>
        %add3A_2564 = arith.constant 1769472 : i32
        %add3A_2565 = vector.broadcast %add3A_2564 : i32 to vector<16xi32>
        %add3A_2566 = arith.addi %add3A_2565, %and3A_2563 : vector<16xi32>
        %select_n3A_2567 = arith.select %ge3A_2560, %add3A_2566, %sub3A_2556 : vector<16xi1>, vector<16xi32>
        %swap3A_2568 = arith.constant 11 : i32
        %swap3A_2569 = arith.constant 0 : i32
        %swap3A_2570 = tpu.memref_slice %arg7[%swap3A_2568, %swap3A_2569] : memref<16x128xi32, #tpu.memory_space<vmem>> -> memref<1x128xi32, #tpu.memory_space<vmem>>
        %swap3A_2571 = tpu.memref_squeeze %swap3A_2570 : memref<1x128xi32, #tpu.memory_space<vmem>> -> memref<128xi32, #tpu.memory_space<vmem>>
        %swap3A_2572 = arith.constant 0 : index
        %swap3A_2573 = tpu.vector_load %swap3A_2571[%swap3A_2572] {strides = array<i32>} : memref<128xi32, #tpu.memory_space<vmem>>, vector<16xi32>,
        %swap3A_2574 = vector.shape_cast %swap3A_2573 : vector<16xi32> to vector<16xi32>
        %swap3A_2575 = vector.shape_cast %select_n3A_2567 : vector<16xi32> to vector<16xi32>
        tpu.vector_store %swap3A_2571[%swap3A_2572], %swap3A_2575 {strides = array<i32>} : memref<128xi32, #tpu.memory_space<vmem>>, vector<16xi32>,
        %get3A_2576 = arith.constant 11 : i32
        %get3A_2577 = arith.constant 0 : i32
        %get3A_2578 = tpu.memref_slice %arg6[%get3A_2576, %get3A_2577] : memref<16x128xi32, #tpu.memory_space<vmem>> -> memref<1x128xi32, #tpu.memory_space<vmem>>
        %get3A_2579 = tpu.memref_squeeze %get3A_2578 : memref<1x128xi32, #tpu.memory_space<vmem>> -> memref<128xi32, #tpu.memory_space<vmem>>
        %get3A_2580 = arith.constant 16 : index
        %get3A_2581 = tpu.vector_load %get3A_2579[%get3A_2580] {strides = array<i32>} : memref<128xi32, #tpu.memory_space<vmem>>, vector<16xi32>,
        %get3A_2582 = vector.shape_cast %get3A_2581 : vector<16xi32> to vector<16xi32>
        %sub3A_2583 = vector.broadcast %mul3A_15 : i32 to vector<16xi32>
        %sub3A_2584 = arith.subi %get3A_2582, %sub3A_2583 : vector<16xi32>
        %bitcast3A_2585 = vector.bitcast %sub3A_2584 : vector<16xi32> to vector<16xi32>
        %ge3A_2586 = arith.constant 1769472 : i32
        %ge3A_2587 = vector.broadcast %ge3A_2586 : i32 to vector<16xi32>
        %ge3A_2588 = arith.cmpi uge, %bitcast3A_2585, %ge3A_2587 : vector<16xi32>
        %and3A_2589 = arith.constant 65535 : i32
        %and3A_2590 = vector.broadcast %and3A_2589 : i32 to vector<16xi32>
        %and3A_2591 = arith.andi %get3A_2582, %and3A_2590 : vector<16xi32>
        %add3A_2592 = arith.constant 1769472 : i32
        %add3A_2593 = vector.broadcast %add3A_2592 : i32 to vector<16xi32>
        %add3A_2594 = arith.addi %add3A_2593, %and3A_2591 : vector<16xi32>
        %select_n3A_2595 = arith.select %ge3A_2588, %add3A_2594, %sub3A_2584 : vector<16xi1>, vector<16xi32>
        %swap3A_2596 = arith.constant 11 : i32
        %swap3A_2597 = arith.constant 0 : i32
        %swap3A_2598 = tpu.memref_slice %arg7[%swap3A_2596, %swap3A_2597] : memref<16x128xi32, #tpu.memory_space<vmem>> -> memref<1x128xi32, #tpu.memory_space<vmem>>
        %swap3A_2599 = tpu.memref_squeeze %swap3A_2598 : memref<1x128xi32, #tpu.memory_space<vmem>> -> memref<128xi32, #tpu.memory_space<vmem>>
        %swap3A_2600 = arith.constant 16 : index
        %swap3A_2601 = tpu.vector_load %swap3A_2599[%swap3A_2600] {strides = array<i32>} : memref<128xi32, #tpu.memory_space<vmem>>, vector<16xi32>,
        %swap3A_2602 = vector.shape_cast %swap3A_2601 : vector<16xi32> to vector<16xi32>
        %swap3A_2603 = vector.shape_cast %select_n3A_2595 : vector<16xi32> to vector<16xi32>
        tpu.vector_store %swap3A_2599[%swap3A_2600], %swap3A_2603 {strides = array<i32>} : memref<128xi32, #tpu.memory_space<vmem>>, vector<16xi32>,
        %get3A_2604 = arith.constant 11 : i32
        %get3A_2605 = arith.constant 0 : i32
        %get3A_2606 = tpu.memref_slice %arg6[%get3A_2604, %get3A_2605] : memref<16x128xi32, #tpu.memory_space<vmem>> -> memref<1x128xi32, #tpu.memory_space<vmem>>
        %get3A_2607 = tpu.memref_squeeze %get3A_2606 : memref<1x128xi32, #tpu.memory_space<vmem>> -> memref<128xi32, #tpu.memory_space<vmem>>
        %get3A_2608 = arith.constant 32 : index
        %get3A_2609 = tpu.vector_load %get3A_2607[%get3A_2608] {strides = array<i32>} : memref<128xi32, #tpu.memory_space<vmem>>, vector<16xi32>,
        %get3A_2610 = vector.shape_cast %get3A_2609 : vector<16xi32> to vector<16xi32>
        %sub3A_2611 = vector.broadcast %mul3A_15 : i32 to vector<16xi32>
        %sub3A_2612 = arith.subi %get3A_2610, %sub3A_2611 : vector<16xi32>
        %bitcast3A_2613 = vector.bitcast %sub3A_2612 : vector<16xi32> to vector<16xi32>
        %ge3A_2614 = arith.constant 1769472 : i32
        %ge3A_2615 = vector.broadcast %ge3A_2614 : i32 to vector<16xi32>
        %ge3A_2616 = arith.cmpi uge, %bitcast3A_2613, %ge3A_2615 : vector<16xi32>
        %and3A_2617 = arith.constant 65535 : i32
        %and3A_2618 = vector.broadcast %and3A_2617 : i32 to vector<16xi32>
        %and3A_2619 = arith.andi %get3A_2610, %and3A_2618 : vector<16xi32>
        %add3A_2620 = arith.constant 1769472 : i32
        %add3A_2621 = vector.broadcast %add3A_2620 : i32 to vector<16xi32>
        %add3A_2622 = arith.addi %add3A_2621, %and3A_2619 : vector<16xi32>
        %select_n3A_2623 = arith.select %ge3A_2616, %add3A_2622, %sub3A_2612 : vector<16xi1>, vector<16xi32>
        %swap3A_2624 = arith.constant 11 : i32
        %swap3A_2625 = arith.constant 0 : i32
        %swap3A_2626 = tpu.memref_slice %arg7[%swap3A_2624, %swap3A_2625] : memref<16x128xi32, #tpu.memory_space<vmem>> -> memref<1x128xi32, #tpu.memory_space<vmem>>
        %swap3A_2627 = tpu.memref_squeeze %swap3A_2626 : memref<1x128xi32, #tpu.memory_space<vmem>> -> memref<128xi32, #tpu.memory_space<vmem>>
        %swap3A_2628 = arith.constant 32 : index
        %swap3A_2629 = tpu.vector_load %swap3A_2627[%swap3A_2628] {strides = array<i32>} : memref<128xi32, #tpu.memory_space<vmem>>, vector<16xi32>,
        %swap3A_2630 = vector.shape_cast %swap3A_2629 : vector<16xi32> to vector<16xi32>
        %swap3A_2631 = vector.shape_cast %select_n3A_2623 : vector<16xi32> to vector<16xi32>
        tpu.vector_store %swap3A_2627[%swap3A_2628], %swap3A_2631 {strides = array<i32>} : memref<128xi32, #tpu.memory_space<vmem>>, vector<16xi32>,
        %get3A_2632 = arith.constant 11 : i32
        %get3A_2633 = arith.constant 0 : i32
        %get3A_2634 = tpu.memref_slice %arg6[%get3A_2632, %get3A_2633] : memref<16x128xi32, #tpu.memory_space<vmem>> -> memref<1x128xi32, #tpu.memory_space<vmem>>
        %get3A_2635 = tpu.memref_squeeze %get3A_2634 : memref<1x128xi32, #tpu.memory_space<vmem>> -> memref<128xi32, #tpu.memory_space<vmem>>
        %get3A_2636 = arith.constant 48 : index
        %get3A_2637 = tpu.vector_load %get3A_2635[%get3A_2636] {strides = array<i32>} : memref<128xi32, #tpu.memory_space<vmem>>, vector<16xi32>,
        %get3A_2638 = vector.shape_cast %get3A_2637 : vector<16xi32> to vector<16xi32>
        %sub3A_2639 = vector.broadcast %mul3A_15 : i32 to vector<16xi32>
        %sub3A_2640 = arith.subi %get3A_2638, %sub3A_2639 : vector<16xi32>
        %bitcast3A_2641 = vector.bitcast %sub3A_2640 : vector<16xi32> to vector<16xi32>
        %ge3A_2642 = arith.constant 1769472 : i32
        %ge3A_2643 = vector.broadcast %ge3A_2642 : i32 to vector<16xi32>
        %ge3A_2644 = arith.cmpi uge, %bitcast3A_2641, %ge3A_2643 : vector<16xi32>
        %and3A_2645 = arith.constant 65535 : i32
        %and3A_2646 = vector.broadcast %and3A_2645 : i32 to vector<16xi32>
        %and3A_2647 = arith.andi %get3A_2638, %and3A_2646 : vector<16xi32>
        %add3A_2648 = arith.constant 1769472 : i32
        %add3A_2649 = vector.broadcast %add3A_2648 : i32 to vector<16xi32>
        %add3A_2650 = arith.addi %add3A_2649, %and3A_2647 : vector<16xi32>
        %select_n3A_2651 = arith.select %ge3A_2644, %add3A_2650, %sub3A_2640 : vector<16xi1>, vector<16xi32>
        %swap3A_2652 = arith.constant 11 : i32
        %swap3A_2653 = arith.constant 0 : i32
        %swap3A_2654 = tpu.memref_slice %arg7[%swap3A_2652, %swap3A_2653] : memref<16x128xi32, #tpu.memory_space<vmem>> -> memref<1x128xi32, #tpu.memory_space<vmem>>
        %swap3A_2655 = tpu.memref_squeeze %swap3A_2654 : memref<1x128xi32, #tpu.memory_space<vmem>> -> memref<128xi32, #tpu.memory_space<vmem>>
        %swap3A_2656 = arith.constant 48 : index
        %swap3A_2657 = tpu.vector_load %swap3A_2655[%swap3A_2656] {strides = array<i32>} : memref<128xi32, #tpu.memory_space<vmem>>, vector<16xi32>,
        %swap3A_2658 = vector.shape_cast %swap3A_2657 : vector<16xi32> to vector<16xi32>
        %swap3A_2659 = vector.shape_cast %select_n3A_2651 : vector<16xi32> to vector<16xi32>
        tpu.vector_store %swap3A_2655[%swap3A_2656], %swap3A_2659 {strides = array<i32>} : memref<128xi32, #tpu.memory_space<vmem>>, vector<16xi32>,
        %get3A_2660 = arith.constant 11 : i32
        %get3A_2661 = arith.constant 0 : i32
        %get3A_2662 = tpu.memref_slice %arg6[%get3A_2660, %get3A_2661] : memref<16x128xi32, #tpu.memory_space<vmem>> -> memref<1x128xi32, #tpu.memory_space<vmem>>
        %get3A_2663 = tpu.memref_squeeze %get3A_2662 : memref<1x128xi32, #tpu.memory_space<vmem>> -> memref<128xi32, #tpu.memory_space<vmem>>
        %get3A_2664 = arith.constant 64 : index
        %get3A_2665 = tpu.vector_load %get3A_2663[%get3A_2664] {strides = array<i32>} : memref<128xi32, #tpu.memory_space<vmem>>, vector<16xi32>,
        %get3A_2666 = vector.shape_cast %get3A_2665 : vector<16xi32> to vector<16xi32>
        %sub3A_2667 = vector.broadcast %mul3A_15 : i32 to vector<16xi32>
        %sub3A_2668 = arith.subi %get3A_2666, %sub3A_2667 : vector<16xi32>
        %bitcast3A_2669 = vector.bitcast %sub3A_2668 : vector<16xi32> to vector<16xi32>
        %ge3A_2670 = arith.constant 1769472 : i32
        %ge3A_2671 = vector.broadcast %ge3A_2670 : i32 to vector<16xi32>
        %ge3A_2672 = arith.cmpi uge, %bitcast3A_2669, %ge3A_2671 : vector<16xi32>
        %and3A_2673 = arith.constant 65535 : i32
        %and3A_2674 = vector.broadcast %and3A_2673 : i32 to vector<16xi32>
        %and3A_2675 = arith.andi %get3A_2666, %and3A_2674 : vector<16xi32>
        %add3A_2676 = arith.constant 1769472 : i32
        %add3A_2677 = vector.broadcast %add3A_2676 : i32 to vector<16xi32>
        %add3A_2678 = arith.addi %add3A_2677, %and3A_2675 : vector<16xi32>
        %select_n3A_2679 = arith.select %ge3A_2672, %add3A_2678, %sub3A_2668 : vector<16xi1>, vector<16xi32>
        %swap3A_2680 = arith.constant 11 : i32
        %swap3A_2681 = arith.constant 0 : i32
        %swap3A_2682 = tpu.memref_slice %arg7[%swap3A_2680, %swap3A_2681] : memref<16x128xi32, #tpu.memory_space<vmem>> -> memref<1x128xi32, #tpu.memory_space<vmem>>
        %swap3A_2683 = tpu.memref_squeeze %swap3A_2682 : memref<1x128xi32, #tpu.memory_space<vmem>> -> memref<128xi32, #tpu.memory_space<vmem>>
        %swap3A_2684 = arith.constant 64 : index
        %swap3A_2685 = tpu.vector_load %swap3A_2683[%swap3A_2684] {strides = array<i32>} : memref<128xi32, #tpu.memory_space<vmem>>, vector<16xi32>,
        %swap3A_2686 = vector.shape_cast %swap3A_2685 : vector<16xi32> to vector<16xi32>
        %swap3A_2687 = vector.shape_cast %select_n3A_2679 : vector<16xi32> to vector<16xi32>
        tpu.vector_store %swap3A_2683[%swap3A_2684], %swap3A_2687 {strides = array<i32>} : memref<128xi32, #tpu.memory_space<vmem>>, vector<16xi32>,
        %get3A_2688 = arith.constant 11 : i32
        %get3A_2689 = arith.constant 0 : i32
        %get3A_2690 = tpu.memref_slice %arg6[%get3A_2688, %get3A_2689] : memref<16x128xi32, #tpu.memory_space<vmem>> -> memref<1x128xi32, #tpu.memory_space<vmem>>
        %get3A_2691 = tpu.memref_squeeze %get3A_2690 : memref<1x128xi32, #tpu.memory_space<vmem>> -> memref<128xi32, #tpu.memory_space<vmem>>
        %get3A_2692 = arith.constant 80 : index
        %get3A_2693 = tpu.vector_load %get3A_2691[%get3A_2692] {strides = array<i32>} : memref<128xi32, #tpu.memory_space<vmem>>, vector<16xi32>,
        %get3A_2694 = vector.shape_cast %get3A_2693 : vector<16xi32> to vector<16xi32>
        %sub3A_2695 = vector.broadcast %mul3A_15 : i32 to vector<16xi32>
        %sub3A_2696 = arith.subi %get3A_2694, %sub3A_2695 : vector<16xi32>
        %bitcast3A_2697 = vector.bitcast %sub3A_2696 : vector<16xi32> to vector<16xi32>
        %ge3A_2698 = arith.constant 1769472 : i32
        %ge3A_2699 = vector.broadcast %ge3A_2698 : i32 to vector<16xi32>
        %ge3A_2700 = arith.cmpi uge, %bitcast3A_2697, %ge3A_2699 : vector<16xi32>
        %and3A_2701 = arith.constant 65535 : i32
        %and3A_2702 = vector.broadcast %and3A_2701 : i32 to vector<16xi32>
        %and3A_2703 = arith.andi %get3A_2694, %and3A_2702 : vector<16xi32>
        %add3A_2704 = arith.constant 1769472 : i32
        %add3A_2705 = vector.broadcast %add3A_2704 : i32 to vector<16xi32>
        %add3A_2706 = arith.addi %add3A_2705, %and3A_2703 : vector<16xi32>
        %select_n3A_2707 = arith.select %ge3A_2700, %add3A_2706, %sub3A_2696 : vector<16xi1>, vector<16xi32>
        %swap3A_2708 = arith.constant 11 : i32
        %swap3A_2709 = arith.constant 0 : i32
        %swap3A_2710 = tpu.memref_slice %arg7[%swap3A_2708, %swap3A_2709] : memref<16x128xi32, #tpu.memory_space<vmem>> -> memref<1x128xi32, #tpu.memory_space<vmem>>
        %swap3A_2711 = tpu.memref_squeeze %swap3A_2710 : memref<1x128xi32, #tpu.memory_space<vmem>> -> memref<128xi32, #tpu.memory_space<vmem>>
        %swap3A_2712 = arith.constant 80 : index
        %swap3A_2713 = tpu.vector_load %swap3A_2711[%swap3A_2712] {strides = array<i32>} : memref<128xi32, #tpu.memory_space<vmem>>, vector<16xi32>,
        %swap3A_2714 = vector.shape_cast %swap3A_2713 : vector<16xi32> to vector<16xi32>
        %swap3A_2715 = vector.shape_cast %select_n3A_2707 : vector<16xi32> to vector<16xi32>
        tpu.vector_store %swap3A_2711[%swap3A_2712], %swap3A_2715 {strides = array<i32>} : memref<128xi32, #tpu.memory_space<vmem>>, vector<16xi32>,
        %get3A_2716 = arith.constant 11 : i32
        %get3A_2717 = arith.constant 0 : i32
        %get3A_2718 = tpu.memref_slice %arg6[%get3A_2716, %get3A_2717] : memref<16x128xi32, #tpu.memory_space<vmem>> -> memref<1x128xi32, #tpu.memory_space<vmem>>
        %get3A_2719 = tpu.memref_squeeze %get3A_2718 : memref<1x128xi32, #tpu.memory_space<vmem>> -> memref<128xi32, #tpu.memory_space<vmem>>
        %get3A_2720 = arith.constant 96 : index
        %get3A_2721 = tpu.vector_load %get3A_2719[%get3A_2720] {strides = array<i32>} : memref<128xi32, #tpu.memory_space<vmem>>, vector<16xi32>,
        %get3A_2722 = vector.shape_cast %get3A_2721 : vector<16xi32> to vector<16xi32>
        %sub3A_2723 = vector.broadcast %mul3A_15 : i32 to vector<16xi32>
        %sub3A_2724 = arith.subi %get3A_2722, %sub3A_2723 : vector<16xi32>
        %bitcast3A_2725 = vector.bitcast %sub3A_2724 : vector<16xi32> to vector<16xi32>
        %ge3A_2726 = arith.constant 1769472 : i32
        %ge3A_2727 = vector.broadcast %ge3A_2726 : i32 to vector<16xi32>
        %ge3A_2728 = arith.cmpi uge, %bitcast3A_2725, %ge3A_2727 : vector<16xi32>
        %and3A_2729 = arith.constant 65535 : i32
        %and3A_2730 = vector.broadcast %and3A_2729 : i32 to vector<16xi32>
        %and3A_2731 = arith.andi %get3A_2722, %and3A_2730 : vector<16xi32>
        %add3A_2732 = arith.constant 1769472 : i32
        %add3A_2733 = vector.broadcast %add3A_2732 : i32 to vector<16xi32>
        %add3A_2734 = arith.addi %add3A_2733, %and3A_2731 : vector<16xi32>
        %select_n3A_2735 = arith.select %ge3A_2728, %add3A_2734, %sub3A_2724 : vector<16xi1>, vector<16xi32>
        %swap3A_2736 = arith.constant 11 : i32
        %swap3A_2737 = arith.constant 0 : i32
        %swap3A_2738 = tpu.memref_slice %arg7[%swap3A_2736, %swap3A_2737] : memref<16x128xi32, #tpu.memory_space<vmem>> -> memref<1x128xi32, #tpu.memory_space<vmem>>
        %swap3A_2739 = tpu.memref_squeeze %swap3A_2738 : memref<1x128xi32, #tpu.memory_space<vmem>> -> memref<128xi32, #tpu.memory_space<vmem>>
        %swap3A_2740 = arith.constant 96 : index
        %swap3A_2741 = tpu.vector_load %swap3A_2739[%swap3A_2740] {strides = array<i32>} : memref<128xi32, #tpu.memory_space<vmem>>, vector<16xi32>,
        %swap3A_2742 = vector.shape_cast %swap3A_2741 : vector<16xi32> to vector<16xi32>
        %swap3A_2743 = vector.shape_cast %select_n3A_2735 : vector<16xi32> to vector<16xi32>
        tpu.vector_store %swap3A_2739[%swap3A_2740], %swap3A_2743 {strides = array<i32>} : memref<128xi32, #tpu.memory_space<vmem>>, vector<16xi32>,
        %get3A_2744 = arith.constant 11 : i32
        %get3A_2745 = arith.constant 0 : i32
        %get3A_2746 = tpu.memref_slice %arg6[%get3A_2744, %get3A_2745] : memref<16x128xi32, #tpu.memory_space<vmem>> -> memref<1x128xi32, #tpu.memory_space<vmem>>
        %get3A_2747 = tpu.memref_squeeze %get3A_2746 : memref<1x128xi32, #tpu.memory_space<vmem>> -> memref<128xi32, #tpu.memory_space<vmem>>
        %get3A_2748 = arith.constant 112 : index
        %get3A_2749 = tpu.vector_load %get3A_2747[%get3A_2748] {strides = array<i32>} : memref<128xi32, #tpu.memory_space<vmem>>, vector<16xi32>,
        %get3A_2750 = vector.shape_cast %get3A_2749 : vector<16xi32> to vector<16xi32>
        %sub3A_2751 = vector.broadcast %mul3A_15 : i32 to vector<16xi32>
        %sub3A_2752 = arith.subi %get3A_2750, %sub3A_2751 : vector<16xi32>
        %bitcast3A_2753 = vector.bitcast %sub3A_2752 : vector<16xi32> to vector<16xi32>
        %ge3A_2754 = arith.constant 1769472 : i32
        %ge3A_2755 = vector.broadcast %ge3A_2754 : i32 to vector<16xi32>
        %ge3A_2756 = arith.cmpi uge, %bitcast3A_2753, %ge3A_2755 : vector<16xi32>
        %and3A_2757 = arith.constant 65535 : i32
        %and3A_2758 = vector.broadcast %and3A_2757 : i32 to vector<16xi32>
        %and3A_2759 = arith.andi %get3A_2750, %and3A_2758 : vector<16xi32>
        %add3A_2760 = arith.constant 1769472 : i32
        %add3A_2761 = vector.broadcast %add3A_2760 : i32 to vector<16xi32>
        %add3A_2762 = arith.addi %add3A_2761, %and3A_2759 : vector<16xi32>
        %select_n3A_2763 = arith.select %ge3A_2756, %add3A_2762, %sub3A_2752 : vector<16xi1>, vector<16xi32>
        %swap3A_2764 = arith.constant 11 : i32
        %swap3A_2765 = arith.constant 0 : i32
        %swap3A_2766 = tpu.memref_slice %arg7[%swap3A_2764, %swap3A_2765] : memref<16x128xi32, #tpu.memory_space<vmem>> -> memref<1x128xi32, #tpu.memory_space<vmem>>
        %swap3A_2767 = tpu.memref_squeeze %swap3A_2766 : memref<1x128xi32, #tpu.memory_space<vmem>> -> memref<128xi32, #tpu.memory_space<vmem>>
        %swap3A_2768 = arith.constant 112 : index
        %swap3A_2769 = tpu.vector_load %swap3A_2767[%swap3A_2768] {strides = array<i32>} : memref<128xi32, #tpu.memory_space<vmem>>, vector<16xi32>,
        %swap3A_2770 = vector.shape_cast %swap3A_2769 : vector<16xi32> to vector<16xi32>
        %swap3A_2771 = vector.shape_cast %select_n3A_2763 : vector<16xi32> to vector<16xi32>
        tpu.vector_store %swap3A_2767[%swap3A_2768], %swap3A_2771 {strides = array<i32>} : memref<128xi32, #tpu.memory_space<vmem>>, vector<16xi32>,
        %get3A_2772 = arith.constant 12 : i32
        %get3A_2773 = arith.constant 0 : i32
        %get3A_2774 = tpu.memref_slice %arg6[%get3A_2772, %get3A_2773] : memref<16x128xi32, #tpu.memory_space<vmem>> -> memref<1x128xi32, #tpu.memory_space<vmem>>
        %get3A_2775 = tpu.memref_squeeze %get3A_2774 : memref<1x128xi32, #tpu.memory_space<vmem>> -> memref<128xi32, #tpu.memory_space<vmem>>
        %get3A_2776 = arith.constant 0 : index
        %get3A_2777 = tpu.vector_load %get3A_2775[%get3A_2776] {strides = array<i32>} : memref<128xi32, #tpu.memory_space<vmem>>, vector<16xi32>,
        %get3A_2778 = vector.shape_cast %get3A_2777 : vector<16xi32> to vector<16xi32>
        %sub3A_2779 = vector.broadcast %mul3A_15 : i32 to vector<16xi32>
        %sub3A_2780 = arith.subi %get3A_2778, %sub3A_2779 : vector<16xi32>
        %bitcast3A_2781 = vector.bitcast %sub3A_2780 : vector<16xi32> to vector<16xi32>
        %ge3A_2782 = arith.constant 1769472 : i32
        %ge3A_2783 = vector.broadcast %ge3A_2782 : i32 to vector<16xi32>
        %ge3A_2784 = arith.cmpi uge, %bitcast3A_2781, %ge3A_2783 : vector<16xi32>
        %and3A_2785 = arith.constant 65535 : i32
        %and3A_2786 = vector.broadcast %and3A_2785 : i32 to vector<16xi32>
        %and3A_2787 = arith.andi %get3A_2778, %and3A_2786 : vector<16xi32>
        %add3A_2788 = arith.constant 1769472 : i32
        %add3A_2789 = vector.broadcast %add3A_2788 : i32 to vector<16xi32>
        %add3A_2790 = arith.addi %add3A_2789, %and3A_2787 : vector<16xi32>
        %select_n3A_2791 = arith.select %ge3A_2784, %add3A_2790, %sub3A_2780 : vector<16xi1>, vector<16xi32>
        %swap3A_2792 = arith.constant 12 : i32
        %swap3A_2793 = arith.constant 0 : i32
        %swap3A_2794 = tpu.memref_slice %arg7[%swap3A_2792, %swap3A_2793] : memref<16x128xi32, #tpu.memory_space<vmem>> -> memref<1x128xi32, #tpu.memory_space<vmem>>
        %swap3A_2795 = tpu.memref_squeeze %swap3A_2794 : memref<1x128xi32, #tpu.memory_space<vmem>> -> memref<128xi32, #tpu.memory_space<vmem>>
        %swap3A_2796 = arith.constant 0 : index
        %swap3A_2797 = tpu.vector_load %swap3A_2795[%swap3A_2796] {strides = array<i32>} : memref<128xi32, #tpu.memory_space<vmem>>, vector<16xi32>,
        %swap3A_2798 = vector.shape_cast %swap3A_2797 : vector<16xi32> to vector<16xi32>
        %swap3A_2799 = vector.shape_cast %select_n3A_2791 : vector<16xi32> to vector<16xi32>
        tpu.vector_store %swap3A_2795[%swap3A_2796], %swap3A_2799 {strides = array<i32>} : memref<128xi32, #tpu.memory_space<vmem>>, vector<16xi32>,
        %get3A_2800 = arith.constant 12 : i32
        %get3A_2801 = arith.constant 0 : i32
        %get3A_2802 = tpu.memref_slice %arg6[%get3A_2800, %get3A_2801] : memref<16x128xi32, #tpu.memory_space<vmem>> -> memref<1x128xi32, #tpu.memory_space<vmem>>
        %get3A_2803 = tpu.memref_squeeze %get3A_2802 : memref<1x128xi32, #tpu.memory_space<vmem>> -> memref<128xi32, #tpu.memory_space<vmem>>
        %get3A_2804 = arith.constant 16 : index
        %get3A_2805 = tpu.vector_load %get3A_2803[%get3A_2804] {strides = array<i32>} : memref<128xi32, #tpu.memory_space<vmem>>, vector<16xi32>,
        %get3A_2806 = vector.shape_cast %get3A_2805 : vector<16xi32> to vector<16xi32>
        %sub3A_2807 = vector.broadcast %mul3A_15 : i32 to vector<16xi32>
        %sub3A_2808 = arith.subi %get3A_2806, %sub3A_2807 : vector<16xi32>
        %bitcast3A_2809 = vector.bitcast %sub3A_2808 : vector<16xi32> to vector<16xi32>
        %ge3A_2810 = arith.constant 1769472 : i32
        %ge3A_2811 = vector.broadcast %ge3A_2810 : i32 to vector<16xi32>
        %ge3A_2812 = arith.cmpi uge, %bitcast3A_2809, %ge3A_2811 : vector<16xi32>
        %and3A_2813 = arith.constant 65535 : i32
        %and3A_2814 = vector.broadcast %and3A_2813 : i32 to vector<16xi32>
        %and3A_2815 = arith.andi %get3A_2806, %and3A_2814 : vector<16xi32>
        %add3A_2816 = arith.constant 1769472 : i32
        %add3A_2817 = vector.broadcast %add3A_2816 : i32 to vector<16xi32>
        %add3A_2818 = arith.addi %add3A_2817, %and3A_2815 : vector<16xi32>
        %select_n3A_2819 = arith.select %ge3A_2812, %add3A_2818, %sub3A_2808 : vector<16xi1>, vector<16xi32>
        %swap3A_2820 = arith.constant 12 : i32
        %swap3A_2821 = arith.constant 0 : i32
        %swap3A_2822 = tpu.memref_slice %arg7[%swap3A_2820, %swap3A_2821] : memref<16x128xi32, #tpu.memory_space<vmem>> -> memref<1x128xi32, #tpu.memory_space<vmem>>
        %swap3A_2823 = tpu.memref_squeeze %swap3A_2822 : memref<1x128xi32, #tpu.memory_space<vmem>> -> memref<128xi32, #tpu.memory_space<vmem>>
        %swap3A_2824 = arith.constant 16 : index
        %swap3A_2825 = tpu.vector_load %swap3A_2823[%swap3A_2824] {strides = array<i32>} : memref<128xi32, #tpu.memory_space<vmem>>, vector<16xi32>,
        %swap3A_2826 = vector.shape_cast %swap3A_2825 : vector<16xi32> to vector<16xi32>
        %swap3A_2827 = vector.shape_cast %select_n3A_2819 : vector<16xi32> to vector<16xi32>
        tpu.vector_store %swap3A_2823[%swap3A_2824], %swap3A_2827 {strides = array<i32>} : memref<128xi32, #tpu.memory_space<vmem>>, vector<16xi32>,
        %get3A_2828 = arith.constant 12 : i32
        %get3A_2829 = arith.constant 0 : i32
        %get3A_2830 = tpu.memref_slice %arg6[%get3A_2828, %get3A_2829] : memref<16x128xi32, #tpu.memory_space<vmem>> -> memref<1x128xi32, #tpu.memory_space<vmem>>
        %get3A_2831 = tpu.memref_squeeze %get3A_2830 : memref<1x128xi32, #tpu.memory_space<vmem>> -> memref<128xi32, #tpu.memory_space<vmem>>
        %get3A_2832 = arith.constant 32 : index
        %get3A_2833 = tpu.vector_load %get3A_2831[%get3A_2832] {strides = array<i32>} : memref<128xi32, #tpu.memory_space<vmem>>, vector<16xi32>,
        %get3A_2834 = vector.shape_cast %get3A_2833 : vector<16xi32> to vector<16xi32>
        %sub3A_2835 = vector.broadcast %mul3A_15 : i32 to vector<16xi32>
        %sub3A_2836 = arith.subi %get3A_2834, %sub3A_2835 : vector<16xi32>
        %bitcast3A_2837 = vector.bitcast %sub3A_2836 : vector<16xi32> to vector<16xi32>
        %ge3A_2838 = arith.constant 1769472 : i32
        %ge3A_2839 = vector.broadcast %ge3A_2838 : i32 to vector<16xi32>
        %ge3A_2840 = arith.cmpi uge, %bitcast3A_2837, %ge3A_2839 : vector<16xi32>
        %and3A_2841 = arith.constant 65535 : i32
        %and3A_2842 = vector.broadcast %and3A_2841 : i32 to vector<16xi32>
        %and3A_2843 = arith.andi %get3A_2834, %and3A_2842 : vector<16xi32>
        %add3A_2844 = arith.constant 1769472 : i32
        %add3A_2845 = vector.broadcast %add3A_2844 : i32 to vector<16xi32>
        %add3A_2846 = arith.addi %add3A_2845, %and3A_2843 : vector<16xi32>
        %select_n3A_2847 = arith.select %ge3A_2840, %add3A_2846, %sub3A_2836 : vector<16xi1>, vector<16xi32>
        %swap3A_2848 = arith.constant 12 : i32
        %swap3A_2849 = arith.constant 0 : i32
        %swap3A_2850 = tpu.memref_slice %arg7[%swap3A_2848, %swap3A_2849] : memref<16x128xi32, #tpu.memory_space<vmem>> -> memref<1x128xi32, #tpu.memory_space<vmem>>
        %swap3A_2851 = tpu.memref_squeeze %swap3A_2850 : memref<1x128xi32, #tpu.memory_space<vmem>> -> memref<128xi32, #tpu.memory_space<vmem>>
        %swap3A_2852 = arith.constant 32 : index
        %swap3A_2853 = tpu.vector_load %swap3A_2851[%swap3A_2852] {strides = array<i32>} : memref<128xi32, #tpu.memory_space<vmem>>, vector<16xi32>,
        %swap3A_2854 = vector.shape_cast %swap3A_2853 : vector<16xi32> to vector<16xi32>
        %swap3A_2855 = vector.shape_cast %select_n3A_2847 : vector<16xi32> to vector<16xi32>
        tpu.vector_store %swap3A_2851[%swap3A_2852], %swap3A_2855 {strides = array<i32>} : memref<128xi32, #tpu.memory_space<vmem>>, vector<16xi32>,
        %get3A_2856 = arith.constant 12 : i32
        %get3A_2857 = arith.constant 0 : i32
        %get3A_2858 = tpu.memref_slice %arg6[%get3A_2856, %get3A_2857] : memref<16x128xi32, #tpu.memory_space<vmem>> -> memref<1x128xi32, #tpu.memory_space<vmem>>
        %get3A_2859 = tpu.memref_squeeze %get3A_2858 : memref<1x128xi32, #tpu.memory_space<vmem>> -> memref<128xi32, #tpu.memory_space<vmem>>
        %get3A_2860 = arith.constant 48 : index
        %get3A_2861 = tpu.vector_load %get3A_2859[%get3A_2860] {strides = array<i32>} : memref<128xi32, #tpu.memory_space<vmem>>, vector<16xi32>,
        %get3A_2862 = vector.shape_cast %get3A_2861 : vector<16xi32> to vector<16xi32>
        %sub3A_2863 = vector.broadcast %mul3A_15 : i32 to vector<16xi32>
        %sub3A_2864 = arith.subi %get3A_2862, %sub3A_2863 : vector<16xi32>
        %bitcast3A_2865 = vector.bitcast %sub3A_2864 : vector<16xi32> to vector<16xi32>
        %ge3A_2866 = arith.constant 1769472 : i32
        %ge3A_2867 = vector.broadcast %ge3A_2866 : i32 to vector<16xi32>
        %ge3A_2868 = arith.cmpi uge, %bitcast3A_2865, %ge3A_2867 : vector<16xi32>
        %and3A_2869 = arith.constant 65535 : i32
        %and3A_2870 = vector.broadcast %and3A_2869 : i32 to vector<16xi32>
        %and3A_2871 = arith.andi %get3A_2862, %and3A_2870 : vector<16xi32>
        %add3A_2872 = arith.constant 1769472 : i32
        %add3A_2873 = vector.broadcast %add3A_2872 : i32 to vector<16xi32>
        %add3A_2874 = arith.addi %add3A_2873, %and3A_2871 : vector<16xi32>
        %select_n3A_2875 = arith.select %ge3A_2868, %add3A_2874, %sub3A_2864 : vector<16xi1>, vector<16xi32>
        %swap3A_2876 = arith.constant 12 : i32
        %swap3A_2877 = arith.constant 0 : i32
        %swap3A_2878 = tpu.memref_slice %arg7[%swap3A_2876, %swap3A_2877] : memref<16x128xi32, #tpu.memory_space<vmem>> -> memref<1x128xi32, #tpu.memory_space<vmem>>
        %swap3A_2879 = tpu.memref_squeeze %swap3A_2878 : memref<1x128xi32, #tpu.memory_space<vmem>> -> memref<128xi32, #tpu.memory_space<vmem>>
        %swap3A_2880 = arith.constant 48 : index
        %swap3A_2881 = tpu.vector_load %swap3A_2879[%swap3A_2880] {strides = array<i32>} : memref<128xi32, #tpu.memory_space<vmem>>, vector<16xi32>,
        %swap3A_2882 = vector.shape_cast %swap3A_2881 : vector<16xi32> to vector<16xi32>
        %swap3A_2883 = vector.shape_cast %select_n3A_2875 : vector<16xi32> to vector<16xi32>
        tpu.vector_store %swap3A_2879[%swap3A_2880], %swap3A_2883 {strides = array<i32>} : memref<128xi32, #tpu.memory_space<vmem>>, vector<16xi32>,
        %get3A_2884 = arith.constant 12 : i32
        %get3A_2885 = arith.constant 0 : i32
        %get3A_2886 = tpu.memref_slice %arg6[%get3A_2884, %get3A_2885] : memref<16x128xi32, #tpu.memory_space<vmem>> -> memref<1x128xi32, #tpu.memory_space<vmem>>
        %get3A_2887 = tpu.memref_squeeze %get3A_2886 : memref<1x128xi32, #tpu.memory_space<vmem>> -> memref<128xi32, #tpu.memory_space<vmem>>
        %get3A_2888 = arith.constant 64 : index
        %get3A_2889 = tpu.vector_load %get3A_2887[%get3A_2888] {strides = array<i32>} : memref<128xi32, #tpu.memory_space<vmem>>, vector<16xi32>,
        %get3A_2890 = vector.shape_cast %get3A_2889 : vector<16xi32> to vector<16xi32>
        %sub3A_2891 = vector.broadcast %mul3A_15 : i32 to vector<16xi32>
        %sub3A_2892 = arith.subi %get3A_2890, %sub3A_2891 : vector<16xi32>
        %bitcast3A_2893 = vector.bitcast %sub3A_2892 : vector<16xi32> to vector<16xi32>
        %ge3A_2894 = arith.constant 1769472 : i32
        %ge3A_2895 = vector.broadcast %ge3A_2894 : i32 to vector<16xi32>
        %ge3A_2896 = arith.cmpi uge, %bitcast3A_2893, %ge3A_2895 : vector<16xi32>
        %and3A_2897 = arith.constant 65535 : i32
        %and3A_2898 = vector.broadcast %and3A_2897 : i32 to vector<16xi32>
        %and3A_2899 = arith.andi %get3A_2890, %and3A_2898 : vector<16xi32>
        %add3A_2900 = arith.constant 1769472 : i32
        %add3A_2901 = vector.broadcast %add3A_2900 : i32 to vector<16xi32>
        %add3A_2902 = arith.addi %add3A_2901, %and3A_2899 : vector<16xi32>
        %select_n3A_2903 = arith.select %ge3A_2896, %add3A_2902, %sub3A_2892 : vector<16xi1>, vector<16xi32>
        %swap3A_2904 = arith.constant 12 : i32
        %swap3A_2905 = arith.constant 0 : i32
        %swap3A_2906 = tpu.memref_slice %arg7[%swap3A_2904, %swap3A_2905] : memref<16x128xi32, #tpu.memory_space<vmem>> -> memref<1x128xi32, #tpu.memory_space<vmem>>
        %swap3A_2907 = tpu.memref_squeeze %swap3A_2906 : memref<1x128xi32, #tpu.memory_space<vmem>> -> memref<128xi32, #tpu.memory_space<vmem>>
        %swap3A_2908 = arith.constant 64 : index
        %swap3A_2909 = tpu.vector_load %swap3A_2907[%swap3A_2908] {strides = array<i32>} : memref<128xi32, #tpu.memory_space<vmem>>, vector<16xi32>,
        %swap3A_2910 = vector.shape_cast %swap3A_2909 : vector<16xi32> to vector<16xi32>
        %swap3A_2911 = vector.shape_cast %select_n3A_2903 : vector<16xi32> to vector<16xi32>
        tpu.vector_store %swap3A_2907[%swap3A_2908], %swap3A_2911 {strides = array<i32>} : memref<128xi32, #tpu.memory_space<vmem>>, vector<16xi32>,
        %get3A_2912 = arith.constant 12 : i32
        %get3A_2913 = arith.constant 0 : i32
        %get3A_2914 = tpu.memref_slice %arg6[%get3A_2912, %get3A_2913] : memref<16x128xi32, #tpu.memory_space<vmem>> -> memref<1x128xi32, #tpu.memory_space<vmem>>
        %get3A_2915 = tpu.memref_squeeze %get3A_2914 : memref<1x128xi32, #tpu.memory_space<vmem>> -> memref<128xi32, #tpu.memory_space<vmem>>
        %get3A_2916 = arith.constant 80 : index
        %get3A_2917 = tpu.vector_load %get3A_2915[%get3A_2916] {strides = array<i32>} : memref<128xi32, #tpu.memory_space<vmem>>, vector<16xi32>,
        %get3A_2918 = vector.shape_cast %get3A_2917 : vector<16xi32> to vector<16xi32>
        %sub3A_2919 = vector.broadcast %mul3A_15 : i32 to vector<16xi32>
        %sub3A_2920 = arith.subi %get3A_2918, %sub3A_2919 : vector<16xi32>
        %bitcast3A_2921 = vector.bitcast %sub3A_2920 : vector<16xi32> to vector<16xi32>
        %ge3A_2922 = arith.constant 1769472 : i32
        %ge3A_2923 = vector.broadcast %ge3A_2922 : i32 to vector<16xi32>
        %ge3A_2924 = arith.cmpi uge, %bitcast3A_2921, %ge3A_2923 : vector<16xi32>
        %and3A_2925 = arith.constant 65535 : i32
        %and3A_2926 = vector.broadcast %and3A_2925 : i32 to vector<16xi32>
        %and3A_2927 = arith.andi %get3A_2918, %and3A_2926 : vector<16xi32>
        %add3A_2928 = arith.constant 1769472 : i32
        %add3A_2929 = vector.broadcast %add3A_2928 : i32 to vector<16xi32>
        %add3A_2930 = arith.addi %add3A_2929, %and3A_2927 : vector<16xi32>
        %select_n3A_2931 = arith.select %ge3A_2924, %add3A_2930, %sub3A_2920 : vector<16xi1>, vector<16xi32>
        %swap3A_2932 = arith.constant 12 : i32
        %swap3A_2933 = arith.constant 0 : i32
        %swap3A_2934 = tpu.memref_slice %arg7[%swap3A_2932, %swap3A_2933] : memref<16x128xi32, #tpu.memory_space<vmem>> -> memref<1x128xi32, #tpu.memory_space<vmem>>
        %swap3A_2935 = tpu.memref_squeeze %swap3A_2934 : memref<1x128xi32, #tpu.memory_space<vmem>> -> memref<128xi32, #tpu.memory_space<vmem>>
        %swap3A_2936 = arith.constant 80 : index
        %swap3A_2937 = tpu.vector_load %swap3A_2935[%swap3A_2936] {strides = array<i32>} : memref<128xi32, #tpu.memory_space<vmem>>, vector<16xi32>,
        %swap3A_2938 = vector.shape_cast %swap3A_2937 : vector<16xi32> to vector<16xi32>
        %swap3A_2939 = vector.shape_cast %select_n3A_2931 : vector<16xi32> to vector<16xi32>
        tpu.vector_store %swap3A_2935[%swap3A_2936], %swap3A_2939 {strides = array<i32>} : memref<128xi32, #tpu.memory_space<vmem>>, vector<16xi32>,
        %get3A_2940 = arith.constant 12 : i32
        %get3A_2941 = arith.constant 0 : i32
        %get3A_2942 = tpu.memref_slice %arg6[%get3A_2940, %get3A_2941] : memref<16x128xi32, #tpu.memory_space<vmem>> -> memref<1x128xi32, #tpu.memory_space<vmem>>
        %get3A_2943 = tpu.memref_squeeze %get3A_2942 : memref<1x128xi32, #tpu.memory_space<vmem>> -> memref<128xi32, #tpu.memory_space<vmem>>
        %get3A_2944 = arith.constant 96 : index
        %get3A_2945 = tpu.vector_load %get3A_2943[%get3A_2944] {strides = array<i32>} : memref<128xi32, #tpu.memory_space<vmem>>, vector<16xi32>,
        %get3A_2946 = vector.shape_cast %get3A_2945 : vector<16xi32> to vector<16xi32>
        %sub3A_2947 = vector.broadcast %mul3A_15 : i32 to vector<16xi32>
        %sub3A_2948 = arith.subi %get3A_2946, %sub3A_2947 : vector<16xi32>
        %bitcast3A_2949 = vector.bitcast %sub3A_2948 : vector<16xi32> to vector<16xi32>
        %ge3A_2950 = arith.constant 1769472 : i32
        %ge3A_2951 = vector.broadcast %ge3A_2950 : i32 to vector<16xi32>
        %ge3A_2952 = arith.cmpi uge, %bitcast3A_2949, %ge3A_2951 : vector<16xi32>
        %and3A_2953 = arith.constant 65535 : i32
        %and3A_2954 = vector.broadcast %and3A_2953 : i32 to vector<16xi32>
        %and3A_2955 = arith.andi %get3A_2946, %and3A_2954 : vector<16xi32>
        %add3A_2956 = arith.constant 1769472 : i32
        %add3A_2957 = vector.broadcast %add3A_2956 : i32 to vector<16xi32>
        %add3A_2958 = arith.addi %add3A_2957, %and3A_2955 : vector<16xi32>
        %select_n3A_2959 = arith.select %ge3A_2952, %add3A_2958, %sub3A_2948 : vector<16xi1>, vector<16xi32>
        %swap3A_2960 = arith.constant 12 : i32
        %swap3A_2961 = arith.constant 0 : i32
        %swap3A_2962 = tpu.memref_slice %arg7[%swap3A_2960, %swap3A_2961] : memref<16x128xi32, #tpu.memory_space<vmem>> -> memref<1x128xi32, #tpu.memory_space<vmem>>
        %swap3A_2963 = tpu.memref_squeeze %swap3A_2962 : memref<1x128xi32, #tpu.memory_space<vmem>> -> memref<128xi32, #tpu.memory_space<vmem>>
        %swap3A_2964 = arith.constant 96 : index
        %swap3A_2965 = tpu.vector_load %swap3A_2963[%swap3A_2964] {strides = array<i32>} : memref<128xi32, #tpu.memory_space<vmem>>, vector<16xi32>,
        %swap3A_2966 = vector.shape_cast %swap3A_2965 : vector<16xi32> to vector<16xi32>
        %swap3A_2967 = vector.shape_cast %select_n3A_2959 : vector<16xi32> to vector<16xi32>
        tpu.vector_store %swap3A_2963[%swap3A_2964], %swap3A_2967 {strides = array<i32>} : memref<128xi32, #tpu.memory_space<vmem>>, vector<16xi32>,
        %get3A_2968 = arith.constant 12 : i32
        %get3A_2969 = arith.constant 0 : i32
        %get3A_2970 = tpu.memref_slice %arg6[%get3A_2968, %get3A_2969] : memref<16x128xi32, #tpu.memory_space<vmem>> -> memref<1x128xi32, #tpu.memory_space<vmem>>
        %get3A_2971 = tpu.memref_squeeze %get3A_2970 : memref<1x128xi32, #tpu.memory_space<vmem>> -> memref<128xi32, #tpu.memory_space<vmem>>
        %get3A_2972 = arith.constant 112 : index
        %get3A_2973 = tpu.vector_load %get3A_2971[%get3A_2972] {strides = array<i32>} : memref<128xi32, #tpu.memory_space<vmem>>, vector<16xi32>,
        %get3A_2974 = vector.shape_cast %get3A_2973 : vector<16xi32> to vector<16xi32>
        %sub3A_2975 = vector.broadcast %mul3A_15 : i32 to vector<16xi32>
        %sub3A_2976 = arith.subi %get3A_2974, %sub3A_2975 : vector<16xi32>
        %bitcast3A_2977 = vector.bitcast %sub3A_2976 : vector<16xi32> to vector<16xi32>
        %ge3A_2978 = arith.constant 1769472 : i32
        %ge3A_2979 = vector.broadcast %ge3A_2978 : i32 to vector<16xi32>
        %ge3A_2980 = arith.cmpi uge, %bitcast3A_2977, %ge3A_2979 : vector<16xi32>
        %and3A_2981 = arith.constant 65535 : i32
        %and3A_2982 = vector.broadcast %and3A_2981 : i32 to vector<16xi32>
        %and3A_2983 = arith.andi %get3A_2974, %and3A_2982 : vector<16xi32>
        %add3A_2984 = arith.constant 1769472 : i32
        %add3A_2985 = vector.broadcast %add3A_2984 : i32 to vector<16xi32>
        %add3A_2986 = arith.addi %add3A_2985, %and3A_2983 : vector<16xi32>
        %select_n3A_2987 = arith.select %ge3A_2980, %add3A_2986, %sub3A_2976 : vector<16xi1>, vector<16xi32>
        %swap3A_2988 = arith.constant 12 : i32
        %swap3A_2989 = arith.constant 0 : i32
        %swap3A_2990 = tpu.memref_slice %arg7[%swap3A_2988, %swap3A_2989] : memref<16x128xi32, #tpu.memory_space<vmem>> -> memref<1x128xi32, #tpu.memory_space<vmem>>
        %swap3A_2991 = tpu.memref_squeeze %swap3A_2990 : memref<1x128xi32, #tpu.memory_space<vmem>> -> memref<128xi32, #tpu.memory_space<vmem>>
        %swap3A_2992 = arith.constant 112 : index
        %swap3A_2993 = tpu.vector_load %swap3A_2991[%swap3A_2992] {strides = array<i32>} : memref<128xi32, #tpu.memory_space<vmem>>, vector<16xi32>,
        %swap3A_2994 = vector.shape_cast %swap3A_2993 : vector<16xi32> to vector<16xi32>
        %swap3A_2995 = vector.shape_cast %select_n3A_2987 : vector<16xi32> to vector<16xi32>
        tpu.vector_store %swap3A_2991[%swap3A_2992], %swap3A_2995 {strides = array<i32>} : memref<128xi32, #tpu.memory_space<vmem>>, vector<16xi32>,
        %get3A_2996 = arith.constant 13 : i32
        %get3A_2997 = arith.constant 0 : i32
        %get3A_2998 = tpu.memref_slice %arg6[%get3A_2996, %get3A_2997] : memref<16x128xi32, #tpu.memory_space<vmem>> -> memref<1x128xi32, #tpu.memory_space<vmem>>
        %get3A_2999 = tpu.memref_squeeze %get3A_2998 : memref<1x128xi32, #tpu.memory_space<vmem>> -> memref<128xi32, #tpu.memory_space<vmem>>
        %get3A_3000 = arith.constant 0 : index
        %get3A_3001 = tpu.vector_load %get3A_2999[%get3A_3000] {strides = array<i32>} : memref<128xi32, #tpu.memory_space<vmem>>, vector<16xi32>,
        %get3A_3002 = vector.shape_cast %get3A_3001 : vector<16xi32> to vector<16xi32>
        %sub3A_3003 = vector.broadcast %mul3A_15 : i32 to vector<16xi32>
        %sub3A_3004 = arith.subi %get3A_3002, %sub3A_3003 : vector<16xi32>
        %bitcast3A_3005 = vector.bitcast %sub3A_3004 : vector<16xi32> to vector<16xi32>
        %ge3A_3006 = arith.constant 1769472 : i32
        %ge3A_3007 = vector.broadcast %ge3A_3006 : i32 to vector<16xi32>
        %ge3A_3008 = arith.cmpi uge, %bitcast3A_3005, %ge3A_3007 : vector<16xi32>
        %and3A_3009 = arith.constant 65535 : i32
        %and3A_3010 = vector.broadcast %and3A_3009 : i32 to vector<16xi32>
        %and3A_3011 = arith.andi %get3A_3002, %and3A_3010 : vector<16xi32>
        %add3A_3012 = arith.constant 1769472 : i32
        %add3A_3013 = vector.broadcast %add3A_3012 : i32 to vector<16xi32>
        %add3A_3014 = arith.addi %add3A_3013, %and3A_3011 : vector<16xi32>
        %select_n3A_3015 = arith.select %ge3A_3008, %add3A_3014, %sub3A_3004 : vector<16xi1>, vector<16xi32>
        %swap3A_3016 = arith.constant 13 : i32
        %swap3A_3017 = arith.constant 0 : i32
        %swap3A_3018 = tpu.memref_slice %arg7[%swap3A_3016, %swap3A_3017] : memref<16x128xi32, #tpu.memory_space<vmem>> -> memref<1x128xi32, #tpu.memory_space<vmem>>
        %swap3A_3019 = tpu.memref_squeeze %swap3A_3018 : memref<1x128xi32, #tpu.memory_space<vmem>> -> memref<128xi32, #tpu.memory_space<vmem>>
        %swap3A_3020 = arith.constant 0 : index
        %swap3A_3021 = tpu.vector_load %swap3A_3019[%swap3A_3020] {strides = array<i32>} : memref<128xi32, #tpu.memory_space<vmem>>, vector<16xi32>,
        %swap3A_3022 = vector.shape_cast %swap3A_3021 : vector<16xi32> to vector<16xi32>
        %swap3A_3023 = vector.shape_cast %select_n3A_3015 : vector<16xi32> to vector<16xi32>
        tpu.vector_store %swap3A_3019[%swap3A_3020], %swap3A_3023 {strides = array<i32>} : memref<128xi32, #tpu.memory_space<vmem>>, vector<16xi32>,
        %get3A_3024 = arith.constant 13 : i32
        %get3A_3025 = arith.constant 0 : i32
        %get3A_3026 = tpu.memref_slice %arg6[%get3A_3024, %get3A_3025] : memref<16x128xi32, #tpu.memory_space<vmem>> -> memref<1x128xi32, #tpu.memory_space<vmem>>
        %get3A_3027 = tpu.memref_squeeze %get3A_3026 : memref<1x128xi32, #tpu.memory_space<vmem>> -> memref<128xi32, #tpu.memory_space<vmem>>
        %get3A_3028 = arith.constant 16 : index
        %get3A_3029 = tpu.vector_load %get3A_3027[%get3A_3028] {strides = array<i32>} : memref<128xi32, #tpu.memory_space<vmem>>, vector<16xi32>,
        %get3A_3030 = vector.shape_cast %get3A_3029 : vector<16xi32> to vector<16xi32>
        %sub3A_3031 = vector.broadcast %mul3A_15 : i32 to vector<16xi32>
        %sub3A_3032 = arith.subi %get3A_3030, %sub3A_3031 : vector<16xi32>
        %bitcast3A_3033 = vector.bitcast %sub3A_3032 : vector<16xi32> to vector<16xi32>
        %ge3A_3034 = arith.constant 1769472 : i32
        %ge3A_3035 = vector.broadcast %ge3A_3034 : i32 to vector<16xi32>
        %ge3A_3036 = arith.cmpi uge, %bitcast3A_3033, %ge3A_3035 : vector<16xi32>
        %and3A_3037 = arith.constant 65535 : i32
        %and3A_3038 = vector.broadcast %and3A_3037 : i32 to vector<16xi32>
        %and3A_3039 = arith.andi %get3A_3030, %and3A_3038 : vector<16xi32>
        %add3A_3040 = arith.constant 1769472 : i32
        %add3A_3041 = vector.broadcast %add3A_3040 : i32 to vector<16xi32>
        %add3A_3042 = arith.addi %add3A_3041, %and3A_3039 : vector<16xi32>
        %select_n3A_3043 = arith.select %ge3A_3036, %add3A_3042, %sub3A_3032 : vector<16xi1>, vector<16xi32>
        %swap3A_3044 = arith.constant 13 : i32
        %swap3A_3045 = arith.constant 0 : i32
        %swap3A_3046 = tpu.memref_slice %arg7[%swap3A_3044, %swap3A_3045] : memref<16x128xi32, #tpu.memory_space<vmem>> -> memref<1x128xi32, #tpu.memory_space<vmem>>
        %swap3A_3047 = tpu.memref_squeeze %swap3A_3046 : memref<1x128xi32, #tpu.memory_space<vmem>> -> memref<128xi32, #tpu.memory_space<vmem>>
        %swap3A_3048 = arith.constant 16 : index
        %swap3A_3049 = tpu.vector_load %swap3A_3047[%swap3A_3048] {strides = array<i32>} : memref<128xi32, #tpu.memory_space<vmem>>, vector<16xi32>,
        %swap3A_3050 = vector.shape_cast %swap3A_3049 : vector<16xi32> to vector<16xi32>
        %swap3A_3051 = vector.shape_cast %select_n3A_3043 : vector<16xi32> to vector<16xi32>
        tpu.vector_store %swap3A_3047[%swap3A_3048], %swap3A_3051 {strides = array<i32>} : memref<128xi32, #tpu.memory_space<vmem>>, vector<16xi32>,
        %get3A_3052 = arith.constant 13 : i32
        %get3A_3053 = arith.constant 0 : i32
        %get3A_3054 = tpu.memref_slice %arg6[%get3A_3052, %get3A_3053] : memref<16x128xi32, #tpu.memory_space<vmem>> -> memref<1x128xi32, #tpu.memory_space<vmem>>
        %get3A_3055 = tpu.memref_squeeze %get3A_3054 : memref<1x128xi32, #tpu.memory_space<vmem>> -> memref<128xi32, #tpu.memory_space<vmem>>
        %get3A_3056 = arith.constant 32 : index
        %get3A_3057 = tpu.vector_load %get3A_3055[%get3A_3056] {strides = array<i32>} : memref<128xi32, #tpu.memory_space<vmem>>, vector<16xi32>,
        %get3A_3058 = vector.shape_cast %get3A_3057 : vector<16xi32> to vector<16xi32>
        %sub3A_3059 = vector.broadcast %mul3A_15 : i32 to vector<16xi32>
        %sub3A_3060 = arith.subi %get3A_3058, %sub3A_3059 : vector<16xi32>
        %bitcast3A_3061 = vector.bitcast %sub3A_3060 : vector<16xi32> to vector<16xi32>
        %ge3A_3062 = arith.constant 1769472 : i32
        %ge3A_3063 = vector.broadcast %ge3A_3062 : i32 to vector<16xi32>
        %ge3A_3064 = arith.cmpi uge, %bitcast3A_3061, %ge3A_3063 : vector<16xi32>
        %and3A_3065 = arith.constant 65535 : i32
        %and3A_3066 = vector.broadcast %and3A_3065 : i32 to vector<16xi32>
        %and3A_3067 = arith.andi %get3A_3058, %and3A_3066 : vector<16xi32>
        %add3A_3068 = arith.constant 1769472 : i32
        %add3A_3069 = vector.broadcast %add3A_3068 : i32 to vector<16xi32>
        %add3A_3070 = arith.addi %add3A_3069, %and3A_3067 : vector<16xi32>
        %select_n3A_3071 = arith.select %ge3A_3064, %add3A_3070, %sub3A_3060 : vector<16xi1>, vector<16xi32>
        %swap3A_3072 = arith.constant 13 : i32
        %swap3A_3073 = arith.constant 0 : i32
        %swap3A_3074 = tpu.memref_slice %arg7[%swap3A_3072, %swap3A_3073] : memref<16x128xi32, #tpu.memory_space<vmem>> -> memref<1x128xi32, #tpu.memory_space<vmem>>
        %swap3A_3075 = tpu.memref_squeeze %swap3A_3074 : memref<1x128xi32, #tpu.memory_space<vmem>> -> memref<128xi32, #tpu.memory_space<vmem>>
        %swap3A_3076 = arith.constant 32 : index
        %swap3A_3077 = tpu.vector_load %swap3A_3075[%swap3A_3076] {strides = array<i32>} : memref<128xi32, #tpu.memory_space<vmem>>, vector<16xi32>,
        %swap3A_3078 = vector.shape_cast %swap3A_3077 : vector<16xi32> to vector<16xi32>
        %swap3A_3079 = vector.shape_cast %select_n3A_3071 : vector<16xi32> to vector<16xi32>
        tpu.vector_store %swap3A_3075[%swap3A_3076], %swap3A_3079 {strides = array<i32>} : memref<128xi32, #tpu.memory_space<vmem>>, vector<16xi32>,
        %get3A_3080 = arith.constant 13 : i32
        %get3A_3081 = arith.constant 0 : i32
        %get3A_3082 = tpu.memref_slice %arg6[%get3A_3080, %get3A_3081] : memref<16x128xi32, #tpu.memory_space<vmem>> -> memref<1x128xi32, #tpu.memory_space<vmem>>
        %get3A_3083 = tpu.memref_squeeze %get3A_3082 : memref<1x128xi32, #tpu.memory_space<vmem>> -> memref<128xi32, #tpu.memory_space<vmem>>
        %get3A_3084 = arith.constant 48 : index
        %get3A_3085 = tpu.vector_load %get3A_3083[%get3A_3084] {strides = array<i32>} : memref<128xi32, #tpu.memory_space<vmem>>, vector<16xi32>,
        %get3A_3086 = vector.shape_cast %get3A_3085 : vector<16xi32> to vector<16xi32>
        %sub3A_3087 = vector.broadcast %mul3A_15 : i32 to vector<16xi32>
        %sub3A_3088 = arith.subi %get3A_3086, %sub3A_3087 : vector<16xi32>
        %bitcast3A_3089 = vector.bitcast %sub3A_3088 : vector<16xi32> to vector<16xi32>
        %ge3A_3090 = arith.constant 1769472 : i32
        %ge3A_3091 = vector.broadcast %ge3A_3090 : i32 to vector<16xi32>
        %ge3A_3092 = arith.cmpi uge, %bitcast3A_3089, %ge3A_3091 : vector<16xi32>
        %and3A_3093 = arith.constant 65535 : i32
        %and3A_3094 = vector.broadcast %and3A_3093 : i32 to vector<16xi32>
        %and3A_3095 = arith.andi %get3A_3086, %and3A_3094 : vector<16xi32>
        %add3A_3096 = arith.constant 1769472 : i32
        %add3A_3097 = vector.broadcast %add3A_3096 : i32 to vector<16xi32>
        %add3A_3098 = arith.addi %add3A_3097, %and3A_3095 : vector<16xi32>
        %select_n3A_3099 = arith.select %ge3A_3092, %add3A_3098, %sub3A_3088 : vector<16xi1>, vector<16xi32>
        %swap3A_3100 = arith.constant 13 : i32
        %swap3A_3101 = arith.constant 0 : i32
        %swap3A_3102 = tpu.memref_slice %arg7[%swap3A_3100, %swap3A_3101] : memref<16x128xi32, #tpu.memory_space<vmem>> -> memref<1x128xi32, #tpu.memory_space<vmem>>
        %swap3A_3103 = tpu.memref_squeeze %swap3A_3102 : memref<1x128xi32, #tpu.memory_space<vmem>> -> memref<128xi32, #tpu.memory_space<vmem>>
        %swap3A_3104 = arith.constant 48 : index
        %swap3A_3105 = tpu.vector_load %swap3A_3103[%swap3A_3104] {strides = array<i32>} : memref<128xi32, #tpu.memory_space<vmem>>, vector<16xi32>,
        %swap3A_3106 = vector.shape_cast %swap3A_3105 : vector<16xi32> to vector<16xi32>
        %swap3A_3107 = vector.shape_cast %select_n3A_3099 : vector<16xi32> to vector<16xi32>
        tpu.vector_store %swap3A_3103[%swap3A_3104], %swap3A_3107 {strides = array<i32>} : memref<128xi32, #tpu.memory_space<vmem>>, vector<16xi32>,
        %get3A_3108 = arith.constant 13 : i32
        %get3A_3109 = arith.constant 0 : i32
        %get3A_3110 = tpu.memref_slice %arg6[%get3A_3108, %get3A_3109] : memref<16x128xi32, #tpu.memory_space<vmem>> -> memref<1x128xi32, #tpu.memory_space<vmem>>
        %get3A_3111 = tpu.memref_squeeze %get3A_3110 : memref<1x128xi32, #tpu.memory_space<vmem>> -> memref<128xi32, #tpu.memory_space<vmem>>
        %get3A_3112 = arith.constant 64 : index
        %get3A_3113 = tpu.vector_load %get3A_3111[%get3A_3112] {strides = array<i32>} : memref<128xi32, #tpu.memory_space<vmem>>, vector<16xi32>,
        %get3A_3114 = vector.shape_cast %get3A_3113 : vector<16xi32> to vector<16xi32>
        %sub3A_3115 = vector.broadcast %mul3A_15 : i32 to vector<16xi32>
        %sub3A_3116 = arith.subi %get3A_3114, %sub3A_3115 : vector<16xi32>
        %bitcast3A_3117 = vector.bitcast %sub3A_3116 : vector<16xi32> to vector<16xi32>
        %ge3A_3118 = arith.constant 1769472 : i32
        %ge3A_3119 = vector.broadcast %ge3A_3118 : i32 to vector<16xi32>
        %ge3A_3120 = arith.cmpi uge, %bitcast3A_3117, %ge3A_3119 : vector<16xi32>
        %and3A_3121 = arith.constant 65535 : i32
        %and3A_3122 = vector.broadcast %and3A_3121 : i32 to vector<16xi32>
        %and3A_3123 = arith.andi %get3A_3114, %and3A_3122 : vector<16xi32>
        %add3A_3124 = arith.constant 1769472 : i32
        %add3A_3125 = vector.broadcast %add3A_3124 : i32 to vector<16xi32>
        %add3A_3126 = arith.addi %add3A_3125, %and3A_3123 : vector<16xi32>
        %select_n3A_3127 = arith.select %ge3A_3120, %add3A_3126, %sub3A_3116 : vector<16xi1>, vector<16xi32>
        %swap3A_3128 = arith.constant 13 : i32
        %swap3A_3129 = arith.constant 0 : i32
        %swap3A_3130 = tpu.memref_slice %arg7[%swap3A_3128, %swap3A_3129] : memref<16x128xi32, #tpu.memory_space<vmem>> -> memref<1x128xi32, #tpu.memory_space<vmem>>
        %swap3A_3131 = tpu.memref_squeeze %swap3A_3130 : memref<1x128xi32, #tpu.memory_space<vmem>> -> memref<128xi32, #tpu.memory_space<vmem>>
        %swap3A_3132 = arith.constant 64 : index
        %swap3A_3133 = tpu.vector_load %swap3A_3131[%swap3A_3132] {strides = array<i32>} : memref<128xi32, #tpu.memory_space<vmem>>, vector<16xi32>,
        %swap3A_3134 = vector.shape_cast %swap3A_3133 : vector<16xi32> to vector<16xi32>
        %swap3A_3135 = vector.shape_cast %select_n3A_3127 : vector<16xi32> to vector<16xi32>
        tpu.vector_store %swap3A_3131[%swap3A_3132], %swap3A_3135 {strides = array<i32>} : memref<128xi32, #tpu.memory_space<vmem>>, vector<16xi32>,
        %get3A_3136 = arith.constant 13 : i32
        %get3A_3137 = arith.constant 0 : i32
        %get3A_3138 = tpu.memref_slice %arg6[%get3A_3136, %get3A_3137] : memref<16x128xi32, #tpu.memory_space<vmem>> -> memref<1x128xi32, #tpu.memory_space<vmem>>
        %get3A_3139 = tpu.memref_squeeze %get3A_3138 : memref<1x128xi32, #tpu.memory_space<vmem>> -> memref<128xi32, #tpu.memory_space<vmem>>
        %get3A_3140 = arith.constant 80 : index
        %get3A_3141 = tpu.vector_load %get3A_3139[%get3A_3140] {strides = array<i32>} : memref<128xi32, #tpu.memory_space<vmem>>, vector<16xi32>,
        %get3A_3142 = vector.shape_cast %get3A_3141 : vector<16xi32> to vector<16xi32>
        %sub3A_3143 = vector.broadcast %mul3A_15 : i32 to vector<16xi32>
        %sub3A_3144 = arith.subi %get3A_3142, %sub3A_3143 : vector<16xi32>
        %bitcast3A_3145 = vector.bitcast %sub3A_3144 : vector<16xi32> to vector<16xi32>
        %ge3A_3146 = arith.constant 1769472 : i32
        %ge3A_3147 = vector.broadcast %ge3A_3146 : i32 to vector<16xi32>
        %ge3A_3148 = arith.cmpi uge, %bitcast3A_3145, %ge3A_3147 : vector<16xi32>
        %and3A_3149 = arith.constant 65535 : i32
        %and3A_3150 = vector.broadcast %and3A_3149 : i32 to vector<16xi32>
        %and3A_3151 = arith.andi %get3A_3142, %and3A_3150 : vector<16xi32>
        %add3A_3152 = arith.constant 1769472 : i32
        %add3A_3153 = vector.broadcast %add3A_3152 : i32 to vector<16xi32>
        %add3A_3154 = arith.addi %add3A_3153, %and3A_3151 : vector<16xi32>
        %select_n3A_3155 = arith.select %ge3A_3148, %add3A_3154, %sub3A_3144 : vector<16xi1>, vector<16xi32>
        %swap3A_3156 = arith.constant 13 : i32
        %swap3A_3157 = arith.constant 0 : i32
        %swap3A_3158 = tpu.memref_slice %arg7[%swap3A_3156, %swap3A_3157] : memref<16x128xi32, #tpu.memory_space<vmem>> -> memref<1x128xi32, #tpu.memory_space<vmem>>
        %swap3A_3159 = tpu.memref_squeeze %swap3A_3158 : memref<1x128xi32, #tpu.memory_space<vmem>> -> memref<128xi32, #tpu.memory_space<vmem>>
        %swap3A_3160 = arith.constant 80 : index
        %swap3A_3161 = tpu.vector_load %swap3A_3159[%swap3A_3160] {strides = array<i32>} : memref<128xi32, #tpu.memory_space<vmem>>, vector<16xi32>,
        %swap3A_3162 = vector.shape_cast %swap3A_3161 : vector<16xi32> to vector<16xi32>
        %swap3A_3163 = vector.shape_cast %select_n3A_3155 : vector<16xi32> to vector<16xi32>
        tpu.vector_store %swap3A_3159[%swap3A_3160], %swap3A_3163 {strides = array<i32>} : memref<128xi32, #tpu.memory_space<vmem>>, vector<16xi32>,
        %get3A_3164 = arith.constant 13 : i32
        %get3A_3165 = arith.constant 0 : i32
        %get3A_3166 = tpu.memref_slice %arg6[%get3A_3164, %get3A_3165] : memref<16x128xi32, #tpu.memory_space<vmem>> -> memref<1x128xi32, #tpu.memory_space<vmem>>
        %get3A_3167 = tpu.memref_squeeze %get3A_3166 : memref<1x128xi32, #tpu.memory_space<vmem>> -> memref<128xi32, #tpu.memory_space<vmem>>
        %get3A_3168 = arith.constant 96 : index
        %get3A_3169 = tpu.vector_load %get3A_3167[%get3A_3168] {strides = array<i32>} : memref<128xi32, #tpu.memory_space<vmem>>, vector<16xi32>,
        %get3A_3170 = vector.shape_cast %get3A_3169 : vector<16xi32> to vector<16xi32>
        %sub3A_3171 = vector.broadcast %mul3A_15 : i32 to vector<16xi32>
        %sub3A_3172 = arith.subi %get3A_3170, %sub3A_3171 : vector<16xi32>
        %bitcast3A_3173 = vector.bitcast %sub3A_3172 : vector<16xi32> to vector<16xi32>
        %ge3A_3174 = arith.constant 1769472 : i32
        %ge3A_3175 = vector.broadcast %ge3A_3174 : i32 to vector<16xi32>
        %ge3A_3176 = arith.cmpi uge, %bitcast3A_3173, %ge3A_3175 : vector<16xi32>
        %and3A_3177 = arith.constant 65535 : i32
        %and3A_3178 = vector.broadcast %and3A_3177 : i32 to vector<16xi32>
        %and3A_3179 = arith.andi %get3A_3170, %and3A_3178 : vector<16xi32>
        %add3A_3180 = arith.constant 1769472 : i32
        %add3A_3181 = vector.broadcast %add3A_3180 : i32 to vector<16xi32>
        %add3A_3182 = arith.addi %add3A_3181, %and3A_3179 : vector<16xi32>
        %select_n3A_3183 = arith.select %ge3A_3176, %add3A_3182, %sub3A_3172 : vector<16xi1>, vector<16xi32>
        %swap3A_3184 = arith.constant 13 : i32
        %swap3A_3185 = arith.constant 0 : i32
        %swap3A_3186 = tpu.memref_slice %arg7[%swap3A_3184, %swap3A_3185] : memref<16x128xi32, #tpu.memory_space<vmem>> -> memref<1x128xi32, #tpu.memory_space<vmem>>
        %swap3A_3187 = tpu.memref_squeeze %swap3A_3186 : memref<1x128xi32, #tpu.memory_space<vmem>> -> memref<128xi32, #tpu.memory_space<vmem>>
        %swap3A_3188 = arith.constant 96 : index
        %swap3A_3189 = tpu.vector_load %swap3A_3187[%swap3A_3188] {strides = array<i32>} : memref<128xi32, #tpu.memory_space<vmem>>, vector<16xi32>,
        %swap3A_3190 = vector.shape_cast %swap3A_3189 : vector<16xi32> to vector<16xi32>
        %swap3A_3191 = vector.shape_cast %select_n3A_3183 : vector<16xi32> to vector<16xi32>
        tpu.vector_store %swap3A_3187[%swap3A_3188], %swap3A_3191 {strides = array<i32>} : memref<128xi32, #tpu.memory_space<vmem>>, vector<16xi32>,
        %get3A_3192 = arith.constant 13 : i32
        %get3A_3193 = arith.constant 0 : i32
        %get3A_3194 = tpu.memref_slice %arg6[%get3A_3192, %get3A_3193] : memref<16x128xi32, #tpu.memory_space<vmem>> -> memref<1x128xi32, #tpu.memory_space<vmem>>
        %get3A_3195 = tpu.memref_squeeze %get3A_3194 : memref<1x128xi32, #tpu.memory_space<vmem>> -> memref<128xi32, #tpu.memory_space<vmem>>
        %get3A_3196 = arith.constant 112 : index
        %get3A_3197 = tpu.vector_load %get3A_3195[%get3A_3196] {strides = array<i32>} : memref<128xi32, #tpu.memory_space<vmem>>, vector<16xi32>,
        %get3A_3198 = vector.shape_cast %get3A_3197 : vector<16xi32> to vector<16xi32>
        %sub3A_3199 = vector.broadcast %mul3A_15 : i32 to vector<16xi32>
        %sub3A_3200 = arith.subi %get3A_3198, %sub3A_3199 : vector<16xi32>
        %bitcast3A_3201 = vector.bitcast %sub3A_3200 : vector<16xi32> to vector<16xi32>
        %ge3A_3202 = arith.constant 1769472 : i32
        %ge3A_3203 = vector.broadcast %ge3A_3202 : i32 to vector<16xi32>
        %ge3A_3204 = arith.cmpi uge, %bitcast3A_3201, %ge3A_3203 : vector<16xi32>
        %and3A_3205 = arith.constant 65535 : i32
        %and3A_3206 = vector.broadcast %and3A_3205 : i32 to vector<16xi32>
        %and3A_3207 = arith.andi %get3A_3198, %and3A_3206 : vector<16xi32>
        %add3A_3208 = arith.constant 1769472 : i32
        %add3A_3209 = vector.broadcast %add3A_3208 : i32 to vector<16xi32>
        %add3A_3210 = arith.addi %add3A_3209, %and3A_3207 : vector<16xi32>
        %select_n3A_3211 = arith.select %ge3A_3204, %add3A_3210, %sub3A_3200 : vector<16xi1>, vector<16xi32>
        %swap3A_3212 = arith.constant 13 : i32
        %swap3A_3213 = arith.constant 0 : i32
        %swap3A_3214 = tpu.memref_slice %arg7[%swap3A_3212, %swap3A_3213] : memref<16x128xi32, #tpu.memory_space<vmem>> -> memref<1x128xi32, #tpu.memory_space<vmem>>
        %swap3A_3215 = tpu.memref_squeeze %swap3A_3214 : memref<1x128xi32, #tpu.memory_space<vmem>> -> memref<128xi32, #tpu.memory_space<vmem>>
        %swap3A_3216 = arith.constant 112 : index
        %swap3A_3217 = tpu.vector_load %swap3A_3215[%swap3A_3216] {strides = array<i32>} : memref<128xi32, #tpu.memory_space<vmem>>, vector<16xi32>,
        %swap3A_3218 = vector.shape_cast %swap3A_3217 : vector<16xi32> to vector<16xi32>
        %swap3A_3219 = vector.shape_cast %select_n3A_3211 : vector<16xi32> to vector<16xi32>
        tpu.vector_store %swap3A_3215[%swap3A_3216], %swap3A_3219 {strides = array<i32>} : memref<128xi32, #tpu.memory_space<vmem>>, vector<16xi32>,
        %get3A_3220 = arith.constant 14 : i32
        %get3A_3221 = arith.constant 0 : i32
        %get3A_3222 = tpu.memref_slice %arg6[%get3A_3220, %get3A_3221] : memref<16x128xi32, #tpu.memory_space<vmem>> -> memref<1x128xi32, #tpu.memory_space<vmem>>
        %get3A_3223 = tpu.memref_squeeze %get3A_3222 : memref<1x128xi32, #tpu.memory_space<vmem>> -> memref<128xi32, #tpu.memory_space<vmem>>
        %get3A_3224 = arith.constant 0 : index
        %get3A_3225 = tpu.vector_load %get3A_3223[%get3A_3224] {strides = array<i32>} : memref<128xi32, #tpu.memory_space<vmem>>, vector<16xi32>,
        %get3A_3226 = vector.shape_cast %get3A_3225 : vector<16xi32> to vector<16xi32>
        %sub3A_3227 = vector.broadcast %mul3A_15 : i32 to vector<16xi32>
        %sub3A_3228 = arith.subi %get3A_3226, %sub3A_3227 : vector<16xi32>
        %bitcast3A_3229 = vector.bitcast %sub3A_3228 : vector<16xi32> to vector<16xi32>
        %ge3A_3230 = arith.constant 1769472 : i32
        %ge3A_3231 = vector.broadcast %ge3A_3230 : i32 to vector<16xi32>
        %ge3A_3232 = arith.cmpi uge, %bitcast3A_3229, %ge3A_3231 : vector<16xi32>
        %and3A_3233 = arith.constant 65535 : i32
        %and3A_3234 = vector.broadcast %and3A_3233 : i32 to vector<16xi32>
        %and3A_3235 = arith.andi %get3A_3226, %and3A_3234 : vector<16xi32>
        %add3A_3236 = arith.constant 1769472 : i32
        %add3A_3237 = vector.broadcast %add3A_3236 : i32 to vector<16xi32>
        %add3A_3238 = arith.addi %add3A_3237, %and3A_3235 : vector<16xi32>
        %select_n3A_3239 = arith.select %ge3A_3232, %add3A_3238, %sub3A_3228 : vector<16xi1>, vector<16xi32>
        %swap3A_3240 = arith.constant 14 : i32
        %swap3A_3241 = arith.constant 0 : i32
        %swap3A_3242 = tpu.memref_slice %arg7[%swap3A_3240, %swap3A_3241] : memref<16x128xi32, #tpu.memory_space<vmem>> -> memref<1x128xi32, #tpu.memory_space<vmem>>
        %swap3A_3243 = tpu.memref_squeeze %swap3A_3242 : memref<1x128xi32, #tpu.memory_space<vmem>> -> memref<128xi32, #tpu.memory_space<vmem>>
        %swap3A_3244 = arith.constant 0 : index
        %swap3A_3245 = tpu.vector_load %swap3A_3243[%swap3A_3244] {strides = array<i32>} : memref<128xi32, #tpu.memory_space<vmem>>, vector<16xi32>,
        %swap3A_3246 = vector.shape_cast %swap3A_3245 : vector<16xi32> to vector<16xi32>
        %swap3A_3247 = vector.shape_cast %select_n3A_3239 : vector<16xi32> to vector<16xi32>
        tpu.vector_store %swap3A_3243[%swap3A_3244], %swap3A_3247 {strides = array<i32>} : memref<128xi32, #tpu.memory_space<vmem>>, vector<16xi32>,
        %get3A_3248 = arith.constant 14 : i32
        %get3A_3249 = arith.constant 0 : i32
        %get3A_3250 = tpu.memref_slice %arg6[%get3A_3248, %get3A_3249] : memref<16x128xi32, #tpu.memory_space<vmem>> -> memref<1x128xi32, #tpu.memory_space<vmem>>
        %get3A_3251 = tpu.memref_squeeze %get3A_3250 : memref<1x128xi32, #tpu.memory_space<vmem>> -> memref<128xi32, #tpu.memory_space<vmem>>
        %get3A_3252 = arith.constant 16 : index
        %get3A_3253 = tpu.vector_load %get3A_3251[%get3A_3252] {strides = array<i32>} : memref<128xi32, #tpu.memory_space<vmem>>, vector<16xi32>,
        %get3A_3254 = vector.shape_cast %get3A_3253 : vector<16xi32> to vector<16xi32>
        %sub3A_3255 = vector.broadcast %mul3A_15 : i32 to vector<16xi32>
        %sub3A_3256 = arith.subi %get3A_3254, %sub3A_3255 : vector<16xi32>
        %bitcast3A_3257 = vector.bitcast %sub3A_3256 : vector<16xi32> to vector<16xi32>
        %ge3A_3258 = arith.constant 1769472 : i32
        %ge3A_3259 = vector.broadcast %ge3A_3258 : i32 to vector<16xi32>
        %ge3A_3260 = arith.cmpi uge, %bitcast3A_3257, %ge3A_3259 : vector<16xi32>
        %and3A_3261 = arith.constant 65535 : i32
        %and3A_3262 = vector.broadcast %and3A_3261 : i32 to vector<16xi32>
        %and3A_3263 = arith.andi %get3A_3254, %and3A_3262 : vector<16xi32>
        %add3A_3264 = arith.constant 1769472 : i32
        %add3A_3265 = vector.broadcast %add3A_3264 : i32 to vector<16xi32>
        %add3A_3266 = arith.addi %add3A_3265, %and3A_3263 : vector<16xi32>
        %select_n3A_3267 = arith.select %ge3A_3260, %add3A_3266, %sub3A_3256 : vector<16xi1>, vector<16xi32>
        %swap3A_3268 = arith.constant 14 : i32
        %swap3A_3269 = arith.constant 0 : i32
        %swap3A_3270 = tpu.memref_slice %arg7[%swap3A_3268, %swap3A_3269] : memref<16x128xi32, #tpu.memory_space<vmem>> -> memref<1x128xi32, #tpu.memory_space<vmem>>
        %swap3A_3271 = tpu.memref_squeeze %swap3A_3270 : memref<1x128xi32, #tpu.memory_space<vmem>> -> memref<128xi32, #tpu.memory_space<vmem>>
        %swap3A_3272 = arith.constant 16 : index
        %swap3A_3273 = tpu.vector_load %swap3A_3271[%swap3A_3272] {strides = array<i32>} : memref<128xi32, #tpu.memory_space<vmem>>, vector<16xi32>,
        %swap3A_3274 = vector.shape_cast %swap3A_3273 : vector<16xi32> to vector<16xi32>
        %swap3A_3275 = vector.shape_cast %select_n3A_3267 : vector<16xi32> to vector<16xi32>
        tpu.vector_store %swap3A_3271[%swap3A_3272], %swap3A_3275 {strides = array<i32>} : memref<128xi32, #tpu.memory_space<vmem>>, vector<16xi32>,
        %get3A_3276 = arith.constant 14 : i32
        %get3A_3277 = arith.constant 0 : i32
        %get3A_3278 = tpu.memref_slice %arg6[%get3A_3276, %get3A_3277] : memref<16x128xi32, #tpu.memory_space<vmem>> -> memref<1x128xi32, #tpu.memory_space<vmem>>
        %get3A_3279 = tpu.memref_squeeze %get3A_3278 : memref<1x128xi32, #tpu.memory_space<vmem>> -> memref<128xi32, #tpu.memory_space<vmem>>
        %get3A_3280 = arith.constant 32 : index
        %get3A_3281 = tpu.vector_load %get3A_3279[%get3A_3280] {strides = array<i32>} : memref<128xi32, #tpu.memory_space<vmem>>, vector<16xi32>,
        %get3A_3282 = vector.shape_cast %get3A_3281 : vector<16xi32> to vector<16xi32>
        %sub3A_3283 = vector.broadcast %mul3A_15 : i32 to vector<16xi32>
        %sub3A_3284 = arith.subi %get3A_3282, %sub3A_3283 : vector<16xi32>
        %bitcast3A_3285 = vector.bitcast %sub3A_3284 : vector<16xi32> to vector<16xi32>
        %ge3A_3286 = arith.constant 1769472 : i32
        %ge3A_3287 = vector.broadcast %ge3A_3286 : i32 to vector<16xi32>
        %ge3A_3288 = arith.cmpi uge, %bitcast3A_3285, %ge3A_3287 : vector<16xi32>
        %and3A_3289 = arith.constant 65535 : i32
        %and3A_3290 = vector.broadcast %and3A_3289 : i32 to vector<16xi32>
        %and3A_3291 = arith.andi %get3A_3282, %and3A_3290 : vector<16xi32>
        %add3A_3292 = arith.constant 1769472 : i32
        %add3A_3293 = vector.broadcast %add3A_3292 : i32 to vector<16xi32>
        %add3A_3294 = arith.addi %add3A_3293, %and3A_3291 : vector<16xi32>
        %select_n3A_3295 = arith.select %ge3A_3288, %add3A_3294, %sub3A_3284 : vector<16xi1>, vector<16xi32>
        %swap3A_3296 = arith.constant 14 : i32
        %swap3A_3297 = arith.constant 0 : i32
        %swap3A_3298 = tpu.memref_slice %arg7[%swap3A_3296, %swap3A_3297] : memref<16x128xi32, #tpu.memory_space<vmem>> -> memref<1x128xi32, #tpu.memory_space<vmem>>
        %swap3A_3299 = tpu.memref_squeeze %swap3A_3298 : memref<1x128xi32, #tpu.memory_space<vmem>> -> memref<128xi32, #tpu.memory_space<vmem>>
        %swap3A_3300 = arith.constant 32 : index
        %swap3A_3301 = tpu.vector_load %swap3A_3299[%swap3A_3300] {strides = array<i32>} : memref<128xi32, #tpu.memory_space<vmem>>, vector<16xi32>,
        %swap3A_3302 = vector.shape_cast %swap3A_3301 : vector<16xi32> to vector<16xi32>
        %swap3A_3303 = vector.shape_cast %select_n3A_3295 : vector<16xi32> to vector<16xi32>
        tpu.vector_store %swap3A_3299[%swap3A_3300], %swap3A_3303 {strides = array<i32>} : memref<128xi32, #tpu.memory_space<vmem>>, vector<16xi32>,
        %get3A_3304 = arith.constant 14 : i32
        %get3A_3305 = arith.constant 0 : i32
        %get3A_3306 = tpu.memref_slice %arg6[%get3A_3304, %get3A_3305] : memref<16x128xi32, #tpu.memory_space<vmem>> -> memref<1x128xi32, #tpu.memory_space<vmem>>
        %get3A_3307 = tpu.memref_squeeze %get3A_3306 : memref<1x128xi32, #tpu.memory_space<vmem>> -> memref<128xi32, #tpu.memory_space<vmem>>
        %get3A_3308 = arith.constant 48 : index
        %get3A_3309 = tpu.vector_load %get3A_3307[%get3A_3308] {strides = array<i32>} : memref<128xi32, #tpu.memory_space<vmem>>, vector<16xi32>,
        %get3A_3310 = vector.shape_cast %get3A_3309 : vector<16xi32> to vector<16xi32>
        %sub3A_3311 = vector.broadcast %mul3A_15 : i32 to vector<16xi32>
        %sub3A_3312 = arith.subi %get3A_3310, %sub3A_3311 : vector<16xi32>
        %bitcast3A_3313 = vector.bitcast %sub3A_3312 : vector<16xi32> to vector<16xi32>
        %ge3A_3314 = arith.constant 1769472 : i32
        %ge3A_3315 = vector.broadcast %ge3A_3314 : i32 to vector<16xi32>
        %ge3A_3316 = arith.cmpi uge, %bitcast3A_3313, %ge3A_3315 : vector<16xi32>
        %and3A_3317 = arith.constant 65535 : i32
        %and3A_3318 = vector.broadcast %and3A_3317 : i32 to vector<16xi32>
        %and3A_3319 = arith.andi %get3A_3310, %and3A_3318 : vector<16xi32>
        %add3A_3320 = arith.constant 1769472 : i32
        %add3A_3321 = vector.broadcast %add3A_3320 : i32 to vector<16xi32>
        %add3A_3322 = arith.addi %add3A_3321, %and3A_3319 : vector<16xi32>
        %select_n3A_3323 = arith.select %ge3A_3316, %add3A_3322, %sub3A_3312 : vector<16xi1>, vector<16xi32>
        %swap3A_3324 = arith.constant 14 : i32
        %swap3A_3325 = arith.constant 0 : i32
        %swap3A_3326 = tpu.memref_slice %arg7[%swap3A_3324, %swap3A_3325] : memref<16x128xi32, #tpu.memory_space<vmem>> -> memref<1x128xi32, #tpu.memory_space<vmem>>
        %swap3A_3327 = tpu.memref_squeeze %swap3A_3326 : memref<1x128xi32, #tpu.memory_space<vmem>> -> memref<128xi32, #tpu.memory_space<vmem>>
        %swap3A_3328 = arith.constant 48 : index
        %swap3A_3329 = tpu.vector_load %swap3A_3327[%swap3A_3328] {strides = array<i32>} : memref<128xi32, #tpu.memory_space<vmem>>, vector<16xi32>,
        %swap3A_3330 = vector.shape_cast %swap3A_3329 : vector<16xi32> to vector<16xi32>
        %swap3A_3331 = vector.shape_cast %select_n3A_3323 : vector<16xi32> to vector<16xi32>
        tpu.vector_store %swap3A_3327[%swap3A_3328], %swap3A_3331 {strides = array<i32>} : memref<128xi32, #tpu.memory_space<vmem>>, vector<16xi32>,
        %get3A_3332 = arith.constant 14 : i32
        %get3A_3333 = arith.constant 0 : i32
        %get3A_3334 = tpu.memref_slice %arg6[%get3A_3332, %get3A_3333] : memref<16x128xi32, #tpu.memory_space<vmem>> -> memref<1x128xi32, #tpu.memory_space<vmem>>
        %get3A_3335 = tpu.memref_squeeze %get3A_3334 : memref<1x128xi32, #tpu.memory_space<vmem>> -> memref<128xi32, #tpu.memory_space<vmem>>
        %get3A_3336 = arith.constant 64 : index
        %get3A_3337 = tpu.vector_load %get3A_3335[%get3A_3336] {strides = array<i32>} : memref<128xi32, #tpu.memory_space<vmem>>, vector<16xi32>,
        %get3A_3338 = vector.shape_cast %get3A_3337 : vector<16xi32> to vector<16xi32>
        %sub3A_3339 = vector.broadcast %mul3A_15 : i32 to vector<16xi32>
        %sub3A_3340 = arith.subi %get3A_3338, %sub3A_3339 : vector<16xi32>
        %bitcast3A_3341 = vector.bitcast %sub3A_3340 : vector<16xi32> to vector<16xi32>
        %ge3A_3342 = arith.constant 1769472 : i32
        %ge3A_3343 = vector.broadcast %ge3A_3342 : i32 to vector<16xi32>
        %ge3A_3344 = arith.cmpi uge, %bitcast3A_3341, %ge3A_3343 : vector<16xi32>
        %and3A_3345 = arith.constant 65535 : i32
        %and3A_3346 = vector.broadcast %and3A_3345 : i32 to vector<16xi32>
        %and3A_3347 = arith.andi %get3A_3338, %and3A_3346 : vector<16xi32>
        %add3A_3348 = arith.constant 1769472 : i32
        %add3A_3349 = vector.broadcast %add3A_3348 : i32 to vector<16xi32>
        %add3A_3350 = arith.addi %add3A_3349, %and3A_3347 : vector<16xi32>
        %select_n3A_3351 = arith.select %ge3A_3344, %add3A_3350, %sub3A_3340 : vector<16xi1>, vector<16xi32>
        %swap3A_3352 = arith.constant 14 : i32
        %swap3A_3353 = arith.constant 0 : i32
        %swap3A_3354 = tpu.memref_slice %arg7[%swap3A_3352, %swap3A_3353] : memref<16x128xi32, #tpu.memory_space<vmem>> -> memref<1x128xi32, #tpu.memory_space<vmem>>
        %swap3A_3355 = tpu.memref_squeeze %swap3A_3354 : memref<1x128xi32, #tpu.memory_space<vmem>> -> memref<128xi32, #tpu.memory_space<vmem>>
        %swap3A_3356 = arith.constant 64 : index
        %swap3A_3357 = tpu.vector_load %swap3A_3355[%swap3A_3356] {strides = array<i32>} : memref<128xi32, #tpu.memory_space<vmem>>, vector<16xi32>,
        %swap3A_3358 = vector.shape_cast %swap3A_3357 : vector<16xi32> to vector<16xi32>
        %swap3A_3359 = vector.shape_cast %select_n3A_3351 : vector<16xi32> to vector<16xi32>
        tpu.vector_store %swap3A_3355[%swap3A_3356], %swap3A_3359 {strides = array<i32>} : memref<128xi32, #tpu.memory_space<vmem>>, vector<16xi32>,
        %get3A_3360 = arith.constant 14 : i32
        %get3A_3361 = arith.constant 0 : i32
        %get3A_3362 = tpu.memref_slice %arg6[%get3A_3360, %get3A_3361] : memref<16x128xi32, #tpu.memory_space<vmem>> -> memref<1x128xi32, #tpu.memory_space<vmem>>
        %get3A_3363 = tpu.memref_squeeze %get3A_3362 : memref<1x128xi32, #tpu.memory_space<vmem>> -> memref<128xi32, #tpu.memory_space<vmem>>
        %get3A_3364 = arith.constant 80 : index
        %get3A_3365 = tpu.vector_load %get3A_3363[%get3A_3364] {strides = array<i32>} : memref<128xi32, #tpu.memory_space<vmem>>, vector<16xi32>,
        %get3A_3366 = vector.shape_cast %get3A_3365 : vector<16xi32> to vector<16xi32>
        %sub3A_3367 = vector.broadcast %mul3A_15 : i32 to vector<16xi32>
        %sub3A_3368 = arith.subi %get3A_3366, %sub3A_3367 : vector<16xi32>
        %bitcast3A_3369 = vector.bitcast %sub3A_3368 : vector<16xi32> to vector<16xi32>
        %ge3A_3370 = arith.constant 1769472 : i32
        %ge3A_3371 = vector.broadcast %ge3A_3370 : i32 to vector<16xi32>
        %ge3A_3372 = arith.cmpi uge, %bitcast3A_3369, %ge3A_3371 : vector<16xi32>
        %and3A_3373 = arith.constant 65535 : i32
        %and3A_3374 = vector.broadcast %and3A_3373 : i32 to vector<16xi32>
        %and3A_3375 = arith.andi %get3A_3366, %and3A_3374 : vector<16xi32>
        %add3A_3376 = arith.constant 1769472 : i32
        %add3A_3377 = vector.broadcast %add3A_3376 : i32 to vector<16xi32>
        %add3A_3378 = arith.addi %add3A_3377, %and3A_3375 : vector<16xi32>
        %select_n3A_3379 = arith.select %ge3A_3372, %add3A_3378, %sub3A_3368 : vector<16xi1>, vector<16xi32>
        %swap3A_3380 = arith.constant 14 : i32
        %swap3A_3381 = arith.constant 0 : i32
        %swap3A_3382 = tpu.memref_slice %arg7[%swap3A_3380, %swap3A_3381] : memref<16x128xi32, #tpu.memory_space<vmem>> -> memref<1x128xi32, #tpu.memory_space<vmem>>
        %swap3A_3383 = tpu.memref_squeeze %swap3A_3382 : memref<1x128xi32, #tpu.memory_space<vmem>> -> memref<128xi32, #tpu.memory_space<vmem>>
        %swap3A_3384 = arith.constant 80 : index
        %swap3A_3385 = tpu.vector_load %swap3A_3383[%swap3A_3384] {strides = array<i32>} : memref<128xi32, #tpu.memory_space<vmem>>, vector<16xi32>,
        %swap3A_3386 = vector.shape_cast %swap3A_3385 : vector<16xi32> to vector<16xi32>
        %swap3A_3387 = vector.shape_cast %select_n3A_3379 : vector<16xi32> to vector<16xi32>
        tpu.vector_store %swap3A_3383[%swap3A_3384], %swap3A_3387 {strides = array<i32>} : memref<128xi32, #tpu.memory_space<vmem>>, vector<16xi32>,
        %get3A_3388 = arith.constant 14 : i32
        %get3A_3389 = arith.constant 0 : i32
        %get3A_3390 = tpu.memref_slice %arg6[%get3A_3388, %get3A_3389] : memref<16x128xi32, #tpu.memory_space<vmem>> -> memref<1x128xi32, #tpu.memory_space<vmem>>
        %get3A_3391 = tpu.memref_squeeze %get3A_3390 : memref<1x128xi32, #tpu.memory_space<vmem>> -> memref<128xi32, #tpu.memory_space<vmem>>
        %get3A_3392 = arith.constant 96 : index
        %get3A_3393 = tpu.vector_load %get3A_3391[%get3A_3392] {strides = array<i32>} : memref<128xi32, #tpu.memory_space<vmem>>, vector<16xi32>,
        %get3A_3394 = vector.shape_cast %get3A_3393 : vector<16xi32> to vector<16xi32>
        %sub3A_3395 = vector.broadcast %mul3A_15 : i32 to vector<16xi32>
        %sub3A_3396 = arith.subi %get3A_3394, %sub3A_3395 : vector<16xi32>
        %bitcast3A_3397 = vector.bitcast %sub3A_3396 : vector<16xi32> to vector<16xi32>
        %ge3A_3398 = arith.constant 1769472 : i32
        %ge3A_3399 = vector.broadcast %ge3A_3398 : i32 to vector<16xi32>
        %ge3A_3400 = arith.cmpi uge, %bitcast3A_3397, %ge3A_3399 : vector<16xi32>
        %and3A_3401 = arith.constant 65535 : i32
        %and3A_3402 = vector.broadcast %and3A_3401 : i32 to vector<16xi32>
        %and3A_3403 = arith.andi %get3A_3394, %and3A_3402 : vector<16xi32>
        %add3A_3404 = arith.constant 1769472 : i32
        %add3A_3405 = vector.broadcast %add3A_3404 : i32 to vector<16xi32>
        %add3A_3406 = arith.addi %add3A_3405, %and3A_3403 : vector<16xi32>
        %select_n3A_3407 = arith.select %ge3A_3400, %add3A_3406, %sub3A_3396 : vector<16xi1>, vector<16xi32>
        %swap3A_3408 = arith.constant 14 : i32
        %swap3A_3409 = arith.constant 0 : i32
        %swap3A_3410 = tpu.memref_slice %arg7[%swap3A_3408, %swap3A_3409] : memref<16x128xi32, #tpu.memory_space<vmem>> -> memref<1x128xi32, #tpu.memory_space<vmem>>
        %swap3A_3411 = tpu.memref_squeeze %swap3A_3410 : memref<1x128xi32, #tpu.memory_space<vmem>> -> memref<128xi32, #tpu.memory_space<vmem>>
        %swap3A_3412 = arith.constant 96 : index
        %swap3A_3413 = tpu.vector_load %swap3A_3411[%swap3A_3412] {strides = array<i32>} : memref<128xi32, #tpu.memory_space<vmem>>, vector<16xi32>,
        %swap3A_3414 = vector.shape_cast %swap3A_3413 : vector<16xi32> to vector<16xi32>
        %swap3A_3415 = vector.shape_cast %select_n3A_3407 : vector<16xi32> to vector<16xi32>
        tpu.vector_store %swap3A_3411[%swap3A_3412], %swap3A_3415 {strides = array<i32>} : memref<128xi32, #tpu.memory_space<vmem>>, vector<16xi32>,
        %get3A_3416 = arith.constant 14 : i32
        %get3A_3417 = arith.constant 0 : i32
        %get3A_3418 = tpu.memref_slice %arg6[%get3A_3416, %get3A_3417] : memref<16x128xi32, #tpu.memory_space<vmem>> -> memref<1x128xi32, #tpu.memory_space<vmem>>
        %get3A_3419 = tpu.memref_squeeze %get3A_3418 : memref<1x128xi32, #tpu.memory_space<vmem>> -> memref<128xi32, #tpu.memory_space<vmem>>
        %get3A_3420 = arith.constant 112 : index
        %get3A_3421 = tpu.vector_load %get3A_3419[%get3A_3420] {strides = array<i32>} : memref<128xi32, #tpu.memory_space<vmem>>, vector<16xi32>,
        %get3A_3422 = vector.shape_cast %get3A_3421 : vector<16xi32> to vector<16xi32>
        %sub3A_3423 = vector.broadcast %mul3A_15 : i32 to vector<16xi32>
        %sub3A_3424 = arith.subi %get3A_3422, %sub3A_3423 : vector<16xi32>
        %bitcast3A_3425 = vector.bitcast %sub3A_3424 : vector<16xi32> to vector<16xi32>
        %ge3A_3426 = arith.constant 1769472 : i32
        %ge3A_3427 = vector.broadcast %ge3A_3426 : i32 to vector<16xi32>
        %ge3A_3428 = arith.cmpi uge, %bitcast3A_3425, %ge3A_3427 : vector<16xi32>
        %and3A_3429 = arith.constant 65535 : i32
        %and3A_3430 = vector.broadcast %and3A_3429 : i32 to vector<16xi32>
        %and3A_3431 = arith.andi %get3A_3422, %and3A_3430 : vector<16xi32>
        %add3A_3432 = arith.constant 1769472 : i32
        %add3A_3433 = vector.broadcast %add3A_3432 : i32 to vector<16xi32>
        %add3A_3434 = arith.addi %add3A_3433, %and3A_3431 : vector<16xi32>
        %select_n3A_3435 = arith.select %ge3A_3428, %add3A_3434, %sub3A_3424 : vector<16xi1>, vector<16xi32>
        %swap3A_3436 = arith.constant 14 : i32
        %swap3A_3437 = arith.constant 0 : i32
        %swap3A_3438 = tpu.memref_slice %arg7[%swap3A_3436, %swap3A_3437] : memref<16x128xi32, #tpu.memory_space<vmem>> -> memref<1x128xi32, #tpu.memory_space<vmem>>
        %swap3A_3439 = tpu.memref_squeeze %swap3A_3438 : memref<1x128xi32, #tpu.memory_space<vmem>> -> memref<128xi32, #tpu.memory_space<vmem>>
        %swap3A_3440 = arith.constant 112 : index
        %swap3A_3441 = tpu.vector_load %swap3A_3439[%swap3A_3440] {strides = array<i32>} : memref<128xi32, #tpu.memory_space<vmem>>, vector<16xi32>,
        %swap3A_3442 = vector.shape_cast %swap3A_3441 : vector<16xi32> to vector<16xi32>
        %swap3A_3443 = vector.shape_cast %select_n3A_3435 : vector<16xi32> to vector<16xi32>
        tpu.vector_store %swap3A_3439[%swap3A_3440], %swap3A_3443 {strides = array<i32>} : memref<128xi32, #tpu.memory_space<vmem>>, vector<16xi32>,
        %get3A_3444 = arith.constant 15 : i32
        %get3A_3445 = arith.constant 0 : i32
        %get3A_3446 = tpu.memref_slice %arg6[%get3A_3444, %get3A_3445] : memref<16x128xi32, #tpu.memory_space<vmem>> -> memref<1x128xi32, #tpu.memory_space<vmem>>
        %get3A_3447 = tpu.memref_squeeze %get3A_3446 : memref<1x128xi32, #tpu.memory_space<vmem>> -> memref<128xi32, #tpu.memory_space<vmem>>
        %get3A_3448 = arith.constant 0 : index
        %get3A_3449 = tpu.vector_load %get3A_3447[%get3A_3448] {strides = array<i32>} : memref<128xi32, #tpu.memory_space<vmem>>, vector<16xi32>,
        %get3A_3450 = vector.shape_cast %get3A_3449 : vector<16xi32> to vector<16xi32>
        %sub3A_3451 = vector.broadcast %mul3A_15 : i32 to vector<16xi32>
        %sub3A_3452 = arith.subi %get3A_3450, %sub3A_3451 : vector<16xi32>
        %bitcast3A_3453 = vector.bitcast %sub3A_3452 : vector<16xi32> to vector<16xi32>
        %ge3A_3454 = arith.constant 1769472 : i32
        %ge3A_3455 = vector.broadcast %ge3A_3454 : i32 to vector<16xi32>
        %ge3A_3456 = arith.cmpi uge, %bitcast3A_3453, %ge3A_3455 : vector<16xi32>
        %and3A_3457 = arith.constant 65535 : i32
        %and3A_3458 = vector.broadcast %and3A_3457 : i32 to vector<16xi32>
        %and3A_3459 = arith.andi %get3A_3450, %and3A_3458 : vector<16xi32>
        %add3A_3460 = arith.constant 1769472 : i32
        %add3A_3461 = vector.broadcast %add3A_3460 : i32 to vector<16xi32>
        %add3A_3462 = arith.addi %add3A_3461, %and3A_3459 : vector<16xi32>
        %select_n3A_3463 = arith.select %ge3A_3456, %add3A_3462, %sub3A_3452 : vector<16xi1>, vector<16xi32>
        %swap3A_3464 = arith.constant 15 : i32
        %swap3A_3465 = arith.constant 0 : i32
        %swap3A_3466 = tpu.memref_slice %arg7[%swap3A_3464, %swap3A_3465] : memref<16x128xi32, #tpu.memory_space<vmem>> -> memref<1x128xi32, #tpu.memory_space<vmem>>
        %swap3A_3467 = tpu.memref_squeeze %swap3A_3466 : memref<1x128xi32, #tpu.memory_space<vmem>> -> memref<128xi32, #tpu.memory_space<vmem>>
        %swap3A_3468 = arith.constant 0 : index
        %swap3A_3469 = tpu.vector_load %swap3A_3467[%swap3A_3468] {strides = array<i32>} : memref<128xi32, #tpu.memory_space<vmem>>, vector<16xi32>,
        %swap3A_3470 = vector.shape_cast %swap3A_3469 : vector<16xi32> to vector<16xi32>
        %swap3A_3471 = vector.shape_cast %select_n3A_3463 : vector<16xi32> to vector<16xi32>
        tpu.vector_store %swap3A_3467[%swap3A_3468], %swap3A_3471 {strides = array<i32>} : memref<128xi32, #tpu.memory_space<vmem>>, vector<16xi32>,
        %get3A_3472 = arith.constant 15 : i32
        %get3A_3473 = arith.constant 0 : i32
        %get3A_3474 = tpu.memref_slice %arg6[%get3A_3472, %get3A_3473] : memref<16x128xi32, #tpu.memory_space<vmem>> -> memref<1x128xi32, #tpu.memory_space<vmem>>
        %get3A_3475 = tpu.memref_squeeze %get3A_3474 : memref<1x128xi32, #tpu.memory_space<vmem>> -> memref<128xi32, #tpu.memory_space<vmem>>
        %get3A_3476 = arith.constant 16 : index
        %get3A_3477 = tpu.vector_load %get3A_3475[%get3A_3476] {strides = array<i32>} : memref<128xi32, #tpu.memory_space<vmem>>, vector<16xi32>,
        %get3A_3478 = vector.shape_cast %get3A_3477 : vector<16xi32> to vector<16xi32>
        %sub3A_3479 = vector.broadcast %mul3A_15 : i32 to vector<16xi32>
        %sub3A_3480 = arith.subi %get3A_3478, %sub3A_3479 : vector<16xi32>
        %bitcast3A_3481 = vector.bitcast %sub3A_3480 : vector<16xi32> to vector<16xi32>
        %ge3A_3482 = arith.constant 1769472 : i32
        %ge3A_3483 = vector.broadcast %ge3A_3482 : i32 to vector<16xi32>
        %ge3A_3484 = arith.cmpi uge, %bitcast3A_3481, %ge3A_3483 : vector<16xi32>
        %and3A_3485 = arith.constant 65535 : i32
        %and3A_3486 = vector.broadcast %and3A_3485 : i32 to vector<16xi32>
        %and3A_3487 = arith.andi %get3A_3478, %and3A_3486 : vector<16xi32>
        %add3A_3488 = arith.constant 1769472 : i32
        %add3A_3489 = vector.broadcast %add3A_3488 : i32 to vector<16xi32>
        %add3A_3490 = arith.addi %add3A_3489, %and3A_3487 : vector<16xi32>
        %select_n3A_3491 = arith.select %ge3A_3484, %add3A_3490, %sub3A_3480 : vector<16xi1>, vector<16xi32>
        %swap3A_3492 = arith.constant 15 : i32
        %swap3A_3493 = arith.constant 0 : i32
        %swap3A_3494 = tpu.memref_slice %arg7[%swap3A_3492, %swap3A_3493] : memref<16x128xi32, #tpu.memory_space<vmem>> -> memref<1x128xi32, #tpu.memory_space<vmem>>
        %swap3A_3495 = tpu.memref_squeeze %swap3A_3494 : memref<1x128xi32, #tpu.memory_space<vmem>> -> memref<128xi32, #tpu.memory_space<vmem>>
        %swap3A_3496 = arith.constant 16 : index
        %swap3A_3497 = tpu.vector_load %swap3A_3495[%swap3A_3496] {strides = array<i32>} : memref<128xi32, #tpu.memory_space<vmem>>, vector<16xi32>,
        %swap3A_3498 = vector.shape_cast %swap3A_3497 : vector<16xi32> to vector<16xi32>
        %swap3A_3499 = vector.shape_cast %select_n3A_3491 : vector<16xi32> to vector<16xi32>
        tpu.vector_store %swap3A_3495[%swap3A_3496], %swap3A_3499 {strides = array<i32>} : memref<128xi32, #tpu.memory_space<vmem>>, vector<16xi32>,
        %get3A_3500 = arith.constant 15 : i32
        %get3A_3501 = arith.constant 0 : i32
        %get3A_3502 = tpu.memref_slice %arg6[%get3A_3500, %get3A_3501] : memref<16x128xi32, #tpu.memory_space<vmem>> -> memref<1x128xi32, #tpu.memory_space<vmem>>
        %get3A_3503 = tpu.memref_squeeze %get3A_3502 : memref<1x128xi32, #tpu.memory_space<vmem>> -> memref<128xi32, #tpu.memory_space<vmem>>
        %get3A_3504 = arith.constant 32 : index
        %get3A_3505 = tpu.vector_load %get3A_3503[%get3A_3504] {strides = array<i32>} : memref<128xi32, #tpu.memory_space<vmem>>, vector<16xi32>,
        %get3A_3506 = vector.shape_cast %get3A_3505 : vector<16xi32> to vector<16xi32>
        %sub3A_3507 = vector.broadcast %mul3A_15 : i32 to vector<16xi32>
        %sub3A_3508 = arith.subi %get3A_3506, %sub3A_3507 : vector<16xi32>
        %bitcast3A_3509 = vector.bitcast %sub3A_3508 : vector<16xi32> to vector<16xi32>
        %ge3A_3510 = arith.constant 1769472 : i32
        %ge3A_3511 = vector.broadcast %ge3A_3510 : i32 to vector<16xi32>
        %ge3A_3512 = arith.cmpi uge, %bitcast3A_3509, %ge3A_3511 : vector<16xi32>
        %and3A_3513 = arith.constant 65535 : i32
        %and3A_3514 = vector.broadcast %and3A_3513 : i32 to vector<16xi32>
        %and3A_3515 = arith.andi %get3A_3506, %and3A_3514 : vector<16xi32>
        %add3A_3516 = arith.constant 1769472 : i32
        %add3A_3517 = vector.broadcast %add3A_3516 : i32 to vector<16xi32>
        %add3A_3518 = arith.addi %add3A_3517, %and3A_3515 : vector<16xi32>
        %select_n3A_3519 = arith.select %ge3A_3512, %add3A_3518, %sub3A_3508 : vector<16xi1>, vector<16xi32>
        %swap3A_3520 = arith.constant 15 : i32
        %swap3A_3521 = arith.constant 0 : i32
        %swap3A_3522 = tpu.memref_slice %arg7[%swap3A_3520, %swap3A_3521] : memref<16x128xi32, #tpu.memory_space<vmem>> -> memref<1x128xi32, #tpu.memory_space<vmem>>
        %swap3A_3523 = tpu.memref_squeeze %swap3A_3522 : memref<1x128xi32, #tpu.memory_space<vmem>> -> memref<128xi32, #tpu.memory_space<vmem>>
        %swap3A_3524 = arith.constant 32 : index
        %swap3A_3525 = tpu.vector_load %swap3A_3523[%swap3A_3524] {strides = array<i32>} : memref<128xi32, #tpu.memory_space<vmem>>, vector<16xi32>,
        %swap3A_3526 = vector.shape_cast %swap3A_3525 : vector<16xi32> to vector<16xi32>
        %swap3A_3527 = vector.shape_cast %select_n3A_3519 : vector<16xi32> to vector<16xi32>
        tpu.vector_store %swap3A_3523[%swap3A_3524], %swap3A_3527 {strides = array<i32>} : memref<128xi32, #tpu.memory_space<vmem>>, vector<16xi32>,
        %get3A_3528 = arith.constant 15 : i32
        %get3A_3529 = arith.constant 0 : i32
        %get3A_3530 = tpu.memref_slice %arg6[%get3A_3528, %get3A_3529] : memref<16x128xi32, #tpu.memory_space<vmem>> -> memref<1x128xi32, #tpu.memory_space<vmem>>
        %get3A_3531 = tpu.memref_squeeze %get3A_3530 : memref<1x128xi32, #tpu.memory_space<vmem>> -> memref<128xi32, #tpu.memory_space<vmem>>
        %get3A_3532 = arith.constant 48 : index
        %get3A_3533 = tpu.vector_load %get3A_3531[%get3A_3532] {strides = array<i32>} : memref<128xi32, #tpu.memory_space<vmem>>, vector<16xi32>,
        %get3A_3534 = vector.shape_cast %get3A_3533 : vector<16xi32> to vector<16xi32>
        %sub3A_3535 = vector.broadcast %mul3A_15 : i32 to vector<16xi32>
        %sub3A_3536 = arith.subi %get3A_3534, %sub3A_3535 : vector<16xi32>
        %bitcast3A_3537 = vector.bitcast %sub3A_3536 : vector<16xi32> to vector<16xi32>
        %ge3A_3538 = arith.constant 1769472 : i32
        %ge3A_3539 = vector.broadcast %ge3A_3538 : i32 to vector<16xi32>
        %ge3A_3540 = arith.cmpi uge, %bitcast3A_3537, %ge3A_3539 : vector<16xi32>
        %and3A_3541 = arith.constant 65535 : i32
        %and3A_3542 = vector.broadcast %and3A_3541 : i32 to vector<16xi32>
        %and3A_3543 = arith.andi %get3A_3534, %and3A_3542 : vector<16xi32>
        %add3A_3544 = arith.constant 1769472 : i32
        %add3A_3545 = vector.broadcast %add3A_3544 : i32 to vector<16xi32>
        %add3A_3546 = arith.addi %add3A_3545, %and3A_3543 : vector<16xi32>
        %select_n3A_3547 = arith.select %ge3A_3540, %add3A_3546, %sub3A_3536 : vector<16xi1>, vector<16xi32>
        %swap3A_3548 = arith.constant 15 : i32
        %swap3A_3549 = arith.constant 0 : i32
        %swap3A_3550 = tpu.memref_slice %arg7[%swap3A_3548, %swap3A_3549] : memref<16x128xi32, #tpu.memory_space<vmem>> -> memref<1x128xi32, #tpu.memory_space<vmem>>
        %swap3A_3551 = tpu.memref_squeeze %swap3A_3550 : memref<1x128xi32, #tpu.memory_space<vmem>> -> memref<128xi32, #tpu.memory_space<vmem>>
        %swap3A_3552 = arith.constant 48 : index
        %swap3A_3553 = tpu.vector_load %swap3A_3551[%swap3A_3552] {strides = array<i32>} : memref<128xi32, #tpu.memory_space<vmem>>, vector<16xi32>,
        %swap3A_3554 = vector.shape_cast %swap3A_3553 : vector<16xi32> to vector<16xi32>
        %swap3A_3555 = vector.shape_cast %select_n3A_3547 : vector<16xi32> to vector<16xi32>
        tpu.vector_store %swap3A_3551[%swap3A_3552], %swap3A_3555 {strides = array<i32>} : memref<128xi32, #tpu.memory_space<vmem>>, vector<16xi32>,
        %get3A_3556 = arith.constant 15 : i32
        %get3A_3557 = arith.constant 0 : i32
        %get3A_3558 = tpu.memref_slice %arg6[%get3A_3556, %get3A_3557] : memref<16x128xi32, #tpu.memory_space<vmem>> -> memref<1x128xi32, #tpu.memory_space<vmem>>
        %get3A_3559 = tpu.memref_squeeze %get3A_3558 : memref<1x128xi32, #tpu.memory_space<vmem>> -> memref<128xi32, #tpu.memory_space<vmem>>
        %get3A_3560 = arith.constant 64 : index
        %get3A_3561 = tpu.vector_load %get3A_3559[%get3A_3560] {strides = array<i32>} : memref<128xi32, #tpu.memory_space<vmem>>, vector<16xi32>,
        %get3A_3562 = vector.shape_cast %get3A_3561 : vector<16xi32> to vector<16xi32>
        %sub3A_3563 = vector.broadcast %mul3A_15 : i32 to vector<16xi32>
        %sub3A_3564 = arith.subi %get3A_3562, %sub3A_3563 : vector<16xi32>
        %bitcast3A_3565 = vector.bitcast %sub3A_3564 : vector<16xi32> to vector<16xi32>
        %ge3A_3566 = arith.constant 1769472 : i32
        %ge3A_3567 = vector.broadcast %ge3A_3566 : i32 to vector<16xi32>
        %ge3A_3568 = arith.cmpi uge, %bitcast3A_3565, %ge3A_3567 : vector<16xi32>
        %and3A_3569 = arith.constant 65535 : i32
        %and3A_3570 = vector.broadcast %and3A_3569 : i32 to vector<16xi32>
        %and3A_3571 = arith.andi %get3A_3562, %and3A_3570 : vector<16xi32>
        %add3A_3572 = arith.constant 1769472 : i32
        %add3A_3573 = vector.broadcast %add3A_3572 : i32 to vector<16xi32>
        %add3A_3574 = arith.addi %add3A_3573, %and3A_3571 : vector<16xi32>
        %select_n3A_3575 = arith.select %ge3A_3568, %add3A_3574, %sub3A_3564 : vector<16xi1>, vector<16xi32>
        %swap3A_3576 = arith.constant 15 : i32
        %swap3A_3577 = arith.constant 0 : i32
        %swap3A_3578 = tpu.memref_slice %arg7[%swap3A_3576, %swap3A_3577] : memref<16x128xi32, #tpu.memory_space<vmem>> -> memref<1x128xi32, #tpu.memory_space<vmem>>
        %swap3A_3579 = tpu.memref_squeeze %swap3A_3578 : memref<1x128xi32, #tpu.memory_space<vmem>> -> memref<128xi32, #tpu.memory_space<vmem>>
        %swap3A_3580 = arith.constant 64 : index
        %swap3A_3581 = tpu.vector_load %swap3A_3579[%swap3A_3580] {strides = array<i32>} : memref<128xi32, #tpu.memory_space<vmem>>, vector<16xi32>,
        %swap3A_3582 = vector.shape_cast %swap3A_3581 : vector<16xi32> to vector<16xi32>
        %swap3A_3583 = vector.shape_cast %select_n3A_3575 : vector<16xi32> to vector<16xi32>
        tpu.vector_store %swap3A_3579[%swap3A_3580], %swap3A_3583 {strides = array<i32>} : memref<128xi32, #tpu.memory_space<vmem>>, vector<16xi32>,
        %get3A_3584 = arith.constant 15 : i32
        %get3A_3585 = arith.constant 0 : i32
        %get3A_3586 = tpu.memref_slice %arg6[%get3A_3584, %get3A_3585] : memref<16x128xi32, #tpu.memory_space<vmem>> -> memref<1x128xi32, #tpu.memory_space<vmem>>
        %get3A_3587 = tpu.memref_squeeze %get3A_3586 : memref<1x128xi32, #tpu.memory_space<vmem>> -> memref<128xi32, #tpu.memory_space<vmem>>
        %get3A_3588 = arith.constant 80 : index
        %get3A_3589 = tpu.vector_load %get3A_3587[%get3A_3588] {strides = array<i32>} : memref<128xi32, #tpu.memory_space<vmem>>, vector<16xi32>,
        %get3A_3590 = vector.shape_cast %get3A_3589 : vector<16xi32> to vector<16xi32>
        %sub3A_3591 = vector.broadcast %mul3A_15 : i32 to vector<16xi32>
        %sub3A_3592 = arith.subi %get3A_3590, %sub3A_3591 : vector<16xi32>
        %bitcast3A_3593 = vector.bitcast %sub3A_3592 : vector<16xi32> to vector<16xi32>
        %ge3A_3594 = arith.constant 1769472 : i32
        %ge3A_3595 = vector.broadcast %ge3A_3594 : i32 to vector<16xi32>
        %ge3A_3596 = arith.cmpi uge, %bitcast3A_3593, %ge3A_3595 : vector<16xi32>
        %and3A_3597 = arith.constant 65535 : i32
        %and3A_3598 = vector.broadcast %and3A_3597 : i32 to vector<16xi32>
        %and3A_3599 = arith.andi %get3A_3590, %and3A_3598 : vector<16xi32>
        %add3A_3600 = arith.constant 1769472 : i32
        %add3A_3601 = vector.broadcast %add3A_3600 : i32 to vector<16xi32>
        %add3A_3602 = arith.addi %add3A_3601, %and3A_3599 : vector<16xi32>
        %select_n3A_3603 = arith.select %ge3A_3596, %add3A_3602, %sub3A_3592 : vector<16xi1>, vector<16xi32>
        %swap3A_3604 = arith.constant 15 : i32
        %swap3A_3605 = arith.constant 0 : i32
        %swap3A_3606 = tpu.memref_slice %arg7[%swap3A_3604, %swap3A_3605] : memref<16x128xi32, #tpu.memory_space<vmem>> -> memref<1x128xi32, #tpu.memory_space<vmem>>
        %swap3A_3607 = tpu.memref_squeeze %swap3A_3606 : memref<1x128xi32, #tpu.memory_space<vmem>> -> memref<128xi32, #tpu.memory_space<vmem>>
        %swap3A_3608 = arith.constant 80 : index
        %swap3A_3609 = tpu.vector_load %swap3A_3607[%swap3A_3608] {strides = array<i32>} : memref<128xi32, #tpu.memory_space<vmem>>, vector<16xi32>,
        %swap3A_3610 = vector.shape_cast %swap3A_3609 : vector<16xi32> to vector<16xi32>
        %swap3A_3611 = vector.shape_cast %select_n3A_3603 : vector<16xi32> to vector<16xi32>
        tpu.vector_store %swap3A_3607[%swap3A_3608], %swap3A_3611 {strides = array<i32>} : memref<128xi32, #tpu.memory_space<vmem>>, vector<16xi32>,
        %get3A_3612 = arith.constant 15 : i32
        %get3A_3613 = arith.constant 0 : i32
        %get3A_3614 = tpu.memref_slice %arg6[%get3A_3612, %get3A_3613] : memref<16x128xi32, #tpu.memory_space<vmem>> -> memref<1x128xi32, #tpu.memory_space<vmem>>
        %get3A_3615 = tpu.memref_squeeze %get3A_3614 : memref<1x128xi32, #tpu.memory_space<vmem>> -> memref<128xi32, #tpu.memory_space<vmem>>
        %get3A_3616 = arith.constant 96 : index
        %get3A_3617 = tpu.vector_load %get3A_3615[%get3A_3616] {strides = array<i32>} : memref<128xi32, #tpu.memory_space<vmem>>, vector<16xi32>,
        %get3A_3618 = vector.shape_cast %get3A_3617 : vector<16xi32> to vector<16xi32>
        %sub3A_3619 = vector.broadcast %mul3A_15 : i32 to vector<16xi32>
        %sub3A_3620 = arith.subi %get3A_3618, %sub3A_3619 : vector<16xi32>
        %bitcast3A_3621 = vector.bitcast %sub3A_3620 : vector<16xi32> to vector<16xi32>
        %ge3A_3622 = arith.constant 1769472 : i32
        %ge3A_3623 = vector.broadcast %ge3A_3622 : i32 to vector<16xi32>
        %ge3A_3624 = arith.cmpi uge, %bitcast3A_3621, %ge3A_3623 : vector<16xi32>
        %and3A_3625 = arith.constant 65535 : i32
        %and3A_3626 = vector.broadcast %and3A_3625 : i32 to vector<16xi32>
        %and3A_3627 = arith.andi %get3A_3618, %and3A_3626 : vector<16xi32>
        %add3A_3628 = arith.constant 1769472 : i32
        %add3A_3629 = vector.broadcast %add3A_3628 : i32 to vector<16xi32>
        %add3A_3630 = arith.addi %add3A_3629, %and3A_3627 : vector<16xi32>
        %select_n3A_3631 = arith.select %ge3A_3624, %add3A_3630, %sub3A_3620 : vector<16xi1>, vector<16xi32>
        %swap3A_3632 = arith.constant 15 : i32
        %swap3A_3633 = arith.constant 0 : i32
        %swap3A_3634 = tpu.memref_slice %arg7[%swap3A_3632, %swap3A_3633] : memref<16x128xi32, #tpu.memory_space<vmem>> -> memref<1x128xi32, #tpu.memory_space<vmem>>
        %swap3A_3635 = tpu.memref_squeeze %swap3A_3634 : memref<1x128xi32, #tpu.memory_space<vmem>> -> memref<128xi32, #tpu.memory_space<vmem>>
        %swap3A_3636 = arith.constant 96 : index
        %swap3A_3637 = tpu.vector_load %swap3A_3635[%swap3A_3636] {strides = array<i32>} : memref<128xi32, #tpu.memory_space<vmem>>, vector<16xi32>,
        %swap3A_3638 = vector.shape_cast %swap3A_3637 : vector<16xi32> to vector<16xi32>
        %swap3A_3639 = vector.shape_cast %select_n3A_3631 : vector<16xi32> to vector<16xi32>
        tpu.vector_store %swap3A_3635[%swap3A_3636], %swap3A_3639 {strides = array<i32>} : memref<128xi32, #tpu.memory_space<vmem>>, vector<16xi32>,
        %get3A_3640 = arith.constant 15 : i32
        %get3A_3641 = arith.constant 0 : i32
        %get3A_3642 = tpu.memref_slice %arg6[%get3A_3640, %get3A_3641] : memref<16x128xi32, #tpu.memory_space<vmem>> -> memref<1x128xi32, #tpu.memory_space<vmem>>
        %get3A_3643 = tpu.memref_squeeze %get3A_3642 : memref<1x128xi32, #tpu.memory_space<vmem>> -> memref<128xi32, #tpu.memory_space<vmem>>
        %get3A_3644 = arith.constant 112 : index
        %get3A_3645 = tpu.vector_load %get3A_3643[%get3A_3644] {strides = array<i32>} : memref<128xi32, #tpu.memory_space<vmem>>, vector<16xi32>,
        %get3A_3646 = vector.shape_cast %get3A_3645 : vector<16xi32> to vector<16xi32>
        %sub3A_3647 = vector.broadcast %mul3A_15 : i32 to vector<16xi32>
        %sub3A_3648 = arith.subi %get3A_3646, %sub3A_3647 : vector<16xi32>
        %bitcast3A_3649 = vector.bitcast %sub3A_3648 : vector<16xi32> to vector<16xi32>
        %ge3A_3650 = arith.constant 1769472 : i32
        %ge3A_3651 = vector.broadcast %ge3A_3650 : i32 to vector<16xi32>
        %ge3A_3652 = arith.cmpi uge, %bitcast3A_3649, %ge3A_3651 : vector<16xi32>
        %and3A_3653 = arith.constant 65535 : i32
        %and3A_3654 = vector.broadcast %and3A_3653 : i32 to vector<16xi32>
        %and3A_3655 = arith.andi %get3A_3646, %and3A_3654 : vector<16xi32>
        %add3A_3656 = arith.constant 1769472 : i32
        %add3A_3657 = vector.broadcast %add3A_3656 : i32 to vector<16xi32>
        %add3A_3658 = arith.addi %add3A_3657, %and3A_3655 : vector<16xi32>
        %select_n3A_3659 = arith.select %ge3A_3652, %add3A_3658, %sub3A_3648 : vector<16xi1>, vector<16xi32>
        %swap3A_3660 = arith.constant 15 : i32
        %swap3A_3661 = arith.constant 0 : i32
        %swap3A_3662 = tpu.memref_slice %arg7[%swap3A_3660, %swap3A_3661] : memref<16x128xi32, #tpu.memory_space<vmem>> -> memref<1x128xi32, #tpu.memory_space<vmem>>
        %swap3A_3663 = tpu.memref_squeeze %swap3A_3662 : memref<1x128xi32, #tpu.memory_space<vmem>> -> memref<128xi32, #tpu.memory_space<vmem>>
        %swap3A_3664 = arith.constant 112 : index
        %swap3A_3665 = tpu.vector_load %swap3A_3663[%swap3A_3664] {strides = array<i32>} : memref<128xi32, #tpu.memory_space<vmem>>, vector<16xi32>,
        %swap3A_3666 = vector.shape_cast %swap3A_3665 : vector<16xi32> to vector<16xi32>
        %swap3A_3667 = vector.shape_cast %select_n3A_3659 : vector<16xi32> to vector<16xi32>
        tpu.vector_store %swap3A_3663[%swap3A_3664], %swap3A_3667 {strides = array<i32>} : memref<128xi32, #tpu.memory_space<vmem>>, vector<16xi32>,
        %run_scoped3A = arith.constant 0 : i32
        %run_scoped3A_3668 = arith.constant 0 : i32
        "tpu.region"() ({
          %run_scoped3A_3699 = tpu.sem_alloc : memref<!tpu.dma_semaphore, #tpu.memory_space<semaphore_mem>>
          %dma_start3A = arith.constant 0 : i32
          %dma_start3A_3700 = tpu.memref_slice %arg5[%run_scoped3A, %dma_start3A] : memref<16x128xf32, #tpu.memory_space<vmem>> -> memref<1x128xf32, #tpu.memory_space<vmem>>
          %dma_start3A_3701 = tpu.memref_squeeze %dma_start3A_3700 : memref<1x128xf32, #tpu.memory_space<vmem>> -> memref<128xf32, #tpu.memory_space<vmem>>
          %dma_start3A_3702 = arith.constant 0 : i32
          %dma_start3A_3703 = tpu.memref_slice %arg7[%run_scoped3A_3668, %dma_start3A_3702] : memref<16x128xi32, #tpu.memory_space<vmem>> -> memref<1x128xi32, #tpu.memory_space<vmem>>
          %dma_start3A_3704 = tpu.memref_squeeze %dma_start3A_3703 : memref<1x128xi32, #tpu.memory_space<vmem>> -> memref<128xi32, #tpu.memory_space<vmem>>
          %dma_start3A_3705 = arith.constant 0 : i32
          %dma_start3A_3706 = tpu.memref_slice %arg9[%dma_start3A_3705] : memref<1835008xf32, #tpu.memory_space<vmem_shared>> -> memref<1835008xf32, #tpu.memory_space<vmem_shared>>
          tpu.enqueue_indirect_dma source(%dma_start3A_3701 : memref<128xf32, #tpu.memory_space<vmem>>) target(%dma_start3A_3706 : memref<1835008xf32, #tpu.memory_space<vmem_shared>>) offsets(%dma_start3A_3704 : memref<128xi32, #tpu.memory_space<vmem>>) semaphore(%run_scoped3A_3699 : memref<!tpu.dma_semaphore, #tpu.memory_space<semaphore_mem>>) {add = true}
          %dma_wait3A = arith.constant 0 : i32
          %dma_wait3A_3707 = tpu.memref_slice %arg5[%run_scoped3A, %dma_wait3A] : memref<16x128xf32, #tpu.memory_space<vmem>> -> memref<1x128xf32, #tpu.memory_space<vmem>>
          %dma_wait3A_3708 = tpu.memref_squeeze %dma_wait3A_3707 : memref<1x128xf32, #tpu.memory_space<vmem>> -> memref<128xf32, #tpu.memory_space<vmem>>
          %dma_wait3A_3709 = arith.constant 0 : i32
          %dma_wait3A_3710 = tpu.memref_slice %arg7[%run_scoped3A_3668, %dma_wait3A_3709] : memref<16x128xi32, #tpu.memory_space<vmem>> -> memref<1x128xi32, #tpu.memory_space<vmem>>
          %dma_wait3A_3711 = tpu.memref_squeeze %dma_wait3A_3710 : memref<1x128xi32, #tpu.memory_space<vmem>> -> memref<128xi32, #tpu.memory_space<vmem>>
          %dma_wait3A_3712 = arith.constant 0 : i32
          %dma_wait3A_3713 = tpu.memref_slice %arg9[%dma_wait3A_3712] : memref<1835008xf32, #tpu.memory_space<vmem_shared>> -> memref<1835008xf32, #tpu.memory_space<vmem_shared>>
          tpu.wait_indirect_dma semaphore(%run_scoped3A_3699 : memref<!tpu.dma_semaphore, #tpu.memory_space<semaphore_mem>>) src(%dma_wait3A_3708 : memref<128xf32, #tpu.memory_space<vmem>>) dst(%dma_wait3A_3713 : memref<1835008xf32, #tpu.memory_space<vmem_shared>>)
          tpu.yield
        }) : () -> ()
        %run_scoped3A_3669 = arith.constant 1 : i32
        %run_scoped3A_3670 = arith.constant 1 : i32
        "tpu.region"() ({
          %run_scoped3A_3699 = tpu.sem_alloc : memref<!tpu.dma_semaphore, #tpu.memory_space<semaphore_mem>>
          %dma_start3A = arith.constant 0 : i32
          %dma_start3A_3700 = tpu.memref_slice %arg5[%run_scoped3A_3669, %dma_start3A] : memref<16x128xf32, #tpu.memory_space<vmem>> -> memref<1x128xf32, #tpu.memory_space<vmem>>
          %dma_start3A_3701 = tpu.memref_squeeze %dma_start3A_3700 : memref<1x128xf32, #tpu.memory_space<vmem>> -> memref<128xf32, #tpu.memory_space<vmem>>
          %dma_start3A_3702 = arith.constant 0 : i32
          %dma_start3A_3703 = tpu.memref_slice %arg7[%run_scoped3A_3670, %dma_start3A_3702] : memref<16x128xi32, #tpu.memory_space<vmem>> -> memref<1x128xi32, #tpu.memory_space<vmem>>
          %dma_start3A_3704 = tpu.memref_squeeze %dma_start3A_3703 : memref<1x128xi32, #tpu.memory_space<vmem>> -> memref<128xi32, #tpu.memory_space<vmem>>
          %dma_start3A_3705 = arith.constant 0 : i32
          %dma_start3A_3706 = tpu.memref_slice %arg9[%dma_start3A_3705] : memref<1835008xf32, #tpu.memory_space<vmem_shared>> -> memref<1835008xf32, #tpu.memory_space<vmem_shared>>
          tpu.enqueue_indirect_dma source(%dma_start3A_3701 : memref<128xf32, #tpu.memory_space<vmem>>) target(%dma_start3A_3706 : memref<1835008xf32, #tpu.memory_space<vmem_shared>>) offsets(%dma_start3A_3704 : memref<128xi32, #tpu.memory_space<vmem>>) semaphore(%run_scoped3A_3699 : memref<!tpu.dma_semaphore, #tpu.memory_space<semaphore_mem>>) {add = true}
          %dma_wait3A = arith.constant 0 : i32
          %dma_wait3A_3707 = tpu.memref_slice %arg5[%run_scoped3A_3669, %dma_wait3A] : memref<16x128xf32, #tpu.memory_space<vmem>> -> memref<1x128xf32, #tpu.memory_space<vmem>>
          %dma_wait3A_3708 = tpu.memref_squeeze %dma_wait3A_3707 : memref<1x128xf32, #tpu.memory_space<vmem>> -> memref<128xf32, #tpu.memory_space<vmem>>
          %dma_wait3A_3709 = arith.constant 0 : i32
          %dma_wait3A_3710 = tpu.memref_slice %arg7[%run_scoped3A_3670, %dma_wait3A_3709] : memref<16x128xi32, #tpu.memory_space<vmem>> -> memref<1x128xi32, #tpu.memory_space<vmem>>
          %dma_wait3A_3711 = tpu.memref_squeeze %dma_wait3A_3710 : memref<1x128xi32, #tpu.memory_space<vmem>> -> memref<128xi32, #tpu.memory_space<vmem>>
          %dma_wait3A_3712 = arith.constant 0 : i32
          %dma_wait3A_3713 = tpu.memref_slice %arg9[%dma_wait3A_3712] : memref<1835008xf32, #tpu.memory_space<vmem_shared>> -> memref<1835008xf32, #tpu.memory_space<vmem_shared>>
          tpu.wait_indirect_dma semaphore(%run_scoped3A_3699 : memref<!tpu.dma_semaphore, #tpu.memory_space<semaphore_mem>>) src(%dma_wait3A_3708 : memref<128xf32, #tpu.memory_space<vmem>>) dst(%dma_wait3A_3713 : memref<1835008xf32, #tpu.memory_space<vmem_shared>>)
          tpu.yield
        }) : () -> ()
        %run_scoped3A_3671 = arith.constant 2 : i32
        %run_scoped3A_3672 = arith.constant 2 : i32
        "tpu.region"() ({
          %run_scoped3A_3699 = tpu.sem_alloc : memref<!tpu.dma_semaphore, #tpu.memory_space<semaphore_mem>>
          %dma_start3A = arith.constant 0 : i32
          %dma_start3A_3700 = tpu.memref_slice %arg5[%run_scoped3A_3671, %dma_start3A] : memref<16x128xf32, #tpu.memory_space<vmem>> -> memref<1x128xf32, #tpu.memory_space<vmem>>
          %dma_start3A_3701 = tpu.memref_squeeze %dma_start3A_3700 : memref<1x128xf32, #tpu.memory_space<vmem>> -> memref<128xf32, #tpu.memory_space<vmem>>
          %dma_start3A_3702 = arith.constant 0 : i32
          %dma_start3A_3703 = tpu.memref_slice %arg7[%run_scoped3A_3672, %dma_start3A_3702] : memref<16x128xi32, #tpu.memory_space<vmem>> -> memref<1x128xi32, #tpu.memory_space<vmem>>
          %dma_start3A_3704 = tpu.memref_squeeze %dma_start3A_3703 : memref<1x128xi32, #tpu.memory_space<vmem>> -> memref<128xi32, #tpu.memory_space<vmem>>
          %dma_start3A_3705 = arith.constant 0 : i32
          %dma_start3A_3706 = tpu.memref_slice %arg9[%dma_start3A_3705] : memref<1835008xf32, #tpu.memory_space<vmem_shared>> -> memref<1835008xf32, #tpu.memory_space<vmem_shared>>
          tpu.enqueue_indirect_dma source(%dma_start3A_3701 : memref<128xf32, #tpu.memory_space<vmem>>) target(%dma_start3A_3706 : memref<1835008xf32, #tpu.memory_space<vmem_shared>>) offsets(%dma_start3A_3704 : memref<128xi32, #tpu.memory_space<vmem>>) semaphore(%run_scoped3A_3699 : memref<!tpu.dma_semaphore, #tpu.memory_space<semaphore_mem>>) {add = true}
          %dma_wait3A = arith.constant 0 : i32
          %dma_wait3A_3707 = tpu.memref_slice %arg5[%run_scoped3A_3671, %dma_wait3A] : memref<16x128xf32, #tpu.memory_space<vmem>> -> memref<1x128xf32, #tpu.memory_space<vmem>>
          %dma_wait3A_3708 = tpu.memref_squeeze %dma_wait3A_3707 : memref<1x128xf32, #tpu.memory_space<vmem>> -> memref<128xf32, #tpu.memory_space<vmem>>
          %dma_wait3A_3709 = arith.constant 0 : i32
          %dma_wait3A_3710 = tpu.memref_slice %arg7[%run_scoped3A_3672, %dma_wait3A_3709] : memref<16x128xi32, #tpu.memory_space<vmem>> -> memref<1x128xi32, #tpu.memory_space<vmem>>
          %dma_wait3A_3711 = tpu.memref_squeeze %dma_wait3A_3710 : memref<1x128xi32, #tpu.memory_space<vmem>> -> memref<128xi32, #tpu.memory_space<vmem>>
          %dma_wait3A_3712 = arith.constant 0 : i32
          %dma_wait3A_3713 = tpu.memref_slice %arg9[%dma_wait3A_3712] : memref<1835008xf32, #tpu.memory_space<vmem_shared>> -> memref<1835008xf32, #tpu.memory_space<vmem_shared>>
          tpu.wait_indirect_dma semaphore(%run_scoped3A_3699 : memref<!tpu.dma_semaphore, #tpu.memory_space<semaphore_mem>>) src(%dma_wait3A_3708 : memref<128xf32, #tpu.memory_space<vmem>>) dst(%dma_wait3A_3713 : memref<1835008xf32, #tpu.memory_space<vmem_shared>>)
          tpu.yield
        }) : () -> ()
        %run_scoped3A_3673 = arith.constant 3 : i32
        %run_scoped3A_3674 = arith.constant 3 : i32
        "tpu.region"() ({
          %run_scoped3A_3699 = tpu.sem_alloc : memref<!tpu.dma_semaphore, #tpu.memory_space<semaphore_mem>>
          %dma_start3A = arith.constant 0 : i32
          %dma_start3A_3700 = tpu.memref_slice %arg5[%run_scoped3A_3673, %dma_start3A] : memref<16x128xf32, #tpu.memory_space<vmem>> -> memref<1x128xf32, #tpu.memory_space<vmem>>
          %dma_start3A_3701 = tpu.memref_squeeze %dma_start3A_3700 : memref<1x128xf32, #tpu.memory_space<vmem>> -> memref<128xf32, #tpu.memory_space<vmem>>
          %dma_start3A_3702 = arith.constant 0 : i32
          %dma_start3A_3703 = tpu.memref_slice %arg7[%run_scoped3A_3674, %dma_start3A_3702] : memref<16x128xi32, #tpu.memory_space<vmem>> -> memref<1x128xi32, #tpu.memory_space<vmem>>
          %dma_start3A_3704 = tpu.memref_squeeze %dma_start3A_3703 : memref<1x128xi32, #tpu.memory_space<vmem>> -> memref<128xi32, #tpu.memory_space<vmem>>
          %dma_start3A_3705 = arith.constant 0 : i32
          %dma_start3A_3706 = tpu.memref_slice %arg9[%dma_start3A_3705] : memref<1835008xf32, #tpu.memory_space<vmem_shared>> -> memref<1835008xf32, #tpu.memory_space<vmem_shared>>
          tpu.enqueue_indirect_dma source(%dma_start3A_3701 : memref<128xf32, #tpu.memory_space<vmem>>) target(%dma_start3A_3706 : memref<1835008xf32, #tpu.memory_space<vmem_shared>>) offsets(%dma_start3A_3704 : memref<128xi32, #tpu.memory_space<vmem>>) semaphore(%run_scoped3A_3699 : memref<!tpu.dma_semaphore, #tpu.memory_space<semaphore_mem>>) {add = true}
          %dma_wait3A = arith.constant 0 : i32
          %dma_wait3A_3707 = tpu.memref_slice %arg5[%run_scoped3A_3673, %dma_wait3A] : memref<16x128xf32, #tpu.memory_space<vmem>> -> memref<1x128xf32, #tpu.memory_space<vmem>>
          %dma_wait3A_3708 = tpu.memref_squeeze %dma_wait3A_3707 : memref<1x128xf32, #tpu.memory_space<vmem>> -> memref<128xf32, #tpu.memory_space<vmem>>
          %dma_wait3A_3709 = arith.constant 0 : i32
          %dma_wait3A_3710 = tpu.memref_slice %arg7[%run_scoped3A_3674, %dma_wait3A_3709] : memref<16x128xi32, #tpu.memory_space<vmem>> -> memref<1x128xi32, #tpu.memory_space<vmem>>
          %dma_wait3A_3711 = tpu.memref_squeeze %dma_wait3A_3710 : memref<1x128xi32, #tpu.memory_space<vmem>> -> memref<128xi32, #tpu.memory_space<vmem>>
          %dma_wait3A_3712 = arith.constant 0 : i32
          %dma_wait3A_3713 = tpu.memref_slice %arg9[%dma_wait3A_3712] : memref<1835008xf32, #tpu.memory_space<vmem_shared>> -> memref<1835008xf32, #tpu.memory_space<vmem_shared>>
          tpu.wait_indirect_dma semaphore(%run_scoped3A_3699 : memref<!tpu.dma_semaphore, #tpu.memory_space<semaphore_mem>>) src(%dma_wait3A_3708 : memref<128xf32, #tpu.memory_space<vmem>>) dst(%dma_wait3A_3713 : memref<1835008xf32, #tpu.memory_space<vmem_shared>>)
          tpu.yield
        }) : () -> ()
        %run_scoped3A_3675 = arith.constant 4 : i32
        %run_scoped3A_3676 = arith.constant 4 : i32
        "tpu.region"() ({
          %run_scoped3A_3699 = tpu.sem_alloc : memref<!tpu.dma_semaphore, #tpu.memory_space<semaphore_mem>>
          %dma_start3A = arith.constant 0 : i32
          %dma_start3A_3700 = tpu.memref_slice %arg5[%run_scoped3A_3675, %dma_start3A] : memref<16x128xf32, #tpu.memory_space<vmem>> -> memref<1x128xf32, #tpu.memory_space<vmem>>
          %dma_start3A_3701 = tpu.memref_squeeze %dma_start3A_3700 : memref<1x128xf32, #tpu.memory_space<vmem>> -> memref<128xf32, #tpu.memory_space<vmem>>
          %dma_start3A_3702 = arith.constant 0 : i32
          %dma_start3A_3703 = tpu.memref_slice %arg7[%run_scoped3A_3676, %dma_start3A_3702] : memref<16x128xi32, #tpu.memory_space<vmem>> -> memref<1x128xi32, #tpu.memory_space<vmem>>
          %dma_start3A_3704 = tpu.memref_squeeze %dma_start3A_3703 : memref<1x128xi32, #tpu.memory_space<vmem>> -> memref<128xi32, #tpu.memory_space<vmem>>
          %dma_start3A_3705 = arith.constant 0 : i32
          %dma_start3A_3706 = tpu.memref_slice %arg9[%dma_start3A_3705] : memref<1835008xf32, #tpu.memory_space<vmem_shared>> -> memref<1835008xf32, #tpu.memory_space<vmem_shared>>
          tpu.enqueue_indirect_dma source(%dma_start3A_3701 : memref<128xf32, #tpu.memory_space<vmem>>) target(%dma_start3A_3706 : memref<1835008xf32, #tpu.memory_space<vmem_shared>>) offsets(%dma_start3A_3704 : memref<128xi32, #tpu.memory_space<vmem>>) semaphore(%run_scoped3A_3699 : memref<!tpu.dma_semaphore, #tpu.memory_space<semaphore_mem>>) {add = true}
          %dma_wait3A = arith.constant 0 : i32
          %dma_wait3A_3707 = tpu.memref_slice %arg5[%run_scoped3A_3675, %dma_wait3A] : memref<16x128xf32, #tpu.memory_space<vmem>> -> memref<1x128xf32, #tpu.memory_space<vmem>>
          %dma_wait3A_3708 = tpu.memref_squeeze %dma_wait3A_3707 : memref<1x128xf32, #tpu.memory_space<vmem>> -> memref<128xf32, #tpu.memory_space<vmem>>
          %dma_wait3A_3709 = arith.constant 0 : i32
          %dma_wait3A_3710 = tpu.memref_slice %arg7[%run_scoped3A_3676, %dma_wait3A_3709] : memref<16x128xi32, #tpu.memory_space<vmem>> -> memref<1x128xi32, #tpu.memory_space<vmem>>
          %dma_wait3A_3711 = tpu.memref_squeeze %dma_wait3A_3710 : memref<1x128xi32, #tpu.memory_space<vmem>> -> memref<128xi32, #tpu.memory_space<vmem>>
          %dma_wait3A_3712 = arith.constant 0 : i32
          %dma_wait3A_3713 = tpu.memref_slice %arg9[%dma_wait3A_3712] : memref<1835008xf32, #tpu.memory_space<vmem_shared>> -> memref<1835008xf32, #tpu.memory_space<vmem_shared>>
          tpu.wait_indirect_dma semaphore(%run_scoped3A_3699 : memref<!tpu.dma_semaphore, #tpu.memory_space<semaphore_mem>>) src(%dma_wait3A_3708 : memref<128xf32, #tpu.memory_space<vmem>>) dst(%dma_wait3A_3713 : memref<1835008xf32, #tpu.memory_space<vmem_shared>>)
          tpu.yield
        }) : () -> ()
        %run_scoped3A_3677 = arith.constant 5 : i32
        %run_scoped3A_3678 = arith.constant 5 : i32
        "tpu.region"() ({
          %run_scoped3A_3699 = tpu.sem_alloc : memref<!tpu.dma_semaphore, #tpu.memory_space<semaphore_mem>>
          %dma_start3A = arith.constant 0 : i32
          %dma_start3A_3700 = tpu.memref_slice %arg5[%run_scoped3A_3677, %dma_start3A] : memref<16x128xf32, #tpu.memory_space<vmem>> -> memref<1x128xf32, #tpu.memory_space<vmem>>
          %dma_start3A_3701 = tpu.memref_squeeze %dma_start3A_3700 : memref<1x128xf32, #tpu.memory_space<vmem>> -> memref<128xf32, #tpu.memory_space<vmem>>
          %dma_start3A_3702 = arith.constant 0 : i32
          %dma_start3A_3703 = tpu.memref_slice %arg7[%run_scoped3A_3678, %dma_start3A_3702] : memref<16x128xi32, #tpu.memory_space<vmem>> -> memref<1x128xi32, #tpu.memory_space<vmem>>
          %dma_start3A_3704 = tpu.memref_squeeze %dma_start3A_3703 : memref<1x128xi32, #tpu.memory_space<vmem>> -> memref<128xi32, #tpu.memory_space<vmem>>
          %dma_start3A_3705 = arith.constant 0 : i32
          %dma_start3A_3706 = tpu.memref_slice %arg9[%dma_start3A_3705] : memref<1835008xf32, #tpu.memory_space<vmem_shared>> -> memref<1835008xf32, #tpu.memory_space<vmem_shared>>
          tpu.enqueue_indirect_dma source(%dma_start3A_3701 : memref<128xf32, #tpu.memory_space<vmem>>) target(%dma_start3A_3706 : memref<1835008xf32, #tpu.memory_space<vmem_shared>>) offsets(%dma_start3A_3704 : memref<128xi32, #tpu.memory_space<vmem>>) semaphore(%run_scoped3A_3699 : memref<!tpu.dma_semaphore, #tpu.memory_space<semaphore_mem>>) {add = true}
          %dma_wait3A = arith.constant 0 : i32
          %dma_wait3A_3707 = tpu.memref_slice %arg5[%run_scoped3A_3677, %dma_wait3A] : memref<16x128xf32, #tpu.memory_space<vmem>> -> memref<1x128xf32, #tpu.memory_space<vmem>>
          %dma_wait3A_3708 = tpu.memref_squeeze %dma_wait3A_3707 : memref<1x128xf32, #tpu.memory_space<vmem>> -> memref<128xf32, #tpu.memory_space<vmem>>
          %dma_wait3A_3709 = arith.constant 0 : i32
          %dma_wait3A_3710 = tpu.memref_slice %arg7[%run_scoped3A_3678, %dma_wait3A_3709] : memref<16x128xi32, #tpu.memory_space<vmem>> -> memref<1x128xi32, #tpu.memory_space<vmem>>
          %dma_wait3A_3711 = tpu.memref_squeeze %dma_wait3A_3710 : memref<1x128xi32, #tpu.memory_space<vmem>> -> memref<128xi32, #tpu.memory_space<vmem>>
          %dma_wait3A_3712 = arith.constant 0 : i32
          %dma_wait3A_3713 = tpu.memref_slice %arg9[%dma_wait3A_3712] : memref<1835008xf32, #tpu.memory_space<vmem_shared>> -> memref<1835008xf32, #tpu.memory_space<vmem_shared>>
          tpu.wait_indirect_dma semaphore(%run_scoped3A_3699 : memref<!tpu.dma_semaphore, #tpu.memory_space<semaphore_mem>>) src(%dma_wait3A_3708 : memref<128xf32, #tpu.memory_space<vmem>>) dst(%dma_wait3A_3713 : memref<1835008xf32, #tpu.memory_space<vmem_shared>>)
          tpu.yield
        }) : () -> ()
        %run_scoped3A_3679 = arith.constant 6 : i32
        %run_scoped3A_3680 = arith.constant 6 : i32
        "tpu.region"() ({
          %run_scoped3A_3699 = tpu.sem_alloc : memref<!tpu.dma_semaphore, #tpu.memory_space<semaphore_mem>>
          %dma_start3A = arith.constant 0 : i32
          %dma_start3A_3700 = tpu.memref_slice %arg5[%run_scoped3A_3679, %dma_start3A] : memref<16x128xf32, #tpu.memory_space<vmem>> -> memref<1x128xf32, #tpu.memory_space<vmem>>
          %dma_start3A_3701 = tpu.memref_squeeze %dma_start3A_3700 : memref<1x128xf32, #tpu.memory_space<vmem>> -> memref<128xf32, #tpu.memory_space<vmem>>
          %dma_start3A_3702 = arith.constant 0 : i32
          %dma_start3A_3703 = tpu.memref_slice %arg7[%run_scoped3A_3680, %dma_start3A_3702] : memref<16x128xi32, #tpu.memory_space<vmem>> -> memref<1x128xi32, #tpu.memory_space<vmem>>
          %dma_start3A_3704 = tpu.memref_squeeze %dma_start3A_3703 : memref<1x128xi32, #tpu.memory_space<vmem>> -> memref<128xi32, #tpu.memory_space<vmem>>
          %dma_start3A_3705 = arith.constant 0 : i32
          %dma_start3A_3706 = tpu.memref_slice %arg9[%dma_start3A_3705] : memref<1835008xf32, #tpu.memory_space<vmem_shared>> -> memref<1835008xf32, #tpu.memory_space<vmem_shared>>
          tpu.enqueue_indirect_dma source(%dma_start3A_3701 : memref<128xf32, #tpu.memory_space<vmem>>) target(%dma_start3A_3706 : memref<1835008xf32, #tpu.memory_space<vmem_shared>>) offsets(%dma_start3A_3704 : memref<128xi32, #tpu.memory_space<vmem>>) semaphore(%run_scoped3A_3699 : memref<!tpu.dma_semaphore, #tpu.memory_space<semaphore_mem>>) {add = true}
          %dma_wait3A = arith.constant 0 : i32
          %dma_wait3A_3707 = tpu.memref_slice %arg5[%run_scoped3A_3679, %dma_wait3A] : memref<16x128xf32, #tpu.memory_space<vmem>> -> memref<1x128xf32, #tpu.memory_space<vmem>>
          %dma_wait3A_3708 = tpu.memref_squeeze %dma_wait3A_3707 : memref<1x128xf32, #tpu.memory_space<vmem>> -> memref<128xf32, #tpu.memory_space<vmem>>
          %dma_wait3A_3709 = arith.constant 0 : i32
          %dma_wait3A_3710 = tpu.memref_slice %arg7[%run_scoped3A_3680, %dma_wait3A_3709] : memref<16x128xi32, #tpu.memory_space<vmem>> -> memref<1x128xi32, #tpu.memory_space<vmem>>
          %dma_wait3A_3711 = tpu.memref_squeeze %dma_wait3A_3710 : memref<1x128xi32, #tpu.memory_space<vmem>> -> memref<128xi32, #tpu.memory_space<vmem>>
          %dma_wait3A_3712 = arith.constant 0 : i32
          %dma_wait3A_3713 = tpu.memref_slice %arg9[%dma_wait3A_3712] : memref<1835008xf32, #tpu.memory_space<vmem_shared>> -> memref<1835008xf32, #tpu.memory_space<vmem_shared>>
          tpu.wait_indirect_dma semaphore(%run_scoped3A_3699 : memref<!tpu.dma_semaphore, #tpu.memory_space<semaphore_mem>>) src(%dma_wait3A_3708 : memref<128xf32, #tpu.memory_space<vmem>>) dst(%dma_wait3A_3713 : memref<1835008xf32, #tpu.memory_space<vmem_shared>>)
          tpu.yield
        }) : () -> ()
        %run_scoped3A_3681 = arith.constant 7 : i32
        %run_scoped3A_3682 = arith.constant 7 : i32
        "tpu.region"() ({
          %run_scoped3A_3699 = tpu.sem_alloc : memref<!tpu.dma_semaphore, #tpu.memory_space<semaphore_mem>>
          %dma_start3A = arith.constant 0 : i32
          %dma_start3A_3700 = tpu.memref_slice %arg5[%run_scoped3A_3681, %dma_start3A] : memref<16x128xf32, #tpu.memory_space<vmem>> -> memref<1x128xf32, #tpu.memory_space<vmem>>
          %dma_start3A_3701 = tpu.memref_squeeze %dma_start3A_3700 : memref<1x128xf32, #tpu.memory_space<vmem>> -> memref<128xf32, #tpu.memory_space<vmem>>
          %dma_start3A_3702 = arith.constant 0 : i32
          %dma_start3A_3703 = tpu.memref_slice %arg7[%run_scoped3A_3682, %dma_start3A_3702] : memref<16x128xi32, #tpu.memory_space<vmem>> -> memref<1x128xi32, #tpu.memory_space<vmem>>
          %dma_start3A_3704 = tpu.memref_squeeze %dma_start3A_3703 : memref<1x128xi32, #tpu.memory_space<vmem>> -> memref<128xi32, #tpu.memory_space<vmem>>
          %dma_start3A_3705 = arith.constant 0 : i32
          %dma_start3A_3706 = tpu.memref_slice %arg9[%dma_start3A_3705] : memref<1835008xf32, #tpu.memory_space<vmem_shared>> -> memref<1835008xf32, #tpu.memory_space<vmem_shared>>
          tpu.enqueue_indirect_dma source(%dma_start3A_3701 : memref<128xf32, #tpu.memory_space<vmem>>) target(%dma_start3A_3706 : memref<1835008xf32, #tpu.memory_space<vmem_shared>>) offsets(%dma_start3A_3704 : memref<128xi32, #tpu.memory_space<vmem>>) semaphore(%run_scoped3A_3699 : memref<!tpu.dma_semaphore, #tpu.memory_space<semaphore_mem>>) {add = true}
          %dma_wait3A = arith.constant 0 : i32
          %dma_wait3A_3707 = tpu.memref_slice %arg5[%run_scoped3A_3681, %dma_wait3A] : memref<16x128xf32, #tpu.memory_space<vmem>> -> memref<1x128xf32, #tpu.memory_space<vmem>>
          %dma_wait3A_3708 = tpu.memref_squeeze %dma_wait3A_3707 : memref<1x128xf32, #tpu.memory_space<vmem>> -> memref<128xf32, #tpu.memory_space<vmem>>
          %dma_wait3A_3709 = arith.constant 0 : i32
          %dma_wait3A_3710 = tpu.memref_slice %arg7[%run_scoped3A_3682, %dma_wait3A_3709] : memref<16x128xi32, #tpu.memory_space<vmem>> -> memref<1x128xi32, #tpu.memory_space<vmem>>
          %dma_wait3A_3711 = tpu.memref_squeeze %dma_wait3A_3710 : memref<1x128xi32, #tpu.memory_space<vmem>> -> memref<128xi32, #tpu.memory_space<vmem>>
          %dma_wait3A_3712 = arith.constant 0 : i32
          %dma_wait3A_3713 = tpu.memref_slice %arg9[%dma_wait3A_3712] : memref<1835008xf32, #tpu.memory_space<vmem_shared>> -> memref<1835008xf32, #tpu.memory_space<vmem_shared>>
          tpu.wait_indirect_dma semaphore(%run_scoped3A_3699 : memref<!tpu.dma_semaphore, #tpu.memory_space<semaphore_mem>>) src(%dma_wait3A_3708 : memref<128xf32, #tpu.memory_space<vmem>>) dst(%dma_wait3A_3713 : memref<1835008xf32, #tpu.memory_space<vmem_shared>>)
          tpu.yield
        }) : () -> ()
        %run_scoped3A_3683 = arith.constant 8 : i32
        %run_scoped3A_3684 = arith.constant 8 : i32
        "tpu.region"() ({
          %run_scoped3A_3699 = tpu.sem_alloc : memref<!tpu.dma_semaphore, #tpu.memory_space<semaphore_mem>>
          %dma_start3A = arith.constant 0 : i32
          %dma_start3A_3700 = tpu.memref_slice %arg5[%run_scoped3A_3683, %dma_start3A] : memref<16x128xf32, #tpu.memory_space<vmem>> -> memref<1x128xf32, #tpu.memory_space<vmem>>
          %dma_start3A_3701 = tpu.memref_squeeze %dma_start3A_3700 : memref<1x128xf32, #tpu.memory_space<vmem>> -> memref<128xf32, #tpu.memory_space<vmem>>
          %dma_start3A_3702 = arith.constant 0 : i32
          %dma_start3A_3703 = tpu.memref_slice %arg7[%run_scoped3A_3684, %dma_start3A_3702] : memref<16x128xi32, #tpu.memory_space<vmem>> -> memref<1x128xi32, #tpu.memory_space<vmem>>
          %dma_start3A_3704 = tpu.memref_squeeze %dma_start3A_3703 : memref<1x128xi32, #tpu.memory_space<vmem>> -> memref<128xi32, #tpu.memory_space<vmem>>
          %dma_start3A_3705 = arith.constant 0 : i32
          %dma_start3A_3706 = tpu.memref_slice %arg9[%dma_start3A_3705] : memref<1835008xf32, #tpu.memory_space<vmem_shared>> -> memref<1835008xf32, #tpu.memory_space<vmem_shared>>
          tpu.enqueue_indirect_dma source(%dma_start3A_3701 : memref<128xf32, #tpu.memory_space<vmem>>) target(%dma_start3A_3706 : memref<1835008xf32, #tpu.memory_space<vmem_shared>>) offsets(%dma_start3A_3704 : memref<128xi32, #tpu.memory_space<vmem>>) semaphore(%run_scoped3A_3699 : memref<!tpu.dma_semaphore, #tpu.memory_space<semaphore_mem>>) {add = true}
          %dma_wait3A = arith.constant 0 : i32
          %dma_wait3A_3707 = tpu.memref_slice %arg5[%run_scoped3A_3683, %dma_wait3A] : memref<16x128xf32, #tpu.memory_space<vmem>> -> memref<1x128xf32, #tpu.memory_space<vmem>>
          %dma_wait3A_3708 = tpu.memref_squeeze %dma_wait3A_3707 : memref<1x128xf32, #tpu.memory_space<vmem>> -> memref<128xf32, #tpu.memory_space<vmem>>
          %dma_wait3A_3709 = arith.constant 0 : i32
          %dma_wait3A_3710 = tpu.memref_slice %arg7[%run_scoped3A_3684, %dma_wait3A_3709] : memref<16x128xi32, #tpu.memory_space<vmem>> -> memref<1x128xi32, #tpu.memory_space<vmem>>
          %dma_wait3A_3711 = tpu.memref_squeeze %dma_wait3A_3710 : memref<1x128xi32, #tpu.memory_space<vmem>> -> memref<128xi32, #tpu.memory_space<vmem>>
          %dma_wait3A_3712 = arith.constant 0 : i32
          %dma_wait3A_3713 = tpu.memref_slice %arg9[%dma_wait3A_3712] : memref<1835008xf32, #tpu.memory_space<vmem_shared>> -> memref<1835008xf32, #tpu.memory_space<vmem_shared>>
          tpu.wait_indirect_dma semaphore(%run_scoped3A_3699 : memref<!tpu.dma_semaphore, #tpu.memory_space<semaphore_mem>>) src(%dma_wait3A_3708 : memref<128xf32, #tpu.memory_space<vmem>>) dst(%dma_wait3A_3713 : memref<1835008xf32, #tpu.memory_space<vmem_shared>>)
          tpu.yield
        }) : () -> ()
        %run_scoped3A_3685 = arith.constant 9 : i32
        %run_scoped3A_3686 = arith.constant 9 : i32
        "tpu.region"() ({
          %run_scoped3A_3699 = tpu.sem_alloc : memref<!tpu.dma_semaphore, #tpu.memory_space<semaphore_mem>>
          %dma_start3A = arith.constant 0 : i32
          %dma_start3A_3700 = tpu.memref_slice %arg5[%run_scoped3A_3685, %dma_start3A] : memref<16x128xf32, #tpu.memory_space<vmem>> -> memref<1x128xf32, #tpu.memory_space<vmem>>
          %dma_start3A_3701 = tpu.memref_squeeze %dma_start3A_3700 : memref<1x128xf32, #tpu.memory_space<vmem>> -> memref<128xf32, #tpu.memory_space<vmem>>
          %dma_start3A_3702 = arith.constant 0 : i32
          %dma_start3A_3703 = tpu.memref_slice %arg7[%run_scoped3A_3686, %dma_start3A_3702] : memref<16x128xi32, #tpu.memory_space<vmem>> -> memref<1x128xi32, #tpu.memory_space<vmem>>
          %dma_start3A_3704 = tpu.memref_squeeze %dma_start3A_3703 : memref<1x128xi32, #tpu.memory_space<vmem>> -> memref<128xi32, #tpu.memory_space<vmem>>
          %dma_start3A_3705 = arith.constant 0 : i32
          %dma_start3A_3706 = tpu.memref_slice %arg9[%dma_start3A_3705] : memref<1835008xf32, #tpu.memory_space<vmem_shared>> -> memref<1835008xf32, #tpu.memory_space<vmem_shared>>
          tpu.enqueue_indirect_dma source(%dma_start3A_3701 : memref<128xf32, #tpu.memory_space<vmem>>) target(%dma_start3A_3706 : memref<1835008xf32, #tpu.memory_space<vmem_shared>>) offsets(%dma_start3A_3704 : memref<128xi32, #tpu.memory_space<vmem>>) semaphore(%run_scoped3A_3699 : memref<!tpu.dma_semaphore, #tpu.memory_space<semaphore_mem>>) {add = true}
          %dma_wait3A = arith.constant 0 : i32
          %dma_wait3A_3707 = tpu.memref_slice %arg5[%run_scoped3A_3685, %dma_wait3A] : memref<16x128xf32, #tpu.memory_space<vmem>> -> memref<1x128xf32, #tpu.memory_space<vmem>>
          %dma_wait3A_3708 = tpu.memref_squeeze %dma_wait3A_3707 : memref<1x128xf32, #tpu.memory_space<vmem>> -> memref<128xf32, #tpu.memory_space<vmem>>
          %dma_wait3A_3709 = arith.constant 0 : i32
          %dma_wait3A_3710 = tpu.memref_slice %arg7[%run_scoped3A_3686, %dma_wait3A_3709] : memref<16x128xi32, #tpu.memory_space<vmem>> -> memref<1x128xi32, #tpu.memory_space<vmem>>
          %dma_wait3A_3711 = tpu.memref_squeeze %dma_wait3A_3710 : memref<1x128xi32, #tpu.memory_space<vmem>> -> memref<128xi32, #tpu.memory_space<vmem>>
          %dma_wait3A_3712 = arith.constant 0 : i32
          %dma_wait3A_3713 = tpu.memref_slice %arg9[%dma_wait3A_3712] : memref<1835008xf32, #tpu.memory_space<vmem_shared>> -> memref<1835008xf32, #tpu.memory_space<vmem_shared>>
          tpu.wait_indirect_dma semaphore(%run_scoped3A_3699 : memref<!tpu.dma_semaphore, #tpu.memory_space<semaphore_mem>>) src(%dma_wait3A_3708 : memref<128xf32, #tpu.memory_space<vmem>>) dst(%dma_wait3A_3713 : memref<1835008xf32, #tpu.memory_space<vmem_shared>>)
          tpu.yield
        }) : () -> ()
        %run_scoped3A_3687 = arith.constant 10 : i32
        %run_scoped3A_3688 = arith.constant 10 : i32
        "tpu.region"() ({
          %run_scoped3A_3699 = tpu.sem_alloc : memref<!tpu.dma_semaphore, #tpu.memory_space<semaphore_mem>>
          %dma_start3A = arith.constant 0 : i32
          %dma_start3A_3700 = tpu.memref_slice %arg5[%run_scoped3A_3687, %dma_start3A] : memref<16x128xf32, #tpu.memory_space<vmem>> -> memref<1x128xf32, #tpu.memory_space<vmem>>
          %dma_start3A_3701 = tpu.memref_squeeze %dma_start3A_3700 : memref<1x128xf32, #tpu.memory_space<vmem>> -> memref<128xf32, #tpu.memory_space<vmem>>
          %dma_start3A_3702 = arith.constant 0 : i32
          %dma_start3A_3703 = tpu.memref_slice %arg7[%run_scoped3A_3688, %dma_start3A_3702] : memref<16x128xi32, #tpu.memory_space<vmem>> -> memref<1x128xi32, #tpu.memory_space<vmem>>
          %dma_start3A_3704 = tpu.memref_squeeze %dma_start3A_3703 : memref<1x128xi32, #tpu.memory_space<vmem>> -> memref<128xi32, #tpu.memory_space<vmem>>
          %dma_start3A_3705 = arith.constant 0 : i32
          %dma_start3A_3706 = tpu.memref_slice %arg9[%dma_start3A_3705] : memref<1835008xf32, #tpu.memory_space<vmem_shared>> -> memref<1835008xf32, #tpu.memory_space<vmem_shared>>
          tpu.enqueue_indirect_dma source(%dma_start3A_3701 : memref<128xf32, #tpu.memory_space<vmem>>) target(%dma_start3A_3706 : memref<1835008xf32, #tpu.memory_space<vmem_shared>>) offsets(%dma_start3A_3704 : memref<128xi32, #tpu.memory_space<vmem>>) semaphore(%run_scoped3A_3699 : memref<!tpu.dma_semaphore, #tpu.memory_space<semaphore_mem>>) {add = true}
          %dma_wait3A = arith.constant 0 : i32
          %dma_wait3A_3707 = tpu.memref_slice %arg5[%run_scoped3A_3687, %dma_wait3A] : memref<16x128xf32, #tpu.memory_space<vmem>> -> memref<1x128xf32, #tpu.memory_space<vmem>>
          %dma_wait3A_3708 = tpu.memref_squeeze %dma_wait3A_3707 : memref<1x128xf32, #tpu.memory_space<vmem>> -> memref<128xf32, #tpu.memory_space<vmem>>
          %dma_wait3A_3709 = arith.constant 0 : i32
          %dma_wait3A_3710 = tpu.memref_slice %arg7[%run_scoped3A_3688, %dma_wait3A_3709] : memref<16x128xi32, #tpu.memory_space<vmem>> -> memref<1x128xi32, #tpu.memory_space<vmem>>
          %dma_wait3A_3711 = tpu.memref_squeeze %dma_wait3A_3710 : memref<1x128xi32, #tpu.memory_space<vmem>> -> memref<128xi32, #tpu.memory_space<vmem>>
          %dma_wait3A_3712 = arith.constant 0 : i32
          %dma_wait3A_3713 = tpu.memref_slice %arg9[%dma_wait3A_3712] : memref<1835008xf32, #tpu.memory_space<vmem_shared>> -> memref<1835008xf32, #tpu.memory_space<vmem_shared>>
          tpu.wait_indirect_dma semaphore(%run_scoped3A_3699 : memref<!tpu.dma_semaphore, #tpu.memory_space<semaphore_mem>>) src(%dma_wait3A_3708 : memref<128xf32, #tpu.memory_space<vmem>>) dst(%dma_wait3A_3713 : memref<1835008xf32, #tpu.memory_space<vmem_shared>>)
          tpu.yield
        }) : () -> ()
        %run_scoped3A_3689 = arith.constant 11 : i32
        %run_scoped3A_3690 = arith.constant 11 : i32
        "tpu.region"() ({
          %run_scoped3A_3699 = tpu.sem_alloc : memref<!tpu.dma_semaphore, #tpu.memory_space<semaphore_mem>>
          %dma_start3A = arith.constant 0 : i32
          %dma_start3A_3700 = tpu.memref_slice %arg5[%run_scoped3A_3689, %dma_start3A] : memref<16x128xf32, #tpu.memory_space<vmem>> -> memref<1x128xf32, #tpu.memory_space<vmem>>
          %dma_start3A_3701 = tpu.memref_squeeze %dma_start3A_3700 : memref<1x128xf32, #tpu.memory_space<vmem>> -> memref<128xf32, #tpu.memory_space<vmem>>
          %dma_start3A_3702 = arith.constant 0 : i32
          %dma_start3A_3703 = tpu.memref_slice %arg7[%run_scoped3A_3690, %dma_start3A_3702] : memref<16x128xi32, #tpu.memory_space<vmem>> -> memref<1x128xi32, #tpu.memory_space<vmem>>
          %dma_start3A_3704 = tpu.memref_squeeze %dma_start3A_3703 : memref<1x128xi32, #tpu.memory_space<vmem>> -> memref<128xi32, #tpu.memory_space<vmem>>
          %dma_start3A_3705 = arith.constant 0 : i32
          %dma_start3A_3706 = tpu.memref_slice %arg9[%dma_start3A_3705] : memref<1835008xf32, #tpu.memory_space<vmem_shared>> -> memref<1835008xf32, #tpu.memory_space<vmem_shared>>
          tpu.enqueue_indirect_dma source(%dma_start3A_3701 : memref<128xf32, #tpu.memory_space<vmem>>) target(%dma_start3A_3706 : memref<1835008xf32, #tpu.memory_space<vmem_shared>>) offsets(%dma_start3A_3704 : memref<128xi32, #tpu.memory_space<vmem>>) semaphore(%run_scoped3A_3699 : memref<!tpu.dma_semaphore, #tpu.memory_space<semaphore_mem>>) {add = true}
          %dma_wait3A = arith.constant 0 : i32
          %dma_wait3A_3707 = tpu.memref_slice %arg5[%run_scoped3A_3689, %dma_wait3A] : memref<16x128xf32, #tpu.memory_space<vmem>> -> memref<1x128xf32, #tpu.memory_space<vmem>>
          %dma_wait3A_3708 = tpu.memref_squeeze %dma_wait3A_3707 : memref<1x128xf32, #tpu.memory_space<vmem>> -> memref<128xf32, #tpu.memory_space<vmem>>
          %dma_wait3A_3709 = arith.constant 0 : i32
          %dma_wait3A_3710 = tpu.memref_slice %arg7[%run_scoped3A_3690, %dma_wait3A_3709] : memref<16x128xi32, #tpu.memory_space<vmem>> -> memref<1x128xi32, #tpu.memory_space<vmem>>
          %dma_wait3A_3711 = tpu.memref_squeeze %dma_wait3A_3710 : memref<1x128xi32, #tpu.memory_space<vmem>> -> memref<128xi32, #tpu.memory_space<vmem>>
          %dma_wait3A_3712 = arith.constant 0 : i32
          %dma_wait3A_3713 = tpu.memref_slice %arg9[%dma_wait3A_3712] : memref<1835008xf32, #tpu.memory_space<vmem_shared>> -> memref<1835008xf32, #tpu.memory_space<vmem_shared>>
          tpu.wait_indirect_dma semaphore(%run_scoped3A_3699 : memref<!tpu.dma_semaphore, #tpu.memory_space<semaphore_mem>>) src(%dma_wait3A_3708 : memref<128xf32, #tpu.memory_space<vmem>>) dst(%dma_wait3A_3713 : memref<1835008xf32, #tpu.memory_space<vmem_shared>>)
          tpu.yield
        }) : () -> ()
        %run_scoped3A_3691 = arith.constant 12 : i32
        %run_scoped3A_3692 = arith.constant 12 : i32
        "tpu.region"() ({
          %run_scoped3A_3699 = tpu.sem_alloc : memref<!tpu.dma_semaphore, #tpu.memory_space<semaphore_mem>>
          %dma_start3A = arith.constant 0 : i32
          %dma_start3A_3700 = tpu.memref_slice %arg5[%run_scoped3A_3691, %dma_start3A] : memref<16x128xf32, #tpu.memory_space<vmem>> -> memref<1x128xf32, #tpu.memory_space<vmem>>
          %dma_start3A_3701 = tpu.memref_squeeze %dma_start3A_3700 : memref<1x128xf32, #tpu.memory_space<vmem>> -> memref<128xf32, #tpu.memory_space<vmem>>
          %dma_start3A_3702 = arith.constant 0 : i32
          %dma_start3A_3703 = tpu.memref_slice %arg7[%run_scoped3A_3692, %dma_start3A_3702] : memref<16x128xi32, #tpu.memory_space<vmem>> -> memref<1x128xi32, #tpu.memory_space<vmem>>
          %dma_start3A_3704 = tpu.memref_squeeze %dma_start3A_3703 : memref<1x128xi32, #tpu.memory_space<vmem>> -> memref<128xi32, #tpu.memory_space<vmem>>
          %dma_start3A_3705 = arith.constant 0 : i32
          %dma_start3A_3706 = tpu.memref_slice %arg9[%dma_start3A_3705] : memref<1835008xf32, #tpu.memory_space<vmem_shared>> -> memref<1835008xf32, #tpu.memory_space<vmem_shared>>
          tpu.enqueue_indirect_dma source(%dma_start3A_3701 : memref<128xf32, #tpu.memory_space<vmem>>) target(%dma_start3A_3706 : memref<1835008xf32, #tpu.memory_space<vmem_shared>>) offsets(%dma_start3A_3704 : memref<128xi32, #tpu.memory_space<vmem>>) semaphore(%run_scoped3A_3699 : memref<!tpu.dma_semaphore, #tpu.memory_space<semaphore_mem>>) {add = true}
          %dma_wait3A = arith.constant 0 : i32
          %dma_wait3A_3707 = tpu.memref_slice %arg5[%run_scoped3A_3691, %dma_wait3A] : memref<16x128xf32, #tpu.memory_space<vmem>> -> memref<1x128xf32, #tpu.memory_space<vmem>>
          %dma_wait3A_3708 = tpu.memref_squeeze %dma_wait3A_3707 : memref<1x128xf32, #tpu.memory_space<vmem>> -> memref<128xf32, #tpu.memory_space<vmem>>
          %dma_wait3A_3709 = arith.constant 0 : i32
          %dma_wait3A_3710 = tpu.memref_slice %arg7[%run_scoped3A_3692, %dma_wait3A_3709] : memref<16x128xi32, #tpu.memory_space<vmem>> -> memref<1x128xi32, #tpu.memory_space<vmem>>
          %dma_wait3A_3711 = tpu.memref_squeeze %dma_wait3A_3710 : memref<1x128xi32, #tpu.memory_space<vmem>> -> memref<128xi32, #tpu.memory_space<vmem>>
          %dma_wait3A_3712 = arith.constant 0 : i32
          %dma_wait3A_3713 = tpu.memref_slice %arg9[%dma_wait3A_3712] : memref<1835008xf32, #tpu.memory_space<vmem_shared>> -> memref<1835008xf32, #tpu.memory_space<vmem_shared>>
          tpu.wait_indirect_dma semaphore(%run_scoped3A_3699 : memref<!tpu.dma_semaphore, #tpu.memory_space<semaphore_mem>>) src(%dma_wait3A_3708 : memref<128xf32, #tpu.memory_space<vmem>>) dst(%dma_wait3A_3713 : memref<1835008xf32, #tpu.memory_space<vmem_shared>>)
          tpu.yield
        }) : () -> ()
        %run_scoped3A_3693 = arith.constant 13 : i32
        %run_scoped3A_3694 = arith.constant 13 : i32
        "tpu.region"() ({
          %run_scoped3A_3699 = tpu.sem_alloc : memref<!tpu.dma_semaphore, #tpu.memory_space<semaphore_mem>>
          %dma_start3A = arith.constant 0 : i32
          %dma_start3A_3700 = tpu.memref_slice %arg5[%run_scoped3A_3693, %dma_start3A] : memref<16x128xf32, #tpu.memory_space<vmem>> -> memref<1x128xf32, #tpu.memory_space<vmem>>
          %dma_start3A_3701 = tpu.memref_squeeze %dma_start3A_3700 : memref<1x128xf32, #tpu.memory_space<vmem>> -> memref<128xf32, #tpu.memory_space<vmem>>
          %dma_start3A_3702 = arith.constant 0 : i32
          %dma_start3A_3703 = tpu.memref_slice %arg7[%run_scoped3A_3694, %dma_start3A_3702] : memref<16x128xi32, #tpu.memory_space<vmem>> -> memref<1x128xi32, #tpu.memory_space<vmem>>
          %dma_start3A_3704 = tpu.memref_squeeze %dma_start3A_3703 : memref<1x128xi32, #tpu.memory_space<vmem>> -> memref<128xi32, #tpu.memory_space<vmem>>
          %dma_start3A_3705 = arith.constant 0 : i32
          %dma_start3A_3706 = tpu.memref_slice %arg9[%dma_start3A_3705] : memref<1835008xf32, #tpu.memory_space<vmem_shared>> -> memref<1835008xf32, #tpu.memory_space<vmem_shared>>
          tpu.enqueue_indirect_dma source(%dma_start3A_3701 : memref<128xf32, #tpu.memory_space<vmem>>) target(%dma_start3A_3706 : memref<1835008xf32, #tpu.memory_space<vmem_shared>>) offsets(%dma_start3A_3704 : memref<128xi32, #tpu.memory_space<vmem>>) semaphore(%run_scoped3A_3699 : memref<!tpu.dma_semaphore, #tpu.memory_space<semaphore_mem>>) {add = true}
          %dma_wait3A = arith.constant 0 : i32
          %dma_wait3A_3707 = tpu.memref_slice %arg5[%run_scoped3A_3693, %dma_wait3A] : memref<16x128xf32, #tpu.memory_space<vmem>> -> memref<1x128xf32, #tpu.memory_space<vmem>>
          %dma_wait3A_3708 = tpu.memref_squeeze %dma_wait3A_3707 : memref<1x128xf32, #tpu.memory_space<vmem>> -> memref<128xf32, #tpu.memory_space<vmem>>
          %dma_wait3A_3709 = arith.constant 0 : i32
          %dma_wait3A_3710 = tpu.memref_slice %arg7[%run_scoped3A_3694, %dma_wait3A_3709] : memref<16x128xi32, #tpu.memory_space<vmem>> -> memref<1x128xi32, #tpu.memory_space<vmem>>
          %dma_wait3A_3711 = tpu.memref_squeeze %dma_wait3A_3710 : memref<1x128xi32, #tpu.memory_space<vmem>> -> memref<128xi32, #tpu.memory_space<vmem>>
          %dma_wait3A_3712 = arith.constant 0 : i32
          %dma_wait3A_3713 = tpu.memref_slice %arg9[%dma_wait3A_3712] : memref<1835008xf32, #tpu.memory_space<vmem_shared>> -> memref<1835008xf32, #tpu.memory_space<vmem_shared>>
          tpu.wait_indirect_dma semaphore(%run_scoped3A_3699 : memref<!tpu.dma_semaphore, #tpu.memory_space<semaphore_mem>>) src(%dma_wait3A_3708 : memref<128xf32, #tpu.memory_space<vmem>>) dst(%dma_wait3A_3713 : memref<1835008xf32, #tpu.memory_space<vmem_shared>>)
          tpu.yield
        }) : () -> ()
        %run_scoped3A_3695 = arith.constant 14 : i32
        %run_scoped3A_3696 = arith.constant 14 : i32
        "tpu.region"() ({
          %run_scoped3A_3699 = tpu.sem_alloc : memref<!tpu.dma_semaphore, #tpu.memory_space<semaphore_mem>>
          %dma_start3A = arith.constant 0 : i32
          %dma_start3A_3700 = tpu.memref_slice %arg5[%run_scoped3A_3695, %dma_start3A] : memref<16x128xf32, #tpu.memory_space<vmem>> -> memref<1x128xf32, #tpu.memory_space<vmem>>
          %dma_start3A_3701 = tpu.memref_squeeze %dma_start3A_3700 : memref<1x128xf32, #tpu.memory_space<vmem>> -> memref<128xf32, #tpu.memory_space<vmem>>
          %dma_start3A_3702 = arith.constant 0 : i32
          %dma_start3A_3703 = tpu.memref_slice %arg7[%run_scoped3A_3696, %dma_start3A_3702] : memref<16x128xi32, #tpu.memory_space<vmem>> -> memref<1x128xi32, #tpu.memory_space<vmem>>
          %dma_start3A_3704 = tpu.memref_squeeze %dma_start3A_3703 : memref<1x128xi32, #tpu.memory_space<vmem>> -> memref<128xi32, #tpu.memory_space<vmem>>
          %dma_start3A_3705 = arith.constant 0 : i32
          %dma_start3A_3706 = tpu.memref_slice %arg9[%dma_start3A_3705] : memref<1835008xf32, #tpu.memory_space<vmem_shared>> -> memref<1835008xf32, #tpu.memory_space<vmem_shared>>
          tpu.enqueue_indirect_dma source(%dma_start3A_3701 : memref<128xf32, #tpu.memory_space<vmem>>) target(%dma_start3A_3706 : memref<1835008xf32, #tpu.memory_space<vmem_shared>>) offsets(%dma_start3A_3704 : memref<128xi32, #tpu.memory_space<vmem>>) semaphore(%run_scoped3A_3699 : memref<!tpu.dma_semaphore, #tpu.memory_space<semaphore_mem>>) {add = true}
          %dma_wait3A = arith.constant 0 : i32
          %dma_wait3A_3707 = tpu.memref_slice %arg5[%run_scoped3A_3695, %dma_wait3A] : memref<16x128xf32, #tpu.memory_space<vmem>> -> memref<1x128xf32, #tpu.memory_space<vmem>>
          %dma_wait3A_3708 = tpu.memref_squeeze %dma_wait3A_3707 : memref<1x128xf32, #tpu.memory_space<vmem>> -> memref<128xf32, #tpu.memory_space<vmem>>
          %dma_wait3A_3709 = arith.constant 0 : i32
          %dma_wait3A_3710 = tpu.memref_slice %arg7[%run_scoped3A_3696, %dma_wait3A_3709] : memref<16x128xi32, #tpu.memory_space<vmem>> -> memref<1x128xi32, #tpu.memory_space<vmem>>
          %dma_wait3A_3711 = tpu.memref_squeeze %dma_wait3A_3710 : memref<1x128xi32, #tpu.memory_space<vmem>> -> memref<128xi32, #tpu.memory_space<vmem>>
          %dma_wait3A_3712 = arith.constant 0 : i32
          %dma_wait3A_3713 = tpu.memref_slice %arg9[%dma_wait3A_3712] : memref<1835008xf32, #tpu.memory_space<vmem_shared>> -> memref<1835008xf32, #tpu.memory_space<vmem_shared>>
          tpu.wait_indirect_dma semaphore(%run_scoped3A_3699 : memref<!tpu.dma_semaphore, #tpu.memory_space<semaphore_mem>>) src(%dma_wait3A_3708 : memref<128xf32, #tpu.memory_space<vmem>>) dst(%dma_wait3A_3713 : memref<1835008xf32, #tpu.memory_space<vmem_shared>>)
          tpu.yield
        }) : () -> ()
        %run_scoped3A_3697 = arith.constant 15 : i32
        %run_scoped3A_3698 = arith.constant 15 : i32
        "tpu.region"() ({
          %run_scoped3A_3699 = tpu.sem_alloc : memref<!tpu.dma_semaphore, #tpu.memory_space<semaphore_mem>>
          %dma_start3A = arith.constant 0 : i32
          %dma_start3A_3700 = tpu.memref_slice %arg5[%run_scoped3A_3697, %dma_start3A] : memref<16x128xf32, #tpu.memory_space<vmem>> -> memref<1x128xf32, #tpu.memory_space<vmem>>
          %dma_start3A_3701 = tpu.memref_squeeze %dma_start3A_3700 : memref<1x128xf32, #tpu.memory_space<vmem>> -> memref<128xf32, #tpu.memory_space<vmem>>
          %dma_start3A_3702 = arith.constant 0 : i32
          %dma_start3A_3703 = tpu.memref_slice %arg7[%run_scoped3A_3698, %dma_start3A_3702] : memref<16x128xi32, #tpu.memory_space<vmem>> -> memref<1x128xi32, #tpu.memory_space<vmem>>
          %dma_start3A_3704 = tpu.memref_squeeze %dma_start3A_3703 : memref<1x128xi32, #tpu.memory_space<vmem>> -> memref<128xi32, #tpu.memory_space<vmem>>
          %dma_start3A_3705 = arith.constant 0 : i32
          %dma_start3A_3706 = tpu.memref_slice %arg9[%dma_start3A_3705] : memref<1835008xf32, #tpu.memory_space<vmem_shared>> -> memref<1835008xf32, #tpu.memory_space<vmem_shared>>
          tpu.enqueue_indirect_dma source(%dma_start3A_3701 : memref<128xf32, #tpu.memory_space<vmem>>) target(%dma_start3A_3706 : memref<1835008xf32, #tpu.memory_space<vmem_shared>>) offsets(%dma_start3A_3704 : memref<128xi32, #tpu.memory_space<vmem>>) semaphore(%run_scoped3A_3699 : memref<!tpu.dma_semaphore, #tpu.memory_space<semaphore_mem>>) {add = true}
          %dma_wait3A = arith.constant 0 : i32
          %dma_wait3A_3707 = tpu.memref_slice %arg5[%run_scoped3A_3697, %dma_wait3A] : memref<16x128xf32, #tpu.memory_space<vmem>> -> memref<1x128xf32, #tpu.memory_space<vmem>>
          %dma_wait3A_3708 = tpu.memref_squeeze %dma_wait3A_3707 : memref<1x128xf32, #tpu.memory_space<vmem>> -> memref<128xf32, #tpu.memory_space<vmem>>
          %dma_wait3A_3709 = arith.constant 0 : i32
          %dma_wait3A_3710 = tpu.memref_slice %arg7[%run_scoped3A_3698, %dma_wait3A_3709] : memref<16x128xi32, #tpu.memory_space<vmem>> -> memref<1x128xi32, #tpu.memory_space<vmem>>
          %dma_wait3A_3711 = tpu.memref_squeeze %dma_wait3A_3710 : memref<1x128xi32, #tpu.memory_space<vmem>> -> memref<128xi32, #tpu.memory_space<vmem>>
          %dma_wait3A_3712 = arith.constant 0 : i32
          %dma_wait3A_3713 = tpu.memref_slice %arg9[%dma_wait3A_3712] : memref<1835008xf32, #tpu.memory_space<vmem_shared>> -> memref<1835008xf32, #tpu.memory_space<vmem_shared>>
          tpu.wait_indirect_dma semaphore(%run_scoped3A_3699 : memref<!tpu.dma_semaphore, #tpu.memory_space<semaphore_mem>>) src(%dma_wait3A_3708 : memref<128xf32, #tpu.memory_space<vmem>>) dst(%dma_wait3A_3713 : memref<1835008xf32, #tpu.memory_space<vmem_shared>>)
          tpu.yield
        }) : () -> ()
      }
      %scan3A_77 = arith.constant 216 : i32
      %barrier3A_78 = arith.constant 0 : index
      tpu.barrier barrier_id(%barrier3A_78)
      %mul3A_79 = arith.constant 110592 : i32
      %mul3A_80 = arith.muli %arg1, %mul3A_79 : i32
      %mul3A_81 = arith.constant 110592 : i32
      %mul3A_82 = arith.muli %arg1, %mul3A_81 : i32
      %add3A_83 = arith.addi %mul3A_15, %mul3A_82 : i32
      "tpu.region"() ({
        %run_scoped3A = tpu.sem_alloc : memref<!tpu.dma_semaphore, #tpu.memory_space<semaphore_mem>>
        %dma_start3A = tpu.memref_slice %arg4[%add3A_83] : memref<28311552xf32, #tpu.memory_space<hbm>> -> memref<110592xf32, #tpu.memory_space<hbm>>
        %dma_start3A_85 = tpu.memref_slice %arg9[%mul3A_80] : memref<1835008xf32, #tpu.memory_space<vmem_shared>> -> memref<110592xf32, #tpu.memory_space<vmem_shared>>
        tpu.enqueue_dma source(%dma_start3A_85 : memref<110592xf32, #tpu.memory_space<vmem_shared>>) target(%dma_start3A : memref<110592xf32, #tpu.memory_space<hbm>>) target_semaphore(%run_scoped3A : memref<!tpu.dma_semaphore, #tpu.memory_space<semaphore_mem>>)
        %dma_wait3A = tpu.memref_slice %arg4[%add3A_83] : memref<28311552xf32, #tpu.memory_space<hbm>> -> memref<110592xf32, #tpu.memory_space<hbm>>
        %dma_wait3A_86 = tpu.memref_slice %arg9[%mul3A_80] : memref<1835008xf32, #tpu.memory_space<vmem_shared>> -> memref<110592xf32, #tpu.memory_space<vmem_shared>>
        tpu.wait_dma2 semaphore(%run_scoped3A : memref<!tpu.dma_semaphore, #tpu.memory_space<semaphore_mem>>) src(%dma_wait3A_86 : memref<110592xf32, #tpu.memory_space<vmem_shared>>) dst(%dma_wait3A : memref<110592xf32, #tpu.memory_space<hbm>>)
        tpu.yield
      }) : () -> ()
      %barrier3A_84 = arith.constant 0 : index
      tpu.barrier barrier_id(%barrier3A_84)
    }
    %scan3A_11 = arith.constant 8 : i32
    return
  }
}

</mosaic_0001>

<sc_bundles>
// kernel: _scatter_add.3.cloned.1.call-start
scs
__scs_entry_jumppad:
0x0: {  	(pc) =	sbr.rel $0x88, $3  }
0x1: {  	(tag) =	ssettag $0x0;
	lr =	simm.s32 $0x1  }
0x2: {  	[smem:$0x3F9F] =	sst lr;
	_ =	strace $0xD0000000  }
0x3: {  	_ = 	snop  }
0x4: {  	_ = 	snop  }
0x5: {  	_ = 	snop  }
0x6: {  	_ = 	snop  }
0x7: {  	_ = 	snop  }
__scs_overlays_trampoline_lowered:
0x8: {  	[smem:$0x3FAE] =	sst s0  }
0x9: {  	[smem:$0x3FAF] =	sst s1  }
0xa: {  	[smem:$0x3FB0] =	sst s2  }
0xb: {  	[smem:$0x3FB1] =	sst s3  }
0xc: {  	[smem:$0x3FB2] =	sst s4  }
0xd: {  	[smem:$0x3FB3] =	sst s5  }
0xe: {  	[smem:$0x3FB4] =	sst s6  }
0xf: {  	[smem:$0x3FB5] =	sst s7  }
0x10: {  	[smem:$0x3FB6] =	sst s8  }
0x11: {  	[smem:$0x3FB7] =	sst s9;
	s0 =	simm.s32 @!p0 $0x0  }
0x12: {  	s1 =	sld [smem:$0x3F9D];
	s0 =	simm.s32 @p0 $0x1  }
0x13: {  	[smem:$0x3FB8] =	sst s0;
	s0 =	simm.s32 @!p1 $0x0  }
0x14: {  	s2 =	sld [smem:$0x3F9C];
	s0 =	simm.s32 @p1 $0x1  }
0x15: {  	[smem:$0x3FB9] =	sst s0;
	s0 =	simm.s32 @!p2 $0x0  }
0x16: {  	s3 =	sld [smem:$0x3FDB];
	s0 =	simm.s32 @p2 $0x1  }
0x17: {  	s4 =	simm.s32 $0x1BF5;
	[smem:$0x3FBB] =	sst s0  }
0x18: {  	s0 =	sld [smem:$0x3F9E];
	_ =	swait.ge [sflag:s4], $0x0  }
0x19: {  	s7 =	sld [smem:$0x3F9F]  }
0x1a: {  	s8 =	sadd.s32 $0xFFFFE003, lr  }
0x1b: {  	s9 =	sadd.s32 $0xFFFFFEF7, lr;
	s5 =	simm.s32 $0xFFFFFFFF;
	p2 =	slt.u32 s8, $0xFFFFF086  }
0x1c: {  	p1 =	slt.u32 s9, $0xF7A;
	s5 =	simm.s32 @!p2 $0x0  }
0x1d: {  	s5 =	simm.s32 @p1 $0x1;
	p0 =	seq.s32 s7, s2  }
0x1e: {  	s7 =	smul.u32 @!p0 $0xF7A, s2;
	p2 =	seq.s32 @!p0 s5, $0x0  }
0x1f: {  	s9 =	smul.u32 $0xF7A, s1;
	s8 =	simm.s32 @!p0 $0x1BF5;
	p2 =	por !p2, p0  }
0x20: {  	[sflag:s8] =	ssyncset.s32 @!p0 $0xFFFFF086;
	s6 =	sadd.s32 @!p0 s3, s7;
	s7 =	simm.s32 @!p0 $0x108  }
0x21: {  	s3 =	sadd.s32 s3, s9;
	s6 =	sadd.s32 @!p0 $0x88, s6;
	s7 =	simm.s32 @p2 $0x1082  }
0x22: {  	[simem:s7], [sflag:s8] =	dma.local @!p0 [hbm:s6], $0xF7A  }
0x23: {  	s9 =	sor.u32 $0xD0000000, s2;
	s6 =	simm.s32 $0x108;
	_ =	swait.ge @!p0 [sflag:s8], $0x0  }
0x24: {  	s3 =	sadd.s32 $0x88, s3;
	s6 =	simm.s32 @!p1 $0x1082;
	[sflag:s4] =	ssyncset.s32 $0xFFFFF086  }
0x25: {  	[simem:s6], [sflag:s4] =	dma.local [hbm:s3], $0xF7A  }
0x26: {  	[smem:$0x3F9F] =	sst s1;
	(tag) =	ssettag s2;
	_ =	strace s9  }
0x27: {  	s1 =	sld [smem:$0x3FAF]  }
0x28: {  	s2 =	sld [smem:$0x3FB0]  }
0x29: {  	s4 =	sld [smem:$0x3FB2]  }
0x2a: {  	p0 =	seq.s32 s5, $0x0;
	s5 =	sld [smem:$0x3FB3]  }
0x2b: {  	s6 =	sld [smem:$0x3FB4]  }
0x2c: {  	s7 =	sld [smem:$0x3FB5]  }
0x2d: {  	s3 =	simm.s32 $0x108;
	s8 =	sld [smem:$0x3FB6]  }
0x2e: {  	s3 =	simm.s32 @!p0 $0x1082;
	s9 =	sld [smem:$0x3FB7]  }
0x2f: {  	lr =	sadd.s32 s0, s3;
	s0 =	sld [smem:$0x3FAE]  }
0x30: {  	s3 =	sld [smem:$0x3FB1]  }
0x31: {  	[smem:$0x3FBA] =	sst s10  }
0x32: {  	s10 =	sld [smem:$0x3FB8];
	_ =	sdelay $0x3  }
0x33: {  	p0 =	seq.s32 s10, $0x1;
	s10 =	sld [smem:$0x3FBA];
	_ =	sdelay $0x3  }
0x34: {  	[smem:$0x3FBA] =	sst s10  }
0x35: {  	s10 =	sld [smem:$0x3FB9];
	_ =	sdelay $0x3  }
0x36: {  	p1 =	seq.s32 s10, $0x1;
	s10 =	sld [smem:$0x3FBA];
	_ =	sdelay $0x3  }
0x37: {  	[smem:$0x3FBA] =	sst s10  }
0x38: {  	s10 =	sld [smem:$0x3FBB]  }
0x39: {  	_ = 	snop;
	(pc) =	sbr.ind lr, $3  }
0x3a: {  	_ = 	snop  }
0x3b: {  	_ = 	snop  }
0x3c: {  	p2 =	seq.s32 s10, $0x1;
	s10 =	sld [smem:$0x3FBA]  }
0x3d: {  	_ =	shalt  }
0x3e: {  	_ =	shalt  }
0x3f: {  	_ =	shalt  }
0x40: {  	_ =	shalt  }
0x41: {  	_ =	shalt  }
0x42: {  	_ =	shalt  }
0x43: {  	_ =	shalt  }
0x44: {  	_ =	shalt  }
0x45: {  	_ =	shalt  }
0x46: {  	_ =	shalt  }
0x47: {  	_ =	shalt  }
0x48: {  	_ =	shalt  }
0x49: {  	_ =	shalt  }
0x4a: {  	_ =	shalt  }
0x4b: {  	_ =	shalt  }
0x4c: {  	_ =	shalt  }
0x4d: {  	_ =	shalt  }
0x4e: {  	_ =	shalt  }
0x4f: {  	_ =	shalt  }
0x50: {  	_ =	shalt  }
0x51: {  	_ =	shalt  }
0x52: {  	_ =	shalt  }
0x53: {  	_ =	shalt  }
0x54: {  	_ =	shalt  }
0x55: {  	_ =	shalt  }
0x56: {  	_ =	shalt  }
0x57: {  	_ =	shalt  }
0x58: {  	_ =	shalt  }
0x59: {  	_ =	shalt  }
0x5a: {  	_ =	shalt  }
0x5b: {  	_ =	shalt  }
0x5c: {  	_ =	shalt  }
0x5d: {  	_ =	shalt  }
0x5e: {  	_ =	shalt  }
0x5f: {  	_ =	shalt  }
0x60: {  	_ =	shalt  }
0x61: {  	_ =	shalt  }
0x62: {  	_ =	shalt  }
0x63: {  	_ =	shalt  }
0x64: {  	_ =	shalt  }
0x65: {  	_ =	shalt  }
0x66: {  	_ =	shalt  }
0x67: {  	_ =	shalt  }
0x68: {  	_ =	shalt  }
0x69: {  	_ =	shalt  }
0x6a: {  	_ =	shalt  }
0x6b: {  	_ =	shalt  }
0x6c: {  	_ =	shalt  }
0x6d: {  	_ =	shalt  }
0x6e: {  	_ =	shalt  }
0x6f: {  	_ =	shalt  }
0x70: {  	_ =	shalt  }
0x71: {  	_ =	shalt  }
0x72: {  	_ =	shalt  }
0x73: {  	_ =	shalt  }
0x74: {  	_ =	shalt  }
0x75: {  	_ =	shalt  }
0x76: {  	_ =	shalt  }
0x77: {  	_ =	shalt  }
0x78: {  	_ =	shalt  }
0x79: {  	_ =	shalt  }
0x7a: {  	_ =	shalt  }
0x7b: {  	_ =	shalt  }
0x7c: {  	_ =	shalt  }
0x7d: {  	_ =	shalt  }
0x7e: {  	_ =	shalt  }
0x7f: {  	_ =	shalt  }
0x80: {  	_ =	shalt  }
0x81: {  	_ =	shalt  }
0x82: {  	_ =	shalt  }
0x83: {  	_ =	shalt  }
0x84: {  	_ =	shalt  }
0x85: {  	_ =	shalt  }
0x86: {  	_ =	shalt  }
0x87: {  	_ =	shalt  }
.Lfunc_end0:
.L_simem_size_0:
called_computation_lowered:
.L_overlay_start_0:
0x88: {  	s2 =	sld [smem:$0x3FD9]  }
0x89: {  	s3 =	sld [smem:$0x3FFE];
	_ =	sdelay $0x1  }
0x8a: {  	s1 =	srdreg.scid  }
0x8b: {  	s0 =	sand.u32 $0x1, s1  }
0x8c: {  	s18 =	sshll.u32 s0, $0xA;
	s2 =	sadd.s32 s3, s2  }
0x8d: {  	s2 =	sadd.s32 s2, s18  }
0x8e: {  	[smem:$0x3FC6] =	sst s2  }
0x8f: {  	_ = 	snop  }
0x90: {  	s2 =	sld [smem:$0x3FC9]  }
0x91: {  	s19 =	sld [smem:$0x3FC8]  }
0x92: {  	s4 =	sld [smem:$0x3FD0];
	(tm) =	ssettm $0x1  }
0x93: {  	s5 =	sld [smem:$0x3FFB];
	_ =	sdelay $0x3  }
0x94: {  	_ =	strace s5  }
0x95: {  	s5 =	sld [smem:$0x3FFC];
	_ =	sdelay $0x3  }
0x96: {  	_ =	strace s5  }
0x97: {  	s5 =	sld [smem:$0x3FFD];
	_ =	sdelay $0x3  }
0x98: {  	_ =	strace s5  }
0x99: {  	_ =	strace $0x8FFFFFFF  }
0x9a: {  	s20 =	sld [smem:$0x3FDB];
	_ =	sdelay $0x1  }
0x9b: {  	s6 =	simm.s32 $_scs_section_size  }
0x9c: {  	s7 =	simm.s32 $_size__tile_overlayer_lowered;
	s8 =	simm.s32 $_tile_overlayer_lowered  }
0x9d: {  	s23 =	simm.s32 $0x1BFF;
	s22 =	sshll.u32 s8, $0x1;
	s5 =	sadd.s32 s6, s20  }
0x9e: {  	s9 =	simm.s32 $0x0;
	s21 =	sshll.u32 s7, $0x1;
	s7 =	sadd.s32 s22, s5  }
0x9f: {  	[timem:s9], [sflag:s23] =	dma.local [hbm:s7], s21  }
0xa0: {  	_ =	swait.ge [sflag:s23], s21  }
0xa1: {  	s6 =	ssub.s32 $0x0, s21;
	[sflag:s23] =	ssyncset.done $0x0  }
0xa2: {  	[sflag:s23] =	ssyncadd.s32 s6;
	_ =	sdelay $0x1  }
0xa3: {  	s24 =	simm.s32 $0x1B8B  }
0xa4: {  	_ =	swait.ge [sflag:s24], $0x1  }
0xa5: {  	[sflag:s24] =	ssyncset.done $0x0  }
0xa6: {  	s25 =	simm.s32 $0x1B8E;
	[sflag:s24] =	ssyncadd.s32 $0xFFFFFFFF  }
0xa7: {  	s26 =	simm.s32 $execute0_lowered;
	[smem:$0x3FD2] =	sst s25  }
0xa8: {  	s6 =	sshll.u32 s26, $0x1;
	_ =	strace $0x80000046;
	[dreg:$0x1] =	wrdreg $0xFFFFFFFF  }
0xa9: {  	s28 =	simm.s32 $_size_execute0_lowered;
	s5 =	sadd.s32 s5, s6;
	[dreg:$0x0] =	wrdreg $0x0  }
0xaa: {  	s6 =	sshll.u32 s28, $0x1;
	[dreg:$0x2] =	wrdreg s5  }
0xab: {  	[dreg:$0x3] =	wrdreg s6  }
0xac: {  	[dreg:$0x4] =	wrdreg $0xC0  }
0xad: {  	_ =	task [dreg:s9], $0x5FFFF  }
0xae: {  	[dreg:$0x1] =	wrdreg $0xFFFFFFFF  }
0xaf: {  	[dreg:$0x0] =	wrdreg $0x60  }
0xb0: {  	[dreg:$0x2] =	wrdreg s2  }
0xb1: {  	[dreg:$0x3] =	wrdreg s19  }
0xb2: {  	[dreg:$0x4] =	wrdreg s4  }
0xb3: {  	[dreg:$0x5] =	wrdreg $0x38000  }
0xb4: {  	[dreg:$0x6] =	wrdreg $0x9  }
0xb5: {  	_ =	task.clear_ibuf [dreg:s9], $0x7FFFF;
	_ =	strace $0x90000046  }
0xb6: {  	s29 =	simm.s32 $0x9;
	_ =	strace $0x80000048  }
0xb7: {  	_ =	swait.ge [sflag:s29], $0x1  }
0xb8: {  	[sflag:s29] =	ssyncadd.s32 $0xFFFFFFFF  }
0xb9: {  	_ =	strace $0x90000048  }
0xba: {  	_ =	sfence  }
0xbb: {  	s30 =	sld [smem:$0x0];
	_ =	sdelay $0x2  }
0xbc: {  	s31 =	sshll.u32 s1, $0xD;
	s1 =	sshrl.u32 s1, $0x2  }
0xbd: {  	s3 =	sand.u32 $0x4000, s31;
	s1 =	sadd.s32 s1, s30  }
0xbe: {  	s0 =	sor.u32 s3, s0;
	s1 =	sshll.u32 s1, $0x11  }
0xbf: {  	s0 =	sor.u32 s1, s0  }
0xc0: {  	s0 =	sadd.s32 $0x8F2B, s0  }
0xc1: {  	[sflag:s0] =	ssyncadd.remote.s32 $0x1  }
0xc2: {  	_ =	sfence.sel $0xFFFF  }
0xc3: {  	[dreg:$0x0] =	wrdreg $0xFFFFFFFF;
	(pc) =	sbr.abs _section_cstart, $3  }
0xc4: {  	[dreg:$0x1] =	wrdreg $0xFFFFFFFF  }
0xc5: {  	_ =	task.clear_ibuf [dreg:s9], $0x2FFFF;
	_ =	strace $0x9FFFFFFF  }
0xc6: {  	(tm) =	ssettm $0x7FFFFFFF  }
0xc7: {  	_ =	shalt  }
tec
execute0_lowered:
.L_overlay_start_1:
0x0: {  	(tag) =	ssettag $0x1  }
0x1: {  	s0 =	rddreg [dreg:$0x0]  }
0x2: {  	s1 =	rddreg [dreg:$0x1]  }
0x3: {  	s3 =	rddreg [dreg:$0x3];
	s4 =	simm.s32 $0x0  }
0x4: {  	s12 =	simm.s32 $0x800;
	[smem:$0x7FF] =	sst s4  }
0x5: {  	s14 =	simm.s32 $0x1000;
	_ =	strace $0x80000047;
	[dreg:$0x7] =	wrdreg s12  }
0x6: {  	s2 =	srdreg.scid;
	s16 =	simm.s32 $0x1080;
	[dreg:$0x8] =	wrdreg s14  }
0x7: {  	s7 =	stileid.u32;
	s18 =	simm.s32 $0x1100;
	[dreg:$0x9] =	wrdreg s16  }
0x8: {  	s21 =	simm.s32 $0x100;
	s8 =	smul.u32 $0x1B000, s7;
	[dreg:$0xa] =	wrdreg s18  }
0x9: {  	s2 =	sand.u32 $0x1, s2;
	s23 =	smul.u32 $0xD800, s7;
	[dreg:$0xb] =	wrdreg s21  }
0xa: {  	s5 =	ssub.s32 $0x2, s2;
	s2 =	sshll.u32 s2, $0x3;
	[dreg:$0xf] =	wrdreg s8  }
0xb: {  	s28 =	simm.s32 $0x280;
	[dreg:$0x11] =	wrdreg s2;
	s0 =	sadd.s32 s23, s0  }
0xc: {  	s29 =	simm.s32 $0x1300;
	s10 =	sadd.s32 s23, s1;
	[dreg:$0x5] =	wrdreg s0  }
0xd: {  	s30 =	simm.s32 $0x300;
	s23 =	simm.s32 $0x1180;
	[dreg:$0x6] =	wrdreg s10  }
0xe: {  	s31 =	simm.s32 $0x1380;
	s20 =	sadd.s32 s8, s3;
	[dreg:$0xc] =	wrdreg s23  }
0xf: {  	s21 =	simm.s32 $0x1400;
	s22 =	sadd.s32 $0x2000, s20;
	[dreg:$0x10] =	wrdreg s20  }
0x10: {  	s12 =	simm.s32 $0x600;
	s24 =	sadd.s32 $0x4000, s20;
	[dreg:$0x12] =	wrdreg s22  }
0x11: {  	s14 =	simm.s32 $0x680;
	s25 =	sadd.s32 $0x6000, s20;
	[dreg:$0x13] =	wrdreg s24  }
0x12: {  	s16 =	simm.s32 $0x700;
	s26 =	sadd.s32 $0x8000, s20;
	[dreg:$0x14] =	wrdreg s25  }
0x13: {  	s18 =	simm.s32 $0x780;
	s7 =	sadd.s32 $0xA000, s20;
	[dreg:$0x15] =	wrdreg s26  }
0x14: {  	s6 =	sshrl.u32 s5, $0x1;
	s8 =	sadd.s32 $0xC000, s20;
	[dreg:$0x16] =	wrdreg s7  }
0x15: {  	s2 =	simm.s32 $0x400;
	s9 =	sadd.s32 $0xE000, s20;
	[dreg:$0x17] =	wrdreg s8  }
0x16: {  	s1 =	simm.s32 $0x1480;
	s11 =	sadd.s32 $0x10000, s20;
	[dreg:$0x18] =	wrdreg s9  }
0x17: {  	s5 =	ssub.s32 s5, s6;
	s13 =	sadd.s32 $0x12000, s20;
	[dreg:$0x19] =	wrdreg s11  }
0x18: {  	s15 =	sadd.s32 $0x14000, s20;
	s17 =	sadd.s32 $0x16000, s20;
	[dreg:$0x1a] =	wrdreg s13  }
0x19: {  	s19 =	sadd.s32 $0x18000, s20;
	s23 =	simm.s32 $0x1;
	[dreg:$0x1b] =	wrdreg s15  }
0x1a: {  	s0 =	simm.s32 $0x380;
	s10 =	simm.s32 $0x580;
	[dreg:$0x1c] =	wrdreg s17  }
0x1b: {  	[dreg:$0x1d] =	wrdreg s19;
	s22 =	sadd.s32 $0x1A000, s20;
	s24 =	smax.u32 s5, $0x1  }
0x1c: {  	s25 =	simm.s32 $0x180;
	s26 =	simm.s32 $0x1200;
	s5 =	simm.s32 $0x480  }
0x1d: {  	s7 =	simm.s32 $0x1500;
	s8 =	simm.s32 $0x500;
	s9 =	simm.s32 $0x1580  }
0x1e: {  	s11 =	simm.s32 $0x1600;
	s13 =	simm.s32 $0x1680;
	[dreg:$0x1e] =	wrdreg s22  }
0x1f: {  	s15 =	simm.s32 $0x1700;
	s17 =	simm.s32 $0x1780;
	[dreg:$0x1f] =	wrdreg s24  }
0x20: {  	s19 =	simm.s32 $0x0;
	[dreg:$0xd] =	wrdreg s25;
	s24 =	simm.s32 $0x80  }
0x21: {  	v0 =	vimm.f32 $0.0e+00;
	[dreg:$0xe] =	wrdreg s26;
	s25 =	simm.s32 $0x200;
	s26 =	simm.s32 $0x1280  }
.LBB2_1:
0x22: {  	[smem:$0x7FD] =	sst s19;
	s6 =	simm.s32 $0x40;
	s19 =	simm.s32 $0x0  }
.LBB2_2:
0x23: {  	p0 =	sne.s32 s6, $0x7FC0;
	[tilespmem:s19+$0x1800] =	vst v0;
	s19 =	smov.u32 s6;
	s6 =	sadd.s32 $0x40, s6  }
.Ltmp0:
0x24: {  	(pc) =	sbr.rel @p0 .LBB2_2-.Ltmp0, $2  }
0x25: {  	_ =	sdelay $0x2  }
0x26: {  	s19 =	sshra.s32 s19, $0x2  }
0x27: {  	[tilespmem:s19+$0x1800] =	vst v0;
	s22 =	simm.s32 $0x0  }
.LBB2_4:
0x28: {  	s19 =	simm.s32 $0x1800  }
0x29: {  	[spmem:s20] =	stream.linear.scatter [tilespmem:s19], [sflag:$0x1], $0x2000, $0x38;
	[tilespmem:$0x1F800] =	vst v63  }
0x2a: {  	_ =	swait.ge [sflag:s23], $0x2000  }
0x2b: {  	[sflag:s23] =	ssyncset.done $0x0  }
0x2c: {  	s6 =	rddreg [dreg:$0x12];
	[sflag:s23] =	ssyncadd.s32 $0xFFFFE000  }
0x2d: {  	[spmem:s6] =	stream.linear.scatter [tilespmem:s19], [sflag:$0x1], $0x2000, $0x38;
	[tilespmem:$0x1F800] =	vst v63  }
0x2e: {  	_ =	swait.ge [sflag:s23], $0x2000  }
0x2f: {  	[sflag:s23] =	ssyncset.done $0x0  }
0x30: {  	s20 =	rddreg [dreg:$0x13];
	[sflag:s23] =	ssyncadd.s32 $0xFFFFE000  }
0x31: {  	[spmem:s20] =	stream.linear.scatter [tilespmem:s19], [sflag:$0x1], $0x2000, $0x38;
	[tilespmem:$0x1F800] =	vst v63  }
0x32: {  	_ =	swait.ge [sflag:s23], $0x2000  }
0x33: {  	[sflag:s23] =	ssyncset.done $0x0  }
0x34: {  	s20 =	rddreg [dreg:$0x14];
	[sflag:s23] =	ssyncadd.s32 $0xFFFFE000  }
0x35: {  	[spmem:s20] =	stream.linear.scatter [tilespmem:s19], [sflag:$0x1], $0x2000, $0x38;
	[tilespmem:$0x1F800] =	vst v63  }
0x36: {  	_ =	swait.ge [sflag:s23], $0x2000  }
0x37: {  	[sflag:s23] =	ssyncset.done $0x0  }
0x38: {  	s20 =	rddreg [dreg:$0x15];
	[sflag:s23] =	ssyncadd.s32 $0xFFFFE000  }
0x39: {  	[spmem:s20] =	stream.linear.scatter [tilespmem:s19], [sflag:$0x1], $0x2000, $0x38;
	[tilespmem:$0x1F800] =	vst v63  }
0x3a: {  	_ =	swait.ge [sflag:s23], $0x2000  }
0x3b: {  	[sflag:s23] =	ssyncset.done $0x0  }
0x3c: {  	s20 =	rddreg [dreg:$0x16];
	[sflag:s23] =	ssyncadd.s32 $0xFFFFE000  }
0x3d: {  	[spmem:s20] =	stream.linear.scatter [tilespmem:s19], [sflag:$0x1], $0x2000, $0x38;
	[tilespmem:$0x1F800] =	vst v63  }
0x3e: {  	_ =	swait.ge [sflag:s23], $0x2000  }
0x3f: {  	[sflag:s23] =	ssyncset.done $0x0  }
0x40: {  	s20 =	rddreg [dreg:$0x17];
	[sflag:s23] =	ssyncadd.s32 $0xFFFFE000  }
0x41: {  	[spmem:s20] =	stream.linear.scatter [tilespmem:s19], [sflag:$0x1], $0x2000, $0x38;
	[tilespmem:$0x1F800] =	vst v63  }
0x42: {  	_ =	swait.ge [sflag:s23], $0x2000  }
0x43: {  	[sflag:s23] =	ssyncset.done $0x0  }
0x44: {  	s20 =	rddreg [dreg:$0x18];
	[sflag:s23] =	ssyncadd.s32 $0xFFFFE000  }
0x45: {  	[spmem:s20] =	stream.linear.scatter [tilespmem:s19], [sflag:$0x1], $0x2000, $0x38;
	[tilespmem:$0x1F800] =	vst v63  }
0x46: {  	_ =	swait.ge [sflag:s23], $0x2000  }
0x47: {  	[sflag:s23] =	ssyncset.done $0x0  }
0x48: {  	s20 =	rddreg [dreg:$0x19];
	[sflag:s23] =	ssyncadd.s32 $0xFFFFE000  }
0x49: {  	[spmem:s20] =	stream.linear.scatter [tilespmem:s19], [sflag:$0x1], $0x2000, $0x38;
	[tilespmem:$0x1F800] =	vst v63  }
0x4a: {  	_ =	swait.ge [sflag:s23], $0x2000  }
0x4b: {  	[sflag:s23] =	ssyncset.done $0x0  }
0x4c: {  	s20 =	rddreg [dreg:$0x1a];
	[sflag:s23] =	ssyncadd.s32 $0xFFFFE000  }
0x4d: {  	[spmem:s20] =	stream.linear.scatter [tilespmem:s19], [sflag:$0x1], $0x2000, $0x38;
	[tilespmem:$0x1F800] =	vst v63  }
0x4e: {  	_ =	swait.ge [sflag:s23], $0x2000  }
0x4f: {  	[sflag:s23] =	ssyncset.done $0x0  }
0x50: {  	s20 =	rddreg [dreg:$0x1b];
	[sflag:s23] =	ssyncadd.s32 $0xFFFFE000  }
0x51: {  	[spmem:s20] =	stream.linear.scatter [tilespmem:s19], [sflag:$0x1], $0x2000, $0x38;
	[tilespmem:$0x1F800] =	vst v63  }
0x52: {  	_ =	swait.ge [sflag:s23], $0x2000  }
0x53: {  	[sflag:s23] =	ssyncset.done $0x0  }
0x54: {  	s20 =	rddreg [dreg:$0x1c];
	[sflag:s23] =	ssyncadd.s32 $0xFFFFE000  }
0x55: {  	[spmem:s20] =	stream.linear.scatter [tilespmem:s19], [sflag:$0x1], $0x2000, $0x38;
	[tilespmem:$0x1F800] =	vst v63  }
0x56: {  	_ =	swait.ge [sflag:s23], $0x2000  }
0x57: {  	[sflag:s23] =	ssyncset.done $0x0  }
0x58: {  	s20 =	rddreg [dreg:$0x1d];
	[sflag:s23] =	ssyncadd.s32 $0xFFFFE000  }
0x59: {  	[spmem:s20] =	stream.linear.scatter [tilespmem:s19], [sflag:$0x1], $0x2000, $0x38;
	[tilespmem:$0x1F800] =	vst v63  }
0x5a: {  	_ =	swait.ge [sflag:s23], $0x2000  }
0x5b: {  	[sflag:s23] =	ssyncset.done $0x0;
	s20 =	rddreg [dreg:$0x1e]  }
0x5c: {  	[smem:$0x7FC] =	sst s22;
	[sflag:s23] =	ssyncadd.s32 $0xFFFFE000  }
0x5d: {  	[spmem:s20] =	stream.linear.scatter [tilespmem:s19], [sflag:$0x1], $0x1000, $0x38;
	[tilespmem:$0x1F800] =	vst v63  }
0x5e: {  	s20 =	rddreg [dreg:$0x11]  }
0x5f: {  	s6 =	sadd.s32 s20, s22;
	_ =	swait.ge [sflag:s23], $0x1000  }
0x60: {  	s19 =	smul.u32 $0x1B0000, s6;
	[sflag:s23] =	ssyncset.done $0x0  }
0x61: {  	[sflag:s23] =	ssyncadd.s32 $0xFFFFF000  }
0x62: {  	s6 =	simm.s32 $0x0;
	[bflag:$0x0] =	sbarrier.arrive $0xFFFF;
	v1 =	vmov s19  }
.LBB2_5:
0x63: {  	s20 =	rddreg [dreg:$0x6]  }
0x64: {  	s22 =	rddreg [dreg:$0x7];
	s20 =	sadd.s32 s6, s20  }
0x65: {  	[tilespmem:s22], [sflag:$0x1] =	stream.linear.gather [hbm4b:s20+s4], $0x800, $0x38;
	[tilespmem:$0x1F800] =	vst v63  }
0x66: {  	_ =	swait.ge [sflag:s23], $0x800  }
0x67: {  	s22 =	rddreg [dreg:$0x5];
	[sflag:s23] =	ssyncset.done $0x0  }
0x68: {  	[sflag:s23] =	ssyncadd.s32 $0xFFFFF800;
	s20 =	sadd.s32 s6, s22  }
0x69: {  	[tilespmem:s4], [sflag:$0x1] =	stream.linear.gather [hbm4b:s20+s4], $0x800, $0x38;
	[tilespmem:$0x1F800] =	vst v63  }
0x6a: {  	_ =	swait.ge [sflag:s23], $0x800  }
0x6b: {  	[sflag:s23] =	ssyncset.done $0x0  }
0x6c: {  	[sflag:s23] =	ssyncadd.s32 $0xFFFFF800  }
0x6d: {  	v2 =	vld [tilespmem:$0x800]  }
0x6e: {  	v3 =	vld [tilespmem:$0x810]  }
0x6f: {  	v4 =	vld [tilespmem:$0x820]  }
0x70: {  	v6 =	vld [tilespmem:$0x830]  }
0x71: {  	v9 =	vld [tilespmem:$0x840]  }
0x72: {  	v28 =	vld [tilespmem:$0x850]  }
0x73: {  	v10 =	vld [tilespmem:$0x860]  }
0x74: {  	v12 =	vld [tilespmem:$0x870]  }
0x75: {  	v33 =	vld [tilespmem:$0x880]  }
0x76: {  	v13 =	vld [tilespmem:$0x890]  }
0x77: {  	v14 =	vld [tilespmem:$0x8A0]  }
0x78: {  	v15 =	vld [tilespmem:$0x8B0]  }
0x79: {  	v16 =	vld [tilespmem:$0x8C0];
	v5 =	vsub.s32 v2, v1  }
0x7a: {  	v17 =	vld [tilespmem:$0x8D0];
	v2 =	vand.u32 $0xFFFF, v2;
	v7 =	vsub.s32 v3, v1;
	v8 =	vand.u32 $0xFFFF, v3  }
0x7b: {  	v18 =	vld [tilespmem:$0x8E0];
	v27 =	vsub.s32 v4, v1;
	v4 =	vand.u32 $0xFFFF, v4;
	v29 =	vsub.s32 v6, v1  }
0x7c: {  	v19 =	vld [tilespmem:$0x8F0];
	v30 =	vand.u32 $0xFFFF, v6;
	v11 =	vsub.s32 v9, v1;
	v9 =	vand.u32 $0xFFFF, v9  }
0x7d: {  	v20 =	vld [tilespmem:$0x900];
	v32 =	vsub.s32 v28, v1;
	v34 =	vsub.s32 v10, v1;
	v35 =	vand.u32 $0xFFFF, v10  }
0x7e: {  	v21 =	vld [tilespmem:$0x910];
	v36 =	vsub.s32 v12, v1;
	v12 =	vand.u32 $0xFFFF, v12;
	v38 =	vsub.s32 v33, v1  }
0x7f: {  	v22 =	vld [tilespmem:$0x920];
	v39 =	vsub.s32 v13, v1;
	v40 =	vand.u32 $0xFFFF, v13;
	v41 =	vsub.s32 v14, v1  }
0x80: {  	v23 =	vld [tilespmem:$0x930];
	v14 =	vand.u32 $0xFFFF, v14;
	v43 =	vsub.s32 v15, v1;
	v44 =	vand.u32 $0xFFFF, v15  }
0x81: {  	v24 =	vld [tilespmem:$0x940];
	v45 =	vsub.s32 v16, v1;
	v46 =	vand.u32 $0xFFFF, v16;
	v47 =	vsub.s32 v17, v1  }
0x82: {  	v25 =	vld [tilespmem:$0x950];
	v17 =	vand.u32 $0xFFFF, v17;
	v49 =	vsub.s32 v18, v1;
	v50 =	vand.u32 $0xFFFF, v18  }
0x83: {  	v51 =	vsub.s32 v19, v1;
	v52 =	vand.u32 $0xFFFF, v19;
	v53 =	vsub.s32 v20, v1  }
0x84: {  	v20 =	vand.u32 $0xFFFF, v20;
	v55 =	vsub.s32 v21, v1;
	v56 =	vand.u32 $0xFFFF, v21  }
0x85: {  	v57 =	vsub.s32 v22, v1;
	v58 =	vand.u32 $0xFFFF, v22;
	v59 =	vsub.s32 v23, v1  }
0x86: {  	v23 =	vand.u32 $0xFFFF, v23;
	v61 =	vsub.s32 v24, v1;
	v62 =	vand.u32 $0xFFFF, v24  }
0x87: {  	v63 =	vsub.s32 v25, v1;
	vm0 =	vgt.u32 v5, $0x1AFFFF;
	v2 =	vor.u32 $0x1B0000, v2  }
0x88: {  	vm9 =	vgt.u32 v7, $0x1AFFFF;
	vm10 =	vgt.u32 v27, $0x1AFFFF;
	v4 =	vor.u32 $0x1B0000, v4  }
0x89: {  	vm11 =	vgt.u32 v29, $0x1AFFFF;
	vm12 =	vgt.u32 v11, $0x1AFFFF;
	v31 =	vor.u32 $0x1B0000, v9  }
0x8a: {  	vm13 =	vgt.u32 v32, $0x1AFFFF;
	vm14 =	vgt.u32 v34, $0x1AFFFF;
	vm15 =	vgt.u32 v36, $0x1AFFFF  }
0x8b: {  	v37 =	vor.u32 $0x1B0000, v12;
	vm4 =	vgt.u32 v38, $0x1AFFFF;
	vm5 =	vgt.u32 v39, $0x1AFFFF  }
0x8c: {  	vm6 =	vgt.u32 v41, $0x1AFFFF;
	v42 =	vor.u32 $0x1B0000, v14;
	vm7 =	vgt.u32 v43, $0x1AFFFF  }
0x8d: {  	v14 =	vor.u32 $0x1B0000, v44;
	vm8 =	vgt.u32 v45, $0x1AFFFF;
	v48 =	vor.u32 $0x1B0000, v17  }
0x8e: {  	v17 =	vor.u32 $0x1B0000, v50;
	v54 =	vor.u32 $0x1B0000, v20;
	v20 =	vor.u32 $0x1B0000, v56  }
0x8f: {  	v60 =	vor.u32 $0x1B0000, v23;
	v23 =	vor.u32 $0x1B0000, v62;
	v3 =	vsel vm0, v2, v5  }
0x90: {  	v2 =	vor.u32 $0x1B0000, v8;
	v4 =	vsel vm10, v4, v27;
	v5 =	vor.u32 $0x1B0000, v30  }
0x91: {  	v8 =	vor.u32 $0x1B0000, v35;
	v13 =	vsel vm7, v14, v43;
	v14 =	vor.u32 $0x1B0000, v46  }
0x92: {  	v26 =	vld [tilespmem:$0x960];
	vm10 =	vgt.u32 v49, $0x1AFFFF;
	v2 =	vsel vm9, v2, v7;
	v6 =	vsel vm11, v5, v29  }
0x93: {  	v5 =	vsel vm12, v31, v11;
	v7 =	vand.u32 $0xFFFF, v28;
	v9 =	vsel vm14, v8, v34  }
0x94: {  	v8 =	vsel vm15, v37, v36;
	v11 =	vand.u32 $0xFFFF, v33;
	v15 =	vsel vm8, v14, v45  }
0x95: {  	vm9 =	vgt.u32 v47, $0x1AFFFF;
	v16 =	vsel vm10, v17, v49;
	vm11 =	vgt.u32 v51, $0x1AFFFF  }
0x96: {  	v17 =	vor.u32 $0x1B0000, v52;
	vm12 =	vgt.u32 v53, $0x1AFFFF;
	vm14 =	vgt.u32 v57, $0x1AFFFF  }
0x97: {  	vm15 =	vgt.u32 v59, $0x1AFFFF;
	v33 =	vsub.s32 v26, v1;
	v26 =	vand.u32 $0xFFFF, v26  }
0x98: {  	v7 =	vor.u32 $0x1B0000, v7;
	v11 =	vor.u32 $0x1B0000, v11;
	v14 =	vsel vm9, v48, v47  }
0x99: {  	v18 =	vsel vm11, v17, v51;
	v17 =	vsel vm12, v54, v53;
	v34 =	vor.u32 $0x1B0000, v26  }
0x9a: {  	v27 =	vld [tilespmem:$0x970];
	v7 =	vsel vm13, v7, v32;
	v10 =	vsel vm4, v11, v38;
	v11 =	vor.u32 $0x1B0000, v40  }
0x9b: {  	v30 =	vld [tilespmem:$0x9A0];
	vm13 =	vgt.u32 v55, $0x1AFFFF;
	vm4 =	vgt.u32 v61, $0x1AFFFF;
	v32 =	vand.u32 $0xFFFF, v25  }
0x9c: {  	v28 =	vld [tilespmem:$0x980];
	v12 =	vsel vm5, v11, v39;
	v11 =	vsel vm6, v42, v41;
	v19 =	vsel vm13, v20, v55  }
0x9d: {  	v29 =	vld [tilespmem:$0x990];
	v20 =	vor.u32 $0x1B0000, v58;
	v22 =	vsel vm4, v23, v61;
	vm5 =	vgt.u32 v63, $0x1AFFFF  }
0x9e: {  	v31 =	vld [tilespmem:$0x9B0];
	v23 =	vor.u32 $0x1B0000, v32;
	vm6 =	vgt.u32 v33, $0x1AFFFF;
	v21 =	vsel vm14, v20, v57  }
0x9f: {  	v20 =	vsel vm15, v60, v59;
	v24 =	vsel vm5, v23, v63;
	v23 =	vsel vm6, v34, v33  }
0xa0: {  	v35 =	vsub.s32 v27, v1;
	v36 =	vand.u32 $0xFFFF, v27;
	v41 =	vsub.s32 v30, v1  }
0xa1: {  	v42 =	vand.u32 $0xFFFF, v30;
	vm7 =	vgt.u32 v35, $0x1AFFFF;
	v26 =	vor.u32 $0x1B0000, v36  }
0xa2: {  	v37 =	vsub.s32 v28, v1;
	v38 =	vand.u32 $0xFFFF, v28;
	v39 =	vsub.s32 v29, v1  }
0xa3: {  	v32 =	vld [tilespmem:$0x9C0];
	v29 =	vand.u32 $0xFFFF, v29;
	vm10 =	vgt.u32 v41, $0x1AFFFF;
	v43 =	vsub.s32 v31, v1  }
0xa4: {  	v33 =	vld [tilespmem:$0x9D0];
	v44 =	vand.u32 $0xFFFF, v31;
	v25 =	vsel vm7, v26, v35;
	vm8 =	vgt.u32 v37, $0x1AFFFF  }
0xa5: {  	v34 =	vld [tilespmem:$0x9E0];
	v26 =	vor.u32 $0x1B0000, v38;
	vm9 =	vgt.u32 v39, $0x1AFFFF;
	v40 =	vor.u32 $0x1B0000, v29  }
0xa6: {  	v29 =	vor.u32 $0x1B0000, v42;
	vm11 =	vgt.u32 v43, $0x1AFFFF;
	v27 =	vsel vm8, v26, v37  }
0xa7: {  	v36 =	vld [tilespmem:$0xA00];
	v26 =	vsel vm9, v40, v39;
	v28 =	vsel vm10, v29, v41;
	v29 =	vor.u32 $0x1B0000, v44  }
0xa8: {  	v35 =	vld [tilespmem:$0x9F0];
	v45 =	vsub.s32 v32, v1;
	v32 =	vand.u32 $0xFFFF, v32;
	v30 =	vsel vm11, v29, v43  }
0xa9: {  	v38 =	vld [tilespmem:$0xA20];
	vm12 =	vgt.u32 v45, $0x1AFFFF;
	v46 =	vor.u32 $0x1B0000, v32;
	v47 =	vsub.s32 v33, v1  }
0xaa: {  	v42 =	vld [tilespmem:$0xA60];
	v48 =	vand.u32 $0xFFFF, v33;
	v49 =	vsub.s32 v34, v1;
	v50 =	vand.u32 $0xFFFF, v34  }
0xab: {  	v37 =	vld [tilespmem:$0xA10];
	v29 =	vsel vm12, v46, v45;
	vm13 =	vgt.u32 v47, $0x1AFFFF;
	v32 =	vor.u32 $0x1B0000, v48  }
0xac: {  	v39 =	vld [tilespmem:$0xA30];
	vm14 =	vgt.u32 v49, $0x1AFFFF;
	v53 =	vsub.s32 v36, v1;
	v54 =	vand.u32 $0xFFFF, v36  }
0xad: {  	v40 =	vld [tilespmem:$0xA40];
	v31 =	vsel vm13, v32, v47;
	v32 =	vor.u32 $0x1B0000, v50;
	v51 =	vsub.s32 v35, v1  }
0xae: {  	v41 =	vld [tilespmem:$0xA50];
	v35 =	vand.u32 $0xFFFF, v35;
	vm4 =	vgt.u32 v53, $0x1AFFFF;
	v57 =	vsub.s32 v38, v1  }
0xaf: {  	v38 =	vand.u32 $0xFFFF, v38;
	v50 =	vand.u32 $0xFFFF, v42;
	v33 =	vsel vm14, v32, v49  }
0xb0: {  	vm15 =	vgt.u32 v51, $0x1AFFFF;
	v52 =	vor.u32 $0x1B0000, v35;
	v35 =	vor.u32 $0x1B0000, v54  }
0xb1: {  	v55 =	vsub.s32 v37, v1;
	v56 =	vand.u32 $0xFFFF, v37;
	vm6 =	vgt.u32 v57, $0x1AFFFF  }
0xb2: {  	v58 =	vor.u32 $0x1B0000, v38;
	v59 =	vsub.s32 v39, v1;
	v60 =	vand.u32 $0xFFFF, v39  }
0xb3: {  	v43 =	vld [tilespmem:$0xA70];
	v61 =	vsub.s32 v40, v1;
	v62 =	vand.u32 $0xFFFF, v40;
	v63 =	vsub.s32 v41, v1  }
0xb4: {  	v44 =	vld [tilespmem:$0xA80];
	v41 =	vand.u32 $0xFFFF, v41;
	v49 =	vsub.s32 v42, v1;
	v32 =	vsel vm15, v52, v51  }
0xb5: {  	v34 =	vsel vm4, v35, v53;
	vm5 =	vgt.u32 v55, $0x1AFFFF;
	v35 =	vor.u32 $0x1B0000, v56  }
0xb6: {  	vm7 =	vgt.u32 v59, $0x1AFFFF;
	v38 =	vor.u32 $0x1B0000, v60;
	vm8 =	vgt.u32 v61, $0x1AFFFF  }
0xb7: {  	vm9 =	vgt.u32 v63, $0x1AFFFF;
	v48 =	vor.u32 $0x1B0000, v41;
	vm10 =	vgt.u32 v49, $0x1AFFFF  }
0xb8: {  	v45 =	vld [tilespmem:$0xA90];
	v41 =	vor.u32 $0x1B0000, v50;
	v51 =	vsub.s32 v43, v1;
	v52 =	vand.u32 $0xFFFF, v43  }
0xb9: {  	v46 =	vld [tilespmem:$0xAA0];
	v53 =	vsub.s32 v44, v1;
	v44 =	vand.u32 $0xFFFF, v44;
	v36 =	vsel vm5, v35, v55  }
0xba: {  	v35 =	vsel vm6, v58, v57;
	v37 =	vsel vm7, v38, v59;
	v38 =	vor.u32 $0x1B0000, v62  }
0xbb: {  	v47 =	vld [tilespmem:$0xAB0];
	v40 =	vsel vm10, v41, v49;
	vm11 =	vgt.u32 v51, $0x1AFFFF;
	v41 =	vor.u32 $0x1B0000, v52  }
0xbc: {  	vm12 =	vgt.u32 v53, $0x1AFFFF;
	v54 =	vor.u32 $0x1B0000, v44;
	v39 =	vsel vm8, v38, v61  }
0xbd: {  	v50 =	vld [tilespmem:$0xAE0];
	v38 =	vsel vm9, v48, v63;
	v42 =	vsel vm11, v41, v51;
	v55 =	vsub.s32 v45, v1  }
0xbe: {  	v49 =	vld [tilespmem:$0xAD0];
	v56 =	vand.u32 $0xFFFF, v45;
	v57 =	vsub.s32 v46, v1;
	v58 =	vand.u32 $0xFFFF, v46  }
0xbf: {  	vm13 =	vgt.u32 v55, $0x1AFFFF;
	v44 =	vor.u32 $0x1B0000, v56;
	vm14 =	vgt.u32 v57, $0x1AFFFF  }
0xc0: {  	v48 =	vld [tilespmem:$0xAC0];
	v59 =	vsub.s32 v47, v1;
	v47 =	vand.u32 $0xFFFF, v47;
	v43 =	vsel vm13, v44, v55  }
0xc1: {  	v51 =	vld [tilespmem:$0xAF0];
	v44 =	vor.u32 $0x1B0000, v58;
	vm15 =	vgt.u32 v59, $0x1AFFFF;
	v60 =	vor.u32 $0x1B0000, v47  }
0xc2: {  	v41 =	vsel vm12, v54, v53;
	v45 =	vsel vm14, v44, v57;
	v44 =	vsel vm15, v60, v59  }
0xc3: {  	v52 =	vld [tilespmem:$0xB00];
	v57 =	vsub.s32 v50, v1;
	v50 =	vand.u32 $0xFFFF, v50;
	v63 =	vsub.s32 v49, v1  }
0xc4: {  	v54 =	vld [tilespmem:$0xB20];
	v56 =	vand.u32 $0xFFFF, v49;
	vm6 =	vgt.u32 v57, $0x1AFFFF;
	v58 =	vor.u32 $0x1B0000, v50  }
0xc5: {  	v55 =	vld [tilespmem:$0xB30];
	v61 =	vsub.s32 v48, v1;
	v62 =	vand.u32 $0xFFFF, v48;
	vm5 =	vgt.u32 v63, $0x1AFFFF  }
0xc6: {  	v53 =	vld [tilespmem:$0xB10];
	v59 =	vsub.s32 v51, v1;
	v60 =	vand.u32 $0xFFFF, v51;
	vm4 =	vgt.u32 v61, $0x1AFFFF  }
0xc7: {  	v47 =	vor.u32 $0x1B0000, v62;
	vm7 =	vgt.u32 v59, $0x1AFFFF;
	v50 =	vor.u32 $0x1B0000, v60  }
0xc8: {  	v62 =	vand.u32 $0xFFFF, v52;
	v46 =	vsel vm4, v47, v61;
	v47 =	vor.u32 $0x1B0000, v56  }
0xc9: {  	v61 =	vsub.s32 v52, v1;
	v49 =	vsel vm7, v50, v59;
	v50 =	vor.u32 $0x1B0000, v62  }
0xca: {  	v62 =	vand.u32 $0xFFFF, v54;
	v59 =	vand.u32 $0xFFFF, v55;
	v48 =	vsel vm5, v47, v63  }
0xcb: {  	v56 =	vld [tilespmem:$0xB40];
	v47 =	vsel vm6, v58, v57;
	vm8 =	vgt.u32 v61, $0x1AFFFF;
	v63 =	vsub.s32 v53, v1  }
0xcc: {  	v53 =	vand.u32 $0xFFFF, v53;
	v57 =	vsub.s32 v55, v1;
	v58 =	vld [tilespmem:$0xB60];
	v51 =	vsel vm8, v50, v61  }
0xcd: {  	v55 =	vld [tilespmem:$0xB80];
	vm9 =	vgt.u32 v63, $0x1AFFFF;
	v60 =	vor.u32 $0x1B0000, v53;
	v61 =	vsub.s32 v54, v1  }
0xce: {  	v53 =	vor.u32 $0x1B0000, v62;
	v50 =	vsel vm9, v60, v63;
	v63 =	vld [tilespmem:$0xB50];
	vm10 =	vgt.u32 v61, $0x1AFFFF  }
0xcf: {  	vm11 =	vgt.u32 v57, $0x1AFFFF;
	v52 =	vsel vm10, v53, v61  }
0xd0: {  	[tilespmem:$0x1000] =	vst v3;
	v53 =	vor.u32 $0x1B0000, v59;
	v60 =	vsub.s32 v56, v1;
	v56 =	vand.u32 $0xFFFF, v56  }
0xd1: {  	[tilespmem:$0x1010] =	vst v2;
	v59 =	vld [tilespmem:$0xB70];
	v3 =	vsel vm11, v53, v57;
	vm12 =	vgt.u32 v60, $0x1AFFFF;
	v61 =	vor.u32 $0x1B0000, v56  }
0xd2: {  	[tilespmem:$0x10C0] =	vst v15;
	v15 =	vld [tilespmem:$0xBF0];
	v57 =	vsub.s32 v55, v1;
	v2 =	vsel vm12, v61, v60;
	v60 =	vand.u32 $0xFFFF, v58  }
0xd3: {  	v56 =	vld [tilespmem:$0xB90];
	vm4 =	vgt.u32 v57, $0x1AFFFF;
	v62 =	vsub.s32 v63, v1;
	v54 =	vand.u32 $0xFFFF, v63  }
0xd4: {  	[tilespmem:$0x1020] =	vst v4;
	vm13 =	vgt.u32 v62, $0x1AFFFF;
	v63 =	vor.u32 $0x1B0000, v54;
	v54 =	vsub.s32 v58, v1  }
0xd5: {  	[tilespmem:$0x1030] =	vst v6;
	v53 =	vld [tilespmem:$0xBB0];
	v61 =	vor.u32 $0x1B0000, v60;
	v4 =	vsel vm13, v63, v62;
	vm14 =	vgt.u32 v54, $0x1AFFFF  }
0xd6: {  	[tilespmem:$0x1040] =	vst v5;
	v58 =	vld [tilespmem:$0xBA0];
	v62 =	vsub.s32 v59, v1;
	v63 =	vand.u32 $0xFFFF, v59;
	v59 =	vand.u32 $0xFFFF, v55  }
0xd7: {  	[tilespmem:$0x10D0] =	vst v14;
	v55 =	vand.u32 $0xFFFF, v15;
	v6 =	vsel vm14, v61, v54;
	vm15 =	vgt.u32 v62, $0x1AFFFF  }
0xd8: {  	[tilespmem:$0x1240] =	vst v39;
	v39 =	vld [tilespmem:$0xCF0];
	v54 =	vor.u32 $0x1B0000, v63;
	v60 =	vor.u32 $0x1B0000, v59;
	v61 =	vsub.s32 v56, v1  }
0xd9: {  	[tilespmem:$0x1050] =	vst v7;
	v14 =	vor.u32 $0x1B0000, v55;
	v55 =	vld [tilespmem:$0xC60];
	v5 =	vsel vm15, v54, v62;
	v7 =	vsel vm4, v60, v57  }
0xda: {  	[tilespmem:$0x1060] =	vst v9;
	v54 =	vld [tilespmem:$0xBC0];
	vm5 =	vgt.u32 v61, $0x1AFFFF;
	v62 =	vand.u32 $0xFFFF, v56;
	v60 =	vsub.s32 v53, v1  }
0xdb: {  	[tilespmem:$0x1070] =	vst v8;
	v8 =	vor.u32 $0x1B0000, v62;
	v62 =	vld [tilespmem:$0xBE0];
	vm7 =	vgt.u32 v60, $0x1AFFFF;
	v63 =	vsub.s32 v58, v1  }
0xdc: {  	[tilespmem:$0x1080] =	vst v10;
	v57 =	vand.u32 $0xFFFF, v58;
	v58 =	vld [tilespmem:$0xBD0];
	v9 =	vsel vm5, v8, v61;
	v61 =	vand.u32 $0xFFFF, v53  }
0xdd: {  	[tilespmem:$0x10A0] =	vst v11;
	vm6 =	vgt.u32 v63, $0x1AFFFF;
	v59 =	vor.u32 $0x1B0000, v57;
	v11 =	vor.u32 $0x1B0000, v61  }
0xde: {  	[tilespmem:$0x11F0] =	vst v32;
	v32 =	vand.u32 $0xFFFF, v39;
	v8 =	vsel vm6, v59, v63;
	v10 =	vsel vm7, v11, v60  }
0xdf: {  	[tilespmem:$0x1150] =	vst v24;
	v24 =	vand.u32 $0xFFFF, v55;
	v63 =	vsub.s32 v54, v1;
	v56 =	vand.u32 $0xFFFF, v54  }
0xe0: {  	[tilespmem:$0x11D0] =	vst v31;
	v59 =	vld [tilespmem:$0xC00];
	v31 =	vor.u32 $0x1B0000, v24;
	vm8 =	vgt.u32 v63, $0x1AFFFF;
	v11 =	vor.u32 $0x1B0000, v56  }
0xe1: {  	[tilespmem:$0x10B0] =	vst v13;
	v54 =	vld [tilespmem:$0xC20];
	v61 =	vsub.s32 v62, v1;
	v13 =	vand.u32 $0xFFFF, v62;
	v57 =	vsub.s32 v58, v1  }
0xe2: {  	[tilespmem:$0x10E0] =	vst v16;
	v62 =	vld [tilespmem:$0xC10];
	v58 =	vand.u32 $0xFFFF, v58;
	v11 =	vsel vm8, v11, v63;
	vm10 =	vgt.u32 v61, $0x1AFFFF  }
0xe3: {  	[tilespmem:$0x10F0] =	vst v18;
	v13 =	vor.u32 $0x1B0000, v13;
	v63 =	vsub.s32 v15, v1;
	vm9 =	vgt.u32 v57, $0x1AFFFF  }
0xe4: {  	[tilespmem:$0x1100] =	vst v17;
	v60 =	vor.u32 $0x1B0000, v58;
	v13 =	vsel vm10, v13, v61;
	vm11 =	vgt.u32 v63, $0x1AFFFF  }
0xe5: {  	[tilespmem:$0x1090] =	vst v12;
	v58 =	vld [tilespmem:$0xC30];
	v12 =	vsel vm9, v60, v57;
	v56 =	vsub.s32 v59, v1;
	v57 =	vand.u32 $0xFFFF, v59  }
0xe6: {  	[tilespmem:$0x1110] =	vst v19;
	v61 =	vld [tilespmem:$0xC40];
	v14 =	vsel vm11, v14, v63;
	vm12 =	vgt.u32 v56, $0x1AFFFF;
	v59 =	vor.u32 $0x1B0000, v57  }
0xe7: {  	[tilespmem:$0x1140] =	vst v22;
	v53 =	vand.u32 $0xFFFF, v54;
	v15 =	vsel vm12, v59, v56;
	v60 =	vsub.s32 v62, v1  }
0xe8: {  	[tilespmem:$0x1120] =	vst v21;
	v63 =	vld [tilespmem:$0xC50];
	v16 =	vand.u32 $0xFFFF, v62;
	v62 =	vsub.s32 v54, v1;
	v17 =	vor.u32 $0x1B0000, v53  }
0xe9: {  	[tilespmem:$0x1130] =	vst v20;
	vm13 =	vgt.u32 v60, $0x1AFFFF;
	v16 =	vor.u32 $0x1B0000, v16;
	vm14 =	vgt.u32 v62, $0x1AFFFF  }
0xea: {  	[tilespmem:$0x1160] =	vst v23;
	v53 =	vld [tilespmem:$0xCA0];
	v16 =	vsel vm13, v16, v60;
	v54 =	vsub.s32 v58, v1;
	v20 =	vand.u32 $0xFFFF, v58  }
0xeb: {  	[tilespmem:$0x1170] =	vst v25;
	v18 =	vsel vm14, v17, v62;
	v57 =	vsub.s32 v61, v1;
	v19 =	vand.u32 $0xFFFF, v61;
	v58 =	vld [tilespmem:$0xC70]  }
0xec: {  	[tilespmem:$0x1180] =	vst v27;
	v60 =	vld [tilespmem:$0xC80];
	v62 =	vsub.s32 v55, v1;
	vm15 =	vgt.u32 v54, $0x1AFFFF;
	v56 =	vor.u32 $0x1B0000, v20  }
0xed: {  	[tilespmem:$0x1190] =	vst v26;
	v55 =	vld [tilespmem:$0xCB0];
	vm4 =	vgt.u32 v57, $0x1AFFFF;
	v19 =	vor.u32 $0x1B0000, v19;
	v59 =	vsub.s32 v63, v1  }
0xee: {  	[tilespmem:$0x1210] =	vst v36;
	v36 =	vld [tilespmem:$0xCE0];
	v61 =	vand.u32 $0xFFFF, v63;
	vm6 =	vgt.u32 v62, $0x1AFFFF;
	v17 =	vsel vm15, v56, v54  }
0xef: {  	[tilespmem:$0x11A0] =	vst v28;
	v63 =	vld [tilespmem:$0xC90];
	v19 =	vsel vm4, v19, v57;
	vm5 =	vgt.u32 v59, $0x1AFFFF;
	v20 =	vor.u32 $0x1B0000, v61  }
0xf0: {  	[tilespmem:$0x11B0] =	vst v30;
	v21 =	vsel vm5, v20, v59;
	v20 =	vsel vm6, v31, v62;
	v61 =	vand.u32 $0xFFFF, v53  }
0xf1: {  	[tilespmem:$0x11E0] =	vst v33;
	v33 =	vsub.s32 v58, v1;
	v23 =	vand.u32 $0xFFFF, v58;
	v54 =	vsub.s32 v60, v1  }
0xf2: {  	[tilespmem:$0x1230] =	vst v37;
	v56 =	vand.u32 $0xFFFF, v60;
	v60 =	vsub.s32 v53, v1;
	v37 =	vand.u32 $0xFFFF, v55  }
0xf3: {  	[tilespmem:$0x11C0] =	vst v29;
	v53 =	vsub.s32 v36, v1;
	vm7 =	vgt.u32 v33, $0x1AFFFF;
	v23 =	vor.u32 $0x1B0000, v23  }
0xf4: {  	[tilespmem:$0x1200] =	vst v34;
	vm8 =	vgt.u32 v54, $0x1AFFFF;
	v57 =	vsub.s32 v63, v1;
	v26 =	vand.u32 $0xFFFF, v63  }
0xf5: {  	[tilespmem:$0x1220] =	vst v35;
	v62 =	vld [tilespmem:$0xCD0];
	vm10 =	vgt.u32 v60, $0x1AFFFF;
	v63 =	vsub.s32 v55, v1;
	vm14 =	vgt.u32 v53, $0x1AFFFF  }
0xf6: {  	[tilespmem:$0x1290] =	vst v43;
	v43 =	vld [tilespmem:$0xD00];
	v55 =	vand.u32 $0xFFFF, v36;
	v22 =	vsel vm7, v23, v33;
	v23 =	vor.u32 $0x1B0000, v56  }
0xf7: {  	[tilespmem:$0x1260] =	vst v40;
	v58 =	vld [tilespmem:$0xCC0];
	vm9 =	vgt.u32 v57, $0x1AFFFF;
	v59 =	vor.u32 $0x1B0000, v26;
	v26 =	vor.u32 $0x1B0000, v61  }
0xf8: {  	[tilespmem:$0x1270] =	vst v42;
	vm11 =	vgt.u32 v63, $0x1AFFFF;
	v56 =	vsub.s32 v39, v1;
	v24 =	vsel vm8, v23, v54  }
0xf9: {  	[tilespmem:$0x1280] =	vst v41;
	v23 =	vsel vm9, v59, v57;
	v25 =	vsel vm10, v26, v60;
	v26 =	vor.u32 $0x1B0000, v37  }
0xfa: {  	[tilespmem:$0x12A0] =	vst v45;
	v45 =	vld [tilespmem:$0xD70];
	v41 =	vsub.s32 v62, v1;
	v42 =	vand.u32 $0xFFFF, v62;
	vm15 =	vgt.u32 v56, $0x1AFFFF  }
0xfb: {  	[tilespmem:$0x12F0] =	vst v49;
	v49 =	vld [tilespmem:$0xD80];
	v59 =	vsub.s32 v43, v1;
	v60 =	vand.u32 $0xFFFF, v43;
	v26 =	vsel vm11, v26, v63  }
0xfc: {  	[tilespmem:$0x1250] =	vst v38;
	v61 =	vld [tilespmem:$0xD30];
	vm13 =	vgt.u32 v41, $0x1AFFFF;
	vm4 =	vgt.u32 v59, $0x1AFFFF;
	v38 =	vsub.s32 v58, v1  }
0xfd: {  	[tilespmem:$0x12B0] =	vst v44;
	v54 =	vld [tilespmem:$0xD10];
	v29 =	vand.u32 $0xFFFF, v58;
	v58 =	vor.u32 $0x1B0000, v32;
	v32 =	vor.u32 $0x1B0000, v60  }
0xfe: {  	[tilespmem:$0x12C0] =	vst v46;
	v57 =	vld [tilespmem:$0xD20];
	vm12 =	vgt.u32 v38, $0x1AFFFF;
	v40 =	vor.u32 $0x1B0000, v29;
	v29 =	vor.u32 $0x1B0000, v42  }
0xff: {  	[tilespmem:$0x12D0] =	vst v48;
	v43 =	vld [tilespmem:$0xD60];
	v30 =	vsel vm15, v58, v56;
	v31 =	vsel vm4, v32, v59;
	v56 =	vand.u32 $0xFFFF, v45  }
0x100: {  	[tilespmem:$0x12E0] =	vst v47;
	v58 =	vand.u32 $0xFFFF, v49;
	v27 =	vsel vm12, v40, v38;
	v28 =	vsel vm13, v29, v41  }
0x101: {  	[tilespmem:$0x1300] =	vst v51;
	v37 =	vld [tilespmem:$0xDD0];
	v29 =	vor.u32 $0x1B0000, v55;
	v42 =	vsub.s32 v61, v1;
	v33 =	vand.u32 $0xFFFF, v61  }
0x102: {  	[tilespmem:$0x1310] =	vst v50;
	v60 =	vor.u32 $0x1B0000, v58;
	v29 =	vsel vm14, v29, v53;
	v62 =	vsub.s32 v54, v1  }
0x103: {  	[tilespmem:$0x1320] =	vst v52;
	v63 =	vld [tilespmem:$0xD40];
	v39 =	vand.u32 $0xFFFF, v54;
	v40 =	vsub.s32 v57, v1;
	v35 =	vand.u32 $0xFFFF, v57  }
0x104: {  	[tilespmem:$0x1340] =	vst v2;
	vm7 =	vgt.u32 v42, $0x1AFFFF;
	v2 =	vor.u32 $0x1B0000, v33;
	v51 =	vsub.s32 v43, v1  }
0x105: {  	[tilespmem:$0x1330] =	vst v3;
	v52 =	vand.u32 $0xFFFF, v43;
	v54 =	vsub.s32 v45, v1;
	v57 =	vsub.s32 v49, v1  }
0x106: {  	[tilespmem:$0x13E0] =	vst v13;
	v45 =	vsub.s32 v37, v1;
	v13 =	vand.u32 $0xFFFF, v37;
	vm5 =	vgt.u32 v62, $0x1AFFFF  }
0x107: {  	[tilespmem:$0x1350] =	vst v4;
	v32 =	vor.u32 $0x1B0000, v39;
	vm6 =	vgt.u32 v40, $0x1AFFFF;
	v35 =	vor.u32 $0x1B0000, v35  }
0x108: {  	[tilespmem:$0x1360] =	vst v6;
	v59 =	vld [tilespmem:$0xDB0];
	v44 =	vsub.s32 v63, v1;
	v2 =	vsel vm7, v2, v42;
	v46 =	vand.u32 $0xFFFF, v63  }
0x109: {  	[tilespmem:$0x1380] =	vst v7;
	v41 =	vld [tilespmem:$0xD50];
	vm10 =	vgt.u32 v51, $0x1AFFFF;
	v7 =	vor.u32 $0x1B0000, v52;
	vm11 =	vgt.u32 v54, $0x1AFFFF  }
0x10a: {  	[tilespmem:$0x1370] =	vst v5;
	v55 =	vld [tilespmem:$0xDA0];
	vm12 =	vgt.u32 v57, $0x1AFFFF;
	v13 =	vor.u32 $0x1B0000, v13;
	v32 =	vsel vm5, v32, v62  }
0x10b: {  	[tilespmem:$0x13A0] =	vst v8;
	v3 =	vsel vm6, v35, v40;
	vm8 =	vgt.u32 v44, $0x1AFFFF;
	v4 =	vor.u32 $0x1B0000, v46  }
0x10c: {  	[tilespmem:$0x14F0] =	vst v30;
	v30 =	vld [tilespmem:$0xE80];
	v6 =	vsel vm10, v7, v51;
	v7 =	vor.u32 $0x1B0000, v56;
	v8 =	vsel vm12, v60, v57  }
0x10d: {  	[tilespmem:$0x1390] =	vst v9;
	v53 =	vld [tilespmem:$0xD90];
	vm5 =	vgt.u32 v45, $0x1AFFFF;
	v5 =	vsel vm8, v4, v44;
	v7 =	vsel vm11, v7, v54  }
0x10e: {  	[tilespmem:$0x13B0] =	vst v10;
	v49 =	vld [tilespmem:$0xE10];
	v39 =	vsub.s32 v59, v1;
	v40 =	vand.u32 $0xFFFF, v59;
	v13 =	vsel vm5, v13, v45  }
0x10f: {  	[tilespmem:$0x14D0] =	vst v28;
	v28 =	vld [tilespmem:$0xE70];
	v47 =	vsub.s32 v41, v1;
	v48 =	vand.u32 $0xFFFF, v41;
	v36 =	vsub.s32 v55, v1  }
0x110: {  	[tilespmem:$0x13C0] =	vst v11;
	v63 =	vld [tilespmem:$0xDC0];
	v38 =	vand.u32 $0xFFFF, v55;
	vm15 =	vgt.u32 v39, $0x1AFFFF;
	v42 =	vor.u32 $0x1B0000, v40  }
0x111: {  	[tilespmem:$0x13D0] =	vst v12;
	v37 =	vsub.s32 v30, v1;
	vm9 =	vgt.u32 v47, $0x1AFFFF;
	v50 =	vor.u32 $0x1B0000, v48  }
0x112: {  	[tilespmem:$0x13F0] =	vst v14;
	v52 =	vld [tilespmem:$0xE20];
	v61 =	vsub.s32 v53, v1;
	v62 =	vand.u32 $0xFFFF, v53;
	vm14 =	vgt.u32 v36, $0x1AFFFF  }
0x113: {  	[tilespmem:$0x1440] =	vst v19;
	v12 =	vsel vm15, v42, v39;
	v56 =	vsub.s32 v49, v1;
	v19 =	vand.u32 $0xFFFF, v49  }
0x114: {  	[tilespmem:$0x1400] =	vst v15;
	v46 =	vld [tilespmem:$0xE00];
	v33 =	vsub.s32 v28, v1;
	v34 =	vand.u32 $0xFFFF, v28;
	v4 =	vsel vm9, v50, v47  }
0x115: {  	[tilespmem:$0x1410] =	vst v16;
	vm13 =	vgt.u32 v61, $0x1AFFFF;
	v10 =	vor.u32 $0x1B0000, v62;
	v43 =	vsub.s32 v63, v1  }
0x116: {  	[tilespmem:$0x1420] =	vst v18;
	v57 =	vld [tilespmem:$0xE40];
	v11 =	vand.u32 $0xFFFF, v63;
	vm9 =	vgt.u32 v56, $0x1AFFFF;
	v19 =	vor.u32 $0x1B0000, v19  }
0x117: {  	[tilespmem:$0x1430] =	vst v17;
	v44 =	vld [tilespmem:$0xDF0];
	v58 =	vsub.s32 v52, v1;
	v18 =	vand.u32 $0xFFFF, v52;
	vm15 =	vgt.u32 v33, $0x1AFFFF  }
0x118: {  	[tilespmem:$0x1490] =	vst v23;
	v23 =	vld [tilespmem:$0xF50];
	v9 =	vsel vm13, v10, v61;
	v10 =	vor.u32 $0x1B0000, v38;
	vm4 =	vgt.u32 v43, $0x1AFFFF  }
0x119: {  	[tilespmem:$0x1450] =	vst v21;
	v54 =	vld [tilespmem:$0xE30];
	v11 =	vor.u32 $0x1B0000, v11;
	v53 =	vsub.s32 v46, v1;
	v55 =	vand.u32 $0xFFFF, v46  }
0x11a: {  	[tilespmem:$0x1460] =	vst v20;
	v59 =	vld [tilespmem:$0xE50];
	v17 =	vsel vm9, v19, v56;
	vm10 =	vgt.u32 v58, $0x1AFFFF;
	v18 =	vor.u32 $0x1B0000, v18  }
0x11b: {  	[tilespmem:$0x1470] =	vst v22;
	v35 =	vld [tilespmem:$0xEA0];
	v63 =	vsub.s32 v57, v1;
	v22 =	vand.u32 $0xFFFF, v57;
	v38 =	vand.u32 $0xFFFF, v30  }
0x11c: {  	[tilespmem:$0x1510] =	vst v32;
	v32 =	vld [tilespmem:$0xE90];
	v10 =	vsel vm14, v10, v36;
	v11 =	vsel vm4, v11, v43;
	v51 =	vsub.s32 v44, v1  }
0x11d: {  	[tilespmem:$0x1480] =	vst v24;
	v45 =	vld [tilespmem:$0xED0];
	v15 =	vand.u32 $0xFFFF, v44;
	vm8 =	vgt.u32 v53, $0x1AFFFF;
	v16 =	vor.u32 $0x1B0000, v55  }
0x11e: {  	[tilespmem:$0x14C0] =	vst v27;
	v27 =	vld [tilespmem:$0xF60];
	v60 =	vsub.s32 v54, v1;
	v18 =	vsel vm10, v18, v58;
	v62 =	vand.u32 $0xFFFF, v54  }
0x11f: {  	[tilespmem:$0x14E0] =	vst v29;
	v41 =	vld [tilespmem:$0xDE0];
	vm12 =	vgt.u32 v63, $0x1AFFFF;
	v22 =	vor.u32 $0x1B0000, v22;
	v29 =	vsub.s32 v59, v1  }
0x120: {  	[tilespmem:$0x14A0] =	vst v25;
	v20 =	vand.u32 $0xFFFF, v59;
	v36 =	vor.u32 $0x1B0000, v34;
	vm4 =	vgt.u32 v37, $0x1AFFFF  }
0x121: {  	[tilespmem:$0x1560] =	vst v6;
	v6 =	vor.u32 $0x1B0000, v38;
	v40 =	vsub.s32 v32, v1;
	v42 =	vand.u32 $0xFFFF, v32  }
0x122: {  	[tilespmem:$0x14B0] =	vst v26;
	v43 =	vsub.s32 v35, v1;
	v44 =	vand.u32 $0xFFFF, v35;
	v54 =	vand.u32 $0xFFFF, v45  }
0x123: {  	[tilespmem:$0x1500] =	vst v31;
	v32 =	vsub.s32 v23, v1;
	v34 =	vand.u32 $0xFFFF, v23;
	v35 =	vsub.s32 v27, v1  }
0x124: {  	[tilespmem:$0x1530] =	vst v2;
	v47 =	vsub.s32 v41, v1;
	v48 =	vand.u32 $0xFFFF, v41;
	vm7 =	vgt.u32 v51, $0x1AFFFF  }
0x125: {  	[tilespmem:$0x1520] =	vst v3;
	v15 =	vor.u32 $0x1B0000, v15;
	v16 =	vsel vm8, v16, v53;
	vm11 =	vgt.u32 v60, $0x1AFFFF  }
0x126: {  	[tilespmem:$0x1540] =	vst v5;
	v39 =	vld [tilespmem:$0xEB0];
	v19 =	vor.u32 $0x1B0000, v62;
	v21 =	vsel vm12, v22, v63;
	vm13 =	vgt.u32 v29, $0x1AFFFF  }
0x127: {  	v49 =	vld [tilespmem:$0xEE0];
	[tilespmem:$0x1550] =	vst v4;
	v3 =	vor.u32 $0x1B0000, v20;
	v4 =	vsel vm15, v36, v33;
	v5 =	vsel vm4, v6, v37  }
0x128: {  	[tilespmem:$0x1580] =	vst v8;
	vm5 =	vgt.u32 v40, $0x1AFFFF;
	v6 =	vor.u32 $0x1B0000, v42;
	v46 =	vor.u32 $0x1B0000, v44  }
0x129: {  	[tilespmem:$0x1570] =	vst v7;
	v53 =	vsub.s32 v45, v1;
	v56 =	vor.u32 $0x1B0000, v54;
	v36 =	vand.u32 $0xFFFF, v27  }
0x12a: {  	[tilespmem:$0x15D0] =	vst v13;
	vm6 =	vgt.u32 v47, $0x1AFFFF;
	v50 =	vor.u32 $0x1B0000, v48;
	v15 =	vsel vm7, v15, v51  }
0x12b: {  	[tilespmem:$0x15B0] =	vst v12;
	v61 =	vld [tilespmem:$0xE60];
	v19 =	vsel vm11, v19, v60;
	v2 =	vsel vm13, v3, v29;
	v6 =	vsel vm5, v6, v40  }
0x12c: {  	[tilespmem:$0x1590] =	vst v9;
	v48 =	vand.u32 $0xFFFF, v39;
	vm9 =	vgt.u32 v53, $0x1AFFFF;
	v57 =	vsub.s32 v49, v1  }
0x12d: {  	[tilespmem:$0x15A0] =	vst v10;
	v10 =	vand.u32 $0xFFFF, v49;
	vm5 =	vgt.u32 v32, $0x1AFFFF;
	v38 =	vor.u32 $0x1B0000, v36  }
0x12e: {  	v55 =	vld [tilespmem:$0xF00];
	[tilespmem:$0x1610] =	vst v17;
	v14 =	vsel vm6, v50, v47;
	vm6 =	vgt.u32 v43, $0x1AFFFF;
	v47 =	vsub.s32 v39, v1  }
0x12f: {  	v58 =	vld [tilespmem:$0xF10];
	[tilespmem:$0x15C0] =	vst v11;
	v9 =	vor.u32 $0x1B0000, v48;
	v11 =	vsel vm9, v56, v53;
	vm10 =	vgt.u32 v57, $0x1AFFFF  }
0x130: {  	v41 =	vld [tilespmem:$0xEC0];
	[tilespmem:$0x1620] =	vst v18;
	v10 =	vor.u32 $0x1B0000, v10;
	v31 =	vsub.s32 v61, v1;
	v3 =	vand.u32 $0xFFFF, v61  }
0x131: {  	v63 =	vld [tilespmem:$0xF30];
	[tilespmem:$0x1600] =	vst v16;
	v7 =	vsel vm6, v46, v43;
	vm7 =	vgt.u32 v47, $0x1AFFFF;
	v10 =	vsel vm10, v10, v57  }
0x132: {  	v33 =	vld [tilespmem:$0xF80];
	[tilespmem:$0x1640] =	vst v21;
	vm6 =	vgt.u32 v35, $0x1AFFFF;
	vm14 =	vgt.u32 v31, $0x1AFFFF;
	v3 =	vor.u32 $0x1B0000, v3  }
0x133: {  	v37 =	vld [tilespmem:$0xF90];
	[tilespmem:$0x1670] =	vst v4;
	v8 =	vsel vm7, v9, v47;
	v61 =	vsub.s32 v55, v1;
	v62 =	vand.u32 $0xFFFF, v55  }
0x134: {  	v51 =	vld [tilespmem:$0xEF0];
	[tilespmem:$0x15E0] =	vst v14;
	v20 =	vsub.s32 v58, v1;
	v14 =	vand.u32 $0xFFFF, v58;
	v3 =	vsel vm14, v3, v31  }
0x135: {  	v60 =	vld [tilespmem:$0xF20];
	[tilespmem:$0x1680] =	vst v5;
	v50 =	vsub.s32 v41, v1;
	v52 =	vand.u32 $0xFFFF, v41;
	vm12 =	vgt.u32 v61, $0x1AFFFF  }
0x136: {  	[tilespmem:$0x1630] =	vst v19;
	v19 =	vor.u32 $0x1B0000, v62;
	vm13 =	vgt.u32 v20, $0x1AFFFF;
	v25 =	vsub.s32 v63, v1  }
0x137: {  	v21 =	vld [tilespmem:$0xF40];
	v26 =	vand.u32 $0xFFFF, v63;
	[tilespmem:$0x16B0] =	vst v8;
	v8 =	vsel vm6, v38, v35;
	v42 =	vsub.s32 v33, v1  }
0x138: {  	[tilespmem:$0x15F0] =	vst v15;
	v44 =	vsub.s32 v37, v1;
	v45 =	vand.u32 $0xFFFF, v37;
	vm8 =	vgt.u32 v50, $0x1AFFFF  }
0x139: {  	[tilespmem:$0x1650] =	vst v2;
	v9 =	vor.u32 $0x1B0000, v52;
	v59 =	vsub.s32 v51, v1;
	v12 =	vand.u32 $0xFFFF, v51  }
0x13a: {  	v2 =	vsel vm12, v19, v61;
	[tilespmem:$0x1660] =	vst v3;
	v3 =	vor.u32 $0x1B0000, v14;
	v22 =	vsub.s32 v60, v1  }
0x13b: {  	[tilespmem:$0x1690] =	vst v6;
	v56 =	vld [tilespmem:$0xFF0];
	v24 =	vand.u32 $0xFFFF, v60;
	vm15 =	vgt.u32 v25, $0x1AFFFF;
	v28 =	vor.u32 $0x1B0000, v26  }
0x13c: {  	[tilespmem:$0x16D0] =	vst v11;
	v29 =	vsub.s32 v21, v1;
	v30 =	vand.u32 $0xFFFF, v21;
	vm9 =	vgt.u32 v44, $0x1AFFFF  }
0x13d: {  	v43 =	vld [tilespmem:$0xFB0];
	[tilespmem:$0x16A0] =	vst v7;
	v47 =	vor.u32 $0x1B0000, v45;
	v9 =	vsel vm8, v9, v50;
	vm11 =	vgt.u32 v59, $0x1AFFFF  }
0x13e: {  	v46 =	vld [tilespmem:$0xFC0];
	[tilespmem:$0x16E0] =	vst v10;
	v12 =	vor.u32 $0x1B0000, v12;
	v3 =	vsel vm13, v3, v20;
	vm14 =	vgt.u32 v22, $0x1AFFFF  }
0x13f: {  	[tilespmem:$0x1760] =	vst v8;
	v4 =	vor.u32 $0x1B0000, v24;
	v5 =	vsel vm15, v28, v25;
	vm4 =	vgt.u32 v29, $0x1AFFFF  }
0x140: {  	v7 =	vor.u32 $0x1B0000, v30;
	[tilespmem:$0x1700] =	vst v2;
	vm8 =	vgt.u32 v42, $0x1AFFFF;
	v62 =	vsub.s32 v56, v1  }
0x141: {  	v31 =	vld [tilespmem:$0xF70];
	v63 =	vand.u32 $0xFFFF, v56;
	v12 =	vsel vm11, v12, v59;
	v4 =	vsel vm14, v4, v22;
	[tilespmem:$0x16C0] =	vst v9  }
0x142: {  	v41 =	vld [tilespmem:$0xFA0];
	v6 =	vsel vm4, v7, v29;
	v7 =	vor.u32 $0x1B0000, v34;
	[tilespmem:$0x1710] =	vst v3;
	v3 =	vand.u32 $0xFFFF, v33  }
0x143: {  	[tilespmem:$0x1730] =	vst v5;
	v51 =	vsub.s32 v43, v1;
	v53 =	vand.u32 $0xFFFF, v43;
	v54 =	vsub.s32 v46, v1  }
0x144: {  	v52 =	vld [tilespmem:$0xFE0];
	v55 =	vand.u32 $0xFFFF, v46;
	v7 =	vsel vm5, v7, v32;
	[tilespmem:$0x16F0] =	vst v12;
	v3 =	vor.u32 $0x1B0000, v3  }
0x145: {  	[tilespmem:$0x1720] =	vst v4;
	v4 =	vsel vm9, v47, v44;
	vm11 =	vgt.u32 v51, $0x1AFFFF;
	vm12 =	vgt.u32 v54, $0x1AFFFF  }
0x146: {  	v50 =	vld [tilespmem:$0xFD0];
	[tilespmem:$0x1740] =	vst v6;
	v39 =	vsub.s32 v31, v1;
	v40 =	vand.u32 $0xFFFF, v31;
	v3 =	vsel vm8, v3, v42  }
0x147: {  	v48 =	vsub.s32 v41, v1;
	v49 =	vand.u32 $0xFFFF, v41;
	[tilespmem:$0x1750] =	vst v7;
	vm7 =	vgt.u32 v39, $0x1AFFFF  }
0x148: {  	[tilespmem:$0x1790] =	vst v4;
	v2 =	vor.u32 $0x1B0000, v40;
	vm10 =	vgt.u32 v48, $0x1AFFFF;
	v6 =	vor.u32 $0x1B0000, v49  }
0x149: {  	[tilespmem:$0x1780] =	vst v3;
	v3 =	vor.u32 $0x1B0000, v55;
	v60 =	vsub.s32 v52, v1;
	v2 =	vsel vm7, v2, v39  }
0x14a: {  	v61 =	vand.u32 $0xFFFF, v52;
	v5 =	vsel vm10, v6, v48;
	v3 =	vsel vm12, v3, v54;
	[tilespmem:$0x1770] =	vst v2  }
0x14b: {  	v57 =	vsub.s32 v50, v1;
	v58 =	vand.u32 $0xFFFF, v50;
	v2 =	vor.u32 $0x1B0000, v53;
	[tilespmem:$0x17A0] =	vst v5  }
0x14c: {  	vm13 =	vgt.u32 v57, $0x1AFFFF;
	v59 =	vor.u32 $0x1B0000, v58;
	[tilespmem:$0x17C0] =	vst v3;
	v2 =	vsel vm11, v2, v51  }
0x14d: {  	vm14 =	vgt.u32 v60, $0x1AFFFF;
	v3 =	vor.u32 $0x1B0000, v61;
	[tilespmem:$0x17B0] =	vst v2;
	v2 =	vsel vm13, v59, v57  }
0x14e: {  	vm15 =	vgt.u32 v62, $0x1AFFFF;
	[tilespmem:$0x17D0] =	vst v2;
	v2 =	vsel vm14, v3, v60;
	v3 =	vor.u32 $0x1B0000, v63  }
0x14f: {  	[tilespmem:$0x17E0] =	vst v2;
	v2 =	vsel vm15, v3, v62  }
0x150: {  	s22 =	rddreg [dreg:$0x8];
	[tilespmem:$0x17F0] =	vst v2  }
0x151: {  	[spmem:s3] =	stream.indirect.scatter.add.f32 [tilespmem:s4], [sflag:$0x1], $0x1, s22, s24, $0xb8;
	[tilespmem:$0x1F800] =	vst v63  }
0x152: {  	_ =	swait.ge [sflag:s23], $0x80  }
0x153: {  	[sflag:s23] =	ssyncset.done $0x0  }
0x154: {  	s22 =	rddreg [dreg:$0x9];
	[sflag:s23] =	ssyncadd.s32 $0xFFFFFF80  }
0x155: {  	[spmem:s3] =	stream.indirect.scatter.add.f32 [tilespmem:s24], [sflag:$0x1], $0x1, s22, s24, $0xb8;
	[tilespmem:$0x1F800] =	vst v63  }
0x156: {  	_ =	swait.ge [sflag:s23], $0x80  }
0x157: {  	s20 =	rddreg [dreg:$0xa];
	[sflag:s23] =	ssyncset.done $0x0  }
0x158: {  	s22 =	rddreg [dreg:$0xb];
	[sflag:s23] =	ssyncadd.s32 $0xFFFFFF80  }
0x159: {  	[spmem:s3] =	stream.indirect.scatter.add.f32 [tilespmem:s22], [sflag:$0x1], $0x1, s20, s24, $0xb8;
	[tilespmem:$0x1F800] =	vst v63  }
0x15a: {  	_ =	swait.ge [sflag:s23], $0x80  }
0x15b: {  	s20 =	rddreg [dreg:$0xc];
	[sflag:s23] =	ssyncset.done $0x0  }
0x15c: {  	s22 =	rddreg [dreg:$0xd];
	[sflag:s23] =	ssyncadd.s32 $0xFFFFFF80  }
0x15d: {  	[spmem:s3] =	stream.indirect.scatter.add.f32 [tilespmem:s22], [sflag:$0x1], $0x1, s20, s24, $0xb8;
	[tilespmem:$0x1F800] =	vst v63  }
0x15e: {  	_ =	swait.ge [sflag:s23], $0x80  }
0x15f: {  	[sflag:s23] =	ssyncset.done $0x0  }
0x160: {  	s22 =	rddreg [dreg:$0xe];
	[sflag:s23] =	ssyncadd.s32 $0xFFFFFF80  }
0x161: {  	[spmem:s3] =	stream.indirect.scatter.add.f32 [tilespmem:s25], [sflag:$0x1], $0x1, s22, s24, $0xb8;
	[tilespmem:$0x1F800] =	vst v63  }
0x162: {  	_ =	swait.ge [sflag:s23], $0x80  }
0x163: {  	[sflag:s23] =	ssyncset.done $0x0  }
0x164: {  	[sflag:s23] =	ssyncadd.s32 $0xFFFFFF80  }
0x165: {  	[spmem:s3] =	stream.indirect.scatter.add.f32 [tilespmem:s28], [sflag:$0x1], $0x1, s26, s24, $0xb8;
	[tilespmem:$0x1F800] =	vst v63  }
0x166: {  	_ =	swait.ge [sflag:s23], $0x80  }
0x167: {  	[sflag:s23] =	ssyncset.done $0x0  }
0x168: {  	[sflag:s23] =	ssyncadd.s32 $0xFFFFFF80  }
0x169: {  	[spmem:s3] =	stream.indirect.scatter.add.f32 [tilespmem:s30], [sflag:$0x1], $0x1, s29, s24, $0xb8;
	[tilespmem:$0x1F800] =	vst v63  }
0x16a: {  	_ =	swait.ge [sflag:s23], $0x80  }
0x16b: {  	[sflag:s23] =	ssyncset.done $0x0  }
0x16c: {  	[sflag:s23] =	ssyncadd.s32 $0xFFFFFF80  }
0x16d: {  	[spmem:s3] =	stream.indirect.scatter.add.f32 [tilespmem:s0], [sflag:$0x1], $0x1, s31, s24, $0xb8;
	[tilespmem:$0x1F800] =	vst v63  }
0x16e: {  	_ =	swait.ge [sflag:s23], $0x80  }
0x16f: {  	[sflag:s23] =	ssyncset.done $0x0  }
0x170: {  	[sflag:s23] =	ssyncadd.s32 $0xFFFFFF80  }
0x171: {  	[spmem:s3] =	stream.indirect.scatter.add.f32 [tilespmem:s2], [sflag:$0x1], $0x1, s21, s24, $0xb8;
	[tilespmem:$0x1F800] =	vst v63  }
0x172: {  	_ =	swait.ge [sflag:s23], $0x80  }
0x173: {  	[sflag:s23] =	ssyncset.done $0x0  }
0x174: {  	[sflag:s23] =	ssyncadd.s32 $0xFFFFFF80  }
0x175: {  	[spmem:s3] =	stream.indirect.scatter.add.f32 [tilespmem:s5], [sflag:$0x1], $0x1, s1, s24, $0xb8;
	[tilespmem:$0x1F800] =	vst v63  }
0x176: {  	_ =	swait.ge [sflag:s23], $0x80  }
0x177: {  	[sflag:s23] =	ssyncset.done $0x0  }
0x178: {  	[sflag:s23] =	ssyncadd.s32 $0xFFFFFF80  }
0x179: {  	[spmem:s3] =	stream.indirect.scatter.add.f32 [tilespmem:s8], [sflag:$0x1], $0x1, s7, s24, $0xb8;
	[tilespmem:$0x1F800] =	vst v63  }
0x17a: {  	_ =	swait.ge [sflag:s23], $0x80  }
0x17b: {  	[sflag:s23] =	ssyncset.done $0x0  }
0x17c: {  	[sflag:s23] =	ssyncadd.s32 $0xFFFFFF80  }
0x17d: {  	[spmem:s3] =	stream.indirect.scatter.add.f32 [tilespmem:s10], [sflag:$0x1], $0x1, s9, s24, $0xb8;
	[tilespmem:$0x1F800] =	vst v63  }
0x17e: {  	_ =	swait.ge [sflag:s23], $0x80  }
0x17f: {  	[sflag:s23] =	ssyncset.done $0x0  }
0x180: {  	[sflag:s23] =	ssyncadd.s32 $0xFFFFFF80  }
0x181: {  	[spmem:s3] =	stream.indirect.scatter.add.f32 [tilespmem:s12], [sflag:$0x1], $0x1, s11, s24, $0xb8;
	[tilespmem:$0x1F800] =	vst v63  }
0x182: {  	_ =	swait.ge [sflag:s23], $0x80  }
0x183: {  	[sflag:s23] =	ssyncset.done $0x0  }
0x184: {  	[sflag:s23] =	ssyncadd.s32 $0xFFFFFF80  }
0x185: {  	[spmem:s3] =	stream.indirect.scatter.add.f32 [tilespmem:s14], [sflag:$0x1], $0x1, s13, s24, $0xb8;
	[tilespmem:$0x1F800] =	vst v63  }
0x186: {  	_ =	swait.ge [sflag:s23], $0x80  }
0x187: {  	[sflag:s23] =	ssyncset.done $0x0  }
0x188: {  	[sflag:s23] =	ssyncadd.s32 $0xFFFFFF80  }
0x189: {  	[spmem:s3] =	stream.indirect.scatter.add.f32 [tilespmem:s16], [sflag:$0x1], $0x1, s15, s24, $0xb8;
	[tilespmem:$0x1F800] =	vst v63  }
0x18a: {  	_ =	swait.ge [sflag:s23], $0x80  }
0x18b: {  	p0 =	sne.s32 s6, $0xD700;
	[sflag:s23] =	ssyncset.done $0x0  }
.Ltmp1:
0x18c: {  	[sflag:s23] =	ssyncadd.s32 $0xFFFFFF80;
	(pc) =	sbr.rel @p0 .LBB2_5-.Ltmp1, $4  }
0x18d: {  	[spmem:s3] =	stream.indirect.scatter.add.f32 [tilespmem:s18], [sflag:$0x1], $0x1, s17, s24, $0xb8;
	[tilespmem:$0x1F800] =	vst v63  }
0x18e: {  	_ =	swait.ge [sflag:s23], $0x80  }
0x18f: {  	[sflag:s23] =	ssyncset.done $0x0  }
0x190: {  	s6 =	sadd.s32 $0x100, s6;
	[sflag:s23] =	ssyncadd.s32 $0xFFFFFF80  }
0x191: {  	s6 =	rddreg [dreg:$0xf];
	[bflag:$0x0] =	sbarrier.arrive $0xFFFF;
	s20 =	stileid.u32  }
0x192: {  	s6 =	sadd.s32 s6, s19;
	s20 =	sshll.u32 s20, $0x6;
	s22 =	rddreg [dreg:$0x2]  }
0x193: {  	s6 =	sshrl.u32 s6, $0x3;
	s19 =	sor.u32 $0x1C01, s20;
	s20 =	rddreg [dreg:$0x10]  }
0x194: {  	s6 =	sadd.s32 s22, s6;
	s22 =	sshrl.u32 s20, $0x3  }
0x195: {  	[hbm:s6], [sflag:s19] =	dma.local [spmem:s22], $0x3600  }
0x196: {  	_ =	swait.ge [sflag:s23], $0x3600  }
0x197: {  	s19 =	sld [smem:$0x7FC];
	_ =	sdelay $0x2  }
0x198: {  	s22 =	sadd.s32 $0x1, s19  }
0x199: {  	p0 =	sne.s32 s22, $0x8  }
.Ltmp2:
0x19a: {  	_ = 	snop;
	(pc) =	sbr.rel @p0 .LBB2_4-.Ltmp2, $3  }
0x19b: {  	[sflag:s23] =	ssyncset.done $0x0  }
0x19c: {  	[sflag:s23] =	ssyncadd.s32 $0xFFFFCA00  }
0x19d: {  	[bflag:$0x0] =	sbarrier.arrive $0xFFFF;
	_ =	sdelay $0x1  }
0x19e: {  	s19 =	sld [smem:$0x7FD];
	_ =	sdelay $0x2  }
0x19f: {  	s6 =	rddreg [dreg:$0x1f];
	s19 =	sadd.s32 $0x1, s19  }
0x1a0: {  	p0 =	sne.s32 s19, s6  }
.Ltmp3:
0x1a1: {  	_ = 	snop;
	(pc) =	sbr.rel @p0 .LBB2_1-.Ltmp3, $1  }
0x1a2: {  	_ =	sdelay $0x3  }
0x1a3: {  	_ =	sfence.sel $0x180000  }
0x1a4: {  	[bflag:$0x0] =	sbarrier.arrive $0xFFFF  }
0x1a5: {  	_ =	strace $0x90000047  }
0x1a6: {  	s0 =	stileid.u32;
	[bflag:$0x2] =	sbarrier.arrive $0xFFFF  }
0x1a7: {  	p0 =	sne.s32 s0, $0x0;
	s0 =	rddreg [dreg:$0x4]  }
0x1a8: {  	s0 =	sadd.s32 @!p0 $0x100000, s0  }
0x1a9: {  	[sflag:s0] =	ssyncadd.tile.s32 @!p0 $0x1;
	_ =	shalt  }
.Lfunc_end2:
_tile_overlayer_lowered:
.L_overlay_start_2:
0x1aa: {  	(tag) =	ssettag $0x2  }
0x1ab: {  	s0 =	rddreg [dreg:$0x0];
	s2 =	stileid.u32  }
0x1ac: {  	s1 =	rddreg [dreg:$0x1];
	p0 =	sne.s32 s2, $0x0  }
0x1ad: {  	s3 =	rddreg [dreg:$0x2];
	[bflag:$0x3] =	sbarrier.arrive $0xFFFF;
	s2 =	simm.s32 @!p0 $0x1C01  }
0x1ae: {  	[timem:s3], [sflag:s2] =	dma.local @!p0 [hbm:s0], s1  }
0x1af: {  	s0 =	simm.s32 @!p0 $0x1  }
0x1b0: {  	_ =	swait.ge @!p0 [sflag:s0], s1  }
0x1b1: {  	s1 =	ssub.s32 @!p0 $0x0, s1;
	[sflag:s0] =	ssyncset.done @!p0 $0x0  }
0x1b2: {  	[sflag:s0] =	ssyncadd.s32 @!p0 s1  }
0x1b3: {  	[bflag:$0x3] =	sbarrier.arrive $0xFFFF  }
0x1b4: {  	_ =	shalt  }

</sc_bundles>
